<compile_context>
chip_gen: v7x
topology: tpu7x:2x2x1
jax: 0.10.2.dev20260603
libtpu: 0.0.44.dev20260713+nightly
codegen_flags: <defaults>
</compile_context>

<pallas_src>
import functools
import math

import numpy as np
import jax
import jax.numpy as jnp
from jax import lax
from jax.experimental import pallas as pl
from jax.experimental.pallas import tpu as pltpu
from jax.experimental.pallas import tpu_sc as plsc

NUM_VOCAB = 100000
DIM = 128
PAD = 0
BATCH = 1024
SEQ_LEN = 200

NC = 2
NS = 16
NW = NC * NS
ROWS_PER_W = BATCH // NW
C0 = 104
C1 = 96
LPAD = C0 + C1 + 8
NG = LPAD // 16
NJ = DIM // 16
SCALE = math.sqrt(DIM)
EPS = 1e-5


def _positional_encoding(max_seq_len, dim):
    position = np.arange(0, max_seq_len, dtype=np.float64)[:, None]
    div_term = np.exp(-np.arange(0, dim, 2, dtype=np.float64) / dim
                      * math.log(10000.0))
    pe = np.zeros((max_seq_len, dim), dtype=np.float32)
    pe[:, 0::2] = np.sin(position * div_term).astype(np.float32)
    pe[:, 1::2] = np.cos(position * div_term).astype(np.float32)
    return pe


def _pe_padded():
    pe = _positional_encoding(SEQ_LEN, DIM)
    pad = np.zeros((LPAD, DIM), dtype=np.float32)
    pad[0:SEQ_LEN] = pe
    return pad


_PE_PAD = _pe_padded()


def _splat_f32(v):
    return jnp.full((16,), v, dtype=jnp.float32)


def _splat_i32(v):
    return jnp.full((16,), v, dtype=jnp.int32)


_GATHER_DN = lax.GatherDimensionNumbers(
    offset_dims=(), collapsed_slice_dims=(0,), start_index_map=(0,))


def _bcast_lane(v, k):
    idx = jnp.full((16, 1), k, dtype=jnp.int32)
    return lax.gather(v, idx, _GATHER_DN, slice_sizes=(1,),
                      mode=lax.GatherScatterMode.PROMISE_IN_BOUNDS)


def _rsqrt16(v):
    i = plsc.bitcast(v, jnp.int32)
    y = plsc.bitcast(_splat_i32(0x5F3759DF) - (i >> 1), jnp.float32)
    half_v = v * _splat_f32(0.5)
    three_half = _splat_f32(1.5)
    for _ in range(3):
        y = y * (three_half - half_v * y * y)
    return y


def _sc_kernel(idx_hbm, table_hbm, pe_hbm, gamma_hbm, beta_hbm, out_hbm,
               idx_v, rows_v, pe_v, gamma_v, beta_v, sem):
    wid = lax.axis_index("s") * NC + lax.axis_index("c")

    pltpu.sync_copy(pe_hbm, pe_v)
    pltpu.sync_copy(gamma_hbm, gamma_v)
    pltpu.sync_copy(beta_hbm, beta_v)

    g = [gamma_v[pl.ds(j * 16, 16)] for j in range(NJ)]
    bt = [beta_v[pl.ds(j * 16, 16)] for j in range(NJ)]
    scale_v = _splat_f32(SCALE)
    zero_v = _splat_f32(0.0)
    pad_v = _splat_i32(PAD)
    inv_d = _splat_f32(1.0 / DIM)
    eps_v = _splat_f32(EPS)

    def row_body(r, carry):
        row = wid * ROWS_PER_W + r
        pltpu.sync_copy(idx_hbm.at[row], idx_v)
        cp0 = pltpu.async_copy(table_hbm.at[idx_v.at[pl.ds(0, C0)]],
                               rows_v.at[pl.ds(0, C0)], sem)
        cp1 = pltpu.async_copy(table_hbm.at[idx_v.at[pl.ds(C0, C1)]],
                               rows_v.at[pl.ds(C0, C1)], sem)
        cp0.wait()
        cp1.wait()

        def grp_body(gi, c2):
            base = gi * 16
            ids = idx_v[pl.ds(base, 16)]
            for k in range(16):
                t = base + k
                tid = _bcast_lane(ids, k)
                fac = jnp.where(tid != pad_v, scale_v, zero_v)

                xs = []
                for j in range(NJ):
                    e = rows_v[t, pl.ds(j * 16, 16)]
                    p = pe_v[t, pl.ds(j * 16, 16)]
                    xs.append(e * fac + p)

                s = (xs[0] + xs[1]) + (xs[2] + xs[3]) \
                    + ((xs[4] + xs[5]) + (xs[6] + xs[7]))
                sq = [x * x for x in xs]
                s2 = (sq[0] + sq[1]) + (sq[2] + sq[3]) \
                    + ((sq[4] + sq[5]) + (sq[6] + sq[7]))

                mean_v = _splat_f32(jnp.sum(s)) * inv_d
                msq_v = _splat_f32(jnp.sum(s2)) * inv_d
                var_v = msq_v - mean_v * mean_v
                rstd = _rsqrt16(var_v + eps_v)

                for j in range(NJ):
                    out = (xs[j] - mean_v) * (rstd * g[j]) + bt[j]
                    rows_v[t, pl.ds(j * 16, 16)] = out
            return c2

        lax.fori_loop(0, NG, grp_body, 0)
        pltpu.sync_copy(rows_v.at[pl.ds(0, SEQ_LEN)], out_hbm.at[row])
        return carry

    lax.fori_loop(0, ROWS_PER_W, row_body, 0)


@jax.jit
def _run(idx, table, pe, gamma, beta):
    mesh = plsc.VectorSubcoreMesh(core_axis_name="c", subcore_axis_name="s")
    fn = functools.partial(
        pl.kernel,
        mesh=mesh,
        compiler_params=pltpu.CompilerParams(needs_layout_passes=False),
        out_type=jax.ShapeDtypeStruct((BATCH, SEQ_LEN, DIM), jnp.float32),
        scratch_types=[
            pltpu.VMEM((LPAD,), jnp.int32),
            pltpu.VMEM((LPAD, DIM), jnp.float32),
            pltpu.VMEM((LPAD, DIM), jnp.float32),
            pltpu.VMEM((DIM,), jnp.float32),
            pltpu.VMEM((DIM,), jnp.float32),
            pltpu.SemaphoreType.DMA,
        ],
    )(_sc_kernel)
    return fn(idx, table, pe, gamma, beta)


def kernel(inputs, table, gamma, beta):
    idx = jnp.pad(inputs.astype(jnp.int32), ((0, 0), (0, LPAD - SEQ_LEN)))
    pe = jnp.asarray(_PE_PAD)
    return _run(idx, table, pe, gamma, beta)

# --- scband reference (transcript-rebuilt; emitter-appended) ---
"""Pipeline reference for scband-transformer-embedding-66383014527688 (READ-ONLY COPY).

The authoritative reference and input builder live on the scoring server;
editing this copy changes nothing except your own understanding.
"""

import math
import jax, jax.numpy as jnp
import numpy as np

NUM_VOCAB = 100000
DIM = 128
PAD = 0
MAX_SEQ_LEN = 5000
BATCH = 1024
SEQ_LEN = 200


def positional_encoding(max_seq_len, dim):
    position = np.arange(0, max_seq_len, dtype=np.float64)[:, None]
    div_term = np.exp(-np.arange(0, dim, 2, dtype=np.float64) / dim * math.log(10000.0))
    pe = np.zeros((max_seq_len, dim), dtype=np.float32)
    pe[:, 0::2] = np.sin(position * div_term).astype(np.float32)
    pe[:, 1::2] = np.cos(position * div_term).astype(np.float32)
    return jnp.asarray(pe)


def setup_inputs(seed: int = 0) -> dict:
    key = jax.random.key(seed)
    k1, k2 = jax.random.split(key)
    inputs = jax.random.randint(k1, (BATCH, SEQ_LEN), 0, NUM_VOCAB, dtype=jnp.int64 if jax.config.read('jax_enable_x64') else jnp.int32)
    table = jax.random.normal(k2, (NUM_VOCAB, DIM), dtype=jnp.float32)
    gamma = jnp.ones((DIM,), dtype=jnp.float32)
    beta = jnp.zeros((DIM,), dtype=jnp.float32)
    return {"inputs": inputs, "table": table, "gamma": gamma, "beta": beta}


def layer_norm(x, gamma, beta, eps=1e-5):
    mean = jnp.mean(x, axis=-1, keepdims=True)
    var = jnp.mean((x - mean) ** 2, axis=-1, keepdims=True)
    return (x - mean) / jnp.sqrt(var + eps) * gamma + beta


def reference(inputs, table, gamma, beta):
    # padding_idx=PAD: that embedding row is zero
    table_eff = table.at[PAD].set(0.0)
    pe = positional_encoding(MAX_SEQ_LEN, DIM)
    seq_len = inputs.shape[1]
    emb = jnp.take(table_eff, inputs, axis=0)  # [B, L, D]
    x = emb * math.sqrt(DIM) + pe[:seq_len]
    # dropout is identity at inference
    return layer_norm(x, gamma, beta)

if __name__ == "__main__":
    import jax
    _d = setup_inputs()
    print(jax.jit(kernel)(*tuple(_d.values())))

</pallas_src>

<mosaic_0001>
#map = affine_map<(d0, d1) -> (0, 0)>
#map1 = affine_map<(d0, d1) -> (0)>
#map2 = affine_map<(d0, d1) -> (0, 0, 0)>
module attributes {stable_mosaic.version = 14 : i64} {
  func.func @_sc_kernel(%arg0: i32, %arg1: i32, %arg2: memref<1024x208xi32, #tpu.memory_space<hbm>>, %arg3: memref<100000x128xf32, #tpu.memory_space<hbm>>, %arg4: memref<208x128xf32, #tpu.memory_space<hbm>>, %arg5: memref<128xf32, #tpu.memory_space<hbm>>, %arg6: memref<128xf32, #tpu.memory_space<hbm>>, %arg7: memref<1024x200x128xf32, #tpu.memory_space<hbm>>, %arg8: memref<208xi32, #tpu.memory_space<vmem>>, %arg9: memref<208x128xf32, #tpu.memory_space<vmem>>, %arg10: memref<208x128xf32, #tpu.memory_space<vmem>>, %arg11: memref<128xf32, #tpu.memory_space<vmem>>, %arg12: memref<128xf32, #tpu.memory_space<vmem>>, %arg13: memref<!tpu.dma_semaphore, #tpu.memory_space<semaphore_mem>>) attributes {dimension_semantics = [#tpu.dimension_semantics<core_parallel>, #tpu.dimension_semantics<subcore_parallel>], iteration_bounds = array<i64: 2, 16>, scalar_prefetch = 0 : i64, scratch_operands = 6 : i64, tpu.core_type = #tpu.core_type<sc_vector_subcore>, window_params = [{transform_indices = #map}, {transform_indices = #map}, {transform_indices = #map}, {transform_indices = #map1}, {transform_indices = #map1}, {transform_indices = #map2}]} {
    %mul3A = arith.constant 2 : i32
    %mul3A_0 = arith.muli %arg1, %mul3A : i32
    %add3A = arith.addi %mul3A_0, %arg0 : i32
    "tpu.region"() ({
      %run_scoped3A = tpu.sem_alloc : memref<!tpu.dma_semaphore, #tpu.memory_space<semaphore_mem>>
      tpu.enqueue_dma source(%arg4 : memref<208x128xf32, #tpu.memory_space<hbm>>) target(%arg10 : memref<208x128xf32, #tpu.memory_space<vmem>>) target_semaphore(%run_scoped3A : memref<!tpu.dma_semaphore, #tpu.memory_space<semaphore_mem>>)
      tpu.wait_dma2 semaphore(%run_scoped3A : memref<!tpu.dma_semaphore, #tpu.memory_space<semaphore_mem>>) src(%arg4 : memref<208x128xf32, #tpu.memory_space<hbm>>) dst(%arg10 : memref<208x128xf32, #tpu.memory_space<vmem>>)
      tpu.yield
    }) : () -> ()
    "tpu.region"() ({
      %run_scoped3A = tpu.sem_alloc : memref<!tpu.dma_semaphore, #tpu.memory_space<semaphore_mem>>
      tpu.enqueue_dma source(%arg5 : memref<128xf32, #tpu.memory_space<hbm>>) target(%arg11 : memref<128xf32, #tpu.memory_space<vmem>>) target_semaphore(%run_scoped3A : memref<!tpu.dma_semaphore, #tpu.memory_space<semaphore_mem>>)
      tpu.wait_dma2 semaphore(%run_scoped3A : memref<!tpu.dma_semaphore, #tpu.memory_space<semaphore_mem>>) src(%arg5 : memref<128xf32, #tpu.memory_space<hbm>>) dst(%arg11 : memref<128xf32, #tpu.memory_space<vmem>>)
      tpu.yield
    }) : () -> ()
    "tpu.region"() ({
      %run_scoped3A = tpu.sem_alloc : memref<!tpu.dma_semaphore, #tpu.memory_space<semaphore_mem>>
      tpu.enqueue_dma source(%arg6 : memref<128xf32, #tpu.memory_space<hbm>>) target(%arg12 : memref<128xf32, #tpu.memory_space<vmem>>) target_semaphore(%run_scoped3A : memref<!tpu.dma_semaphore, #tpu.memory_space<semaphore_mem>>)
      tpu.wait_dma2 semaphore(%run_scoped3A : memref<!tpu.dma_semaphore, #tpu.memory_space<semaphore_mem>>) src(%arg6 : memref<128xf32, #tpu.memory_space<hbm>>) dst(%arg12 : memref<128xf32, #tpu.memory_space<vmem>>)
      tpu.yield
    }) : () -> ()
    %get3A = arith.constant 0 : index
    %get3A_1 = tpu.vector_load %arg11[%get3A] {strides = array<i32>} : memref<128xf32, #tpu.memory_space<vmem>>, vector<16xf32>,
    %get3A_2 = arith.constant 16 : index
    %get3A_3 = tpu.vector_load %arg11[%get3A_2] {strides = array<i32>} : memref<128xf32, #tpu.memory_space<vmem>>, vector<16xf32>,
    %get3A_4 = arith.constant 32 : index
    %get3A_5 = tpu.vector_load %arg11[%get3A_4] {strides = array<i32>} : memref<128xf32, #tpu.memory_space<vmem>>, vector<16xf32>,
    %get3A_6 = arith.constant 48 : index
    %get3A_7 = tpu.vector_load %arg11[%get3A_6] {strides = array<i32>} : memref<128xf32, #tpu.memory_space<vmem>>, vector<16xf32>,
    %get3A_8 = arith.constant 64 : index
    %get3A_9 = tpu.vector_load %arg11[%get3A_8] {strides = array<i32>} : memref<128xf32, #tpu.memory_space<vmem>>, vector<16xf32>,
    %get3A_10 = arith.constant 80 : index
    %get3A_11 = tpu.vector_load %arg11[%get3A_10] {strides = array<i32>} : memref<128xf32, #tpu.memory_space<vmem>>, vector<16xf32>,
    %get3A_12 = arith.constant 96 : index
    %get3A_13 = tpu.vector_load %arg11[%get3A_12] {strides = array<i32>} : memref<128xf32, #tpu.memory_space<vmem>>, vector<16xf32>,
    %get3A_14 = arith.constant 112 : index
    %get3A_15 = tpu.vector_load %arg11[%get3A_14] {strides = array<i32>} : memref<128xf32, #tpu.memory_space<vmem>>, vector<16xf32>,
    %get3A_16 = arith.constant 0 : index
    %get3A_17 = tpu.vector_load %arg12[%get3A_16] {strides = array<i32>} : memref<128xf32, #tpu.memory_space<vmem>>, vector<16xf32>,
    %get3A_18 = arith.constant 16 : index
    %get3A_19 = tpu.vector_load %arg12[%get3A_18] {strides = array<i32>} : memref<128xf32, #tpu.memory_space<vmem>>, vector<16xf32>,
    %get3A_20 = arith.constant 32 : index
    %get3A_21 = tpu.vector_load %arg12[%get3A_20] {strides = array<i32>} : memref<128xf32, #tpu.memory_space<vmem>>, vector<16xf32>,
    %get3A_22 = arith.constant 48 : index
    %get3A_23 = tpu.vector_load %arg12[%get3A_22] {strides = array<i32>} : memref<128xf32, #tpu.memory_space<vmem>>, vector<16xf32>,
    %get3A_24 = arith.constant 64 : index
    %get3A_25 = tpu.vector_load %arg12[%get3A_24] {strides = array<i32>} : memref<128xf32, #tpu.memory_space<vmem>>, vector<16xf32>,
    %get3A_26 = arith.constant 80 : index
    %get3A_27 = tpu.vector_load %arg12[%get3A_26] {strides = array<i32>} : memref<128xf32, #tpu.memory_space<vmem>>, vector<16xf32>,
    %get3A_28 = arith.constant 96 : index
    %get3A_29 = tpu.vector_load %arg12[%get3A_28] {strides = array<i32>} : memref<128xf32, #tpu.memory_space<vmem>>, vector<16xf32>,
    %get3A_30 = arith.constant 112 : index
    %get3A_31 = tpu.vector_load %arg12[%get3A_30] {strides = array<i32>} : memref<128xf32, #tpu.memory_space<vmem>>, vector<16xf32>,
    %broadcast_in_dim3A = arith.constant 11.3137083 : f32
    %broadcast_in_dim3A_32 = vector.broadcast %broadcast_in_dim3A : f32 to vector<16xf32>
    %broadcast_in_dim3A_33 = arith.constant 0.000000e+00 : f32
    %broadcast_in_dim3A_34 = vector.broadcast %broadcast_in_dim3A_33 : f32 to vector<16xf32>
    %broadcast_in_dim3A_35 = arith.constant 0 : i32
    %broadcast_in_dim3A_36 = vector.broadcast %broadcast_in_dim3A_35 : i32 to vector<16xi32>
    %broadcast_in_dim3A_37 = arith.constant 7.812500e-03 : f32
    %broadcast_in_dim3A_38 = vector.broadcast %broadcast_in_dim3A_37 : f32 to vector<16xf32>
    %broadcast_in_dim3A_39 = arith.constant 9.99999974E-6 : f32
    %broadcast_in_dim3A_40 = vector.broadcast %broadcast_in_dim3A_39 : f32 to vector<16xf32>
    %scan3A = arith.constant 0 : i32
    %scan3A_41 = arith.constant 0 : i32
    %scan3A_42 = arith.constant 32 : i32
    %scan3A_43 = arith.addi %scan3A_41, %scan3A_42 : i32
    %scan3A_44 = arith.constant 1 : i32
    scf.for %scan3A_46 = %scan3A_41 to %scan3A_43 step %scan3A_44  : i32 {
      %mul3A_47 = arith.constant 32 : i32
      %mul3A_48 = arith.muli %add3A, %mul3A_47 : i32
      %add3A_49 = arith.addi %mul3A_48, %scan3A_46 : i32
      "tpu.region"() ({
        %run_scoped3A = tpu.sem_alloc : memref<!tpu.dma_semaphore, #tpu.memory_space<semaphore_mem>>
        %dma_start3A_86 = arith.constant 0 : i32
        %dma_start3A_87 = tpu.memref_slice %arg2[%add3A_49, %dma_start3A_86] : memref<1024x208xi32, #tpu.memory_space<hbm>> -> memref<1x208xi32, #tpu.memory_space<hbm>>
        %dma_start3A_88 = tpu.memref_squeeze %dma_start3A_87 : memref<1x208xi32, #tpu.memory_space<hbm>> -> memref<208xi32, #tpu.memory_space<hbm>>
        %dma_start3A_89 = arith.constant 0 : i32
        %dma_start3A_90 = tpu.memref_slice %arg2[%add3A_49, %dma_start3A_89] : memref<1024x208xi32, #tpu.memory_space<hbm>> -> memref<1x208xi32, #tpu.memory_space<hbm>>
        %dma_start3A_91 = tpu.memref_squeeze %dma_start3A_90 : memref<1x208xi32, #tpu.memory_space<hbm>> -> memref<208xi32, #tpu.memory_space<hbm>>
        tpu.enqueue_dma source(%dma_start3A_91 : memref<208xi32, #tpu.memory_space<hbm>>) target(%arg8 : memref<208xi32, #tpu.memory_space<vmem>>) target_semaphore(%run_scoped3A : memref<!tpu.dma_semaphore, #tpu.memory_space<semaphore_mem>>)
        %dma_wait3A_92 = arith.constant 0 : i32
        %dma_wait3A_93 = tpu.memref_slice %arg2[%add3A_49, %dma_wait3A_92] : memref<1024x208xi32, #tpu.memory_space<hbm>> -> memref<1x208xi32, #tpu.memory_space<hbm>>
        %dma_wait3A_94 = tpu.memref_squeeze %dma_wait3A_93 : memref<1x208xi32, #tpu.memory_space<hbm>> -> memref<208xi32, #tpu.memory_space<hbm>>
        %dma_wait3A_95 = arith.constant 0 : i32
        %dma_wait3A_96 = tpu.memref_slice %arg2[%add3A_49, %dma_wait3A_95] : memref<1024x208xi32, #tpu.memory_space<hbm>> -> memref<1x208xi32, #tpu.memory_space<hbm>>
        %dma_wait3A_97 = tpu.memref_squeeze %dma_wait3A_96 : memref<1x208xi32, #tpu.memory_space<hbm>> -> memref<208xi32, #tpu.memory_space<hbm>>
        tpu.wait_dma2 semaphore(%run_scoped3A : memref<!tpu.dma_semaphore, #tpu.memory_space<semaphore_mem>>) src(%dma_wait3A_97 : memref<208xi32, #tpu.memory_space<hbm>>) dst(%arg8 : memref<208xi32, #tpu.memory_space<vmem>>)
        tpu.yield
      }) : () -> ()
      %dma_start3A = arith.constant 0 : i32
      %dma_start3A_50 = arith.constant 0 : i32
      %dma_start3A_51 = tpu.memref_slice %arg9[%dma_start3A, %dma_start3A_50] : memref<208x128xf32, #tpu.memory_space<vmem>> -> memref<104x128xf32, #tpu.memory_space<vmem>>
      %dma_start3A_52 = arith.constant 0 : i32
      %dma_start3A_53 = tpu.memref_slice %arg8[%dma_start3A_52] : memref<208xi32, #tpu.memory_space<vmem>> -> memref<104xi32, #tpu.memory_space<vmem>>
      %dma_start3A_54 = arith.constant 0 : i32
      %dma_start3A_55 = arith.constant 0 : i32
      %dma_start3A_56 = tpu.memref_slice %arg3[%dma_start3A_54, %dma_start3A_55] : memref<100000x128xf32, #tpu.memory_space<hbm>> -> memref<100000x128xf32, #tpu.memory_space<hbm>>
      tpu.enqueue_indirect_dma source(%dma_start3A_56 : memref<100000x128xf32, #tpu.memory_space<hbm>>) target(%dma_start3A_51 : memref<104x128xf32, #tpu.memory_space<vmem>>) offsets(%dma_start3A_53 : memref<104xi32, #tpu.memory_space<vmem>>) semaphore(%arg13 : memref<!tpu.dma_semaphore, #tpu.memory_space<semaphore_mem>>)
      %dma_start3A_57 = arith.constant 104 : i32
      %dma_start3A_58 = arith.constant 0 : i32
      %dma_start3A_59 = tpu.memref_slice %arg9[%dma_start3A_57, %dma_start3A_58] : memref<208x128xf32, #tpu.memory_space<vmem>> -> memref<96x128xf32, #tpu.memory_space<vmem>>
      %dma_start3A_60 = arith.constant 104 : i32
      %dma_start3A_61 = tpu.memref_slice %arg8[%dma_start3A_60] : memref<208xi32, #tpu.memory_space<vmem>> -> memref<96xi32, #tpu.memory_space<vmem>>
      %dma_start3A_62 = arith.constant 0 : i32
      %dma_start3A_63 = arith.constant 0 : i32
      %dma_start3A_64 = tpu.memref_slice %arg3[%dma_start3A_62, %dma_start3A_63] : memref<100000x128xf32, #tpu.memory_space<hbm>> -> memref<100000x128xf32, #tpu.memory_space<hbm>>
      tpu.enqueue_indirect_dma source(%dma_start3A_64 : memref<100000x128xf32, #tpu.memory_space<hbm>>) target(%dma_start3A_59 : memref<96x128xf32, #tpu.memory_space<vmem>>) offsets(%dma_start3A_61 : memref<96xi32, #tpu.memory_space<vmem>>) semaphore(%arg13 : memref<!tpu.dma_semaphore, #tpu.memory_space<semaphore_mem>>)
      %dma_wait3A = arith.constant 0 : i32
      %dma_wait3A_65 = arith.constant 0 : i32
      %dma_wait3A_66 = tpu.memref_slice %arg9[%dma_wait3A, %dma_wait3A_65] : memref<208x128xf32, #tpu.memory_space<vmem>> -> memref<104x128xf32, #tpu.memory_space<vmem>>
      %dma_wait3A_67 = arith.constant 0 : i32
      %dma_wait3A_68 = tpu.memref_slice %arg8[%dma_wait3A_67] : memref<208xi32, #tpu.memory_space<vmem>> -> memref<104xi32, #tpu.memory_space<vmem>>
      %dma_wait3A_69 = arith.constant 0 : i32
      %dma_wait3A_70 = arith.constant 0 : i32
      %dma_wait3A_71 = tpu.memref_slice %arg3[%dma_wait3A_69, %dma_wait3A_70] : memref<100000x128xf32, #tpu.memory_space<hbm>> -> memref<100000x128xf32, #tpu.memory_space<hbm>>
      tpu.wait_indirect_dma semaphore(%arg13 : memref<!tpu.dma_semaphore, #tpu.memory_space<semaphore_mem>>) src(%dma_wait3A_71 : memref<100000x128xf32, #tpu.memory_space<hbm>>) dst(%dma_wait3A_66 : memref<104x128xf32, #tpu.memory_space<vmem>>)
      %dma_wait3A_72 = arith.constant 104 : i32
      %dma_wait3A_73 = arith.constant 0 : i32
      %dma_wait3A_74 = tpu.memref_slice %arg9[%dma_wait3A_72, %dma_wait3A_73] : memref<208x128xf32, #tpu.memory_space<vmem>> -> memref<96x128xf32, #tpu.memory_space<vmem>>
      %dma_wait3A_75 = arith.constant 104 : i32
      %dma_wait3A_76 = tpu.memref_slice %arg8[%dma_wait3A_75] : memref<208xi32, #tpu.memory_space<vmem>> -> memref<96xi32, #tpu.memory_space<vmem>>
      %dma_wait3A_77 = arith.constant 0 : i32
      %dma_wait3A_78 = arith.constant 0 : i32
      %dma_wait3A_79 = tpu.memref_slice %arg3[%dma_wait3A_77, %dma_wait3A_78] : memref<100000x128xf32, #tpu.memory_space<hbm>> -> memref<100000x128xf32, #tpu.memory_space<hbm>>
      tpu.wait_indirect_dma semaphore(%arg13 : memref<!tpu.dma_semaphore, #tpu.memory_space<semaphore_mem>>) src(%dma_wait3A_79 : memref<100000x128xf32, #tpu.memory_space<hbm>>) dst(%dma_wait3A_74 : memref<96x128xf32, #tpu.memory_space<vmem>>)
      %scan3A_80 = arith.constant 0 : i32
      %scan3A_81 = arith.constant 0 : i32
      %scan3A_82 = arith.constant 13 : i32
      %scan3A_83 = arith.addi %scan3A_81, %scan3A_82 : i32
      %scan3A_84 = arith.constant 1 : i32
      scf.for %scan3A_86 = %scan3A_81 to %scan3A_83 step %scan3A_84  : i32 {
        %mul3A_87 = arith.constant 16 : i32
        %mul3A_88 = arith.muli %scan3A_86, %mul3A_87 : i32
        %get3A_89 = arith.index_cast %mul3A_88 : i32 to index
        %get3A_90 = tpu.vector_load %arg8[%get3A_89] {strides = array<i32>} : memref<208xi32, #tpu.memory_space<vmem>>, vector<16xi32>,
        %add3A_91 = arith.constant 0 : i32
        %add3A_92 = arith.addi %mul3A_88, %add3A_91 : i32
        %broadcast_in_dim3A_93 = arith.constant 0 : i32
        %broadcast_in_dim3A_94 = vector.broadcast %broadcast_in_dim3A_93 : i32 to vector<16x1xi32>
        %gather3A = vector.shape_cast %broadcast_in_dim3A_94 : vector<16x1xi32> to vector<16xi32>
        %gather3A_95 = tpu.dynamic_gather %get3A_90[%gather3A] in [0] : vector<16xi32>, vector<16xi32> -> vector<16xi32>
        %ne3A = arith.cmpi ne, %gather3A_95, %broadcast_in_dim3A_36 : vector<16xi32>
        %select_n3A = arith.select %ne3A, %broadcast_in_dim3A_32, %broadcast_in_dim3A_34 : vector<16xi1>, vector<16xf32>
        %get3A_96 = arith.index_cast %add3A_92 : i32 to index
        %get3A_97 = arith.constant 0 : index
        %get3A_98 = tpu.vector_load %arg9[%get3A_96, %get3A_97] {strides = array<i32>} : memref<208x128xf32, #tpu.memory_space<vmem>>, vector<16xf32>,
        %get3A_99 = arith.index_cast %add3A_92 : i32 to index
        %get3A_100 = arith.constant 0 : index
        %get3A_101 = tpu.vector_load %arg10[%get3A_99, %get3A_100] {strides = array<i32>} : memref<208x128xf32, #tpu.memory_space<vmem>>, vector<16xf32>,
        %mul3A_102 = arith.mulf %get3A_98, %select_n3A : vector<16xf32>
        %add3A_103 = arith.addf %mul3A_102, %get3A_101 : vector<16xf32>
        %get3A_104 = arith.index_cast %add3A_92 : i32 to index
        %get3A_105 = arith.constant 16 : index
        %get3A_106 = tpu.vector_load %arg9[%get3A_104, %get3A_105] {strides = array<i32>} : memref<208x128xf32, #tpu.memory_space<vmem>>, vector<16xf32>,
        %get3A_107 = arith.index_cast %add3A_92 : i32 to index
        %get3A_108 = arith.constant 16 : index
        %get3A_109 = tpu.vector_load %arg10[%get3A_107, %get3A_108] {strides = array<i32>} : memref<208x128xf32, #tpu.memory_space<vmem>>, vector<16xf32>,
        %mul3A_110 = arith.mulf %get3A_106, %select_n3A : vector<16xf32>
        %add3A_111 = arith.addf %mul3A_110, %get3A_109 : vector<16xf32>
        %get3A_112 = arith.index_cast %add3A_92 : i32 to index
        %get3A_113 = arith.constant 32 : index
        %get3A_114 = tpu.vector_load %arg9[%get3A_112, %get3A_113] {strides = array<i32>} : memref<208x128xf32, #tpu.memory_space<vmem>>, vector<16xf32>,
        %get3A_115 = arith.index_cast %add3A_92 : i32 to index
        %get3A_116 = arith.constant 32 : index
        %get3A_117 = tpu.vector_load %arg10[%get3A_115, %get3A_116] {strides = array<i32>} : memref<208x128xf32, #tpu.memory_space<vmem>>, vector<16xf32>,
        %mul3A_118 = arith.mulf %get3A_114, %select_n3A : vector<16xf32>
        %add3A_119 = arith.addf %mul3A_118, %get3A_117 : vector<16xf32>
        %get3A_120 = arith.index_cast %add3A_92 : i32 to index
        %get3A_121 = arith.constant 48 : index
        %get3A_122 = tpu.vector_load %arg9[%get3A_120, %get3A_121] {strides = array<i32>} : memref<208x128xf32, #tpu.memory_space<vmem>>, vector<16xf32>,
        %get3A_123 = arith.index_cast %add3A_92 : i32 to index
        %get3A_124 = arith.constant 48 : index
        %get3A_125 = tpu.vector_load %arg10[%get3A_123, %get3A_124] {strides = array<i32>} : memref<208x128xf32, #tpu.memory_space<vmem>>, vector<16xf32>,
        %mul3A_126 = arith.mulf %get3A_122, %select_n3A : vector<16xf32>
        %add3A_127 = arith.addf %mul3A_126, %get3A_125 : vector<16xf32>
        %get3A_128 = arith.index_cast %add3A_92 : i32 to index
        %get3A_129 = arith.constant 64 : index
        %get3A_130 = tpu.vector_load %arg9[%get3A_128, %get3A_129] {strides = array<i32>} : memref<208x128xf32, #tpu.memory_space<vmem>>, vector<16xf32>,
        %get3A_131 = arith.index_cast %add3A_92 : i32 to index
        %get3A_132 = arith.constant 64 : index
        %get3A_133 = tpu.vector_load %arg10[%get3A_131, %get3A_132] {strides = array<i32>} : memref<208x128xf32, #tpu.memory_space<vmem>>, vector<16xf32>,
        %mul3A_134 = arith.mulf %get3A_130, %select_n3A : vector<16xf32>
        %add3A_135 = arith.addf %mul3A_134, %get3A_133 : vector<16xf32>
        %get3A_136 = arith.index_cast %add3A_92 : i32 to index
        %get3A_137 = arith.constant 80 : index
        %get3A_138 = tpu.vector_load %arg9[%get3A_136, %get3A_137] {strides = array<i32>} : memref<208x128xf32, #tpu.memory_space<vmem>>, vector<16xf32>,
        %get3A_139 = arith.index_cast %add3A_92 : i32 to index
        %get3A_140 = arith.constant 80 : index
        %get3A_141 = tpu.vector_load %arg10[%get3A_139, %get3A_140] {strides = array<i32>} : memref<208x128xf32, #tpu.memory_space<vmem>>, vector<16xf32>,
        %mul3A_142 = arith.mulf %get3A_138, %select_n3A : vector<16xf32>
        %add3A_143 = arith.addf %mul3A_142, %get3A_141 : vector<16xf32>
        %get3A_144 = arith.index_cast %add3A_92 : i32 to index
        %get3A_145 = arith.constant 96 : index
        %get3A_146 = tpu.vector_load %arg9[%get3A_144, %get3A_145] {strides = array<i32>} : memref<208x128xf32, #tpu.memory_space<vmem>>, vector<16xf32>,
        %get3A_147 = arith.index_cast %add3A_92 : i32 to index
        %get3A_148 = arith.constant 96 : index
        %get3A_149 = tpu.vector_load %arg10[%get3A_147, %get3A_148] {strides = array<i32>} : memref<208x128xf32, #tpu.memory_space<vmem>>, vector<16xf32>,
        %mul3A_150 = arith.mulf %get3A_146, %select_n3A : vector<16xf32>
        %add3A_151 = arith.addf %mul3A_150, %get3A_149 : vector<16xf32>
        %get3A_152 = arith.index_cast %add3A_92 : i32 to index
        %get3A_153 = arith.constant 112 : index
        %get3A_154 = tpu.vector_load %arg9[%get3A_152, %get3A_153] {strides = array<i32>} : memref<208x128xf32, #tpu.memory_space<vmem>>, vector<16xf32>,
        %get3A_155 = arith.index_cast %add3A_92 : i32 to index
        %get3A_156 = arith.constant 112 : index
        %get3A_157 = tpu.vector_load %arg10[%get3A_155, %get3A_156] {strides = array<i32>} : memref<208x128xf32, #tpu.memory_space<vmem>>, vector<16xf32>,
        %mul3A_158 = arith.mulf %get3A_154, %select_n3A : vector<16xf32>
        %add3A_159 = arith.addf %mul3A_158, %get3A_157 : vector<16xf32>
        %add3A_160 = arith.addf %add3A_103, %add3A_111 : vector<16xf32>
        %add3A_161 = arith.addf %add3A_119, %add3A_127 : vector<16xf32>
        %add3A_162 = arith.addf %add3A_160, %add3A_161 : vector<16xf32>
        %add3A_163 = arith.addf %add3A_135, %add3A_143 : vector<16xf32>
        %add3A_164 = arith.addf %add3A_151, %add3A_159 : vector<16xf32>
        %add3A_165 = arith.addf %add3A_163, %add3A_164 : vector<16xf32>
        %add3A_166 = arith.addf %add3A_162, %add3A_165 : vector<16xf32>
        %mul3A_167 = arith.mulf %add3A_103, %add3A_103 : vector<16xf32>
        %mul3A_168 = arith.mulf %add3A_111, %add3A_111 : vector<16xf32>
        %mul3A_169 = arith.mulf %add3A_119, %add3A_119 : vector<16xf32>
        %mul3A_170 = arith.mulf %add3A_127, %add3A_127 : vector<16xf32>
        %mul3A_171 = arith.mulf %add3A_135, %add3A_135 : vector<16xf32>
        %mul3A_172 = arith.mulf %add3A_143, %add3A_143 : vector<16xf32>
        %mul3A_173 = arith.mulf %add3A_151, %add3A_151 : vector<16xf32>
        %mul3A_174 = arith.mulf %add3A_159, %add3A_159 : vector<16xf32>
        %add3A_175 = arith.addf %mul3A_167, %mul3A_168 : vector<16xf32>
        %add3A_176 = arith.addf %mul3A_169, %mul3A_170 : vector<16xf32>
        %add3A_177 = arith.addf %add3A_175, %add3A_176 : vector<16xf32>
        %add3A_178 = arith.addf %mul3A_171, %mul3A_172 : vector<16xf32>
        %add3A_179 = arith.addf %mul3A_173, %mul3A_174 : vector<16xf32>
        %add3A_180 = arith.addf %add3A_178, %add3A_179 : vector<16xf32>
        %add3A_181 = arith.addf %add3A_177, %add3A_180 : vector<16xf32>
        %reduce_sum3A = arith.constant true
        %reduce_sum3A_182 = vector.broadcast %reduce_sum3A : i1 to vector<16xi1>
        %reduce_sum3A_183 = tpu.scan <sum>, %add3A_166 masked %reduce_sum3A_182 : vector<16xf32>, vector<16xi1> -> vector<16xf32>
        %reduce_sum3A_184 = vector.extract %reduce_sum3A_183[15] : f32 from vector<16xf32>
        %broadcast_in_dim3A_185 = vector.broadcast %reduce_sum3A_184 : f32 to vector<16xf32>
        %mul3A_186 = arith.mulf %broadcast_in_dim3A_185, %broadcast_in_dim3A_38 : vector<16xf32>
        %reduce_sum3A_187 = arith.constant true
        %reduce_sum3A_188 = vector.broadcast %reduce_sum3A_187 : i1 to vector<16xi1>
        %reduce_sum3A_189 = tpu.scan <sum>, %add3A_181 masked %reduce_sum3A_188 : vector<16xf32>, vector<16xi1> -> vector<16xf32>
        %reduce_sum3A_190 = vector.extract %reduce_sum3A_189[15] : f32 from vector<16xf32>
        %broadcast_in_dim3A_191 = vector.broadcast %reduce_sum3A_190 : f32 to vector<16xf32>
        %mul3A_192 = arith.mulf %broadcast_in_dim3A_191, %broadcast_in_dim3A_38 : vector<16xf32>
        %mul3A_193 = arith.mulf %mul3A_186, %mul3A_186 : vector<16xf32>
        %sub3A = arith.subf %mul3A_192, %mul3A_193 : vector<16xf32>
        %add3A_194 = arith.addf %sub3A, %broadcast_in_dim3A_40 : vector<16xf32>
        %bitcast3A = vector.bitcast %add3A_194 : vector<16xf32> to vector<16xi32>
        %broadcast_in_dim3A_195 = arith.constant 1597463007 : i32
        %broadcast_in_dim3A_196 = vector.broadcast %broadcast_in_dim3A_195 : i32 to vector<16xi32>
        %shift_right_arithmetic3A = arith.constant 1 : i32
        %shift_right_arithmetic3A_197 = vector.broadcast %shift_right_arithmetic3A : i32 to vector<16xi32>
        %shift_right_arithmetic3A_198 = arith.shrsi %bitcast3A, %shift_right_arithmetic3A_197 : vector<16xi32>
        %sub3A_199 = arith.subi %broadcast_in_dim3A_196, %shift_right_arithmetic3A_198 : vector<16xi32>
        %bitcast3A_200 = vector.bitcast %sub3A_199 : vector<16xi32> to vector<16xf32>
        %broadcast_in_dim3A_201 = arith.constant 5.000000e-01 : f32
        %broadcast_in_dim3A_202 = vector.broadcast %broadcast_in_dim3A_201 : f32 to vector<16xf32>
        %mul3A_203 = arith.mulf %add3A_194, %broadcast_in_dim3A_202 : vector<16xf32>
        %broadcast_in_dim3A_204 = arith.constant 1.500000e+00 : f32
        %broadcast_in_dim3A_205 = vector.broadcast %broadcast_in_dim3A_204 : f32 to vector<16xf32>
        %mul3A_206 = arith.mulf %mul3A_203, %bitcast3A_200 : vector<16xf32>
        %mul3A_207 = arith.mulf %mul3A_206, %bitcast3A_200 : vector<16xf32>
        %sub3A_208 = arith.subf %broadcast_in_dim3A_205, %mul3A_207 : vector<16xf32>
        %mul3A_209 = arith.mulf %bitcast3A_200, %sub3A_208 : vector<16xf32>
        %mul3A_210 = arith.mulf %mul3A_203, %mul3A_209 : vector<16xf32>
        %mul3A_211 = arith.mulf %mul3A_210, %mul3A_209 : vector<16xf32>
        %sub3A_212 = arith.subf %broadcast_in_dim3A_205, %mul3A_211 : vector<16xf32>
        %mul3A_213 = arith.mulf %mul3A_209, %sub3A_212 : vector<16xf32>
        %mul3A_214 = arith.mulf %mul3A_203, %mul3A_213 : vector<16xf32>
        %mul3A_215 = arith.mulf %mul3A_214, %mul3A_213 : vector<16xf32>
        %sub3A_216 = arith.subf %broadcast_in_dim3A_205, %mul3A_215 : vector<16xf32>
        %mul3A_217 = arith.mulf %mul3A_213, %sub3A_216 : vector<16xf32>
        %sub3A_218 = arith.subf %add3A_103, %mul3A_186 : vector<16xf32>
        %mul3A_219 = arith.mulf %mul3A_217, %get3A_1 : vector<16xf32>
        %mul3A_220 = arith.mulf %sub3A_218, %mul3A_219 : vector<16xf32>
        %add3A_221 = arith.addf %mul3A_220, %get3A_17 : vector<16xf32>
        %swap3A = arith.index_cast %add3A_92 : i32 to index
        %swap3A_222 = arith.constant 0 : index
        %swap3A_223 = tpu.vector_load %arg9[%swap3A, %swap3A_222] {strides = array<i32>} : memref<208x128xf32, #tpu.memory_space<vmem>>, vector<16xf32>,
        tpu.vector_store %arg9[%swap3A, %swap3A_222], %add3A_221 {strides = array<i32>} : memref<208x128xf32, #tpu.memory_space<vmem>>, vector<16xf32>,
        %sub3A_224 = arith.subf %add3A_111, %mul3A_186 : vector<16xf32>
        %mul3A_225 = arith.mulf %mul3A_217, %get3A_3 : vector<16xf32>
        %mul3A_226 = arith.mulf %sub3A_224, %mul3A_225 : vector<16xf32>
        %add3A_227 = arith.addf %mul3A_226, %get3A_19 : vector<16xf32>
        %swap3A_228 = arith.index_cast %add3A_92 : i32 to index
        %swap3A_229 = arith.constant 16 : index
        %swap3A_230 = tpu.vector_load %arg9[%swap3A_228, %swap3A_229] {strides = array<i32>} : memref<208x128xf32, #tpu.memory_space<vmem>>, vector<16xf32>,
        tpu.vector_store %arg9[%swap3A_228, %swap3A_229], %add3A_227 {strides = array<i32>} : memref<208x128xf32, #tpu.memory_space<vmem>>, vector<16xf32>,
        %sub3A_231 = arith.subf %add3A_119, %mul3A_186 : vector<16xf32>
        %mul3A_232 = arith.mulf %mul3A_217, %get3A_5 : vector<16xf32>
        %mul3A_233 = arith.mulf %sub3A_231, %mul3A_232 : vector<16xf32>
        %add3A_234 = arith.addf %mul3A_233, %get3A_21 : vector<16xf32>
        %swap3A_235 = arith.index_cast %add3A_92 : i32 to index
        %swap3A_236 = arith.constant 32 : index
        %swap3A_237 = tpu.vector_load %arg9[%swap3A_235, %swap3A_236] {strides = array<i32>} : memref<208x128xf32, #tpu.memory_space<vmem>>, vector<16xf32>,
        tpu.vector_store %arg9[%swap3A_235, %swap3A_236], %add3A_234 {strides = array<i32>} : memref<208x128xf32, #tpu.memory_space<vmem>>, vector<16xf32>,
        %sub3A_238 = arith.subf %add3A_127, %mul3A_186 : vector<16xf32>
        %mul3A_239 = arith.mulf %mul3A_217, %get3A_7 : vector<16xf32>
        %mul3A_240 = arith.mulf %sub3A_238, %mul3A_239 : vector<16xf32>
        %add3A_241 = arith.addf %mul3A_240, %get3A_23 : vector<16xf32>
        %swap3A_242 = arith.index_cast %add3A_92 : i32 to index
        %swap3A_243 = arith.constant 48 : index
        %swap3A_244 = tpu.vector_load %arg9[%swap3A_242, %swap3A_243] {strides = array<i32>} : memref<208x128xf32, #tpu.memory_space<vmem>>, vector<16xf32>,
        tpu.vector_store %arg9[%swap3A_242, %swap3A_243], %add3A_241 {strides = array<i32>} : memref<208x128xf32, #tpu.memory_space<vmem>>, vector<16xf32>,
        %sub3A_245 = arith.subf %add3A_135, %mul3A_186 : vector<16xf32>
        %mul3A_246 = arith.mulf %mul3A_217, %get3A_9 : vector<16xf32>
        %mul3A_247 = arith.mulf %sub3A_245, %mul3A_246 : vector<16xf32>
        %add3A_248 = arith.addf %mul3A_247, %get3A_25 : vector<16xf32>
        %swap3A_249 = arith.index_cast %add3A_92 : i32 to index
        %swap3A_250 = arith.constant 64 : index
        %swap3A_251 = tpu.vector_load %arg9[%swap3A_249, %swap3A_250] {strides = array<i32>} : memref<208x128xf32, #tpu.memory_space<vmem>>, vector<16xf32>,
        tpu.vector_store %arg9[%swap3A_249, %swap3A_250], %add3A_248 {strides = array<i32>} : memref<208x128xf32, #tpu.memory_space<vmem>>, vector<16xf32>,
        %sub3A_252 = arith.subf %add3A_143, %mul3A_186 : vector<16xf32>
        %mul3A_253 = arith.mulf %mul3A_217, %get3A_11 : vector<16xf32>
        %mul3A_254 = arith.mulf %sub3A_252, %mul3A_253 : vector<16xf32>
        %add3A_255 = arith.addf %mul3A_254, %get3A_27 : vector<16xf32>
        %swap3A_256 = arith.index_cast %add3A_92 : i32 to index
        %swap3A_257 = arith.constant 80 : index
        %swap3A_258 = tpu.vector_load %arg9[%swap3A_256, %swap3A_257] {strides = array<i32>} : memref<208x128xf32, #tpu.memory_space<vmem>>, vector<16xf32>,
        tpu.vector_store %arg9[%swap3A_256, %swap3A_257], %add3A_255 {strides = array<i32>} : memref<208x128xf32, #tpu.memory_space<vmem>>, vector<16xf32>,
        %sub3A_259 = arith.subf %add3A_151, %mul3A_186 : vector<16xf32>
        %mul3A_260 = arith.mulf %mul3A_217, %get3A_13 : vector<16xf32>
        %mul3A_261 = arith.mulf %sub3A_259, %mul3A_260 : vector<16xf32>
        %add3A_262 = arith.addf %mul3A_261, %get3A_29 : vector<16xf32>
        %swap3A_263 = arith.index_cast %add3A_92 : i32 to index
        %swap3A_264 = arith.constant 96 : index
        %swap3A_265 = tpu.vector_load %arg9[%swap3A_263, %swap3A_264] {strides = array<i32>} : memref<208x128xf32, #tpu.memory_space<vmem>>, vector<16xf32>,
        tpu.vector_store %arg9[%swap3A_263, %swap3A_264], %add3A_262 {strides = array<i32>} : memref<208x128xf32, #tpu.memory_space<vmem>>, vector<16xf32>,
        %sub3A_266 = arith.subf %add3A_159, %mul3A_186 : vector<16xf32>
        %mul3A_267 = arith.mulf %mul3A_217, %get3A_15 : vector<16xf32>
        %mul3A_268 = arith.mulf %sub3A_266, %mul3A_267 : vector<16xf32>
        %add3A_269 = arith.addf %mul3A_268, %get3A_31 : vector<16xf32>
        %swap3A_270 = arith.index_cast %add3A_92 : i32 to index
        %swap3A_271 = arith.constant 112 : index
        %swap3A_272 = tpu.vector_load %arg9[%swap3A_270, %swap3A_271] {strides = array<i32>} : memref<208x128xf32, #tpu.memory_space<vmem>>, vector<16xf32>,
        tpu.vector_store %arg9[%swap3A_270, %swap3A_271], %add3A_269 {strides = array<i32>} : memref<208x128xf32, #tpu.memory_space<vmem>>, vector<16xf32>,
        %add3A_273 = arith.constant 1 : i32
        %add3A_274 = arith.addi %mul3A_88, %add3A_273 : i32
        %broadcast_in_dim3A_275 = arith.constant 1 : i32
        %broadcast_in_dim3A_276 = vector.broadcast %broadcast_in_dim3A_275 : i32 to vector<16x1xi32>
        %gather3A_277 = vector.shape_cast %broadcast_in_dim3A_276 : vector<16x1xi32> to vector<16xi32>
        %gather3A_278 = tpu.dynamic_gather %get3A_90[%gather3A_277] in [0] : vector<16xi32>, vector<16xi32> -> vector<16xi32>
        %ne3A_279 = arith.cmpi ne, %gather3A_278, %broadcast_in_dim3A_36 : vector<16xi32>
        %select_n3A_280 = arith.select %ne3A_279, %broadcast_in_dim3A_32, %broadcast_in_dim3A_34 : vector<16xi1>, vector<16xf32>
        %get3A_281 = arith.index_cast %add3A_274 : i32 to index
        %get3A_282 = arith.constant 0 : index
        %get3A_283 = tpu.vector_load %arg9[%get3A_281, %get3A_282] {strides = array<i32>} : memref<208x128xf32, #tpu.memory_space<vmem>>, vector<16xf32>,
        %get3A_284 = arith.index_cast %add3A_274 : i32 to index
        %get3A_285 = arith.constant 0 : index
        %get3A_286 = tpu.vector_load %arg10[%get3A_284, %get3A_285] {strides = array<i32>} : memref<208x128xf32, #tpu.memory_space<vmem>>, vector<16xf32>,
        %mul3A_287 = arith.mulf %get3A_283, %select_n3A_280 : vector<16xf32>
        %add3A_288 = arith.addf %mul3A_287, %get3A_286 : vector<16xf32>
        %get3A_289 = arith.index_cast %add3A_274 : i32 to index
        %get3A_290 = arith.constant 16 : index
        %get3A_291 = tpu.vector_load %arg9[%get3A_289, %get3A_290] {strides = array<i32>} : memref<208x128xf32, #tpu.memory_space<vmem>>, vector<16xf32>,
        %get3A_292 = arith.index_cast %add3A_274 : i32 to index
        %get3A_293 = arith.constant 16 : index
        %get3A_294 = tpu.vector_load %arg10[%get3A_292, %get3A_293] {strides = array<i32>} : memref<208x128xf32, #tpu.memory_space<vmem>>, vector<16xf32>,
        %mul3A_295 = arith.mulf %get3A_291, %select_n3A_280 : vector<16xf32>
        %add3A_296 = arith.addf %mul3A_295, %get3A_294 : vector<16xf32>
        %get3A_297 = arith.index_cast %add3A_274 : i32 to index
        %get3A_298 = arith.constant 32 : index
        %get3A_299 = tpu.vector_load %arg9[%get3A_297, %get3A_298] {strides = array<i32>} : memref<208x128xf32, #tpu.memory_space<vmem>>, vector<16xf32>,
        %get3A_300 = arith.index_cast %add3A_274 : i32 to index
        %get3A_301 = arith.constant 32 : index
        %get3A_302 = tpu.vector_load %arg10[%get3A_300, %get3A_301] {strides = array<i32>} : memref<208x128xf32, #tpu.memory_space<vmem>>, vector<16xf32>,
        %mul3A_303 = arith.mulf %get3A_299, %select_n3A_280 : vector<16xf32>
        %add3A_304 = arith.addf %mul3A_303, %get3A_302 : vector<16xf32>
        %get3A_305 = arith.index_cast %add3A_274 : i32 to index
        %get3A_306 = arith.constant 48 : index
        %get3A_307 = tpu.vector_load %arg9[%get3A_305, %get3A_306] {strides = array<i32>} : memref<208x128xf32, #tpu.memory_space<vmem>>, vector<16xf32>,
        %get3A_308 = arith.index_cast %add3A_274 : i32 to index
        %get3A_309 = arith.constant 48 : index
        %get3A_310 = tpu.vector_load %arg10[%get3A_308, %get3A_309] {strides = array<i32>} : memref<208x128xf32, #tpu.memory_space<vmem>>, vector<16xf32>,
        %mul3A_311 = arith.mulf %get3A_307, %select_n3A_280 : vector<16xf32>
        %add3A_312 = arith.addf %mul3A_311, %get3A_310 : vector<16xf32>
        %get3A_313 = arith.index_cast %add3A_274 : i32 to index
        %get3A_314 = arith.constant 64 : index
        %get3A_315 = tpu.vector_load %arg9[%get3A_313, %get3A_314] {strides = array<i32>} : memref<208x128xf32, #tpu.memory_space<vmem>>, vector<16xf32>,
        %get3A_316 = arith.index_cast %add3A_274 : i32 to index
        %get3A_317 = arith.constant 64 : index
        %get3A_318 = tpu.vector_load %arg10[%get3A_316, %get3A_317] {strides = array<i32>} : memref<208x128xf32, #tpu.memory_space<vmem>>, vector<16xf32>,
        %mul3A_319 = arith.mulf %get3A_315, %select_n3A_280 : vector<16xf32>
        %add3A_320 = arith.addf %mul3A_319, %get3A_318 : vector<16xf32>
        %get3A_321 = arith.index_cast %add3A_274 : i32 to index
        %get3A_322 = arith.constant 80 : index
        %get3A_323 = tpu.vector_load %arg9[%get3A_321, %get3A_322] {strides = array<i32>} : memref<208x128xf32, #tpu.memory_space<vmem>>, vector<16xf32>,
        %get3A_324 = arith.index_cast %add3A_274 : i32 to index
        %get3A_325 = arith.constant 80 : index
        %get3A_326 = tpu.vector_load %arg10[%get3A_324, %get3A_325] {strides = array<i32>} : memref<208x128xf32, #tpu.memory_space<vmem>>, vector<16xf32>,
        %mul3A_327 = arith.mulf %get3A_323, %select_n3A_280 : vector<16xf32>
        %add3A_328 = arith.addf %mul3A_327, %get3A_326 : vector<16xf32>
        %get3A_329 = arith.index_cast %add3A_274 : i32 to index
        %get3A_330 = arith.constant 96 : index
        %get3A_331 = tpu.vector_load %arg9[%get3A_329, %get3A_330] {strides = array<i32>} : memref<208x128xf32, #tpu.memory_space<vmem>>, vector<16xf32>,
        %get3A_332 = arith.index_cast %add3A_274 : i32 to index
        %get3A_333 = arith.constant 96 : index
        %get3A_334 = tpu.vector_load %arg10[%get3A_332, %get3A_333] {strides = array<i32>} : memref<208x128xf32, #tpu.memory_space<vmem>>, vector<16xf32>,
        %mul3A_335 = arith.mulf %get3A_331, %select_n3A_280 : vector<16xf32>
        %add3A_336 = arith.addf %mul3A_335, %get3A_334 : vector<16xf32>
        %get3A_337 = arith.index_cast %add3A_274 : i32 to index
        %get3A_338 = arith.constant 112 : index
        %get3A_339 = tpu.vector_load %arg9[%get3A_337, %get3A_338] {strides = array<i32>} : memref<208x128xf32, #tpu.memory_space<vmem>>, vector<16xf32>,
        %get3A_340 = arith.index_cast %add3A_274 : i32 to index
        %get3A_341 = arith.constant 112 : index
        %get3A_342 = tpu.vector_load %arg10[%get3A_340, %get3A_341] {strides = array<i32>} : memref<208x128xf32, #tpu.memory_space<vmem>>, vector<16xf32>,
        %mul3A_343 = arith.mulf %get3A_339, %select_n3A_280 : vector<16xf32>
        %add3A_344 = arith.addf %mul3A_343, %get3A_342 : vector<16xf32>
        %add3A_345 = arith.addf %add3A_288, %add3A_296 : vector<16xf32>
        %add3A_346 = arith.addf %add3A_304, %add3A_312 : vector<16xf32>
        %add3A_347 = arith.addf %add3A_345, %add3A_346 : vector<16xf32>
        %add3A_348 = arith.addf %add3A_320, %add3A_328 : vector<16xf32>
        %add3A_349 = arith.addf %add3A_336, %add3A_344 : vector<16xf32>
        %add3A_350 = arith.addf %add3A_348, %add3A_349 : vector<16xf32>
        %add3A_351 = arith.addf %add3A_347, %add3A_350 : vector<16xf32>
        %mul3A_352 = arith.mulf %add3A_288, %add3A_288 : vector<16xf32>
        %mul3A_353 = arith.mulf %add3A_296, %add3A_296 : vector<16xf32>
        %mul3A_354 = arith.mulf %add3A_304, %add3A_304 : vector<16xf32>
        %mul3A_355 = arith.mulf %add3A_312, %add3A_312 : vector<16xf32>
        %mul3A_356 = arith.mulf %add3A_320, %add3A_320 : vector<16xf32>
        %mul3A_357 = arith.mulf %add3A_328, %add3A_328 : vector<16xf32>
        %mul3A_358 = arith.mulf %add3A_336, %add3A_336 : vector<16xf32>
        %mul3A_359 = arith.mulf %add3A_344, %add3A_344 : vector<16xf32>
        %add3A_360 = arith.addf %mul3A_352, %mul3A_353 : vector<16xf32>
        %add3A_361 = arith.addf %mul3A_354, %mul3A_355 : vector<16xf32>
        %add3A_362 = arith.addf %add3A_360, %add3A_361 : vector<16xf32>
        %add3A_363 = arith.addf %mul3A_356, %mul3A_357 : vector<16xf32>
        %add3A_364 = arith.addf %mul3A_358, %mul3A_359 : vector<16xf32>
        %add3A_365 = arith.addf %add3A_363, %add3A_364 : vector<16xf32>
        %add3A_366 = arith.addf %add3A_362, %add3A_365 : vector<16xf32>
        %reduce_sum3A_367 = arith.constant true
        %reduce_sum3A_368 = vector.broadcast %reduce_sum3A_367 : i1 to vector<16xi1>
        %reduce_sum3A_369 = tpu.scan <sum>, %add3A_351 masked %reduce_sum3A_368 : vector<16xf32>, vector<16xi1> -> vector<16xf32>
        %reduce_sum3A_370 = vector.extract %reduce_sum3A_369[15] : f32 from vector<16xf32>
        %broadcast_in_dim3A_371 = vector.broadcast %reduce_sum3A_370 : f32 to vector<16xf32>
        %mul3A_372 = arith.mulf %broadcast_in_dim3A_371, %broadcast_in_dim3A_38 : vector<16xf32>
        %reduce_sum3A_373 = arith.constant true
        %reduce_sum3A_374 = vector.broadcast %reduce_sum3A_373 : i1 to vector<16xi1>
        %reduce_sum3A_375 = tpu.scan <sum>, %add3A_366 masked %reduce_sum3A_374 : vector<16xf32>, vector<16xi1> -> vector<16xf32>
        %reduce_sum3A_376 = vector.extract %reduce_sum3A_375[15] : f32 from vector<16xf32>
        %broadcast_in_dim3A_377 = vector.broadcast %reduce_sum3A_376 : f32 to vector<16xf32>
        %mul3A_378 = arith.mulf %broadcast_in_dim3A_377, %broadcast_in_dim3A_38 : vector<16xf32>
        %mul3A_379 = arith.mulf %mul3A_372, %mul3A_372 : vector<16xf32>
        %sub3A_380 = arith.subf %mul3A_378, %mul3A_379 : vector<16xf32>
        %add3A_381 = arith.addf %sub3A_380, %broadcast_in_dim3A_40 : vector<16xf32>
        %bitcast3A_382 = vector.bitcast %add3A_381 : vector<16xf32> to vector<16xi32>
        %broadcast_in_dim3A_383 = arith.constant 1597463007 : i32
        %broadcast_in_dim3A_384 = vector.broadcast %broadcast_in_dim3A_383 : i32 to vector<16xi32>
        %shift_right_arithmetic3A_385 = arith.constant 1 : i32
        %shift_right_arithmetic3A_386 = vector.broadcast %shift_right_arithmetic3A_385 : i32 to vector<16xi32>
        %shift_right_arithmetic3A_387 = arith.shrsi %bitcast3A_382, %shift_right_arithmetic3A_386 : vector<16xi32>
        %sub3A_388 = arith.subi %broadcast_in_dim3A_384, %shift_right_arithmetic3A_387 : vector<16xi32>
        %bitcast3A_389 = vector.bitcast %sub3A_388 : vector<16xi32> to vector<16xf32>
        %broadcast_in_dim3A_390 = arith.constant 5.000000e-01 : f32
        %broadcast_in_dim3A_391 = vector.broadcast %broadcast_in_dim3A_390 : f32 to vector<16xf32>
        %mul3A_392 = arith.mulf %add3A_381, %broadcast_in_dim3A_391 : vector<16xf32>
        %broadcast_in_dim3A_393 = arith.constant 1.500000e+00 : f32
        %broadcast_in_dim3A_394 = vector.broadcast %broadcast_in_dim3A_393 : f32 to vector<16xf32>
        %mul3A_395 = arith.mulf %mul3A_392, %bitcast3A_389 : vector<16xf32>
        %mul3A_396 = arith.mulf %mul3A_395, %bitcast3A_389 : vector<16xf32>
        %sub3A_397 = arith.subf %broadcast_in_dim3A_394, %mul3A_396 : vector<16xf32>
        %mul3A_398 = arith.mulf %bitcast3A_389, %sub3A_397 : vector<16xf32>
        %mul3A_399 = arith.mulf %mul3A_392, %mul3A_398 : vector<16xf32>
        %mul3A_400 = arith.mulf %mul3A_399, %mul3A_398 : vector<16xf32>
        %sub3A_401 = arith.subf %broadcast_in_dim3A_394, %mul3A_400 : vector<16xf32>
        %mul3A_402 = arith.mulf %mul3A_398, %sub3A_401 : vector<16xf32>
        %mul3A_403 = arith.mulf %mul3A_392, %mul3A_402 : vector<16xf32>
        %mul3A_404 = arith.mulf %mul3A_403, %mul3A_402 : vector<16xf32>
        %sub3A_405 = arith.subf %broadcast_in_dim3A_394, %mul3A_404 : vector<16xf32>
        %mul3A_406 = arith.mulf %mul3A_402, %sub3A_405 : vector<16xf32>
        %sub3A_407 = arith.subf %add3A_288, %mul3A_372 : vector<16xf32>
        %mul3A_408 = arith.mulf %mul3A_406, %get3A_1 : vector<16xf32>
        %mul3A_409 = arith.mulf %sub3A_407, %mul3A_408 : vector<16xf32>
        %add3A_410 = arith.addf %mul3A_409, %get3A_17 : vector<16xf32>
        %swap3A_411 = arith.index_cast %add3A_274 : i32 to index
        %swap3A_412 = arith.constant 0 : index
        %swap3A_413 = tpu.vector_load %arg9[%swap3A_411, %swap3A_412] {strides = array<i32>} : memref<208x128xf32, #tpu.memory_space<vmem>>, vector<16xf32>,
        tpu.vector_store %arg9[%swap3A_411, %swap3A_412], %add3A_410 {strides = array<i32>} : memref<208x128xf32, #tpu.memory_space<vmem>>, vector<16xf32>,
        %sub3A_414 = arith.subf %add3A_296, %mul3A_372 : vector<16xf32>
        %mul3A_415 = arith.mulf %mul3A_406, %get3A_3 : vector<16xf32>
        %mul3A_416 = arith.mulf %sub3A_414, %mul3A_415 : vector<16xf32>
        %add3A_417 = arith.addf %mul3A_416, %get3A_19 : vector<16xf32>
        %swap3A_418 = arith.index_cast %add3A_274 : i32 to index
        %swap3A_419 = arith.constant 16 : index
        %swap3A_420 = tpu.vector_load %arg9[%swap3A_418, %swap3A_419] {strides = array<i32>} : memref<208x128xf32, #tpu.memory_space<vmem>>, vector<16xf32>,
        tpu.vector_store %arg9[%swap3A_418, %swap3A_419], %add3A_417 {strides = array<i32>} : memref<208x128xf32, #tpu.memory_space<vmem>>, vector<16xf32>,
        %sub3A_421 = arith.subf %add3A_304, %mul3A_372 : vector<16xf32>
        %mul3A_422 = arith.mulf %mul3A_406, %get3A_5 : vector<16xf32>
        %mul3A_423 = arith.mulf %sub3A_421, %mul3A_422 : vector<16xf32>
        %add3A_424 = arith.addf %mul3A_423, %get3A_21 : vector<16xf32>
        %swap3A_425 = arith.index_cast %add3A_274 : i32 to index
        %swap3A_426 = arith.constant 32 : index
        %swap3A_427 = tpu.vector_load %arg9[%swap3A_425, %swap3A_426] {strides = array<i32>} : memref<208x128xf32, #tpu.memory_space<vmem>>, vector<16xf32>,
        tpu.vector_store %arg9[%swap3A_425, %swap3A_426], %add3A_424 {strides = array<i32>} : memref<208x128xf32, #tpu.memory_space<vmem>>, vector<16xf32>,
        %sub3A_428 = arith.subf %add3A_312, %mul3A_372 : vector<16xf32>
        %mul3A_429 = arith.mulf %mul3A_406, %get3A_7 : vector<16xf32>
        %mul3A_430 = arith.mulf %sub3A_428, %mul3A_429 : vector<16xf32>
        %add3A_431 = arith.addf %mul3A_430, %get3A_23 : vector<16xf32>
        %swap3A_432 = arith.index_cast %add3A_274 : i32 to index
        %swap3A_433 = arith.constant 48 : index
        %swap3A_434 = tpu.vector_load %arg9[%swap3A_432, %swap3A_433] {strides = array<i32>} : memref<208x128xf32, #tpu.memory_space<vmem>>, vector<16xf32>,
        tpu.vector_store %arg9[%swap3A_432, %swap3A_433], %add3A_431 {strides = array<i32>} : memref<208x128xf32, #tpu.memory_space<vmem>>, vector<16xf32>,
        %sub3A_435 = arith.subf %add3A_320, %mul3A_372 : vector<16xf32>
        %mul3A_436 = arith.mulf %mul3A_406, %get3A_9 : vector<16xf32>
        %mul3A_437 = arith.mulf %sub3A_435, %mul3A_436 : vector<16xf32>
        %add3A_438 = arith.addf %mul3A_437, %get3A_25 : vector<16xf32>
        %swap3A_439 = arith.index_cast %add3A_274 : i32 to index
        %swap3A_440 = arith.constant 64 : index
        %swap3A_441 = tpu.vector_load %arg9[%swap3A_439, %swap3A_440] {strides = array<i32>} : memref<208x128xf32, #tpu.memory_space<vmem>>, vector<16xf32>,
        tpu.vector_store %arg9[%swap3A_439, %swap3A_440], %add3A_438 {strides = array<i32>} : memref<208x128xf32, #tpu.memory_space<vmem>>, vector<16xf32>,
        %sub3A_442 = arith.subf %add3A_328, %mul3A_372 : vector<16xf32>
        %mul3A_443 = arith.mulf %mul3A_406, %get3A_11 : vector<16xf32>
        %mul3A_444 = arith.mulf %sub3A_442, %mul3A_443 : vector<16xf32>
        %add3A_445 = arith.addf %mul3A_444, %get3A_27 : vector<16xf32>
        %swap3A_446 = arith.index_cast %add3A_274 : i32 to index
        %swap3A_447 = arith.constant 80 : index
        %swap3A_448 = tpu.vector_load %arg9[%swap3A_446, %swap3A_447] {strides = array<i32>} : memref<208x128xf32, #tpu.memory_space<vmem>>, vector<16xf32>,
        tpu.vector_store %arg9[%swap3A_446, %swap3A_447], %add3A_445 {strides = array<i32>} : memref<208x128xf32, #tpu.memory_space<vmem>>, vector<16xf32>,
        %sub3A_449 = arith.subf %add3A_336, %mul3A_372 : vector<16xf32>
        %mul3A_450 = arith.mulf %mul3A_406, %get3A_13 : vector<16xf32>
        %mul3A_451 = arith.mulf %sub3A_449, %mul3A_450 : vector<16xf32>
        %add3A_452 = arith.addf %mul3A_451, %get3A_29 : vector<16xf32>
        %swap3A_453 = arith.index_cast %add3A_274 : i32 to index
        %swap3A_454 = arith.constant 96 : index
        %swap3A_455 = tpu.vector_load %arg9[%swap3A_453, %swap3A_454] {strides = array<i32>} : memref<208x128xf32, #tpu.memory_space<vmem>>, vector<16xf32>,
        tpu.vector_store %arg9[%swap3A_453, %swap3A_454], %add3A_452 {strides = array<i32>} : memref<208x128xf32, #tpu.memory_space<vmem>>, vector<16xf32>,
        %sub3A_456 = arith.subf %add3A_344, %mul3A_372 : vector<16xf32>
        %mul3A_457 = arith.mulf %mul3A_406, %get3A_15 : vector<16xf32>
        %mul3A_458 = arith.mulf %sub3A_456, %mul3A_457 : vector<16xf32>
        %add3A_459 = arith.addf %mul3A_458, %get3A_31 : vector<16xf32>
        %swap3A_460 = arith.index_cast %add3A_274 : i32 to index
        %swap3A_461 = arith.constant 112 : index
        %swap3A_462 = tpu.vector_load %arg9[%swap3A_460, %swap3A_461] {strides = array<i32>} : memref<208x128xf32, #tpu.memory_space<vmem>>, vector<16xf32>,
        tpu.vector_store %arg9[%swap3A_460, %swap3A_461], %add3A_459 {strides = array<i32>} : memref<208x128xf32, #tpu.memory_space<vmem>>, vector<16xf32>,
        %add3A_463 = arith.constant 2 : i32
        %add3A_464 = arith.addi %mul3A_88, %add3A_463 : i32
        %broadcast_in_dim3A_465 = arith.constant 2 : i32
        %broadcast_in_dim3A_466 = vector.broadcast %broadcast_in_dim3A_465 : i32 to vector<16x1xi32>
        %gather3A_467 = vector.shape_cast %broadcast_in_dim3A_466 : vector<16x1xi32> to vector<16xi32>
        %gather3A_468 = tpu.dynamic_gather %get3A_90[%gather3A_467] in [0] : vector<16xi32>, vector<16xi32> -> vector<16xi32>
        %ne3A_469 = arith.cmpi ne, %gather3A_468, %broadcast_in_dim3A_36 : vector<16xi32>
        %select_n3A_470 = arith.select %ne3A_469, %broadcast_in_dim3A_32, %broadcast_in_dim3A_34 : vector<16xi1>, vector<16xf32>
        %get3A_471 = arith.index_cast %add3A_464 : i32 to index
        %get3A_472 = arith.constant 0 : index
        %get3A_473 = tpu.vector_load %arg9[%get3A_471, %get3A_472] {strides = array<i32>} : memref<208x128xf32, #tpu.memory_space<vmem>>, vector<16xf32>,
        %get3A_474 = arith.index_cast %add3A_464 : i32 to index
        %get3A_475 = arith.constant 0 : index
        %get3A_476 = tpu.vector_load %arg10[%get3A_474, %get3A_475] {strides = array<i32>} : memref<208x128xf32, #tpu.memory_space<vmem>>, vector<16xf32>,
        %mul3A_477 = arith.mulf %get3A_473, %select_n3A_470 : vector<16xf32>
        %add3A_478 = arith.addf %mul3A_477, %get3A_476 : vector<16xf32>
        %get3A_479 = arith.index_cast %add3A_464 : i32 to index
        %get3A_480 = arith.constant 16 : index
        %get3A_481 = tpu.vector_load %arg9[%get3A_479, %get3A_480] {strides = array<i32>} : memref<208x128xf32, #tpu.memory_space<vmem>>, vector<16xf32>,
        %get3A_482 = arith.index_cast %add3A_464 : i32 to index
        %get3A_483 = arith.constant 16 : index
        %get3A_484 = tpu.vector_load %arg10[%get3A_482, %get3A_483] {strides = array<i32>} : memref<208x128xf32, #tpu.memory_space<vmem>>, vector<16xf32>,
        %mul3A_485 = arith.mulf %get3A_481, %select_n3A_470 : vector<16xf32>
        %add3A_486 = arith.addf %mul3A_485, %get3A_484 : vector<16xf32>
        %get3A_487 = arith.index_cast %add3A_464 : i32 to index
        %get3A_488 = arith.constant 32 : index
        %get3A_489 = tpu.vector_load %arg9[%get3A_487, %get3A_488] {strides = array<i32>} : memref<208x128xf32, #tpu.memory_space<vmem>>, vector<16xf32>,
        %get3A_490 = arith.index_cast %add3A_464 : i32 to index
        %get3A_491 = arith.constant 32 : index
        %get3A_492 = tpu.vector_load %arg10[%get3A_490, %get3A_491] {strides = array<i32>} : memref<208x128xf32, #tpu.memory_space<vmem>>, vector<16xf32>,
        %mul3A_493 = arith.mulf %get3A_489, %select_n3A_470 : vector<16xf32>
        %add3A_494 = arith.addf %mul3A_493, %get3A_492 : vector<16xf32>
        %get3A_495 = arith.index_cast %add3A_464 : i32 to index
        %get3A_496 = arith.constant 48 : index
        %get3A_497 = tpu.vector_load %arg9[%get3A_495, %get3A_496] {strides = array<i32>} : memref<208x128xf32, #tpu.memory_space<vmem>>, vector<16xf32>,
        %get3A_498 = arith.index_cast %add3A_464 : i32 to index
        %get3A_499 = arith.constant 48 : index
        %get3A_500 = tpu.vector_load %arg10[%get3A_498, %get3A_499] {strides = array<i32>} : memref<208x128xf32, #tpu.memory_space<vmem>>, vector<16xf32>,
        %mul3A_501 = arith.mulf %get3A_497, %select_n3A_470 : vector<16xf32>
        %add3A_502 = arith.addf %mul3A_501, %get3A_500 : vector<16xf32>
        %get3A_503 = arith.index_cast %add3A_464 : i32 to index
        %get3A_504 = arith.constant 64 : index
        %get3A_505 = tpu.vector_load %arg9[%get3A_503, %get3A_504] {strides = array<i32>} : memref<208x128xf32, #tpu.memory_space<vmem>>, vector<16xf32>,
        %get3A_506 = arith.index_cast %add3A_464 : i32 to index
        %get3A_507 = arith.constant 64 : index
        %get3A_508 = tpu.vector_load %arg10[%get3A_506, %get3A_507] {strides = array<i32>} : memref<208x128xf32, #tpu.memory_space<vmem>>, vector<16xf32>,
        %mul3A_509 = arith.mulf %get3A_505, %select_n3A_470 : vector<16xf32>
        %add3A_510 = arith.addf %mul3A_509, %get3A_508 : vector<16xf32>
        %get3A_511 = arith.index_cast %add3A_464 : i32 to index
        %get3A_512 = arith.constant 80 : index
        %get3A_513 = tpu.vector_load %arg9[%get3A_511, %get3A_512] {strides = array<i32>} : memref<208x128xf32, #tpu.memory_space<vmem>>, vector<16xf32>,
        %get3A_514 = arith.index_cast %add3A_464 : i32 to index
        %get3A_515 = arith.constant 80 : index
        %get3A_516 = tpu.vector_load %arg10[%get3A_514, %get3A_515] {strides = array<i32>} : memref<208x128xf32, #tpu.memory_space<vmem>>, vector<16xf32>,
        %mul3A_517 = arith.mulf %get3A_513, %select_n3A_470 : vector<16xf32>
        %add3A_518 = arith.addf %mul3A_517, %get3A_516 : vector<16xf32>
        %get3A_519 = arith.index_cast %add3A_464 : i32 to index
        %get3A_520 = arith.constant 96 : index
        %get3A_521 = tpu.vector_load %arg9[%get3A_519, %get3A_520] {strides = array<i32>} : memref<208x128xf32, #tpu.memory_space<vmem>>, vector<16xf32>,
        %get3A_522 = arith.index_cast %add3A_464 : i32 to index
        %get3A_523 = arith.constant 96 : index
        %get3A_524 = tpu.vector_load %arg10[%get3A_522, %get3A_523] {strides = array<i32>} : memref<208x128xf32, #tpu.memory_space<vmem>>, vector<16xf32>,
        %mul3A_525 = arith.mulf %get3A_521, %select_n3A_470 : vector<16xf32>
        %add3A_526 = arith.addf %mul3A_525, %get3A_524 : vector<16xf32>
        %get3A_527 = arith.index_cast %add3A_464 : i32 to index
        %get3A_528 = arith.constant 112 : index
        %get3A_529 = tpu.vector_load %arg9[%get3A_527, %get3A_528] {strides = array<i32>} : memref<208x128xf32, #tpu.memory_space<vmem>>, vector<16xf32>,
        %get3A_530 = arith.index_cast %add3A_464 : i32 to index
        %get3A_531 = arith.constant 112 : index
        %get3A_532 = tpu.vector_load %arg10[%get3A_530, %get3A_531] {strides = array<i32>} : memref<208x128xf32, #tpu.memory_space<vmem>>, vector<16xf32>,
        %mul3A_533 = arith.mulf %get3A_529, %select_n3A_470 : vector<16xf32>
        %add3A_534 = arith.addf %mul3A_533, %get3A_532 : vector<16xf32>
        %add3A_535 = arith.addf %add3A_478, %add3A_486 : vector<16xf32>
        %add3A_536 = arith.addf %add3A_494, %add3A_502 : vector<16xf32>
        %add3A_537 = arith.addf %add3A_535, %add3A_536 : vector<16xf32>
        %add3A_538 = arith.addf %add3A_510, %add3A_518 : vector<16xf32>
        %add3A_539 = arith.addf %add3A_526, %add3A_534 : vector<16xf32>
        %add3A_540 = arith.addf %add3A_538, %add3A_539 : vector<16xf32>
        %add3A_541 = arith.addf %add3A_537, %add3A_540 : vector<16xf32>
        %mul3A_542 = arith.mulf %add3A_478, %add3A_478 : vector<16xf32>
        %mul3A_543 = arith.mulf %add3A_486, %add3A_486 : vector<16xf32>
        %mul3A_544 = arith.mulf %add3A_494, %add3A_494 : vector<16xf32>
        %mul3A_545 = arith.mulf %add3A_502, %add3A_502 : vector<16xf32>
        %mul3A_546 = arith.mulf %add3A_510, %add3A_510 : vector<16xf32>
        %mul3A_547 = arith.mulf %add3A_518, %add3A_518 : vector<16xf32>
        %mul3A_548 = arith.mulf %add3A_526, %add3A_526 : vector<16xf32>
        %mul3A_549 = arith.mulf %add3A_534, %add3A_534 : vector<16xf32>
        %add3A_550 = arith.addf %mul3A_542, %mul3A_543 : vector<16xf32>
        %add3A_551 = arith.addf %mul3A_544, %mul3A_545 : vector<16xf32>
        %add3A_552 = arith.addf %add3A_550, %add3A_551 : vector<16xf32>
        %add3A_553 = arith.addf %mul3A_546, %mul3A_547 : vector<16xf32>
        %add3A_554 = arith.addf %mul3A_548, %mul3A_549 : vector<16xf32>
        %add3A_555 = arith.addf %add3A_553, %add3A_554 : vector<16xf32>
        %add3A_556 = arith.addf %add3A_552, %add3A_555 : vector<16xf32>
        %reduce_sum3A_557 = arith.constant true
        %reduce_sum3A_558 = vector.broadcast %reduce_sum3A_557 : i1 to vector<16xi1>
        %reduce_sum3A_559 = tpu.scan <sum>, %add3A_541 masked %reduce_sum3A_558 : vector<16xf32>, vector<16xi1> -> vector<16xf32>
        %reduce_sum3A_560 = vector.extract %reduce_sum3A_559[15] : f32 from vector<16xf32>
        %broadcast_in_dim3A_561 = vector.broadcast %reduce_sum3A_560 : f32 to vector<16xf32>
        %mul3A_562 = arith.mulf %broadcast_in_dim3A_561, %broadcast_in_dim3A_38 : vector<16xf32>
        %reduce_sum3A_563 = arith.constant true
        %reduce_sum3A_564 = vector.broadcast %reduce_sum3A_563 : i1 to vector<16xi1>
        %reduce_sum3A_565 = tpu.scan <sum>, %add3A_556 masked %reduce_sum3A_564 : vector<16xf32>, vector<16xi1> -> vector<16xf32>
        %reduce_sum3A_566 = vector.extract %reduce_sum3A_565[15] : f32 from vector<16xf32>
        %broadcast_in_dim3A_567 = vector.broadcast %reduce_sum3A_566 : f32 to vector<16xf32>
        %mul3A_568 = arith.mulf %broadcast_in_dim3A_567, %broadcast_in_dim3A_38 : vector<16xf32>
        %mul3A_569 = arith.mulf %mul3A_562, %mul3A_562 : vector<16xf32>
        %sub3A_570 = arith.subf %mul3A_568, %mul3A_569 : vector<16xf32>
        %add3A_571 = arith.addf %sub3A_570, %broadcast_in_dim3A_40 : vector<16xf32>
        %bitcast3A_572 = vector.bitcast %add3A_571 : vector<16xf32> to vector<16xi32>
        %broadcast_in_dim3A_573 = arith.constant 1597463007 : i32
        %broadcast_in_dim3A_574 = vector.broadcast %broadcast_in_dim3A_573 : i32 to vector<16xi32>
        %shift_right_arithmetic3A_575 = arith.constant 1 : i32
        %shift_right_arithmetic3A_576 = vector.broadcast %shift_right_arithmetic3A_575 : i32 to vector<16xi32>
        %shift_right_arithmetic3A_577 = arith.shrsi %bitcast3A_572, %shift_right_arithmetic3A_576 : vector<16xi32>
        %sub3A_578 = arith.subi %broadcast_in_dim3A_574, %shift_right_arithmetic3A_577 : vector<16xi32>
        %bitcast3A_579 = vector.bitcast %sub3A_578 : vector<16xi32> to vector<16xf32>
        %broadcast_in_dim3A_580 = arith.constant 5.000000e-01 : f32
        %broadcast_in_dim3A_581 = vector.broadcast %broadcast_in_dim3A_580 : f32 to vector<16xf32>
        %mul3A_582 = arith.mulf %add3A_571, %broadcast_in_dim3A_581 : vector<16xf32>
        %broadcast_in_dim3A_583 = arith.constant 1.500000e+00 : f32
        %broadcast_in_dim3A_584 = vector.broadcast %broadcast_in_dim3A_583 : f32 to vector<16xf32>
        %mul3A_585 = arith.mulf %mul3A_582, %bitcast3A_579 : vector<16xf32>
        %mul3A_586 = arith.mulf %mul3A_585, %bitcast3A_579 : vector<16xf32>
        %sub3A_587 = arith.subf %broadcast_in_dim3A_584, %mul3A_586 : vector<16xf32>
        %mul3A_588 = arith.mulf %bitcast3A_579, %sub3A_587 : vector<16xf32>
        %mul3A_589 = arith.mulf %mul3A_582, %mul3A_588 : vector<16xf32>
        %mul3A_590 = arith.mulf %mul3A_589, %mul3A_588 : vector<16xf32>
        %sub3A_591 = arith.subf %broadcast_in_dim3A_584, %mul3A_590 : vector<16xf32>
        %mul3A_592 = arith.mulf %mul3A_588, %sub3A_591 : vector<16xf32>
        %mul3A_593 = arith.mulf %mul3A_582, %mul3A_592 : vector<16xf32>
        %mul3A_594 = arith.mulf %mul3A_593, %mul3A_592 : vector<16xf32>
        %sub3A_595 = arith.subf %broadcast_in_dim3A_584, %mul3A_594 : vector<16xf32>
        %mul3A_596 = arith.mulf %mul3A_592, %sub3A_595 : vector<16xf32>
        %sub3A_597 = arith.subf %add3A_478, %mul3A_562 : vector<16xf32>
        %mul3A_598 = arith.mulf %mul3A_596, %get3A_1 : vector<16xf32>
        %mul3A_599 = arith.mulf %sub3A_597, %mul3A_598 : vector<16xf32>
        %add3A_600 = arith.addf %mul3A_599, %get3A_17 : vector<16xf32>
        %swap3A_601 = arith.index_cast %add3A_464 : i32 to index
        %swap3A_602 = arith.constant 0 : index
        %swap3A_603 = tpu.vector_load %arg9[%swap3A_601, %swap3A_602] {strides = array<i32>} : memref<208x128xf32, #tpu.memory_space<vmem>>, vector<16xf32>,
        tpu.vector_store %arg9[%swap3A_601, %swap3A_602], %add3A_600 {strides = array<i32>} : memref<208x128xf32, #tpu.memory_space<vmem>>, vector<16xf32>,
        %sub3A_604 = arith.subf %add3A_486, %mul3A_562 : vector<16xf32>
        %mul3A_605 = arith.mulf %mul3A_596, %get3A_3 : vector<16xf32>
        %mul3A_606 = arith.mulf %sub3A_604, %mul3A_605 : vector<16xf32>
        %add3A_607 = arith.addf %mul3A_606, %get3A_19 : vector<16xf32>
        %swap3A_608 = arith.index_cast %add3A_464 : i32 to index
        %swap3A_609 = arith.constant 16 : index
        %swap3A_610 = tpu.vector_load %arg9[%swap3A_608, %swap3A_609] {strides = array<i32>} : memref<208x128xf32, #tpu.memory_space<vmem>>, vector<16xf32>,
        tpu.vector_store %arg9[%swap3A_608, %swap3A_609], %add3A_607 {strides = array<i32>} : memref<208x128xf32, #tpu.memory_space<vmem>>, vector<16xf32>,
        %sub3A_611 = arith.subf %add3A_494, %mul3A_562 : vector<16xf32>
        %mul3A_612 = arith.mulf %mul3A_596, %get3A_5 : vector<16xf32>
        %mul3A_613 = arith.mulf %sub3A_611, %mul3A_612 : vector<16xf32>
        %add3A_614 = arith.addf %mul3A_613, %get3A_21 : vector<16xf32>
        %swap3A_615 = arith.index_cast %add3A_464 : i32 to index
        %swap3A_616 = arith.constant 32 : index
        %swap3A_617 = tpu.vector_load %arg9[%swap3A_615, %swap3A_616] {strides = array<i32>} : memref<208x128xf32, #tpu.memory_space<vmem>>, vector<16xf32>,
        tpu.vector_store %arg9[%swap3A_615, %swap3A_616], %add3A_614 {strides = array<i32>} : memref<208x128xf32, #tpu.memory_space<vmem>>, vector<16xf32>,
        %sub3A_618 = arith.subf %add3A_502, %mul3A_562 : vector<16xf32>
        %mul3A_619 = arith.mulf %mul3A_596, %get3A_7 : vector<16xf32>
        %mul3A_620 = arith.mulf %sub3A_618, %mul3A_619 : vector<16xf32>
        %add3A_621 = arith.addf %mul3A_620, %get3A_23 : vector<16xf32>
        %swap3A_622 = arith.index_cast %add3A_464 : i32 to index
        %swap3A_623 = arith.constant 48 : index
        %swap3A_624 = tpu.vector_load %arg9[%swap3A_622, %swap3A_623] {strides = array<i32>} : memref<208x128xf32, #tpu.memory_space<vmem>>, vector<16xf32>,
        tpu.vector_store %arg9[%swap3A_622, %swap3A_623], %add3A_621 {strides = array<i32>} : memref<208x128xf32, #tpu.memory_space<vmem>>, vector<16xf32>,
        %sub3A_625 = arith.subf %add3A_510, %mul3A_562 : vector<16xf32>
        %mul3A_626 = arith.mulf %mul3A_596, %get3A_9 : vector<16xf32>
        %mul3A_627 = arith.mulf %sub3A_625, %mul3A_626 : vector<16xf32>
        %add3A_628 = arith.addf %mul3A_627, %get3A_25 : vector<16xf32>
        %swap3A_629 = arith.index_cast %add3A_464 : i32 to index
        %swap3A_630 = arith.constant 64 : index
        %swap3A_631 = tpu.vector_load %arg9[%swap3A_629, %swap3A_630] {strides = array<i32>} : memref<208x128xf32, #tpu.memory_space<vmem>>, vector<16xf32>,
        tpu.vector_store %arg9[%swap3A_629, %swap3A_630], %add3A_628 {strides = array<i32>} : memref<208x128xf32, #tpu.memory_space<vmem>>, vector<16xf32>,
        %sub3A_632 = arith.subf %add3A_518, %mul3A_562 : vector<16xf32>
        %mul3A_633 = arith.mulf %mul3A_596, %get3A_11 : vector<16xf32>
        %mul3A_634 = arith.mulf %sub3A_632, %mul3A_633 : vector<16xf32>
        %add3A_635 = arith.addf %mul3A_634, %get3A_27 : vector<16xf32>
        %swap3A_636 = arith.index_cast %add3A_464 : i32 to index
        %swap3A_637 = arith.constant 80 : index
        %swap3A_638 = tpu.vector_load %arg9[%swap3A_636, %swap3A_637] {strides = array<i32>} : memref<208x128xf32, #tpu.memory_space<vmem>>, vector<16xf32>,
        tpu.vector_store %arg9[%swap3A_636, %swap3A_637], %add3A_635 {strides = array<i32>} : memref<208x128xf32, #tpu.memory_space<vmem>>, vector<16xf32>,
        %sub3A_639 = arith.subf %add3A_526, %mul3A_562 : vector<16xf32>
        %mul3A_640 = arith.mulf %mul3A_596, %get3A_13 : vector<16xf32>
        %mul3A_641 = arith.mulf %sub3A_639, %mul3A_640 : vector<16xf32>
        %add3A_642 = arith.addf %mul3A_641, %get3A_29 : vector<16xf32>
        %swap3A_643 = arith.index_cast %add3A_464 : i32 to index
        %swap3A_644 = arith.constant 96 : index
        %swap3A_645 = tpu.vector_load %arg9[%swap3A_643, %swap3A_644] {strides = array<i32>} : memref<208x128xf32, #tpu.memory_space<vmem>>, vector<16xf32>,
        tpu.vector_store %arg9[%swap3A_643, %swap3A_644], %add3A_642 {strides = array<i32>} : memref<208x128xf32, #tpu.memory_space<vmem>>, vector<16xf32>,
        %sub3A_646 = arith.subf %add3A_534, %mul3A_562 : vector<16xf32>
        %mul3A_647 = arith.mulf %mul3A_596, %get3A_15 : vector<16xf32>
        %mul3A_648 = arith.mulf %sub3A_646, %mul3A_647 : vector<16xf32>
        %add3A_649 = arith.addf %mul3A_648, %get3A_31 : vector<16xf32>
        %swap3A_650 = arith.index_cast %add3A_464 : i32 to index
        %swap3A_651 = arith.constant 112 : index
        %swap3A_652 = tpu.vector_load %arg9[%swap3A_650, %swap3A_651] {strides = array<i32>} : memref<208x128xf32, #tpu.memory_space<vmem>>, vector<16xf32>,
        tpu.vector_store %arg9[%swap3A_650, %swap3A_651], %add3A_649 {strides = array<i32>} : memref<208x128xf32, #tpu.memory_space<vmem>>, vector<16xf32>,
        %add3A_653 = arith.constant 3 : i32
        %add3A_654 = arith.addi %mul3A_88, %add3A_653 : i32
        %broadcast_in_dim3A_655 = arith.constant 3 : i32
        %broadcast_in_dim3A_656 = vector.broadcast %broadcast_in_dim3A_655 : i32 to vector<16x1xi32>
        %gather3A_657 = vector.shape_cast %broadcast_in_dim3A_656 : vector<16x1xi32> to vector<16xi32>
        %gather3A_658 = tpu.dynamic_gather %get3A_90[%gather3A_657] in [0] : vector<16xi32>, vector<16xi32> -> vector<16xi32>
        %ne3A_659 = arith.cmpi ne, %gather3A_658, %broadcast_in_dim3A_36 : vector<16xi32>
        %select_n3A_660 = arith.select %ne3A_659, %broadcast_in_dim3A_32, %broadcast_in_dim3A_34 : vector<16xi1>, vector<16xf32>
        %get3A_661 = arith.index_cast %add3A_654 : i32 to index
        %get3A_662 = arith.constant 0 : index
        %get3A_663 = tpu.vector_load %arg9[%get3A_661, %get3A_662] {strides = array<i32>} : memref<208x128xf32, #tpu.memory_space<vmem>>, vector<16xf32>,
        %get3A_664 = arith.index_cast %add3A_654 : i32 to index
        %get3A_665 = arith.constant 0 : index
        %get3A_666 = tpu.vector_load %arg10[%get3A_664, %get3A_665] {strides = array<i32>} : memref<208x128xf32, #tpu.memory_space<vmem>>, vector<16xf32>,
        %mul3A_667 = arith.mulf %get3A_663, %select_n3A_660 : vector<16xf32>
        %add3A_668 = arith.addf %mul3A_667, %get3A_666 : vector<16xf32>
        %get3A_669 = arith.index_cast %add3A_654 : i32 to index
        %get3A_670 = arith.constant 16 : index
        %get3A_671 = tpu.vector_load %arg9[%get3A_669, %get3A_670] {strides = array<i32>} : memref<208x128xf32, #tpu.memory_space<vmem>>, vector<16xf32>,
        %get3A_672 = arith.index_cast %add3A_654 : i32 to index
        %get3A_673 = arith.constant 16 : index
        %get3A_674 = tpu.vector_load %arg10[%get3A_672, %get3A_673] {strides = array<i32>} : memref<208x128xf32, #tpu.memory_space<vmem>>, vector<16xf32>,
        %mul3A_675 = arith.mulf %get3A_671, %select_n3A_660 : vector<16xf32>
        %add3A_676 = arith.addf %mul3A_675, %get3A_674 : vector<16xf32>
        %get3A_677 = arith.index_cast %add3A_654 : i32 to index
        %get3A_678 = arith.constant 32 : index
        %get3A_679 = tpu.vector_load %arg9[%get3A_677, %get3A_678] {strides = array<i32>} : memref<208x128xf32, #tpu.memory_space<vmem>>, vector<16xf32>,
        %get3A_680 = arith.index_cast %add3A_654 : i32 to index
        %get3A_681 = arith.constant 32 : index
        %get3A_682 = tpu.vector_load %arg10[%get3A_680, %get3A_681] {strides = array<i32>} : memref<208x128xf32, #tpu.memory_space<vmem>>, vector<16xf32>,
        %mul3A_683 = arith.mulf %get3A_679, %select_n3A_660 : vector<16xf32>
        %add3A_684 = arith.addf %mul3A_683, %get3A_682 : vector<16xf32>
        %get3A_685 = arith.index_cast %add3A_654 : i32 to index
        %get3A_686 = arith.constant 48 : index
        %get3A_687 = tpu.vector_load %arg9[%get3A_685, %get3A_686] {strides = array<i32>} : memref<208x128xf32, #tpu.memory_space<vmem>>, vector<16xf32>,
        %get3A_688 = arith.index_cast %add3A_654 : i32 to index
        %get3A_689 = arith.constant 48 : index
        %get3A_690 = tpu.vector_load %arg10[%get3A_688, %get3A_689] {strides = array<i32>} : memref<208x128xf32, #tpu.memory_space<vmem>>, vector<16xf32>,
        %mul3A_691 = arith.mulf %get3A_687, %select_n3A_660 : vector<16xf32>
        %add3A_692 = arith.addf %mul3A_691, %get3A_690 : vector<16xf32>
        %get3A_693 = arith.index_cast %add3A_654 : i32 to index
        %get3A_694 = arith.constant 64 : index
        %get3A_695 = tpu.vector_load %arg9[%get3A_693, %get3A_694] {strides = array<i32>} : memref<208x128xf32, #tpu.memory_space<vmem>>, vector<16xf32>,
        %get3A_696 = arith.index_cast %add3A_654 : i32 to index
        %get3A_697 = arith.constant 64 : index
        %get3A_698 = tpu.vector_load %arg10[%get3A_696, %get3A_697] {strides = array<i32>} : memref<208x128xf32, #tpu.memory_space<vmem>>, vector<16xf32>,
        %mul3A_699 = arith.mulf %get3A_695, %select_n3A_660 : vector<16xf32>
        %add3A_700 = arith.addf %mul3A_699, %get3A_698 : vector<16xf32>
        %get3A_701 = arith.index_cast %add3A_654 : i32 to index
        %get3A_702 = arith.constant 80 : index
        %get3A_703 = tpu.vector_load %arg9[%get3A_701, %get3A_702] {strides = array<i32>} : memref<208x128xf32, #tpu.memory_space<vmem>>, vector<16xf32>,
        %get3A_704 = arith.index_cast %add3A_654 : i32 to index
        %get3A_705 = arith.constant 80 : index
        %get3A_706 = tpu.vector_load %arg10[%get3A_704, %get3A_705] {strides = array<i32>} : memref<208x128xf32, #tpu.memory_space<vmem>>, vector<16xf32>,
        %mul3A_707 = arith.mulf %get3A_703, %select_n3A_660 : vector<16xf32>
        %add3A_708 = arith.addf %mul3A_707, %get3A_706 : vector<16xf32>
        %get3A_709 = arith.index_cast %add3A_654 : i32 to index
        %get3A_710 = arith.constant 96 : index
        %get3A_711 = tpu.vector_load %arg9[%get3A_709, %get3A_710] {strides = array<i32>} : memref<208x128xf32, #tpu.memory_space<vmem>>, vector<16xf32>,
        %get3A_712 = arith.index_cast %add3A_654 : i32 to index
        %get3A_713 = arith.constant 96 : index
        %get3A_714 = tpu.vector_load %arg10[%get3A_712, %get3A_713] {strides = array<i32>} : memref<208x128xf32, #tpu.memory_space<vmem>>, vector<16xf32>,
        %mul3A_715 = arith.mulf %get3A_711, %select_n3A_660 : vector<16xf32>
        %add3A_716 = arith.addf %mul3A_715, %get3A_714 : vector<16xf32>
        %get3A_717 = arith.index_cast %add3A_654 : i32 to index
        %get3A_718 = arith.constant 112 : index
        %get3A_719 = tpu.vector_load %arg9[%get3A_717, %get3A_718] {strides = array<i32>} : memref<208x128xf32, #tpu.memory_space<vmem>>, vector<16xf32>,
        %get3A_720 = arith.index_cast %add3A_654 : i32 to index
        %get3A_721 = arith.constant 112 : index
        %get3A_722 = tpu.vector_load %arg10[%get3A_720, %get3A_721] {strides = array<i32>} : memref<208x128xf32, #tpu.memory_space<vmem>>, vector<16xf32>,
        %mul3A_723 = arith.mulf %get3A_719, %select_n3A_660 : vector<16xf32>
        %add3A_724 = arith.addf %mul3A_723, %get3A_722 : vector<16xf32>
        %add3A_725 = arith.addf %add3A_668, %add3A_676 : vector<16xf32>
        %add3A_726 = arith.addf %add3A_684, %add3A_692 : vector<16xf32>
        %add3A_727 = arith.addf %add3A_725, %add3A_726 : vector<16xf32>
        %add3A_728 = arith.addf %add3A_700, %add3A_708 : vector<16xf32>
        %add3A_729 = arith.addf %add3A_716, %add3A_724 : vector<16xf32>
        %add3A_730 = arith.addf %add3A_728, %add3A_729 : vector<16xf32>
        %add3A_731 = arith.addf %add3A_727, %add3A_730 : vector<16xf32>
        %mul3A_732 = arith.mulf %add3A_668, %add3A_668 : vector<16xf32>
        %mul3A_733 = arith.mulf %add3A_676, %add3A_676 : vector<16xf32>
        %mul3A_734 = arith.mulf %add3A_684, %add3A_684 : vector<16xf32>
        %mul3A_735 = arith.mulf %add3A_692, %add3A_692 : vector<16xf32>
        %mul3A_736 = arith.mulf %add3A_700, %add3A_700 : vector<16xf32>
        %mul3A_737 = arith.mulf %add3A_708, %add3A_708 : vector<16xf32>
        %mul3A_738 = arith.mulf %add3A_716, %add3A_716 : vector<16xf32>
        %mul3A_739 = arith.mulf %add3A_724, %add3A_724 : vector<16xf32>
        %add3A_740 = arith.addf %mul3A_732, %mul3A_733 : vector<16xf32>
        %add3A_741 = arith.addf %mul3A_734, %mul3A_735 : vector<16xf32>
        %add3A_742 = arith.addf %add3A_740, %add3A_741 : vector<16xf32>
        %add3A_743 = arith.addf %mul3A_736, %mul3A_737 : vector<16xf32>
        %add3A_744 = arith.addf %mul3A_738, %mul3A_739 : vector<16xf32>
        %add3A_745 = arith.addf %add3A_743, %add3A_744 : vector<16xf32>
        %add3A_746 = arith.addf %add3A_742, %add3A_745 : vector<16xf32>
        %reduce_sum3A_747 = arith.constant true
        %reduce_sum3A_748 = vector.broadcast %reduce_sum3A_747 : i1 to vector<16xi1>
        %reduce_sum3A_749 = tpu.scan <sum>, %add3A_731 masked %reduce_sum3A_748 : vector<16xf32>, vector<16xi1> -> vector<16xf32>
        %reduce_sum3A_750 = vector.extract %reduce_sum3A_749[15] : f32 from vector<16xf32>
        %broadcast_in_dim3A_751 = vector.broadcast %reduce_sum3A_750 : f32 to vector<16xf32>
        %mul3A_752 = arith.mulf %broadcast_in_dim3A_751, %broadcast_in_dim3A_38 : vector<16xf32>
        %reduce_sum3A_753 = arith.constant true
        %reduce_sum3A_754 = vector.broadcast %reduce_sum3A_753 : i1 to vector<16xi1>
        %reduce_sum3A_755 = tpu.scan <sum>, %add3A_746 masked %reduce_sum3A_754 : vector<16xf32>, vector<16xi1> -> vector<16xf32>
        %reduce_sum3A_756 = vector.extract %reduce_sum3A_755[15] : f32 from vector<16xf32>
        %broadcast_in_dim3A_757 = vector.broadcast %reduce_sum3A_756 : f32 to vector<16xf32>
        %mul3A_758 = arith.mulf %broadcast_in_dim3A_757, %broadcast_in_dim3A_38 : vector<16xf32>
        %mul3A_759 = arith.mulf %mul3A_752, %mul3A_752 : vector<16xf32>
        %sub3A_760 = arith.subf %mul3A_758, %mul3A_759 : vector<16xf32>
        %add3A_761 = arith.addf %sub3A_760, %broadcast_in_dim3A_40 : vector<16xf32>
        %bitcast3A_762 = vector.bitcast %add3A_761 : vector<16xf32> to vector<16xi32>
        %broadcast_in_dim3A_763 = arith.constant 1597463007 : i32
        %broadcast_in_dim3A_764 = vector.broadcast %broadcast_in_dim3A_763 : i32 to vector<16xi32>
        %shift_right_arithmetic3A_765 = arith.constant 1 : i32
        %shift_right_arithmetic3A_766 = vector.broadcast %shift_right_arithmetic3A_765 : i32 to vector<16xi32>
        %shift_right_arithmetic3A_767 = arith.shrsi %bitcast3A_762, %shift_right_arithmetic3A_766 : vector<16xi32>
        %sub3A_768 = arith.subi %broadcast_in_dim3A_764, %shift_right_arithmetic3A_767 : vector<16xi32>
        %bitcast3A_769 = vector.bitcast %sub3A_768 : vector<16xi32> to vector<16xf32>
        %broadcast_in_dim3A_770 = arith.constant 5.000000e-01 : f32
        %broadcast_in_dim3A_771 = vector.broadcast %broadcast_in_dim3A_770 : f32 to vector<16xf32>
        %mul3A_772 = arith.mulf %add3A_761, %broadcast_in_dim3A_771 : vector<16xf32>
        %broadcast_in_dim3A_773 = arith.constant 1.500000e+00 : f32
        %broadcast_in_dim3A_774 = vector.broadcast %broadcast_in_dim3A_773 : f32 to vector<16xf32>
        %mul3A_775 = arith.mulf %mul3A_772, %bitcast3A_769 : vector<16xf32>
        %mul3A_776 = arith.mulf %mul3A_775, %bitcast3A_769 : vector<16xf32>
        %sub3A_777 = arith.subf %broadcast_in_dim3A_774, %mul3A_776 : vector<16xf32>
        %mul3A_778 = arith.mulf %bitcast3A_769, %sub3A_777 : vector<16xf32>
        %mul3A_779 = arith.mulf %mul3A_772, %mul3A_778 : vector<16xf32>
        %mul3A_780 = arith.mulf %mul3A_779, %mul3A_778 : vector<16xf32>
        %sub3A_781 = arith.subf %broadcast_in_dim3A_774, %mul3A_780 : vector<16xf32>
        %mul3A_782 = arith.mulf %mul3A_778, %sub3A_781 : vector<16xf32>
        %mul3A_783 = arith.mulf %mul3A_772, %mul3A_782 : vector<16xf32>
        %mul3A_784 = arith.mulf %mul3A_783, %mul3A_782 : vector<16xf32>
        %sub3A_785 = arith.subf %broadcast_in_dim3A_774, %mul3A_784 : vector<16xf32>
        %mul3A_786 = arith.mulf %mul3A_782, %sub3A_785 : vector<16xf32>
        %sub3A_787 = arith.subf %add3A_668, %mul3A_752 : vector<16xf32>
        %mul3A_788 = arith.mulf %mul3A_786, %get3A_1 : vector<16xf32>
        %mul3A_789 = arith.mulf %sub3A_787, %mul3A_788 : vector<16xf32>
        %add3A_790 = arith.addf %mul3A_789, %get3A_17 : vector<16xf32>
        %swap3A_791 = arith.index_cast %add3A_654 : i32 to index
        %swap3A_792 = arith.constant 0 : index
        %swap3A_793 = tpu.vector_load %arg9[%swap3A_791, %swap3A_792] {strides = array<i32>} : memref<208x128xf32, #tpu.memory_space<vmem>>, vector<16xf32>,
        tpu.vector_store %arg9[%swap3A_791, %swap3A_792], %add3A_790 {strides = array<i32>} : memref<208x128xf32, #tpu.memory_space<vmem>>, vector<16xf32>,
        %sub3A_794 = arith.subf %add3A_676, %mul3A_752 : vector<16xf32>
        %mul3A_795 = arith.mulf %mul3A_786, %get3A_3 : vector<16xf32>
        %mul3A_796 = arith.mulf %sub3A_794, %mul3A_795 : vector<16xf32>
        %add3A_797 = arith.addf %mul3A_796, %get3A_19 : vector<16xf32>
        %swap3A_798 = arith.index_cast %add3A_654 : i32 to index
        %swap3A_799 = arith.constant 16 : index
        %swap3A_800 = tpu.vector_load %arg9[%swap3A_798, %swap3A_799] {strides = array<i32>} : memref<208x128xf32, #tpu.memory_space<vmem>>, vector<16xf32>,
        tpu.vector_store %arg9[%swap3A_798, %swap3A_799], %add3A_797 {strides = array<i32>} : memref<208x128xf32, #tpu.memory_space<vmem>>, vector<16xf32>,
        %sub3A_801 = arith.subf %add3A_684, %mul3A_752 : vector<16xf32>
        %mul3A_802 = arith.mulf %mul3A_786, %get3A_5 : vector<16xf32>
        %mul3A_803 = arith.mulf %sub3A_801, %mul3A_802 : vector<16xf32>
        %add3A_804 = arith.addf %mul3A_803, %get3A_21 : vector<16xf32>
        %swap3A_805 = arith.index_cast %add3A_654 : i32 to index
        %swap3A_806 = arith.constant 32 : index
        %swap3A_807 = tpu.vector_load %arg9[%swap3A_805, %swap3A_806] {strides = array<i32>} : memref<208x128xf32, #tpu.memory_space<vmem>>, vector<16xf32>,
        tpu.vector_store %arg9[%swap3A_805, %swap3A_806], %add3A_804 {strides = array<i32>} : memref<208x128xf32, #tpu.memory_space<vmem>>, vector<16xf32>,
        %sub3A_808 = arith.subf %add3A_692, %mul3A_752 : vector<16xf32>
        %mul3A_809 = arith.mulf %mul3A_786, %get3A_7 : vector<16xf32>
        %mul3A_810 = arith.mulf %sub3A_808, %mul3A_809 : vector<16xf32>
        %add3A_811 = arith.addf %mul3A_810, %get3A_23 : vector<16xf32>
        %swap3A_812 = arith.index_cast %add3A_654 : i32 to index
        %swap3A_813 = arith.constant 48 : index
        %swap3A_814 = tpu.vector_load %arg9[%swap3A_812, %swap3A_813] {strides = array<i32>} : memref<208x128xf32, #tpu.memory_space<vmem>>, vector<16xf32>,
        tpu.vector_store %arg9[%swap3A_812, %swap3A_813], %add3A_811 {strides = array<i32>} : memref<208x128xf32, #tpu.memory_space<vmem>>, vector<16xf32>,
        %sub3A_815 = arith.subf %add3A_700, %mul3A_752 : vector<16xf32>
        %mul3A_816 = arith.mulf %mul3A_786, %get3A_9 : vector<16xf32>
        %mul3A_817 = arith.mulf %sub3A_815, %mul3A_816 : vector<16xf32>
        %add3A_818 = arith.addf %mul3A_817, %get3A_25 : vector<16xf32>
        %swap3A_819 = arith.index_cast %add3A_654 : i32 to index
        %swap3A_820 = arith.constant 64 : index
        %swap3A_821 = tpu.vector_load %arg9[%swap3A_819, %swap3A_820] {strides = array<i32>} : memref<208x128xf32, #tpu.memory_space<vmem>>, vector<16xf32>,
        tpu.vector_store %arg9[%swap3A_819, %swap3A_820], %add3A_818 {strides = array<i32>} : memref<208x128xf32, #tpu.memory_space<vmem>>, vector<16xf32>,
        %sub3A_822 = arith.subf %add3A_708, %mul3A_752 : vector<16xf32>
        %mul3A_823 = arith.mulf %mul3A_786, %get3A_11 : vector<16xf32>
        %mul3A_824 = arith.mulf %sub3A_822, %mul3A_823 : vector<16xf32>
        %add3A_825 = arith.addf %mul3A_824, %get3A_27 : vector<16xf32>
        %swap3A_826 = arith.index_cast %add3A_654 : i32 to index
        %swap3A_827 = arith.constant 80 : index
        %swap3A_828 = tpu.vector_load %arg9[%swap3A_826, %swap3A_827] {strides = array<i32>} : memref<208x128xf32, #tpu.memory_space<vmem>>, vector<16xf32>,
        tpu.vector_store %arg9[%swap3A_826, %swap3A_827], %add3A_825 {strides = array<i32>} : memref<208x128xf32, #tpu.memory_space<vmem>>, vector<16xf32>,
        %sub3A_829 = arith.subf %add3A_716, %mul3A_752 : vector<16xf32>
        %mul3A_830 = arith.mulf %mul3A_786, %get3A_13 : vector<16xf32>
        %mul3A_831 = arith.mulf %sub3A_829, %mul3A_830 : vector<16xf32>
        %add3A_832 = arith.addf %mul3A_831, %get3A_29 : vector<16xf32>
        %swap3A_833 = arith.index_cast %add3A_654 : i32 to index
        %swap3A_834 = arith.constant 96 : index
        %swap3A_835 = tpu.vector_load %arg9[%swap3A_833, %swap3A_834] {strides = array<i32>} : memref<208x128xf32, #tpu.memory_space<vmem>>, vector<16xf32>,
        tpu.vector_store %arg9[%swap3A_833, %swap3A_834], %add3A_832 {strides = array<i32>} : memref<208x128xf32, #tpu.memory_space<vmem>>, vector<16xf32>,
        %sub3A_836 = arith.subf %add3A_724, %mul3A_752 : vector<16xf32>
        %mul3A_837 = arith.mulf %mul3A_786, %get3A_15 : vector<16xf32>
        %mul3A_838 = arith.mulf %sub3A_836, %mul3A_837 : vector<16xf32>
        %add3A_839 = arith.addf %mul3A_838, %get3A_31 : vector<16xf32>
        %swap3A_840 = arith.index_cast %add3A_654 : i32 to index
        %swap3A_841 = arith.constant 112 : index
        %swap3A_842 = tpu.vector_load %arg9[%swap3A_840, %swap3A_841] {strides = array<i32>} : memref<208x128xf32, #tpu.memory_space<vmem>>, vector<16xf32>,
        tpu.vector_store %arg9[%swap3A_840, %swap3A_841], %add3A_839 {strides = array<i32>} : memref<208x128xf32, #tpu.memory_space<vmem>>, vector<16xf32>,
        %add3A_843 = arith.constant 4 : i32
        %add3A_844 = arith.addi %mul3A_88, %add3A_843 : i32
        %broadcast_in_dim3A_845 = arith.constant 4 : i32
        %broadcast_in_dim3A_846 = vector.broadcast %broadcast_in_dim3A_845 : i32 to vector<16x1xi32>
        %gather3A_847 = vector.shape_cast %broadcast_in_dim3A_846 : vector<16x1xi32> to vector<16xi32>
        %gather3A_848 = tpu.dynamic_gather %get3A_90[%gather3A_847] in [0] : vector<16xi32>, vector<16xi32> -> vector<16xi32>
        %ne3A_849 = arith.cmpi ne, %gather3A_848, %broadcast_in_dim3A_36 : vector<16xi32>
        %select_n3A_850 = arith.select %ne3A_849, %broadcast_in_dim3A_32, %broadcast_in_dim3A_34 : vector<16xi1>, vector<16xf32>
        %get3A_851 = arith.index_cast %add3A_844 : i32 to index
        %get3A_852 = arith.constant 0 : index
        %get3A_853 = tpu.vector_load %arg9[%get3A_851, %get3A_852] {strides = array<i32>} : memref<208x128xf32, #tpu.memory_space<vmem>>, vector<16xf32>,
        %get3A_854 = arith.index_cast %add3A_844 : i32 to index
        %get3A_855 = arith.constant 0 : index
        %get3A_856 = tpu.vector_load %arg10[%get3A_854, %get3A_855] {strides = array<i32>} : memref<208x128xf32, #tpu.memory_space<vmem>>, vector<16xf32>,
        %mul3A_857 = arith.mulf %get3A_853, %select_n3A_850 : vector<16xf32>
        %add3A_858 = arith.addf %mul3A_857, %get3A_856 : vector<16xf32>
        %get3A_859 = arith.index_cast %add3A_844 : i32 to index
        %get3A_860 = arith.constant 16 : index
        %get3A_861 = tpu.vector_load %arg9[%get3A_859, %get3A_860] {strides = array<i32>} : memref<208x128xf32, #tpu.memory_space<vmem>>, vector<16xf32>,
        %get3A_862 = arith.index_cast %add3A_844 : i32 to index
        %get3A_863 = arith.constant 16 : index
        %get3A_864 = tpu.vector_load %arg10[%get3A_862, %get3A_863] {strides = array<i32>} : memref<208x128xf32, #tpu.memory_space<vmem>>, vector<16xf32>,
        %mul3A_865 = arith.mulf %get3A_861, %select_n3A_850 : vector<16xf32>
        %add3A_866 = arith.addf %mul3A_865, %get3A_864 : vector<16xf32>
        %get3A_867 = arith.index_cast %add3A_844 : i32 to index
        %get3A_868 = arith.constant 32 : index
        %get3A_869 = tpu.vector_load %arg9[%get3A_867, %get3A_868] {strides = array<i32>} : memref<208x128xf32, #tpu.memory_space<vmem>>, vector<16xf32>,
        %get3A_870 = arith.index_cast %add3A_844 : i32 to index
        %get3A_871 = arith.constant 32 : index
        %get3A_872 = tpu.vector_load %arg10[%get3A_870, %get3A_871] {strides = array<i32>} : memref<208x128xf32, #tpu.memory_space<vmem>>, vector<16xf32>,
        %mul3A_873 = arith.mulf %get3A_869, %select_n3A_850 : vector<16xf32>
        %add3A_874 = arith.addf %mul3A_873, %get3A_872 : vector<16xf32>
        %get3A_875 = arith.index_cast %add3A_844 : i32 to index
        %get3A_876 = arith.constant 48 : index
        %get3A_877 = tpu.vector_load %arg9[%get3A_875, %get3A_876] {strides = array<i32>} : memref<208x128xf32, #tpu.memory_space<vmem>>, vector<16xf32>,
        %get3A_878 = arith.index_cast %add3A_844 : i32 to index
        %get3A_879 = arith.constant 48 : index
        %get3A_880 = tpu.vector_load %arg10[%get3A_878, %get3A_879] {strides = array<i32>} : memref<208x128xf32, #tpu.memory_space<vmem>>, vector<16xf32>,
        %mul3A_881 = arith.mulf %get3A_877, %select_n3A_850 : vector<16xf32>
        %add3A_882 = arith.addf %mul3A_881, %get3A_880 : vector<16xf32>
        %get3A_883 = arith.index_cast %add3A_844 : i32 to index
        %get3A_884 = arith.constant 64 : index
        %get3A_885 = tpu.vector_load %arg9[%get3A_883, %get3A_884] {strides = array<i32>} : memref<208x128xf32, #tpu.memory_space<vmem>>, vector<16xf32>,
        %get3A_886 = arith.index_cast %add3A_844 : i32 to index
        %get3A_887 = arith.constant 64 : index
        %get3A_888 = tpu.vector_load %arg10[%get3A_886, %get3A_887] {strides = array<i32>} : memref<208x128xf32, #tpu.memory_space<vmem>>, vector<16xf32>,
        %mul3A_889 = arith.mulf %get3A_885, %select_n3A_850 : vector<16xf32>
        %add3A_890 = arith.addf %mul3A_889, %get3A_888 : vector<16xf32>
        %get3A_891 = arith.index_cast %add3A_844 : i32 to index
        %get3A_892 = arith.constant 80 : index
        %get3A_893 = tpu.vector_load %arg9[%get3A_891, %get3A_892] {strides = array<i32>} : memref<208x128xf32, #tpu.memory_space<vmem>>, vector<16xf32>,
        %get3A_894 = arith.index_cast %add3A_844 : i32 to index
        %get3A_895 = arith.constant 80 : index
        %get3A_896 = tpu.vector_load %arg10[%get3A_894, %get3A_895] {strides = array<i32>} : memref<208x128xf32, #tpu.memory_space<vmem>>, vector<16xf32>,
        %mul3A_897 = arith.mulf %get3A_893, %select_n3A_850 : vector<16xf32>
        %add3A_898 = arith.addf %mul3A_897, %get3A_896 : vector<16xf32>
        %get3A_899 = arith.index_cast %add3A_844 : i32 to index
        %get3A_900 = arith.constant 96 : index
        %get3A_901 = tpu.vector_load %arg9[%get3A_899, %get3A_900] {strides = array<i32>} : memref<208x128xf32, #tpu.memory_space<vmem>>, vector<16xf32>,
        %get3A_902 = arith.index_cast %add3A_844 : i32 to index
        %get3A_903 = arith.constant 96 : index
        %get3A_904 = tpu.vector_load %arg10[%get3A_902, %get3A_903] {strides = array<i32>} : memref<208x128xf32, #tpu.memory_space<vmem>>, vector<16xf32>,
        %mul3A_905 = arith.mulf %get3A_901, %select_n3A_850 : vector<16xf32>
        %add3A_906 = arith.addf %mul3A_905, %get3A_904 : vector<16xf32>
        %get3A_907 = arith.index_cast %add3A_844 : i32 to index
        %get3A_908 = arith.constant 112 : index
        %get3A_909 = tpu.vector_load %arg9[%get3A_907, %get3A_908] {strides = array<i32>} : memref<208x128xf32, #tpu.memory_space<vmem>>, vector<16xf32>,
        %get3A_910 = arith.index_cast %add3A_844 : i32 to index
        %get3A_911 = arith.constant 112 : index
        %get3A_912 = tpu.vector_load %arg10[%get3A_910, %get3A_911] {strides = array<i32>} : memref<208x128xf32, #tpu.memory_space<vmem>>, vector<16xf32>,
        %mul3A_913 = arith.mulf %get3A_909, %select_n3A_850 : vector<16xf32>
        %add3A_914 = arith.addf %mul3A_913, %get3A_912 : vector<16xf32>
        %add3A_915 = arith.addf %add3A_858, %add3A_866 : vector<16xf32>
        %add3A_916 = arith.addf %add3A_874, %add3A_882 : vector<16xf32>
        %add3A_917 = arith.addf %add3A_915, %add3A_916 : vector<16xf32>
        %add3A_918 = arith.addf %add3A_890, %add3A_898 : vector<16xf32>
        %add3A_919 = arith.addf %add3A_906, %add3A_914 : vector<16xf32>
        %add3A_920 = arith.addf %add3A_918, %add3A_919 : vector<16xf32>
        %add3A_921 = arith.addf %add3A_917, %add3A_920 : vector<16xf32>
        %mul3A_922 = arith.mulf %add3A_858, %add3A_858 : vector<16xf32>
        %mul3A_923 = arith.mulf %add3A_866, %add3A_866 : vector<16xf32>
        %mul3A_924 = arith.mulf %add3A_874, %add3A_874 : vector<16xf32>
        %mul3A_925 = arith.mulf %add3A_882, %add3A_882 : vector<16xf32>
        %mul3A_926 = arith.mulf %add3A_890, %add3A_890 : vector<16xf32>
        %mul3A_927 = arith.mulf %add3A_898, %add3A_898 : vector<16xf32>
        %mul3A_928 = arith.mulf %add3A_906, %add3A_906 : vector<16xf32>
        %mul3A_929 = arith.mulf %add3A_914, %add3A_914 : vector<16xf32>
        %add3A_930 = arith.addf %mul3A_922, %mul3A_923 : vector<16xf32>
        %add3A_931 = arith.addf %mul3A_924, %mul3A_925 : vector<16xf32>
        %add3A_932 = arith.addf %add3A_930, %add3A_931 : vector<16xf32>
        %add3A_933 = arith.addf %mul3A_926, %mul3A_927 : vector<16xf32>
        %add3A_934 = arith.addf %mul3A_928, %mul3A_929 : vector<16xf32>
        %add3A_935 = arith.addf %add3A_933, %add3A_934 : vector<16xf32>
        %add3A_936 = arith.addf %add3A_932, %add3A_935 : vector<16xf32>
        %reduce_sum3A_937 = arith.constant true
        %reduce_sum3A_938 = vector.broadcast %reduce_sum3A_937 : i1 to vector<16xi1>
        %reduce_sum3A_939 = tpu.scan <sum>, %add3A_921 masked %reduce_sum3A_938 : vector<16xf32>, vector<16xi1> -> vector<16xf32>
        %reduce_sum3A_940 = vector.extract %reduce_sum3A_939[15] : f32 from vector<16xf32>
        %broadcast_in_dim3A_941 = vector.broadcast %reduce_sum3A_940 : f32 to vector<16xf32>
        %mul3A_942 = arith.mulf %broadcast_in_dim3A_941, %broadcast_in_dim3A_38 : vector<16xf32>
        %reduce_sum3A_943 = arith.constant true
        %reduce_sum3A_944 = vector.broadcast %reduce_sum3A_943 : i1 to vector<16xi1>
        %reduce_sum3A_945 = tpu.scan <sum>, %add3A_936 masked %reduce_sum3A_944 : vector<16xf32>, vector<16xi1> -> vector<16xf32>
        %reduce_sum3A_946 = vector.extract %reduce_sum3A_945[15] : f32 from vector<16xf32>
        %broadcast_in_dim3A_947 = vector.broadcast %reduce_sum3A_946 : f32 to vector<16xf32>
        %mul3A_948 = arith.mulf %broadcast_in_dim3A_947, %broadcast_in_dim3A_38 : vector<16xf32>
        %mul3A_949 = arith.mulf %mul3A_942, %mul3A_942 : vector<16xf32>
        %sub3A_950 = arith.subf %mul3A_948, %mul3A_949 : vector<16xf32>
        %add3A_951 = arith.addf %sub3A_950, %broadcast_in_dim3A_40 : vector<16xf32>
        %bitcast3A_952 = vector.bitcast %add3A_951 : vector<16xf32> to vector<16xi32>
        %broadcast_in_dim3A_953 = arith.constant 1597463007 : i32
        %broadcast_in_dim3A_954 = vector.broadcast %broadcast_in_dim3A_953 : i32 to vector<16xi32>
        %shift_right_arithmetic3A_955 = arith.constant 1 : i32
        %shift_right_arithmetic3A_956 = vector.broadcast %shift_right_arithmetic3A_955 : i32 to vector<16xi32>
        %shift_right_arithmetic3A_957 = arith.shrsi %bitcast3A_952, %shift_right_arithmetic3A_956 : vector<16xi32>
        %sub3A_958 = arith.subi %broadcast_in_dim3A_954, %shift_right_arithmetic3A_957 : vector<16xi32>
        %bitcast3A_959 = vector.bitcast %sub3A_958 : vector<16xi32> to vector<16xf32>
        %broadcast_in_dim3A_960 = arith.constant 5.000000e-01 : f32
        %broadcast_in_dim3A_961 = vector.broadcast %broadcast_in_dim3A_960 : f32 to vector<16xf32>
        %mul3A_962 = arith.mulf %add3A_951, %broadcast_in_dim3A_961 : vector<16xf32>
        %broadcast_in_dim3A_963 = arith.constant 1.500000e+00 : f32
        %broadcast_in_dim3A_964 = vector.broadcast %broadcast_in_dim3A_963 : f32 to vector<16xf32>
        %mul3A_965 = arith.mulf %mul3A_962, %bitcast3A_959 : vector<16xf32>
        %mul3A_966 = arith.mulf %mul3A_965, %bitcast3A_959 : vector<16xf32>
        %sub3A_967 = arith.subf %broadcast_in_dim3A_964, %mul3A_966 : vector<16xf32>
        %mul3A_968 = arith.mulf %bitcast3A_959, %sub3A_967 : vector<16xf32>
        %mul3A_969 = arith.mulf %mul3A_962, %mul3A_968 : vector<16xf32>
        %mul3A_970 = arith.mulf %mul3A_969, %mul3A_968 : vector<16xf32>
        %sub3A_971 = arith.subf %broadcast_in_dim3A_964, %mul3A_970 : vector<16xf32>
        %mul3A_972 = arith.mulf %mul3A_968, %sub3A_971 : vector<16xf32>
        %mul3A_973 = arith.mulf %mul3A_962, %mul3A_972 : vector<16xf32>
        %mul3A_974 = arith.mulf %mul3A_973, %mul3A_972 : vector<16xf32>
        %sub3A_975 = arith.subf %broadcast_in_dim3A_964, %mul3A_974 : vector<16xf32>
        %mul3A_976 = arith.mulf %mul3A_972, %sub3A_975 : vector<16xf32>
        %sub3A_977 = arith.subf %add3A_858, %mul3A_942 : vector<16xf32>
        %mul3A_978 = arith.mulf %mul3A_976, %get3A_1 : vector<16xf32>
        %mul3A_979 = arith.mulf %sub3A_977, %mul3A_978 : vector<16xf32>
        %add3A_980 = arith.addf %mul3A_979, %get3A_17 : vector<16xf32>
        %swap3A_981 = arith.index_cast %add3A_844 : i32 to index
        %swap3A_982 = arith.constant 0 : index
        %swap3A_983 = tpu.vector_load %arg9[%swap3A_981, %swap3A_982] {strides = array<i32>} : memref<208x128xf32, #tpu.memory_space<vmem>>, vector<16xf32>,
        tpu.vector_store %arg9[%swap3A_981, %swap3A_982], %add3A_980 {strides = array<i32>} : memref<208x128xf32, #tpu.memory_space<vmem>>, vector<16xf32>,
        %sub3A_984 = arith.subf %add3A_866, %mul3A_942 : vector<16xf32>
        %mul3A_985 = arith.mulf %mul3A_976, %get3A_3 : vector<16xf32>
        %mul3A_986 = arith.mulf %sub3A_984, %mul3A_985 : vector<16xf32>
        %add3A_987 = arith.addf %mul3A_986, %get3A_19 : vector<16xf32>
        %swap3A_988 = arith.index_cast %add3A_844 : i32 to index
        %swap3A_989 = arith.constant 16 : index
        %swap3A_990 = tpu.vector_load %arg9[%swap3A_988, %swap3A_989] {strides = array<i32>} : memref<208x128xf32, #tpu.memory_space<vmem>>, vector<16xf32>,
        tpu.vector_store %arg9[%swap3A_988, %swap3A_989], %add3A_987 {strides = array<i32>} : memref<208x128xf32, #tpu.memory_space<vmem>>, vector<16xf32>,
        %sub3A_991 = arith.subf %add3A_874, %mul3A_942 : vector<16xf32>
        %mul3A_992 = arith.mulf %mul3A_976, %get3A_5 : vector<16xf32>
        %mul3A_993 = arith.mulf %sub3A_991, %mul3A_992 : vector<16xf32>
        %add3A_994 = arith.addf %mul3A_993, %get3A_21 : vector<16xf32>
        %swap3A_995 = arith.index_cast %add3A_844 : i32 to index
        %swap3A_996 = arith.constant 32 : index
        %swap3A_997 = tpu.vector_load %arg9[%swap3A_995, %swap3A_996] {strides = array<i32>} : memref<208x128xf32, #tpu.memory_space<vmem>>, vector<16xf32>,
        tpu.vector_store %arg9[%swap3A_995, %swap3A_996], %add3A_994 {strides = array<i32>} : memref<208x128xf32, #tpu.memory_space<vmem>>, vector<16xf32>,
        %sub3A_998 = arith.subf %add3A_882, %mul3A_942 : vector<16xf32>
        %mul3A_999 = arith.mulf %mul3A_976, %get3A_7 : vector<16xf32>
        %mul3A_1000 = arith.mulf %sub3A_998, %mul3A_999 : vector<16xf32>
        %add3A_1001 = arith.addf %mul3A_1000, %get3A_23 : vector<16xf32>
        %swap3A_1002 = arith.index_cast %add3A_844 : i32 to index
        %swap3A_1003 = arith.constant 48 : index
        %swap3A_1004 = tpu.vector_load %arg9[%swap3A_1002, %swap3A_1003] {strides = array<i32>} : memref<208x128xf32, #tpu.memory_space<vmem>>, vector<16xf32>,
        tpu.vector_store %arg9[%swap3A_1002, %swap3A_1003], %add3A_1001 {strides = array<i32>} : memref<208x128xf32, #tpu.memory_space<vmem>>, vector<16xf32>,
        %sub3A_1005 = arith.subf %add3A_890, %mul3A_942 : vector<16xf32>
        %mul3A_1006 = arith.mulf %mul3A_976, %get3A_9 : vector<16xf32>
        %mul3A_1007 = arith.mulf %sub3A_1005, %mul3A_1006 : vector<16xf32>
        %add3A_1008 = arith.addf %mul3A_1007, %get3A_25 : vector<16xf32>
        %swap3A_1009 = arith.index_cast %add3A_844 : i32 to index
        %swap3A_1010 = arith.constant 64 : index
        %swap3A_1011 = tpu.vector_load %arg9[%swap3A_1009, %swap3A_1010] {strides = array<i32>} : memref<208x128xf32, #tpu.memory_space<vmem>>, vector<16xf32>,
        tpu.vector_store %arg9[%swap3A_1009, %swap3A_1010], %add3A_1008 {strides = array<i32>} : memref<208x128xf32, #tpu.memory_space<vmem>>, vector<16xf32>,
        %sub3A_1012 = arith.subf %add3A_898, %mul3A_942 : vector<16xf32>
        %mul3A_1013 = arith.mulf %mul3A_976, %get3A_11 : vector<16xf32>
        %mul3A_1014 = arith.mulf %sub3A_1012, %mul3A_1013 : vector<16xf32>
        %add3A_1015 = arith.addf %mul3A_1014, %get3A_27 : vector<16xf32>
        %swap3A_1016 = arith.index_cast %add3A_844 : i32 to index
        %swap3A_1017 = arith.constant 80 : index
        %swap3A_1018 = tpu.vector_load %arg9[%swap3A_1016, %swap3A_1017] {strides = array<i32>} : memref<208x128xf32, #tpu.memory_space<vmem>>, vector<16xf32>,
        tpu.vector_store %arg9[%swap3A_1016, %swap3A_1017], %add3A_1015 {strides = array<i32>} : memref<208x128xf32, #tpu.memory_space<vmem>>, vector<16xf32>,
        %sub3A_1019 = arith.subf %add3A_906, %mul3A_942 : vector<16xf32>
        %mul3A_1020 = arith.mulf %mul3A_976, %get3A_13 : vector<16xf32>
        %mul3A_1021 = arith.mulf %sub3A_1019, %mul3A_1020 : vector<16xf32>
        %add3A_1022 = arith.addf %mul3A_1021, %get3A_29 : vector<16xf32>
        %swap3A_1023 = arith.index_cast %add3A_844 : i32 to index
        %swap3A_1024 = arith.constant 96 : index
        %swap3A_1025 = tpu.vector_load %arg9[%swap3A_1023, %swap3A_1024] {strides = array<i32>} : memref<208x128xf32, #tpu.memory_space<vmem>>, vector<16xf32>,
        tpu.vector_store %arg9[%swap3A_1023, %swap3A_1024], %add3A_1022 {strides = array<i32>} : memref<208x128xf32, #tpu.memory_space<vmem>>, vector<16xf32>,
        %sub3A_1026 = arith.subf %add3A_914, %mul3A_942 : vector<16xf32>
        %mul3A_1027 = arith.mulf %mul3A_976, %get3A_15 : vector<16xf32>
        %mul3A_1028 = arith.mulf %sub3A_1026, %mul3A_1027 : vector<16xf32>
        %add3A_1029 = arith.addf %mul3A_1028, %get3A_31 : vector<16xf32>
        %swap3A_1030 = arith.index_cast %add3A_844 : i32 to index
        %swap3A_1031 = arith.constant 112 : index
        %swap3A_1032 = tpu.vector_load %arg9[%swap3A_1030, %swap3A_1031] {strides = array<i32>} : memref<208x128xf32, #tpu.memory_space<vmem>>, vector<16xf32>,
        tpu.vector_store %arg9[%swap3A_1030, %swap3A_1031], %add3A_1029 {strides = array<i32>} : memref<208x128xf32, #tpu.memory_space<vmem>>, vector<16xf32>,
        %add3A_1033 = arith.constant 5 : i32
        %add3A_1034 = arith.addi %mul3A_88, %add3A_1033 : i32
        %broadcast_in_dim3A_1035 = arith.constant 5 : i32
        %broadcast_in_dim3A_1036 = vector.broadcast %broadcast_in_dim3A_1035 : i32 to vector<16x1xi32>
        %gather3A_1037 = vector.shape_cast %broadcast_in_dim3A_1036 : vector<16x1xi32> to vector<16xi32>
        %gather3A_1038 = tpu.dynamic_gather %get3A_90[%gather3A_1037] in [0] : vector<16xi32>, vector<16xi32> -> vector<16xi32>
        %ne3A_1039 = arith.cmpi ne, %gather3A_1038, %broadcast_in_dim3A_36 : vector<16xi32>
        %select_n3A_1040 = arith.select %ne3A_1039, %broadcast_in_dim3A_32, %broadcast_in_dim3A_34 : vector<16xi1>, vector<16xf32>
        %get3A_1041 = arith.index_cast %add3A_1034 : i32 to index
        %get3A_1042 = arith.constant 0 : index
        %get3A_1043 = tpu.vector_load %arg9[%get3A_1041, %get3A_1042] {strides = array<i32>} : memref<208x128xf32, #tpu.memory_space<vmem>>, vector<16xf32>,
        %get3A_1044 = arith.index_cast %add3A_1034 : i32 to index
        %get3A_1045 = arith.constant 0 : index
        %get3A_1046 = tpu.vector_load %arg10[%get3A_1044, %get3A_1045] {strides = array<i32>} : memref<208x128xf32, #tpu.memory_space<vmem>>, vector<16xf32>,
        %mul3A_1047 = arith.mulf %get3A_1043, %select_n3A_1040 : vector<16xf32>
        %add3A_1048 = arith.addf %mul3A_1047, %get3A_1046 : vector<16xf32>
        %get3A_1049 = arith.index_cast %add3A_1034 : i32 to index
        %get3A_1050 = arith.constant 16 : index
        %get3A_1051 = tpu.vector_load %arg9[%get3A_1049, %get3A_1050] {strides = array<i32>} : memref<208x128xf32, #tpu.memory_space<vmem>>, vector<16xf32>,
        %get3A_1052 = arith.index_cast %add3A_1034 : i32 to index
        %get3A_1053 = arith.constant 16 : index
        %get3A_1054 = tpu.vector_load %arg10[%get3A_1052, %get3A_1053] {strides = array<i32>} : memref<208x128xf32, #tpu.memory_space<vmem>>, vector<16xf32>,
        %mul3A_1055 = arith.mulf %get3A_1051, %select_n3A_1040 : vector<16xf32>
        %add3A_1056 = arith.addf %mul3A_1055, %get3A_1054 : vector<16xf32>
        %get3A_1057 = arith.index_cast %add3A_1034 : i32 to index
        %get3A_1058 = arith.constant 32 : index
        %get3A_1059 = tpu.vector_load %arg9[%get3A_1057, %get3A_1058] {strides = array<i32>} : memref<208x128xf32, #tpu.memory_space<vmem>>, vector<16xf32>,
        %get3A_1060 = arith.index_cast %add3A_1034 : i32 to index
        %get3A_1061 = arith.constant 32 : index
        %get3A_1062 = tpu.vector_load %arg10[%get3A_1060, %get3A_1061] {strides = array<i32>} : memref<208x128xf32, #tpu.memory_space<vmem>>, vector<16xf32>,
        %mul3A_1063 = arith.mulf %get3A_1059, %select_n3A_1040 : vector<16xf32>
        %add3A_1064 = arith.addf %mul3A_1063, %get3A_1062 : vector<16xf32>
        %get3A_1065 = arith.index_cast %add3A_1034 : i32 to index
        %get3A_1066 = arith.constant 48 : index
        %get3A_1067 = tpu.vector_load %arg9[%get3A_1065, %get3A_1066] {strides = array<i32>} : memref<208x128xf32, #tpu.memory_space<vmem>>, vector<16xf32>,
        %get3A_1068 = arith.index_cast %add3A_1034 : i32 to index
        %get3A_1069 = arith.constant 48 : index
        %get3A_1070 = tpu.vector_load %arg10[%get3A_1068, %get3A_1069] {strides = array<i32>} : memref<208x128xf32, #tpu.memory_space<vmem>>, vector<16xf32>,
        %mul3A_1071 = arith.mulf %get3A_1067, %select_n3A_1040 : vector<16xf32>
        %add3A_1072 = arith.addf %mul3A_1071, %get3A_1070 : vector<16xf32>
        %get3A_1073 = arith.index_cast %add3A_1034 : i32 to index
        %get3A_1074 = arith.constant 64 : index
        %get3A_1075 = tpu.vector_load %arg9[%get3A_1073, %get3A_1074] {strides = array<i32>} : memref<208x128xf32, #tpu.memory_space<vmem>>, vector<16xf32>,
        %get3A_1076 = arith.index_cast %add3A_1034 : i32 to index
        %get3A_1077 = arith.constant 64 : index
        %get3A_1078 = tpu.vector_load %arg10[%get3A_1076, %get3A_1077] {strides = array<i32>} : memref<208x128xf32, #tpu.memory_space<vmem>>, vector<16xf32>,
        %mul3A_1079 = arith.mulf %get3A_1075, %select_n3A_1040 : vector<16xf32>
        %add3A_1080 = arith.addf %mul3A_1079, %get3A_1078 : vector<16xf32>
        %get3A_1081 = arith.index_cast %add3A_1034 : i32 to index
        %get3A_1082 = arith.constant 80 : index
        %get3A_1083 = tpu.vector_load %arg9[%get3A_1081, %get3A_1082] {strides = array<i32>} : memref<208x128xf32, #tpu.memory_space<vmem>>, vector<16xf32>,
        %get3A_1084 = arith.index_cast %add3A_1034 : i32 to index
        %get3A_1085 = arith.constant 80 : index
        %get3A_1086 = tpu.vector_load %arg10[%get3A_1084, %get3A_1085] {strides = array<i32>} : memref<208x128xf32, #tpu.memory_space<vmem>>, vector<16xf32>,
        %mul3A_1087 = arith.mulf %get3A_1083, %select_n3A_1040 : vector<16xf32>
        %add3A_1088 = arith.addf %mul3A_1087, %get3A_1086 : vector<16xf32>
        %get3A_1089 = arith.index_cast %add3A_1034 : i32 to index
        %get3A_1090 = arith.constant 96 : index
        %get3A_1091 = tpu.vector_load %arg9[%get3A_1089, %get3A_1090] {strides = array<i32>} : memref<208x128xf32, #tpu.memory_space<vmem>>, vector<16xf32>,
        %get3A_1092 = arith.index_cast %add3A_1034 : i32 to index
        %get3A_1093 = arith.constant 96 : index
        %get3A_1094 = tpu.vector_load %arg10[%get3A_1092, %get3A_1093] {strides = array<i32>} : memref<208x128xf32, #tpu.memory_space<vmem>>, vector<16xf32>,
        %mul3A_1095 = arith.mulf %get3A_1091, %select_n3A_1040 : vector<16xf32>
        %add3A_1096 = arith.addf %mul3A_1095, %get3A_1094 : vector<16xf32>
        %get3A_1097 = arith.index_cast %add3A_1034 : i32 to index
        %get3A_1098 = arith.constant 112 : index
        %get3A_1099 = tpu.vector_load %arg9[%get3A_1097, %get3A_1098] {strides = array<i32>} : memref<208x128xf32, #tpu.memory_space<vmem>>, vector<16xf32>,
        %get3A_1100 = arith.index_cast %add3A_1034 : i32 to index
        %get3A_1101 = arith.constant 112 : index
        %get3A_1102 = tpu.vector_load %arg10[%get3A_1100, %get3A_1101] {strides = array<i32>} : memref<208x128xf32, #tpu.memory_space<vmem>>, vector<16xf32>,
        %mul3A_1103 = arith.mulf %get3A_1099, %select_n3A_1040 : vector<16xf32>
        %add3A_1104 = arith.addf %mul3A_1103, %get3A_1102 : vector<16xf32>
        %add3A_1105 = arith.addf %add3A_1048, %add3A_1056 : vector<16xf32>
        %add3A_1106 = arith.addf %add3A_1064, %add3A_1072 : vector<16xf32>
        %add3A_1107 = arith.addf %add3A_1105, %add3A_1106 : vector<16xf32>
        %add3A_1108 = arith.addf %add3A_1080, %add3A_1088 : vector<16xf32>
        %add3A_1109 = arith.addf %add3A_1096, %add3A_1104 : vector<16xf32>
        %add3A_1110 = arith.addf %add3A_1108, %add3A_1109 : vector<16xf32>
        %add3A_1111 = arith.addf %add3A_1107, %add3A_1110 : vector<16xf32>
        %mul3A_1112 = arith.mulf %add3A_1048, %add3A_1048 : vector<16xf32>
        %mul3A_1113 = arith.mulf %add3A_1056, %add3A_1056 : vector<16xf32>
        %mul3A_1114 = arith.mulf %add3A_1064, %add3A_1064 : vector<16xf32>
        %mul3A_1115 = arith.mulf %add3A_1072, %add3A_1072 : vector<16xf32>
        %mul3A_1116 = arith.mulf %add3A_1080, %add3A_1080 : vector<16xf32>
        %mul3A_1117 = arith.mulf %add3A_1088, %add3A_1088 : vector<16xf32>
        %mul3A_1118 = arith.mulf %add3A_1096, %add3A_1096 : vector<16xf32>
        %mul3A_1119 = arith.mulf %add3A_1104, %add3A_1104 : vector<16xf32>
        %add3A_1120 = arith.addf %mul3A_1112, %mul3A_1113 : vector<16xf32>
        %add3A_1121 = arith.addf %mul3A_1114, %mul3A_1115 : vector<16xf32>
        %add3A_1122 = arith.addf %add3A_1120, %add3A_1121 : vector<16xf32>
        %add3A_1123 = arith.addf %mul3A_1116, %mul3A_1117 : vector<16xf32>
        %add3A_1124 = arith.addf %mul3A_1118, %mul3A_1119 : vector<16xf32>
        %add3A_1125 = arith.addf %add3A_1123, %add3A_1124 : vector<16xf32>
        %add3A_1126 = arith.addf %add3A_1122, %add3A_1125 : vector<16xf32>
        %reduce_sum3A_1127 = arith.constant true
        %reduce_sum3A_1128 = vector.broadcast %reduce_sum3A_1127 : i1 to vector<16xi1>
        %reduce_sum3A_1129 = tpu.scan <sum>, %add3A_1111 masked %reduce_sum3A_1128 : vector<16xf32>, vector<16xi1> -> vector<16xf32>
        %reduce_sum3A_1130 = vector.extract %reduce_sum3A_1129[15] : f32 from vector<16xf32>
        %broadcast_in_dim3A_1131 = vector.broadcast %reduce_sum3A_1130 : f32 to vector<16xf32>
        %mul3A_1132 = arith.mulf %broadcast_in_dim3A_1131, %broadcast_in_dim3A_38 : vector<16xf32>
        %reduce_sum3A_1133 = arith.constant true
        %reduce_sum3A_1134 = vector.broadcast %reduce_sum3A_1133 : i1 to vector<16xi1>
        %reduce_sum3A_1135 = tpu.scan <sum>, %add3A_1126 masked %reduce_sum3A_1134 : vector<16xf32>, vector<16xi1> -> vector<16xf32>
        %reduce_sum3A_1136 = vector.extract %reduce_sum3A_1135[15] : f32 from vector<16xf32>
        %broadcast_in_dim3A_1137 = vector.broadcast %reduce_sum3A_1136 : f32 to vector<16xf32>
        %mul3A_1138 = arith.mulf %broadcast_in_dim3A_1137, %broadcast_in_dim3A_38 : vector<16xf32>
        %mul3A_1139 = arith.mulf %mul3A_1132, %mul3A_1132 : vector<16xf32>
        %sub3A_1140 = arith.subf %mul3A_1138, %mul3A_1139 : vector<16xf32>
        %add3A_1141 = arith.addf %sub3A_1140, %broadcast_in_dim3A_40 : vector<16xf32>
        %bitcast3A_1142 = vector.bitcast %add3A_1141 : vector<16xf32> to vector<16xi32>
        %broadcast_in_dim3A_1143 = arith.constant 1597463007 : i32
        %broadcast_in_dim3A_1144 = vector.broadcast %broadcast_in_dim3A_1143 : i32 to vector<16xi32>
        %shift_right_arithmetic3A_1145 = arith.constant 1 : i32
        %shift_right_arithmetic3A_1146 = vector.broadcast %shift_right_arithmetic3A_1145 : i32 to vector<16xi32>
        %shift_right_arithmetic3A_1147 = arith.shrsi %bitcast3A_1142, %shift_right_arithmetic3A_1146 : vector<16xi32>
        %sub3A_1148 = arith.subi %broadcast_in_dim3A_1144, %shift_right_arithmetic3A_1147 : vector<16xi32>
        %bitcast3A_1149 = vector.bitcast %sub3A_1148 : vector<16xi32> to vector<16xf32>
        %broadcast_in_dim3A_1150 = arith.constant 5.000000e-01 : f32
        %broadcast_in_dim3A_1151 = vector.broadcast %broadcast_in_dim3A_1150 : f32 to vector<16xf32>
        %mul3A_1152 = arith.mulf %add3A_1141, %broadcast_in_dim3A_1151 : vector<16xf32>
        %broadcast_in_dim3A_1153 = arith.constant 1.500000e+00 : f32
        %broadcast_in_dim3A_1154 = vector.broadcast %broadcast_in_dim3A_1153 : f32 to vector<16xf32>
        %mul3A_1155 = arith.mulf %mul3A_1152, %bitcast3A_1149 : vector<16xf32>
        %mul3A_1156 = arith.mulf %mul3A_1155, %bitcast3A_1149 : vector<16xf32>
        %sub3A_1157 = arith.subf %broadcast_in_dim3A_1154, %mul3A_1156 : vector<16xf32>
        %mul3A_1158 = arith.mulf %bitcast3A_1149, %sub3A_1157 : vector<16xf32>
        %mul3A_1159 = arith.mulf %mul3A_1152, %mul3A_1158 : vector<16xf32>
        %mul3A_1160 = arith.mulf %mul3A_1159, %mul3A_1158 : vector<16xf32>
        %sub3A_1161 = arith.subf %broadcast_in_dim3A_1154, %mul3A_1160 : vector<16xf32>
        %mul3A_1162 = arith.mulf %mul3A_1158, %sub3A_1161 : vector<16xf32>
        %mul3A_1163 = arith.mulf %mul3A_1152, %mul3A_1162 : vector<16xf32>
        %mul3A_1164 = arith.mulf %mul3A_1163, %mul3A_1162 : vector<16xf32>
        %sub3A_1165 = arith.subf %broadcast_in_dim3A_1154, %mul3A_1164 : vector<16xf32>
        %mul3A_1166 = arith.mulf %mul3A_1162, %sub3A_1165 : vector<16xf32>
        %sub3A_1167 = arith.subf %add3A_1048, %mul3A_1132 : vector<16xf32>
        %mul3A_1168 = arith.mulf %mul3A_1166, %get3A_1 : vector<16xf32>
        %mul3A_1169 = arith.mulf %sub3A_1167, %mul3A_1168 : vector<16xf32>
        %add3A_1170 = arith.addf %mul3A_1169, %get3A_17 : vector<16xf32>
        %swap3A_1171 = arith.index_cast %add3A_1034 : i32 to index
        %swap3A_1172 = arith.constant 0 : index
        %swap3A_1173 = tpu.vector_load %arg9[%swap3A_1171, %swap3A_1172] {strides = array<i32>} : memref<208x128xf32, #tpu.memory_space<vmem>>, vector<16xf32>,
        tpu.vector_store %arg9[%swap3A_1171, %swap3A_1172], %add3A_1170 {strides = array<i32>} : memref<208x128xf32, #tpu.memory_space<vmem>>, vector<16xf32>,
        %sub3A_1174 = arith.subf %add3A_1056, %mul3A_1132 : vector<16xf32>
        %mul3A_1175 = arith.mulf %mul3A_1166, %get3A_3 : vector<16xf32>
        %mul3A_1176 = arith.mulf %sub3A_1174, %mul3A_1175 : vector<16xf32>
        %add3A_1177 = arith.addf %mul3A_1176, %get3A_19 : vector<16xf32>
        %swap3A_1178 = arith.index_cast %add3A_1034 : i32 to index
        %swap3A_1179 = arith.constant 16 : index
        %swap3A_1180 = tpu.vector_load %arg9[%swap3A_1178, %swap3A_1179] {strides = array<i32>} : memref<208x128xf32, #tpu.memory_space<vmem>>, vector<16xf32>,
        tpu.vector_store %arg9[%swap3A_1178, %swap3A_1179], %add3A_1177 {strides = array<i32>} : memref<208x128xf32, #tpu.memory_space<vmem>>, vector<16xf32>,
        %sub3A_1181 = arith.subf %add3A_1064, %mul3A_1132 : vector<16xf32>
        %mul3A_1182 = arith.mulf %mul3A_1166, %get3A_5 : vector<16xf32>
        %mul3A_1183 = arith.mulf %sub3A_1181, %mul3A_1182 : vector<16xf32>
        %add3A_1184 = arith.addf %mul3A_1183, %get3A_21 : vector<16xf32>
        %swap3A_1185 = arith.index_cast %add3A_1034 : i32 to index
        %swap3A_1186 = arith.constant 32 : index
        %swap3A_1187 = tpu.vector_load %arg9[%swap3A_1185, %swap3A_1186] {strides = array<i32>} : memref<208x128xf32, #tpu.memory_space<vmem>>, vector<16xf32>,
        tpu.vector_store %arg9[%swap3A_1185, %swap3A_1186], %add3A_1184 {strides = array<i32>} : memref<208x128xf32, #tpu.memory_space<vmem>>, vector<16xf32>,
        %sub3A_1188 = arith.subf %add3A_1072, %mul3A_1132 : vector<16xf32>
        %mul3A_1189 = arith.mulf %mul3A_1166, %get3A_7 : vector<16xf32>
        %mul3A_1190 = arith.mulf %sub3A_1188, %mul3A_1189 : vector<16xf32>
        %add3A_1191 = arith.addf %mul3A_1190, %get3A_23 : vector<16xf32>
        %swap3A_1192 = arith.index_cast %add3A_1034 : i32 to index
        %swap3A_1193 = arith.constant 48 : index
        %swap3A_1194 = tpu.vector_load %arg9[%swap3A_1192, %swap3A_1193] {strides = array<i32>} : memref<208x128xf32, #tpu.memory_space<vmem>>, vector<16xf32>,
        tpu.vector_store %arg9[%swap3A_1192, %swap3A_1193], %add3A_1191 {strides = array<i32>} : memref<208x128xf32, #tpu.memory_space<vmem>>, vector<16xf32>,
        %sub3A_1195 = arith.subf %add3A_1080, %mul3A_1132 : vector<16xf32>
        %mul3A_1196 = arith.mulf %mul3A_1166, %get3A_9 : vector<16xf32>
        %mul3A_1197 = arith.mulf %sub3A_1195, %mul3A_1196 : vector<16xf32>
        %add3A_1198 = arith.addf %mul3A_1197, %get3A_25 : vector<16xf32>
        %swap3A_1199 = arith.index_cast %add3A_1034 : i32 to index
        %swap3A_1200 = arith.constant 64 : index
        %swap3A_1201 = tpu.vector_load %arg9[%swap3A_1199, %swap3A_1200] {strides = array<i32>} : memref<208x128xf32, #tpu.memory_space<vmem>>, vector<16xf32>,
        tpu.vector_store %arg9[%swap3A_1199, %swap3A_1200], %add3A_1198 {strides = array<i32>} : memref<208x128xf32, #tpu.memory_space<vmem>>, vector<16xf32>,
        %sub3A_1202 = arith.subf %add3A_1088, %mul3A_1132 : vector<16xf32>
        %mul3A_1203 = arith.mulf %mul3A_1166, %get3A_11 : vector<16xf32>
        %mul3A_1204 = arith.mulf %sub3A_1202, %mul3A_1203 : vector<16xf32>
        %add3A_1205 = arith.addf %mul3A_1204, %get3A_27 : vector<16xf32>
        %swap3A_1206 = arith.index_cast %add3A_1034 : i32 to index
        %swap3A_1207 = arith.constant 80 : index
        %swap3A_1208 = tpu.vector_load %arg9[%swap3A_1206, %swap3A_1207] {strides = array<i32>} : memref<208x128xf32, #tpu.memory_space<vmem>>, vector<16xf32>,
        tpu.vector_store %arg9[%swap3A_1206, %swap3A_1207], %add3A_1205 {strides = array<i32>} : memref<208x128xf32, #tpu.memory_space<vmem>>, vector<16xf32>,
        %sub3A_1209 = arith.subf %add3A_1096, %mul3A_1132 : vector<16xf32>
        %mul3A_1210 = arith.mulf %mul3A_1166, %get3A_13 : vector<16xf32>
        %mul3A_1211 = arith.mulf %sub3A_1209, %mul3A_1210 : vector<16xf32>
        %add3A_1212 = arith.addf %mul3A_1211, %get3A_29 : vector<16xf32>
        %swap3A_1213 = arith.index_cast %add3A_1034 : i32 to index
        %swap3A_1214 = arith.constant 96 : index
        %swap3A_1215 = tpu.vector_load %arg9[%swap3A_1213, %swap3A_1214] {strides = array<i32>} : memref<208x128xf32, #tpu.memory_space<vmem>>, vector<16xf32>,
        tpu.vector_store %arg9[%swap3A_1213, %swap3A_1214], %add3A_1212 {strides = array<i32>} : memref<208x128xf32, #tpu.memory_space<vmem>>, vector<16xf32>,
        %sub3A_1216 = arith.subf %add3A_1104, %mul3A_1132 : vector<16xf32>
        %mul3A_1217 = arith.mulf %mul3A_1166, %get3A_15 : vector<16xf32>
        %mul3A_1218 = arith.mulf %sub3A_1216, %mul3A_1217 : vector<16xf32>
        %add3A_1219 = arith.addf %mul3A_1218, %get3A_31 : vector<16xf32>
        %swap3A_1220 = arith.index_cast %add3A_1034 : i32 to index
        %swap3A_1221 = arith.constant 112 : index
        %swap3A_1222 = tpu.vector_load %arg9[%swap3A_1220, %swap3A_1221] {strides = array<i32>} : memref<208x128xf32, #tpu.memory_space<vmem>>, vector<16xf32>,
        tpu.vector_store %arg9[%swap3A_1220, %swap3A_1221], %add3A_1219 {strides = array<i32>} : memref<208x128xf32, #tpu.memory_space<vmem>>, vector<16xf32>,
        %add3A_1223 = arith.constant 6 : i32
        %add3A_1224 = arith.addi %mul3A_88, %add3A_1223 : i32
        %broadcast_in_dim3A_1225 = arith.constant 6 : i32
        %broadcast_in_dim3A_1226 = vector.broadcast %broadcast_in_dim3A_1225 : i32 to vector<16x1xi32>
        %gather3A_1227 = vector.shape_cast %broadcast_in_dim3A_1226 : vector<16x1xi32> to vector<16xi32>
        %gather3A_1228 = tpu.dynamic_gather %get3A_90[%gather3A_1227] in [0] : vector<16xi32>, vector<16xi32> -> vector<16xi32>
        %ne3A_1229 = arith.cmpi ne, %gather3A_1228, %broadcast_in_dim3A_36 : vector<16xi32>
        %select_n3A_1230 = arith.select %ne3A_1229, %broadcast_in_dim3A_32, %broadcast_in_dim3A_34 : vector<16xi1>, vector<16xf32>
        %get3A_1231 = arith.index_cast %add3A_1224 : i32 to index
        %get3A_1232 = arith.constant 0 : index
        %get3A_1233 = tpu.vector_load %arg9[%get3A_1231, %get3A_1232] {strides = array<i32>} : memref<208x128xf32, #tpu.memory_space<vmem>>, vector<16xf32>,
        %get3A_1234 = arith.index_cast %add3A_1224 : i32 to index
        %get3A_1235 = arith.constant 0 : index
        %get3A_1236 = tpu.vector_load %arg10[%get3A_1234, %get3A_1235] {strides = array<i32>} : memref<208x128xf32, #tpu.memory_space<vmem>>, vector<16xf32>,
        %mul3A_1237 = arith.mulf %get3A_1233, %select_n3A_1230 : vector<16xf32>
        %add3A_1238 = arith.addf %mul3A_1237, %get3A_1236 : vector<16xf32>
        %get3A_1239 = arith.index_cast %add3A_1224 : i32 to index
        %get3A_1240 = arith.constant 16 : index
        %get3A_1241 = tpu.vector_load %arg9[%get3A_1239, %get3A_1240] {strides = array<i32>} : memref<208x128xf32, #tpu.memory_space<vmem>>, vector<16xf32>,
        %get3A_1242 = arith.index_cast %add3A_1224 : i32 to index
        %get3A_1243 = arith.constant 16 : index
        %get3A_1244 = tpu.vector_load %arg10[%get3A_1242, %get3A_1243] {strides = array<i32>} : memref<208x128xf32, #tpu.memory_space<vmem>>, vector<16xf32>,
        %mul3A_1245 = arith.mulf %get3A_1241, %select_n3A_1230 : vector<16xf32>
        %add3A_1246 = arith.addf %mul3A_1245, %get3A_1244 : vector<16xf32>
        %get3A_1247 = arith.index_cast %add3A_1224 : i32 to index
        %get3A_1248 = arith.constant 32 : index
        %get3A_1249 = tpu.vector_load %arg9[%get3A_1247, %get3A_1248] {strides = array<i32>} : memref<208x128xf32, #tpu.memory_space<vmem>>, vector<16xf32>,
        %get3A_1250 = arith.index_cast %add3A_1224 : i32 to index
        %get3A_1251 = arith.constant 32 : index
        %get3A_1252 = tpu.vector_load %arg10[%get3A_1250, %get3A_1251] {strides = array<i32>} : memref<208x128xf32, #tpu.memory_space<vmem>>, vector<16xf32>,
        %mul3A_1253 = arith.mulf %get3A_1249, %select_n3A_1230 : vector<16xf32>
        %add3A_1254 = arith.addf %mul3A_1253, %get3A_1252 : vector<16xf32>
        %get3A_1255 = arith.index_cast %add3A_1224 : i32 to index
        %get3A_1256 = arith.constant 48 : index
        %get3A_1257 = tpu.vector_load %arg9[%get3A_1255, %get3A_1256] {strides = array<i32>} : memref<208x128xf32, #tpu.memory_space<vmem>>, vector<16xf32>,
        %get3A_1258 = arith.index_cast %add3A_1224 : i32 to index
        %get3A_1259 = arith.constant 48 : index
        %get3A_1260 = tpu.vector_load %arg10[%get3A_1258, %get3A_1259] {strides = array<i32>} : memref<208x128xf32, #tpu.memory_space<vmem>>, vector<16xf32>,
        %mul3A_1261 = arith.mulf %get3A_1257, %select_n3A_1230 : vector<16xf32>
        %add3A_1262 = arith.addf %mul3A_1261, %get3A_1260 : vector<16xf32>
        %get3A_1263 = arith.index_cast %add3A_1224 : i32 to index
        %get3A_1264 = arith.constant 64 : index
        %get3A_1265 = tpu.vector_load %arg9[%get3A_1263, %get3A_1264] {strides = array<i32>} : memref<208x128xf32, #tpu.memory_space<vmem>>, vector<16xf32>,
        %get3A_1266 = arith.index_cast %add3A_1224 : i32 to index
        %get3A_1267 = arith.constant 64 : index
        %get3A_1268 = tpu.vector_load %arg10[%get3A_1266, %get3A_1267] {strides = array<i32>} : memref<208x128xf32, #tpu.memory_space<vmem>>, vector<16xf32>,
        %mul3A_1269 = arith.mulf %get3A_1265, %select_n3A_1230 : vector<16xf32>
        %add3A_1270 = arith.addf %mul3A_1269, %get3A_1268 : vector<16xf32>
        %get3A_1271 = arith.index_cast %add3A_1224 : i32 to index
        %get3A_1272 = arith.constant 80 : index
        %get3A_1273 = tpu.vector_load %arg9[%get3A_1271, %get3A_1272] {strides = array<i32>} : memref<208x128xf32, #tpu.memory_space<vmem>>, vector<16xf32>,
        %get3A_1274 = arith.index_cast %add3A_1224 : i32 to index
        %get3A_1275 = arith.constant 80 : index
        %get3A_1276 = tpu.vector_load %arg10[%get3A_1274, %get3A_1275] {strides = array<i32>} : memref<208x128xf32, #tpu.memory_space<vmem>>, vector<16xf32>,
        %mul3A_1277 = arith.mulf %get3A_1273, %select_n3A_1230 : vector<16xf32>
        %add3A_1278 = arith.addf %mul3A_1277, %get3A_1276 : vector<16xf32>
        %get3A_1279 = arith.index_cast %add3A_1224 : i32 to index
        %get3A_1280 = arith.constant 96 : index
        %get3A_1281 = tpu.vector_load %arg9[%get3A_1279, %get3A_1280] {strides = array<i32>} : memref<208x128xf32, #tpu.memory_space<vmem>>, vector<16xf32>,
        %get3A_1282 = arith.index_cast %add3A_1224 : i32 to index
        %get3A_1283 = arith.constant 96 : index
        %get3A_1284 = tpu.vector_load %arg10[%get3A_1282, %get3A_1283] {strides = array<i32>} : memref<208x128xf32, #tpu.memory_space<vmem>>, vector<16xf32>,
        %mul3A_1285 = arith.mulf %get3A_1281, %select_n3A_1230 : vector<16xf32>
        %add3A_1286 = arith.addf %mul3A_1285, %get3A_1284 : vector<16xf32>
        %get3A_1287 = arith.index_cast %add3A_1224 : i32 to index
        %get3A_1288 = arith.constant 112 : index
        %get3A_1289 = tpu.vector_load %arg9[%get3A_1287, %get3A_1288] {strides = array<i32>} : memref<208x128xf32, #tpu.memory_space<vmem>>, vector<16xf32>,
        %get3A_1290 = arith.index_cast %add3A_1224 : i32 to index
        %get3A_1291 = arith.constant 112 : index
        %get3A_1292 = tpu.vector_load %arg10[%get3A_1290, %get3A_1291] {strides = array<i32>} : memref<208x128xf32, #tpu.memory_space<vmem>>, vector<16xf32>,
        %mul3A_1293 = arith.mulf %get3A_1289, %select_n3A_1230 : vector<16xf32>
        %add3A_1294 = arith.addf %mul3A_1293, %get3A_1292 : vector<16xf32>
        %add3A_1295 = arith.addf %add3A_1238, %add3A_1246 : vector<16xf32>
        %add3A_1296 = arith.addf %add3A_1254, %add3A_1262 : vector<16xf32>
        %add3A_1297 = arith.addf %add3A_1295, %add3A_1296 : vector<16xf32>
        %add3A_1298 = arith.addf %add3A_1270, %add3A_1278 : vector<16xf32>
        %add3A_1299 = arith.addf %add3A_1286, %add3A_1294 : vector<16xf32>
        %add3A_1300 = arith.addf %add3A_1298, %add3A_1299 : vector<16xf32>
        %add3A_1301 = arith.addf %add3A_1297, %add3A_1300 : vector<16xf32>
        %mul3A_1302 = arith.mulf %add3A_1238, %add3A_1238 : vector<16xf32>
        %mul3A_1303 = arith.mulf %add3A_1246, %add3A_1246 : vector<16xf32>
        %mul3A_1304 = arith.mulf %add3A_1254, %add3A_1254 : vector<16xf32>
        %mul3A_1305 = arith.mulf %add3A_1262, %add3A_1262 : vector<16xf32>
        %mul3A_1306 = arith.mulf %add3A_1270, %add3A_1270 : vector<16xf32>
        %mul3A_1307 = arith.mulf %add3A_1278, %add3A_1278 : vector<16xf32>
        %mul3A_1308 = arith.mulf %add3A_1286, %add3A_1286 : vector<16xf32>
        %mul3A_1309 = arith.mulf %add3A_1294, %add3A_1294 : vector<16xf32>
        %add3A_1310 = arith.addf %mul3A_1302, %mul3A_1303 : vector<16xf32>
        %add3A_1311 = arith.addf %mul3A_1304, %mul3A_1305 : vector<16xf32>
        %add3A_1312 = arith.addf %add3A_1310, %add3A_1311 : vector<16xf32>
        %add3A_1313 = arith.addf %mul3A_1306, %mul3A_1307 : vector<16xf32>
        %add3A_1314 = arith.addf %mul3A_1308, %mul3A_1309 : vector<16xf32>
        %add3A_1315 = arith.addf %add3A_1313, %add3A_1314 : vector<16xf32>
        %add3A_1316 = arith.addf %add3A_1312, %add3A_1315 : vector<16xf32>
        %reduce_sum3A_1317 = arith.constant true
        %reduce_sum3A_1318 = vector.broadcast %reduce_sum3A_1317 : i1 to vector<16xi1>
        %reduce_sum3A_1319 = tpu.scan <sum>, %add3A_1301 masked %reduce_sum3A_1318 : vector<16xf32>, vector<16xi1> -> vector<16xf32>
        %reduce_sum3A_1320 = vector.extract %reduce_sum3A_1319[15] : f32 from vector<16xf32>
        %broadcast_in_dim3A_1321 = vector.broadcast %reduce_sum3A_1320 : f32 to vector<16xf32>
        %mul3A_1322 = arith.mulf %broadcast_in_dim3A_1321, %broadcast_in_dim3A_38 : vector<16xf32>
        %reduce_sum3A_1323 = arith.constant true
        %reduce_sum3A_1324 = vector.broadcast %reduce_sum3A_1323 : i1 to vector<16xi1>
        %reduce_sum3A_1325 = tpu.scan <sum>, %add3A_1316 masked %reduce_sum3A_1324 : vector<16xf32>, vector<16xi1> -> vector<16xf32>
        %reduce_sum3A_1326 = vector.extract %reduce_sum3A_1325[15] : f32 from vector<16xf32>
        %broadcast_in_dim3A_1327 = vector.broadcast %reduce_sum3A_1326 : f32 to vector<16xf32>
        %mul3A_1328 = arith.mulf %broadcast_in_dim3A_1327, %broadcast_in_dim3A_38 : vector<16xf32>
        %mul3A_1329 = arith.mulf %mul3A_1322, %mul3A_1322 : vector<16xf32>
        %sub3A_1330 = arith.subf %mul3A_1328, %mul3A_1329 : vector<16xf32>
        %add3A_1331 = arith.addf %sub3A_1330, %broadcast_in_dim3A_40 : vector<16xf32>
        %bitcast3A_1332 = vector.bitcast %add3A_1331 : vector<16xf32> to vector<16xi32>
        %broadcast_in_dim3A_1333 = arith.constant 1597463007 : i32
        %broadcast_in_dim3A_1334 = vector.broadcast %broadcast_in_dim3A_1333 : i32 to vector<16xi32>
        %shift_right_arithmetic3A_1335 = arith.constant 1 : i32
        %shift_right_arithmetic3A_1336 = vector.broadcast %shift_right_arithmetic3A_1335 : i32 to vector<16xi32>
        %shift_right_arithmetic3A_1337 = arith.shrsi %bitcast3A_1332, %shift_right_arithmetic3A_1336 : vector<16xi32>
        %sub3A_1338 = arith.subi %broadcast_in_dim3A_1334, %shift_right_arithmetic3A_1337 : vector<16xi32>
        %bitcast3A_1339 = vector.bitcast %sub3A_1338 : vector<16xi32> to vector<16xf32>
        %broadcast_in_dim3A_1340 = arith.constant 5.000000e-01 : f32
        %broadcast_in_dim3A_1341 = vector.broadcast %broadcast_in_dim3A_1340 : f32 to vector<16xf32>
        %mul3A_1342 = arith.mulf %add3A_1331, %broadcast_in_dim3A_1341 : vector<16xf32>
        %broadcast_in_dim3A_1343 = arith.constant 1.500000e+00 : f32
        %broadcast_in_dim3A_1344 = vector.broadcast %broadcast_in_dim3A_1343 : f32 to vector<16xf32>
        %mul3A_1345 = arith.mulf %mul3A_1342, %bitcast3A_1339 : vector<16xf32>
        %mul3A_1346 = arith.mulf %mul3A_1345, %bitcast3A_1339 : vector<16xf32>
        %sub3A_1347 = arith.subf %broadcast_in_dim3A_1344, %mul3A_1346 : vector<16xf32>
        %mul3A_1348 = arith.mulf %bitcast3A_1339, %sub3A_1347 : vector<16xf32>
        %mul3A_1349 = arith.mulf %mul3A_1342, %mul3A_1348 : vector<16xf32>
        %mul3A_1350 = arith.mulf %mul3A_1349, %mul3A_1348 : vector<16xf32>
        %sub3A_1351 = arith.subf %broadcast_in_dim3A_1344, %mul3A_1350 : vector<16xf32>
        %mul3A_1352 = arith.mulf %mul3A_1348, %sub3A_1351 : vector<16xf32>
        %mul3A_1353 = arith.mulf %mul3A_1342, %mul3A_1352 : vector<16xf32>
        %mul3A_1354 = arith.mulf %mul3A_1353, %mul3A_1352 : vector<16xf32>
        %sub3A_1355 = arith.subf %broadcast_in_dim3A_1344, %mul3A_1354 : vector<16xf32>
        %mul3A_1356 = arith.mulf %mul3A_1352, %sub3A_1355 : vector<16xf32>
        %sub3A_1357 = arith.subf %add3A_1238, %mul3A_1322 : vector<16xf32>
        %mul3A_1358 = arith.mulf %mul3A_1356, %get3A_1 : vector<16xf32>
        %mul3A_1359 = arith.mulf %sub3A_1357, %mul3A_1358 : vector<16xf32>
        %add3A_1360 = arith.addf %mul3A_1359, %get3A_17 : vector<16xf32>
        %swap3A_1361 = arith.index_cast %add3A_1224 : i32 to index
        %swap3A_1362 = arith.constant 0 : index
        %swap3A_1363 = tpu.vector_load %arg9[%swap3A_1361, %swap3A_1362] {strides = array<i32>} : memref<208x128xf32, #tpu.memory_space<vmem>>, vector<16xf32>,
        tpu.vector_store %arg9[%swap3A_1361, %swap3A_1362], %add3A_1360 {strides = array<i32>} : memref<208x128xf32, #tpu.memory_space<vmem>>, vector<16xf32>,
        %sub3A_1364 = arith.subf %add3A_1246, %mul3A_1322 : vector<16xf32>
        %mul3A_1365 = arith.mulf %mul3A_1356, %get3A_3 : vector<16xf32>
        %mul3A_1366 = arith.mulf %sub3A_1364, %mul3A_1365 : vector<16xf32>
        %add3A_1367 = arith.addf %mul3A_1366, %get3A_19 : vector<16xf32>
        %swap3A_1368 = arith.index_cast %add3A_1224 : i32 to index
        %swap3A_1369 = arith.constant 16 : index
        %swap3A_1370 = tpu.vector_load %arg9[%swap3A_1368, %swap3A_1369] {strides = array<i32>} : memref<208x128xf32, #tpu.memory_space<vmem>>, vector<16xf32>,
        tpu.vector_store %arg9[%swap3A_1368, %swap3A_1369], %add3A_1367 {strides = array<i32>} : memref<208x128xf32, #tpu.memory_space<vmem>>, vector<16xf32>,
        %sub3A_1371 = arith.subf %add3A_1254, %mul3A_1322 : vector<16xf32>
        %mul3A_1372 = arith.mulf %mul3A_1356, %get3A_5 : vector<16xf32>
        %mul3A_1373 = arith.mulf %sub3A_1371, %mul3A_1372 : vector<16xf32>
        %add3A_1374 = arith.addf %mul3A_1373, %get3A_21 : vector<16xf32>
        %swap3A_1375 = arith.index_cast %add3A_1224 : i32 to index
        %swap3A_1376 = arith.constant 32 : index
        %swap3A_1377 = tpu.vector_load %arg9[%swap3A_1375, %swap3A_1376] {strides = array<i32>} : memref<208x128xf32, #tpu.memory_space<vmem>>, vector<16xf32>,
        tpu.vector_store %arg9[%swap3A_1375, %swap3A_1376], %add3A_1374 {strides = array<i32>} : memref<208x128xf32, #tpu.memory_space<vmem>>, vector<16xf32>,
        %sub3A_1378 = arith.subf %add3A_1262, %mul3A_1322 : vector<16xf32>
        %mul3A_1379 = arith.mulf %mul3A_1356, %get3A_7 : vector<16xf32>
        %mul3A_1380 = arith.mulf %sub3A_1378, %mul3A_1379 : vector<16xf32>
        %add3A_1381 = arith.addf %mul3A_1380, %get3A_23 : vector<16xf32>
        %swap3A_1382 = arith.index_cast %add3A_1224 : i32 to index
        %swap3A_1383 = arith.constant 48 : index
        %swap3A_1384 = tpu.vector_load %arg9[%swap3A_1382, %swap3A_1383] {strides = array<i32>} : memref<208x128xf32, #tpu.memory_space<vmem>>, vector<16xf32>,
        tpu.vector_store %arg9[%swap3A_1382, %swap3A_1383], %add3A_1381 {strides = array<i32>} : memref<208x128xf32, #tpu.memory_space<vmem>>, vector<16xf32>,
        %sub3A_1385 = arith.subf %add3A_1270, %mul3A_1322 : vector<16xf32>
        %mul3A_1386 = arith.mulf %mul3A_1356, %get3A_9 : vector<16xf32>
        %mul3A_1387 = arith.mulf %sub3A_1385, %mul3A_1386 : vector<16xf32>
        %add3A_1388 = arith.addf %mul3A_1387, %get3A_25 : vector<16xf32>
        %swap3A_1389 = arith.index_cast %add3A_1224 : i32 to index
        %swap3A_1390 = arith.constant 64 : index
        %swap3A_1391 = tpu.vector_load %arg9[%swap3A_1389, %swap3A_1390] {strides = array<i32>} : memref<208x128xf32, #tpu.memory_space<vmem>>, vector<16xf32>,
        tpu.vector_store %arg9[%swap3A_1389, %swap3A_1390], %add3A_1388 {strides = array<i32>} : memref<208x128xf32, #tpu.memory_space<vmem>>, vector<16xf32>,
        %sub3A_1392 = arith.subf %add3A_1278, %mul3A_1322 : vector<16xf32>
        %mul3A_1393 = arith.mulf %mul3A_1356, %get3A_11 : vector<16xf32>
        %mul3A_1394 = arith.mulf %sub3A_1392, %mul3A_1393 : vector<16xf32>
        %add3A_1395 = arith.addf %mul3A_1394, %get3A_27 : vector<16xf32>
        %swap3A_1396 = arith.index_cast %add3A_1224 : i32 to index
        %swap3A_1397 = arith.constant 80 : index
        %swap3A_1398 = tpu.vector_load %arg9[%swap3A_1396, %swap3A_1397] {strides = array<i32>} : memref<208x128xf32, #tpu.memory_space<vmem>>, vector<16xf32>,
        tpu.vector_store %arg9[%swap3A_1396, %swap3A_1397], %add3A_1395 {strides = array<i32>} : memref<208x128xf32, #tpu.memory_space<vmem>>, vector<16xf32>,
        %sub3A_1399 = arith.subf %add3A_1286, %mul3A_1322 : vector<16xf32>
        %mul3A_1400 = arith.mulf %mul3A_1356, %get3A_13 : vector<16xf32>
        %mul3A_1401 = arith.mulf %sub3A_1399, %mul3A_1400 : vector<16xf32>
        %add3A_1402 = arith.addf %mul3A_1401, %get3A_29 : vector<16xf32>
        %swap3A_1403 = arith.index_cast %add3A_1224 : i32 to index
        %swap3A_1404 = arith.constant 96 : index
        %swap3A_1405 = tpu.vector_load %arg9[%swap3A_1403, %swap3A_1404] {strides = array<i32>} : memref<208x128xf32, #tpu.memory_space<vmem>>, vector<16xf32>,
        tpu.vector_store %arg9[%swap3A_1403, %swap3A_1404], %add3A_1402 {strides = array<i32>} : memref<208x128xf32, #tpu.memory_space<vmem>>, vector<16xf32>,
        %sub3A_1406 = arith.subf %add3A_1294, %mul3A_1322 : vector<16xf32>
        %mul3A_1407 = arith.mulf %mul3A_1356, %get3A_15 : vector<16xf32>
        %mul3A_1408 = arith.mulf %sub3A_1406, %mul3A_1407 : vector<16xf32>
        %add3A_1409 = arith.addf %mul3A_1408, %get3A_31 : vector<16xf32>
        %swap3A_1410 = arith.index_cast %add3A_1224 : i32 to index
        %swap3A_1411 = arith.constant 112 : index
        %swap3A_1412 = tpu.vector_load %arg9[%swap3A_1410, %swap3A_1411] {strides = array<i32>} : memref<208x128xf32, #tpu.memory_space<vmem>>, vector<16xf32>,
        tpu.vector_store %arg9[%swap3A_1410, %swap3A_1411], %add3A_1409 {strides = array<i32>} : memref<208x128xf32, #tpu.memory_space<vmem>>, vector<16xf32>,
        %add3A_1413 = arith.constant 7 : i32
        %add3A_1414 = arith.addi %mul3A_88, %add3A_1413 : i32
        %broadcast_in_dim3A_1415 = arith.constant 7 : i32
        %broadcast_in_dim3A_1416 = vector.broadcast %broadcast_in_dim3A_1415 : i32 to vector<16x1xi32>
        %gather3A_1417 = vector.shape_cast %broadcast_in_dim3A_1416 : vector<16x1xi32> to vector<16xi32>
        %gather3A_1418 = tpu.dynamic_gather %get3A_90[%gather3A_1417] in [0] : vector<16xi32>, vector<16xi32> -> vector<16xi32>
        %ne3A_1419 = arith.cmpi ne, %gather3A_1418, %broadcast_in_dim3A_36 : vector<16xi32>
        %select_n3A_1420 = arith.select %ne3A_1419, %broadcast_in_dim3A_32, %broadcast_in_dim3A_34 : vector<16xi1>, vector<16xf32>
        %get3A_1421 = arith.index_cast %add3A_1414 : i32 to index
        %get3A_1422 = arith.constant 0 : index
        %get3A_1423 = tpu.vector_load %arg9[%get3A_1421, %get3A_1422] {strides = array<i32>} : memref<208x128xf32, #tpu.memory_space<vmem>>, vector<16xf32>,
        %get3A_1424 = arith.index_cast %add3A_1414 : i32 to index
        %get3A_1425 = arith.constant 0 : index
        %get3A_1426 = tpu.vector_load %arg10[%get3A_1424, %get3A_1425] {strides = array<i32>} : memref<208x128xf32, #tpu.memory_space<vmem>>, vector<16xf32>,
        %mul3A_1427 = arith.mulf %get3A_1423, %select_n3A_1420 : vector<16xf32>
        %add3A_1428 = arith.addf %mul3A_1427, %get3A_1426 : vector<16xf32>
        %get3A_1429 = arith.index_cast %add3A_1414 : i32 to index
        %get3A_1430 = arith.constant 16 : index
        %get3A_1431 = tpu.vector_load %arg9[%get3A_1429, %get3A_1430] {strides = array<i32>} : memref<208x128xf32, #tpu.memory_space<vmem>>, vector<16xf32>,
        %get3A_1432 = arith.index_cast %add3A_1414 : i32 to index
        %get3A_1433 = arith.constant 16 : index
        %get3A_1434 = tpu.vector_load %arg10[%get3A_1432, %get3A_1433] {strides = array<i32>} : memref<208x128xf32, #tpu.memory_space<vmem>>, vector<16xf32>,
        %mul3A_1435 = arith.mulf %get3A_1431, %select_n3A_1420 : vector<16xf32>
        %add3A_1436 = arith.addf %mul3A_1435, %get3A_1434 : vector<16xf32>
        %get3A_1437 = arith.index_cast %add3A_1414 : i32 to index
        %get3A_1438 = arith.constant 32 : index
        %get3A_1439 = tpu.vector_load %arg9[%get3A_1437, %get3A_1438] {strides = array<i32>} : memref<208x128xf32, #tpu.memory_space<vmem>>, vector<16xf32>,
        %get3A_1440 = arith.index_cast %add3A_1414 : i32 to index
        %get3A_1441 = arith.constant 32 : index
        %get3A_1442 = tpu.vector_load %arg10[%get3A_1440, %get3A_1441] {strides = array<i32>} : memref<208x128xf32, #tpu.memory_space<vmem>>, vector<16xf32>,
        %mul3A_1443 = arith.mulf %get3A_1439, %select_n3A_1420 : vector<16xf32>
        %add3A_1444 = arith.addf %mul3A_1443, %get3A_1442 : vector<16xf32>
        %get3A_1445 = arith.index_cast %add3A_1414 : i32 to index
        %get3A_1446 = arith.constant 48 : index
        %get3A_1447 = tpu.vector_load %arg9[%get3A_1445, %get3A_1446] {strides = array<i32>} : memref<208x128xf32, #tpu.memory_space<vmem>>, vector<16xf32>,
        %get3A_1448 = arith.index_cast %add3A_1414 : i32 to index
        %get3A_1449 = arith.constant 48 : index
        %get3A_1450 = tpu.vector_load %arg10[%get3A_1448, %get3A_1449] {strides = array<i32>} : memref<208x128xf32, #tpu.memory_space<vmem>>, vector<16xf32>,
        %mul3A_1451 = arith.mulf %get3A_1447, %select_n3A_1420 : vector<16xf32>
        %add3A_1452 = arith.addf %mul3A_1451, %get3A_1450 : vector<16xf32>
        %get3A_1453 = arith.index_cast %add3A_1414 : i32 to index
        %get3A_1454 = arith.constant 64 : index
        %get3A_1455 = tpu.vector_load %arg9[%get3A_1453, %get3A_1454] {strides = array<i32>} : memref<208x128xf32, #tpu.memory_space<vmem>>, vector<16xf32>,
        %get3A_1456 = arith.index_cast %add3A_1414 : i32 to index
        %get3A_1457 = arith.constant 64 : index
        %get3A_1458 = tpu.vector_load %arg10[%get3A_1456, %get3A_1457] {strides = array<i32>} : memref<208x128xf32, #tpu.memory_space<vmem>>, vector<16xf32>,
        %mul3A_1459 = arith.mulf %get3A_1455, %select_n3A_1420 : vector<16xf32>
        %add3A_1460 = arith.addf %mul3A_1459, %get3A_1458 : vector<16xf32>
        %get3A_1461 = arith.index_cast %add3A_1414 : i32 to index
        %get3A_1462 = arith.constant 80 : index
        %get3A_1463 = tpu.vector_load %arg9[%get3A_1461, %get3A_1462] {strides = array<i32>} : memref<208x128xf32, #tpu.memory_space<vmem>>, vector<16xf32>,
        %get3A_1464 = arith.index_cast %add3A_1414 : i32 to index
        %get3A_1465 = arith.constant 80 : index
        %get3A_1466 = tpu.vector_load %arg10[%get3A_1464, %get3A_1465] {strides = array<i32>} : memref<208x128xf32, #tpu.memory_space<vmem>>, vector<16xf32>,
        %mul3A_1467 = arith.mulf %get3A_1463, %select_n3A_1420 : vector<16xf32>
        %add3A_1468 = arith.addf %mul3A_1467, %get3A_1466 : vector<16xf32>
        %get3A_1469 = arith.index_cast %add3A_1414 : i32 to index
        %get3A_1470 = arith.constant 96 : index
        %get3A_1471 = tpu.vector_load %arg9[%get3A_1469, %get3A_1470] {strides = array<i32>} : memref<208x128xf32, #tpu.memory_space<vmem>>, vector<16xf32>,
        %get3A_1472 = arith.index_cast %add3A_1414 : i32 to index
        %get3A_1473 = arith.constant 96 : index
        %get3A_1474 = tpu.vector_load %arg10[%get3A_1472, %get3A_1473] {strides = array<i32>} : memref<208x128xf32, #tpu.memory_space<vmem>>, vector<16xf32>,
        %mul3A_1475 = arith.mulf %get3A_1471, %select_n3A_1420 : vector<16xf32>
        %add3A_1476 = arith.addf %mul3A_1475, %get3A_1474 : vector<16xf32>
        %get3A_1477 = arith.index_cast %add3A_1414 : i32 to index
        %get3A_1478 = arith.constant 112 : index
        %get3A_1479 = tpu.vector_load %arg9[%get3A_1477, %get3A_1478] {strides = array<i32>} : memref<208x128xf32, #tpu.memory_space<vmem>>, vector<16xf32>,
        %get3A_1480 = arith.index_cast %add3A_1414 : i32 to index
        %get3A_1481 = arith.constant 112 : index
        %get3A_1482 = tpu.vector_load %arg10[%get3A_1480, %get3A_1481] {strides = array<i32>} : memref<208x128xf32, #tpu.memory_space<vmem>>, vector<16xf32>,
        %mul3A_1483 = arith.mulf %get3A_1479, %select_n3A_1420 : vector<16xf32>
        %add3A_1484 = arith.addf %mul3A_1483, %get3A_1482 : vector<16xf32>
        %add3A_1485 = arith.addf %add3A_1428, %add3A_1436 : vector<16xf32>
        %add3A_1486 = arith.addf %add3A_1444, %add3A_1452 : vector<16xf32>
        %add3A_1487 = arith.addf %add3A_1485, %add3A_1486 : vector<16xf32>
        %add3A_1488 = arith.addf %add3A_1460, %add3A_1468 : vector<16xf32>
        %add3A_1489 = arith.addf %add3A_1476, %add3A_1484 : vector<16xf32>
        %add3A_1490 = arith.addf %add3A_1488, %add3A_1489 : vector<16xf32>
        %add3A_1491 = arith.addf %add3A_1487, %add3A_1490 : vector<16xf32>
        %mul3A_1492 = arith.mulf %add3A_1428, %add3A_1428 : vector<16xf32>
        %mul3A_1493 = arith.mulf %add3A_1436, %add3A_1436 : vector<16xf32>
        %mul3A_1494 = arith.mulf %add3A_1444, %add3A_1444 : vector<16xf32>
        %mul3A_1495 = arith.mulf %add3A_1452, %add3A_1452 : vector<16xf32>
        %mul3A_1496 = arith.mulf %add3A_1460, %add3A_1460 : vector<16xf32>
        %mul3A_1497 = arith.mulf %add3A_1468, %add3A_1468 : vector<16xf32>
        %mul3A_1498 = arith.mulf %add3A_1476, %add3A_1476 : vector<16xf32>
        %mul3A_1499 = arith.mulf %add3A_1484, %add3A_1484 : vector<16xf32>
        %add3A_1500 = arith.addf %mul3A_1492, %mul3A_1493 : vector<16xf32>
        %add3A_1501 = arith.addf %mul3A_1494, %mul3A_1495 : vector<16xf32>
        %add3A_1502 = arith.addf %add3A_1500, %add3A_1501 : vector<16xf32>
        %add3A_1503 = arith.addf %mul3A_1496, %mul3A_1497 : vector<16xf32>
        %add3A_1504 = arith.addf %mul3A_1498, %mul3A_1499 : vector<16xf32>
        %add3A_1505 = arith.addf %add3A_1503, %add3A_1504 : vector<16xf32>
        %add3A_1506 = arith.addf %add3A_1502, %add3A_1505 : vector<16xf32>
        %reduce_sum3A_1507 = arith.constant true
        %reduce_sum3A_1508 = vector.broadcast %reduce_sum3A_1507 : i1 to vector<16xi1>
        %reduce_sum3A_1509 = tpu.scan <sum>, %add3A_1491 masked %reduce_sum3A_1508 : vector<16xf32>, vector<16xi1> -> vector<16xf32>
        %reduce_sum3A_1510 = vector.extract %reduce_sum3A_1509[15] : f32 from vector<16xf32>
        %broadcast_in_dim3A_1511 = vector.broadcast %reduce_sum3A_1510 : f32 to vector<16xf32>
        %mul3A_1512 = arith.mulf %broadcast_in_dim3A_1511, %broadcast_in_dim3A_38 : vector<16xf32>
        %reduce_sum3A_1513 = arith.constant true
        %reduce_sum3A_1514 = vector.broadcast %reduce_sum3A_1513 : i1 to vector<16xi1>
        %reduce_sum3A_1515 = tpu.scan <sum>, %add3A_1506 masked %reduce_sum3A_1514 : vector<16xf32>, vector<16xi1> -> vector<16xf32>
        %reduce_sum3A_1516 = vector.extract %reduce_sum3A_1515[15] : f32 from vector<16xf32>
        %broadcast_in_dim3A_1517 = vector.broadcast %reduce_sum3A_1516 : f32 to vector<16xf32>
        %mul3A_1518 = arith.mulf %broadcast_in_dim3A_1517, %broadcast_in_dim3A_38 : vector<16xf32>
        %mul3A_1519 = arith.mulf %mul3A_1512, %mul3A_1512 : vector<16xf32>
        %sub3A_1520 = arith.subf %mul3A_1518, %mul3A_1519 : vector<16xf32>
        %add3A_1521 = arith.addf %sub3A_1520, %broadcast_in_dim3A_40 : vector<16xf32>
        %bitcast3A_1522 = vector.bitcast %add3A_1521 : vector<16xf32> to vector<16xi32>
        %broadcast_in_dim3A_1523 = arith.constant 1597463007 : i32
        %broadcast_in_dim3A_1524 = vector.broadcast %broadcast_in_dim3A_1523 : i32 to vector<16xi32>
        %shift_right_arithmetic3A_1525 = arith.constant 1 : i32
        %shift_right_arithmetic3A_1526 = vector.broadcast %shift_right_arithmetic3A_1525 : i32 to vector<16xi32>
        %shift_right_arithmetic3A_1527 = arith.shrsi %bitcast3A_1522, %shift_right_arithmetic3A_1526 : vector<16xi32>
        %sub3A_1528 = arith.subi %broadcast_in_dim3A_1524, %shift_right_arithmetic3A_1527 : vector<16xi32>
        %bitcast3A_1529 = vector.bitcast %sub3A_1528 : vector<16xi32> to vector<16xf32>
        %broadcast_in_dim3A_1530 = arith.constant 5.000000e-01 : f32
        %broadcast_in_dim3A_1531 = vector.broadcast %broadcast_in_dim3A_1530 : f32 to vector<16xf32>
        %mul3A_1532 = arith.mulf %add3A_1521, %broadcast_in_dim3A_1531 : vector<16xf32>
        %broadcast_in_dim3A_1533 = arith.constant 1.500000e+00 : f32
        %broadcast_in_dim3A_1534 = vector.broadcast %broadcast_in_dim3A_1533 : f32 to vector<16xf32>
        %mul3A_1535 = arith.mulf %mul3A_1532, %bitcast3A_1529 : vector<16xf32>
        %mul3A_1536 = arith.mulf %mul3A_1535, %bitcast3A_1529 : vector<16xf32>
        %sub3A_1537 = arith.subf %broadcast_in_dim3A_1534, %mul3A_1536 : vector<16xf32>
        %mul3A_1538 = arith.mulf %bitcast3A_1529, %sub3A_1537 : vector<16xf32>
        %mul3A_1539 = arith.mulf %mul3A_1532, %mul3A_1538 : vector<16xf32>
        %mul3A_1540 = arith.mulf %mul3A_1539, %mul3A_1538 : vector<16xf32>
        %sub3A_1541 = arith.subf %broadcast_in_dim3A_1534, %mul3A_1540 : vector<16xf32>
        %mul3A_1542 = arith.mulf %mul3A_1538, %sub3A_1541 : vector<16xf32>
        %mul3A_1543 = arith.mulf %mul3A_1532, %mul3A_1542 : vector<16xf32>
        %mul3A_1544 = arith.mulf %mul3A_1543, %mul3A_1542 : vector<16xf32>
        %sub3A_1545 = arith.subf %broadcast_in_dim3A_1534, %mul3A_1544 : vector<16xf32>
        %mul3A_1546 = arith.mulf %mul3A_1542, %sub3A_1545 : vector<16xf32>
        %sub3A_1547 = arith.subf %add3A_1428, %mul3A_1512 : vector<16xf32>
        %mul3A_1548 = arith.mulf %mul3A_1546, %get3A_1 : vector<16xf32>
        %mul3A_1549 = arith.mulf %sub3A_1547, %mul3A_1548 : vector<16xf32>
        %add3A_1550 = arith.addf %mul3A_1549, %get3A_17 : vector<16xf32>
        %swap3A_1551 = arith.index_cast %add3A_1414 : i32 to index
        %swap3A_1552 = arith.constant 0 : index
        %swap3A_1553 = tpu.vector_load %arg9[%swap3A_1551, %swap3A_1552] {strides = array<i32>} : memref<208x128xf32, #tpu.memory_space<vmem>>, vector<16xf32>,
        tpu.vector_store %arg9[%swap3A_1551, %swap3A_1552], %add3A_1550 {strides = array<i32>} : memref<208x128xf32, #tpu.memory_space<vmem>>, vector<16xf32>,
        %sub3A_1554 = arith.subf %add3A_1436, %mul3A_1512 : vector<16xf32>
        %mul3A_1555 = arith.mulf %mul3A_1546, %get3A_3 : vector<16xf32>
        %mul3A_1556 = arith.mulf %sub3A_1554, %mul3A_1555 : vector<16xf32>
        %add3A_1557 = arith.addf %mul3A_1556, %get3A_19 : vector<16xf32>
        %swap3A_1558 = arith.index_cast %add3A_1414 : i32 to index
        %swap3A_1559 = arith.constant 16 : index
        %swap3A_1560 = tpu.vector_load %arg9[%swap3A_1558, %swap3A_1559] {strides = array<i32>} : memref<208x128xf32, #tpu.memory_space<vmem>>, vector<16xf32>,
        tpu.vector_store %arg9[%swap3A_1558, %swap3A_1559], %add3A_1557 {strides = array<i32>} : memref<208x128xf32, #tpu.memory_space<vmem>>, vector<16xf32>,
        %sub3A_1561 = arith.subf %add3A_1444, %mul3A_1512 : vector<16xf32>
        %mul3A_1562 = arith.mulf %mul3A_1546, %get3A_5 : vector<16xf32>
        %mul3A_1563 = arith.mulf %sub3A_1561, %mul3A_1562 : vector<16xf32>
        %add3A_1564 = arith.addf %mul3A_1563, %get3A_21 : vector<16xf32>
        %swap3A_1565 = arith.index_cast %add3A_1414 : i32 to index
        %swap3A_1566 = arith.constant 32 : index
        %swap3A_1567 = tpu.vector_load %arg9[%swap3A_1565, %swap3A_1566] {strides = array<i32>} : memref<208x128xf32, #tpu.memory_space<vmem>>, vector<16xf32>,
        tpu.vector_store %arg9[%swap3A_1565, %swap3A_1566], %add3A_1564 {strides = array<i32>} : memref<208x128xf32, #tpu.memory_space<vmem>>, vector<16xf32>,
        %sub3A_1568 = arith.subf %add3A_1452, %mul3A_1512 : vector<16xf32>
        %mul3A_1569 = arith.mulf %mul3A_1546, %get3A_7 : vector<16xf32>
        %mul3A_1570 = arith.mulf %sub3A_1568, %mul3A_1569 : vector<16xf32>
        %add3A_1571 = arith.addf %mul3A_1570, %get3A_23 : vector<16xf32>
        %swap3A_1572 = arith.index_cast %add3A_1414 : i32 to index
        %swap3A_1573 = arith.constant 48 : index
        %swap3A_1574 = tpu.vector_load %arg9[%swap3A_1572, %swap3A_1573] {strides = array<i32>} : memref<208x128xf32, #tpu.memory_space<vmem>>, vector<16xf32>,
        tpu.vector_store %arg9[%swap3A_1572, %swap3A_1573], %add3A_1571 {strides = array<i32>} : memref<208x128xf32, #tpu.memory_space<vmem>>, vector<16xf32>,
        %sub3A_1575 = arith.subf %add3A_1460, %mul3A_1512 : vector<16xf32>
        %mul3A_1576 = arith.mulf %mul3A_1546, %get3A_9 : vector<16xf32>
        %mul3A_1577 = arith.mulf %sub3A_1575, %mul3A_1576 : vector<16xf32>
        %add3A_1578 = arith.addf %mul3A_1577, %get3A_25 : vector<16xf32>
        %swap3A_1579 = arith.index_cast %add3A_1414 : i32 to index
        %swap3A_1580 = arith.constant 64 : index
        %swap3A_1581 = tpu.vector_load %arg9[%swap3A_1579, %swap3A_1580] {strides = array<i32>} : memref<208x128xf32, #tpu.memory_space<vmem>>, vector<16xf32>,
        tpu.vector_store %arg9[%swap3A_1579, %swap3A_1580], %add3A_1578 {strides = array<i32>} : memref<208x128xf32, #tpu.memory_space<vmem>>, vector<16xf32>,
        %sub3A_1582 = arith.subf %add3A_1468, %mul3A_1512 : vector<16xf32>
        %mul3A_1583 = arith.mulf %mul3A_1546, %get3A_11 : vector<16xf32>
        %mul3A_1584 = arith.mulf %sub3A_1582, %mul3A_1583 : vector<16xf32>
        %add3A_1585 = arith.addf %mul3A_1584, %get3A_27 : vector<16xf32>
        %swap3A_1586 = arith.index_cast %add3A_1414 : i32 to index
        %swap3A_1587 = arith.constant 80 : index
        %swap3A_1588 = tpu.vector_load %arg9[%swap3A_1586, %swap3A_1587] {strides = array<i32>} : memref<208x128xf32, #tpu.memory_space<vmem>>, vector<16xf32>,
        tpu.vector_store %arg9[%swap3A_1586, %swap3A_1587], %add3A_1585 {strides = array<i32>} : memref<208x128xf32, #tpu.memory_space<vmem>>, vector<16xf32>,
        %sub3A_1589 = arith.subf %add3A_1476, %mul3A_1512 : vector<16xf32>
        %mul3A_1590 = arith.mulf %mul3A_1546, %get3A_13 : vector<16xf32>
        %mul3A_1591 = arith.mulf %sub3A_1589, %mul3A_1590 : vector<16xf32>
        %add3A_1592 = arith.addf %mul3A_1591, %get3A_29 : vector<16xf32>
        %swap3A_1593 = arith.index_cast %add3A_1414 : i32 to index
        %swap3A_1594 = arith.constant 96 : index
        %swap3A_1595 = tpu.vector_load %arg9[%swap3A_1593, %swap3A_1594] {strides = array<i32>} : memref<208x128xf32, #tpu.memory_space<vmem>>, vector<16xf32>,
        tpu.vector_store %arg9[%swap3A_1593, %swap3A_1594], %add3A_1592 {strides = array<i32>} : memref<208x128xf32, #tpu.memory_space<vmem>>, vector<16xf32>,
        %sub3A_1596 = arith.subf %add3A_1484, %mul3A_1512 : vector<16xf32>
        %mul3A_1597 = arith.mulf %mul3A_1546, %get3A_15 : vector<16xf32>
        %mul3A_1598 = arith.mulf %sub3A_1596, %mul3A_1597 : vector<16xf32>
        %add3A_1599 = arith.addf %mul3A_1598, %get3A_31 : vector<16xf32>
        %swap3A_1600 = arith.index_cast %add3A_1414 : i32 to index
        %swap3A_1601 = arith.constant 112 : index
        %swap3A_1602 = tpu.vector_load %arg9[%swap3A_1600, %swap3A_1601] {strides = array<i32>} : memref<208x128xf32, #tpu.memory_space<vmem>>, vector<16xf32>,
        tpu.vector_store %arg9[%swap3A_1600, %swap3A_1601], %add3A_1599 {strides = array<i32>} : memref<208x128xf32, #tpu.memory_space<vmem>>, vector<16xf32>,
        %add3A_1603 = arith.constant 8 : i32
        %add3A_1604 = arith.addi %mul3A_88, %add3A_1603 : i32
        %broadcast_in_dim3A_1605 = arith.constant 8 : i32
        %broadcast_in_dim3A_1606 = vector.broadcast %broadcast_in_dim3A_1605 : i32 to vector<16x1xi32>
        %gather3A_1607 = vector.shape_cast %broadcast_in_dim3A_1606 : vector<16x1xi32> to vector<16xi32>
        %gather3A_1608 = tpu.dynamic_gather %get3A_90[%gather3A_1607] in [0] : vector<16xi32>, vector<16xi32> -> vector<16xi32>
        %ne3A_1609 = arith.cmpi ne, %gather3A_1608, %broadcast_in_dim3A_36 : vector<16xi32>
        %select_n3A_1610 = arith.select %ne3A_1609, %broadcast_in_dim3A_32, %broadcast_in_dim3A_34 : vector<16xi1>, vector<16xf32>
        %get3A_1611 = arith.index_cast %add3A_1604 : i32 to index
        %get3A_1612 = arith.constant 0 : index
        %get3A_1613 = tpu.vector_load %arg9[%get3A_1611, %get3A_1612] {strides = array<i32>} : memref<208x128xf32, #tpu.memory_space<vmem>>, vector<16xf32>,
        %get3A_1614 = arith.index_cast %add3A_1604 : i32 to index
        %get3A_1615 = arith.constant 0 : index
        %get3A_1616 = tpu.vector_load %arg10[%get3A_1614, %get3A_1615] {strides = array<i32>} : memref<208x128xf32, #tpu.memory_space<vmem>>, vector<16xf32>,
        %mul3A_1617 = arith.mulf %get3A_1613, %select_n3A_1610 : vector<16xf32>
        %add3A_1618 = arith.addf %mul3A_1617, %get3A_1616 : vector<16xf32>
        %get3A_1619 = arith.index_cast %add3A_1604 : i32 to index
        %get3A_1620 = arith.constant 16 : index
        %get3A_1621 = tpu.vector_load %arg9[%get3A_1619, %get3A_1620] {strides = array<i32>} : memref<208x128xf32, #tpu.memory_space<vmem>>, vector<16xf32>,
        %get3A_1622 = arith.index_cast %add3A_1604 : i32 to index
        %get3A_1623 = arith.constant 16 : index
        %get3A_1624 = tpu.vector_load %arg10[%get3A_1622, %get3A_1623] {strides = array<i32>} : memref<208x128xf32, #tpu.memory_space<vmem>>, vector<16xf32>,
        %mul3A_1625 = arith.mulf %get3A_1621, %select_n3A_1610 : vector<16xf32>
        %add3A_1626 = arith.addf %mul3A_1625, %get3A_1624 : vector<16xf32>
        %get3A_1627 = arith.index_cast %add3A_1604 : i32 to index
        %get3A_1628 = arith.constant 32 : index
        %get3A_1629 = tpu.vector_load %arg9[%get3A_1627, %get3A_1628] {strides = array<i32>} : memref<208x128xf32, #tpu.memory_space<vmem>>, vector<16xf32>,
        %get3A_1630 = arith.index_cast %add3A_1604 : i32 to index
        %get3A_1631 = arith.constant 32 : index
        %get3A_1632 = tpu.vector_load %arg10[%get3A_1630, %get3A_1631] {strides = array<i32>} : memref<208x128xf32, #tpu.memory_space<vmem>>, vector<16xf32>,
        %mul3A_1633 = arith.mulf %get3A_1629, %select_n3A_1610 : vector<16xf32>
        %add3A_1634 = arith.addf %mul3A_1633, %get3A_1632 : vector<16xf32>
        %get3A_1635 = arith.index_cast %add3A_1604 : i32 to index
        %get3A_1636 = arith.constant 48 : index
        %get3A_1637 = tpu.vector_load %arg9[%get3A_1635, %get3A_1636] {strides = array<i32>} : memref<208x128xf32, #tpu.memory_space<vmem>>, vector<16xf32>,
        %get3A_1638 = arith.index_cast %add3A_1604 : i32 to index
        %get3A_1639 = arith.constant 48 : index
        %get3A_1640 = tpu.vector_load %arg10[%get3A_1638, %get3A_1639] {strides = array<i32>} : memref<208x128xf32, #tpu.memory_space<vmem>>, vector<16xf32>,
        %mul3A_1641 = arith.mulf %get3A_1637, %select_n3A_1610 : vector<16xf32>
        %add3A_1642 = arith.addf %mul3A_1641, %get3A_1640 : vector<16xf32>
        %get3A_1643 = arith.index_cast %add3A_1604 : i32 to index
        %get3A_1644 = arith.constant 64 : index
        %get3A_1645 = tpu.vector_load %arg9[%get3A_1643, %get3A_1644] {strides = array<i32>} : memref<208x128xf32, #tpu.memory_space<vmem>>, vector<16xf32>,
        %get3A_1646 = arith.index_cast %add3A_1604 : i32 to index
        %get3A_1647 = arith.constant 64 : index
        %get3A_1648 = tpu.vector_load %arg10[%get3A_1646, %get3A_1647] {strides = array<i32>} : memref<208x128xf32, #tpu.memory_space<vmem>>, vector<16xf32>,
        %mul3A_1649 = arith.mulf %get3A_1645, %select_n3A_1610 : vector<16xf32>
        %add3A_1650 = arith.addf %mul3A_1649, %get3A_1648 : vector<16xf32>
        %get3A_1651 = arith.index_cast %add3A_1604 : i32 to index
        %get3A_1652 = arith.constant 80 : index
        %get3A_1653 = tpu.vector_load %arg9[%get3A_1651, %get3A_1652] {strides = array<i32>} : memref<208x128xf32, #tpu.memory_space<vmem>>, vector<16xf32>,
        %get3A_1654 = arith.index_cast %add3A_1604 : i32 to index
        %get3A_1655 = arith.constant 80 : index
        %get3A_1656 = tpu.vector_load %arg10[%get3A_1654, %get3A_1655] {strides = array<i32>} : memref<208x128xf32, #tpu.memory_space<vmem>>, vector<16xf32>,
        %mul3A_1657 = arith.mulf %get3A_1653, %select_n3A_1610 : vector<16xf32>
        %add3A_1658 = arith.addf %mul3A_1657, %get3A_1656 : vector<16xf32>
        %get3A_1659 = arith.index_cast %add3A_1604 : i32 to index
        %get3A_1660 = arith.constant 96 : index
        %get3A_1661 = tpu.vector_load %arg9[%get3A_1659, %get3A_1660] {strides = array<i32>} : memref<208x128xf32, #tpu.memory_space<vmem>>, vector<16xf32>,
        %get3A_1662 = arith.index_cast %add3A_1604 : i32 to index
        %get3A_1663 = arith.constant 96 : index
        %get3A_1664 = tpu.vector_load %arg10[%get3A_1662, %get3A_1663] {strides = array<i32>} : memref<208x128xf32, #tpu.memory_space<vmem>>, vector<16xf32>,
        %mul3A_1665 = arith.mulf %get3A_1661, %select_n3A_1610 : vector<16xf32>
        %add3A_1666 = arith.addf %mul3A_1665, %get3A_1664 : vector<16xf32>
        %get3A_1667 = arith.index_cast %add3A_1604 : i32 to index
        %get3A_1668 = arith.constant 112 : index
        %get3A_1669 = tpu.vector_load %arg9[%get3A_1667, %get3A_1668] {strides = array<i32>} : memref<208x128xf32, #tpu.memory_space<vmem>>, vector<16xf32>,
        %get3A_1670 = arith.index_cast %add3A_1604 : i32 to index
        %get3A_1671 = arith.constant 112 : index
        %get3A_1672 = tpu.vector_load %arg10[%get3A_1670, %get3A_1671] {strides = array<i32>} : memref<208x128xf32, #tpu.memory_space<vmem>>, vector<16xf32>,
        %mul3A_1673 = arith.mulf %get3A_1669, %select_n3A_1610 : vector<16xf32>
        %add3A_1674 = arith.addf %mul3A_1673, %get3A_1672 : vector<16xf32>
        %add3A_1675 = arith.addf %add3A_1618, %add3A_1626 : vector<16xf32>
        %add3A_1676 = arith.addf %add3A_1634, %add3A_1642 : vector<16xf32>
        %add3A_1677 = arith.addf %add3A_1675, %add3A_1676 : vector<16xf32>
        %add3A_1678 = arith.addf %add3A_1650, %add3A_1658 : vector<16xf32>
        %add3A_1679 = arith.addf %add3A_1666, %add3A_1674 : vector<16xf32>
        %add3A_1680 = arith.addf %add3A_1678, %add3A_1679 : vector<16xf32>
        %add3A_1681 = arith.addf %add3A_1677, %add3A_1680 : vector<16xf32>
        %mul3A_1682 = arith.mulf %add3A_1618, %add3A_1618 : vector<16xf32>
        %mul3A_1683 = arith.mulf %add3A_1626, %add3A_1626 : vector<16xf32>
        %mul3A_1684 = arith.mulf %add3A_1634, %add3A_1634 : vector<16xf32>
        %mul3A_1685 = arith.mulf %add3A_1642, %add3A_1642 : vector<16xf32>
        %mul3A_1686 = arith.mulf %add3A_1650, %add3A_1650 : vector<16xf32>
        %mul3A_1687 = arith.mulf %add3A_1658, %add3A_1658 : vector<16xf32>
        %mul3A_1688 = arith.mulf %add3A_1666, %add3A_1666 : vector<16xf32>
        %mul3A_1689 = arith.mulf %add3A_1674, %add3A_1674 : vector<16xf32>
        %add3A_1690 = arith.addf %mul3A_1682, %mul3A_1683 : vector<16xf32>
        %add3A_1691 = arith.addf %mul3A_1684, %mul3A_1685 : vector<16xf32>
        %add3A_1692 = arith.addf %add3A_1690, %add3A_1691 : vector<16xf32>
        %add3A_1693 = arith.addf %mul3A_1686, %mul3A_1687 : vector<16xf32>
        %add3A_1694 = arith.addf %mul3A_1688, %mul3A_1689 : vector<16xf32>
        %add3A_1695 = arith.addf %add3A_1693, %add3A_1694 : vector<16xf32>
        %add3A_1696 = arith.addf %add3A_1692, %add3A_1695 : vector<16xf32>
        %reduce_sum3A_1697 = arith.constant true
        %reduce_sum3A_1698 = vector.broadcast %reduce_sum3A_1697 : i1 to vector<16xi1>
        %reduce_sum3A_1699 = tpu.scan <sum>, %add3A_1681 masked %reduce_sum3A_1698 : vector<16xf32>, vector<16xi1> -> vector<16xf32>
        %reduce_sum3A_1700 = vector.extract %reduce_sum3A_1699[15] : f32 from vector<16xf32>
        %broadcast_in_dim3A_1701 = vector.broadcast %reduce_sum3A_1700 : f32 to vector<16xf32>
        %mul3A_1702 = arith.mulf %broadcast_in_dim3A_1701, %broadcast_in_dim3A_38 : vector<16xf32>
        %reduce_sum3A_1703 = arith.constant true
        %reduce_sum3A_1704 = vector.broadcast %reduce_sum3A_1703 : i1 to vector<16xi1>
        %reduce_sum3A_1705 = tpu.scan <sum>, %add3A_1696 masked %reduce_sum3A_1704 : vector<16xf32>, vector<16xi1> -> vector<16xf32>
        %reduce_sum3A_1706 = vector.extract %reduce_sum3A_1705[15] : f32 from vector<16xf32>
        %broadcast_in_dim3A_1707 = vector.broadcast %reduce_sum3A_1706 : f32 to vector<16xf32>
        %mul3A_1708 = arith.mulf %broadcast_in_dim3A_1707, %broadcast_in_dim3A_38 : vector<16xf32>
        %mul3A_1709 = arith.mulf %mul3A_1702, %mul3A_1702 : vector<16xf32>
        %sub3A_1710 = arith.subf %mul3A_1708, %mul3A_1709 : vector<16xf32>
        %add3A_1711 = arith.addf %sub3A_1710, %broadcast_in_dim3A_40 : vector<16xf32>
        %bitcast3A_1712 = vector.bitcast %add3A_1711 : vector<16xf32> to vector<16xi32>
        %broadcast_in_dim3A_1713 = arith.constant 1597463007 : i32
        %broadcast_in_dim3A_1714 = vector.broadcast %broadcast_in_dim3A_1713 : i32 to vector<16xi32>
        %shift_right_arithmetic3A_1715 = arith.constant 1 : i32
        %shift_right_arithmetic3A_1716 = vector.broadcast %shift_right_arithmetic3A_1715 : i32 to vector<16xi32>
        %shift_right_arithmetic3A_1717 = arith.shrsi %bitcast3A_1712, %shift_right_arithmetic3A_1716 : vector<16xi32>
        %sub3A_1718 = arith.subi %broadcast_in_dim3A_1714, %shift_right_arithmetic3A_1717 : vector<16xi32>
        %bitcast3A_1719 = vector.bitcast %sub3A_1718 : vector<16xi32> to vector<16xf32>
        %broadcast_in_dim3A_1720 = arith.constant 5.000000e-01 : f32
        %broadcast_in_dim3A_1721 = vector.broadcast %broadcast_in_dim3A_1720 : f32 to vector<16xf32>
        %mul3A_1722 = arith.mulf %add3A_1711, %broadcast_in_dim3A_1721 : vector<16xf32>
        %broadcast_in_dim3A_1723 = arith.constant 1.500000e+00 : f32
        %broadcast_in_dim3A_1724 = vector.broadcast %broadcast_in_dim3A_1723 : f32 to vector<16xf32>
        %mul3A_1725 = arith.mulf %mul3A_1722, %bitcast3A_1719 : vector<16xf32>
        %mul3A_1726 = arith.mulf %mul3A_1725, %bitcast3A_1719 : vector<16xf32>
        %sub3A_1727 = arith.subf %broadcast_in_dim3A_1724, %mul3A_1726 : vector<16xf32>
        %mul3A_1728 = arith.mulf %bitcast3A_1719, %sub3A_1727 : vector<16xf32>
        %mul3A_1729 = arith.mulf %mul3A_1722, %mul3A_1728 : vector<16xf32>
        %mul3A_1730 = arith.mulf %mul3A_1729, %mul3A_1728 : vector<16xf32>
        %sub3A_1731 = arith.subf %broadcast_in_dim3A_1724, %mul3A_1730 : vector<16xf32>
        %mul3A_1732 = arith.mulf %mul3A_1728, %sub3A_1731 : vector<16xf32>
        %mul3A_1733 = arith.mulf %mul3A_1722, %mul3A_1732 : vector<16xf32>
        %mul3A_1734 = arith.mulf %mul3A_1733, %mul3A_1732 : vector<16xf32>
        %sub3A_1735 = arith.subf %broadcast_in_dim3A_1724, %mul3A_1734 : vector<16xf32>
        %mul3A_1736 = arith.mulf %mul3A_1732, %sub3A_1735 : vector<16xf32>
        %sub3A_1737 = arith.subf %add3A_1618, %mul3A_1702 : vector<16xf32>
        %mul3A_1738 = arith.mulf %mul3A_1736, %get3A_1 : vector<16xf32>
        %mul3A_1739 = arith.mulf %sub3A_1737, %mul3A_1738 : vector<16xf32>
        %add3A_1740 = arith.addf %mul3A_1739, %get3A_17 : vector<16xf32>
        %swap3A_1741 = arith.index_cast %add3A_1604 : i32 to index
        %swap3A_1742 = arith.constant 0 : index
        %swap3A_1743 = tpu.vector_load %arg9[%swap3A_1741, %swap3A_1742] {strides = array<i32>} : memref<208x128xf32, #tpu.memory_space<vmem>>, vector<16xf32>,
        tpu.vector_store %arg9[%swap3A_1741, %swap3A_1742], %add3A_1740 {strides = array<i32>} : memref<208x128xf32, #tpu.memory_space<vmem>>, vector<16xf32>,
        %sub3A_1744 = arith.subf %add3A_1626, %mul3A_1702 : vector<16xf32>
        %mul3A_1745 = arith.mulf %mul3A_1736, %get3A_3 : vector<16xf32>
        %mul3A_1746 = arith.mulf %sub3A_1744, %mul3A_1745 : vector<16xf32>
        %add3A_1747 = arith.addf %mul3A_1746, %get3A_19 : vector<16xf32>
        %swap3A_1748 = arith.index_cast %add3A_1604 : i32 to index
        %swap3A_1749 = arith.constant 16 : index
        %swap3A_1750 = tpu.vector_load %arg9[%swap3A_1748, %swap3A_1749] {strides = array<i32>} : memref<208x128xf32, #tpu.memory_space<vmem>>, vector<16xf32>,
        tpu.vector_store %arg9[%swap3A_1748, %swap3A_1749], %add3A_1747 {strides = array<i32>} : memref<208x128xf32, #tpu.memory_space<vmem>>, vector<16xf32>,
        %sub3A_1751 = arith.subf %add3A_1634, %mul3A_1702 : vector<16xf32>
        %mul3A_1752 = arith.mulf %mul3A_1736, %get3A_5 : vector<16xf32>
        %mul3A_1753 = arith.mulf %sub3A_1751, %mul3A_1752 : vector<16xf32>
        %add3A_1754 = arith.addf %mul3A_1753, %get3A_21 : vector<16xf32>
        %swap3A_1755 = arith.index_cast %add3A_1604 : i32 to index
        %swap3A_1756 = arith.constant 32 : index
        %swap3A_1757 = tpu.vector_load %arg9[%swap3A_1755, %swap3A_1756] {strides = array<i32>} : memref<208x128xf32, #tpu.memory_space<vmem>>, vector<16xf32>,
        tpu.vector_store %arg9[%swap3A_1755, %swap3A_1756], %add3A_1754 {strides = array<i32>} : memref<208x128xf32, #tpu.memory_space<vmem>>, vector<16xf32>,
        %sub3A_1758 = arith.subf %add3A_1642, %mul3A_1702 : vector<16xf32>
        %mul3A_1759 = arith.mulf %mul3A_1736, %get3A_7 : vector<16xf32>
        %mul3A_1760 = arith.mulf %sub3A_1758, %mul3A_1759 : vector<16xf32>
        %add3A_1761 = arith.addf %mul3A_1760, %get3A_23 : vector<16xf32>
        %swap3A_1762 = arith.index_cast %add3A_1604 : i32 to index
        %swap3A_1763 = arith.constant 48 : index
        %swap3A_1764 = tpu.vector_load %arg9[%swap3A_1762, %swap3A_1763] {strides = array<i32>} : memref<208x128xf32, #tpu.memory_space<vmem>>, vector<16xf32>,
        tpu.vector_store %arg9[%swap3A_1762, %swap3A_1763], %add3A_1761 {strides = array<i32>} : memref<208x128xf32, #tpu.memory_space<vmem>>, vector<16xf32>,
        %sub3A_1765 = arith.subf %add3A_1650, %mul3A_1702 : vector<16xf32>
        %mul3A_1766 = arith.mulf %mul3A_1736, %get3A_9 : vector<16xf32>
        %mul3A_1767 = arith.mulf %sub3A_1765, %mul3A_1766 : vector<16xf32>
        %add3A_1768 = arith.addf %mul3A_1767, %get3A_25 : vector<16xf32>
        %swap3A_1769 = arith.index_cast %add3A_1604 : i32 to index
        %swap3A_1770 = arith.constant 64 : index
        %swap3A_1771 = tpu.vector_load %arg9[%swap3A_1769, %swap3A_1770] {strides = array<i32>} : memref<208x128xf32, #tpu.memory_space<vmem>>, vector<16xf32>,
        tpu.vector_store %arg9[%swap3A_1769, %swap3A_1770], %add3A_1768 {strides = array<i32>} : memref<208x128xf32, #tpu.memory_space<vmem>>, vector<16xf32>,
        %sub3A_1772 = arith.subf %add3A_1658, %mul3A_1702 : vector<16xf32>
        %mul3A_1773 = arith.mulf %mul3A_1736, %get3A_11 : vector<16xf32>
        %mul3A_1774 = arith.mulf %sub3A_1772, %mul3A_1773 : vector<16xf32>
        %add3A_1775 = arith.addf %mul3A_1774, %get3A_27 : vector<16xf32>
        %swap3A_1776 = arith.index_cast %add3A_1604 : i32 to index
        %swap3A_1777 = arith.constant 80 : index
        %swap3A_1778 = tpu.vector_load %arg9[%swap3A_1776, %swap3A_1777] {strides = array<i32>} : memref<208x128xf32, #tpu.memory_space<vmem>>, vector<16xf32>,
        tpu.vector_store %arg9[%swap3A_1776, %swap3A_1777], %add3A_1775 {strides = array<i32>} : memref<208x128xf32, #tpu.memory_space<vmem>>, vector<16xf32>,
        %sub3A_1779 = arith.subf %add3A_1666, %mul3A_1702 : vector<16xf32>
        %mul3A_1780 = arith.mulf %mul3A_1736, %get3A_13 : vector<16xf32>
        %mul3A_1781 = arith.mulf %sub3A_1779, %mul3A_1780 : vector<16xf32>
        %add3A_1782 = arith.addf %mul3A_1781, %get3A_29 : vector<16xf32>
        %swap3A_1783 = arith.index_cast %add3A_1604 : i32 to index
        %swap3A_1784 = arith.constant 96 : index
        %swap3A_1785 = tpu.vector_load %arg9[%swap3A_1783, %swap3A_1784] {strides = array<i32>} : memref<208x128xf32, #tpu.memory_space<vmem>>, vector<16xf32>,
        tpu.vector_store %arg9[%swap3A_1783, %swap3A_1784], %add3A_1782 {strides = array<i32>} : memref<208x128xf32, #tpu.memory_space<vmem>>, vector<16xf32>,
        %sub3A_1786 = arith.subf %add3A_1674, %mul3A_1702 : vector<16xf32>
        %mul3A_1787 = arith.mulf %mul3A_1736, %get3A_15 : vector<16xf32>
        %mul3A_1788 = arith.mulf %sub3A_1786, %mul3A_1787 : vector<16xf32>
        %add3A_1789 = arith.addf %mul3A_1788, %get3A_31 : vector<16xf32>
        %swap3A_1790 = arith.index_cast %add3A_1604 : i32 to index
        %swap3A_1791 = arith.constant 112 : index
        %swap3A_1792 = tpu.vector_load %arg9[%swap3A_1790, %swap3A_1791] {strides = array<i32>} : memref<208x128xf32, #tpu.memory_space<vmem>>, vector<16xf32>,
        tpu.vector_store %arg9[%swap3A_1790, %swap3A_1791], %add3A_1789 {strides = array<i32>} : memref<208x128xf32, #tpu.memory_space<vmem>>, vector<16xf32>,
        %add3A_1793 = arith.constant 9 : i32
        %add3A_1794 = arith.addi %mul3A_88, %add3A_1793 : i32
        %broadcast_in_dim3A_1795 = arith.constant 9 : i32
        %broadcast_in_dim3A_1796 = vector.broadcast %broadcast_in_dim3A_1795 : i32 to vector<16x1xi32>
        %gather3A_1797 = vector.shape_cast %broadcast_in_dim3A_1796 : vector<16x1xi32> to vector<16xi32>
        %gather3A_1798 = tpu.dynamic_gather %get3A_90[%gather3A_1797] in [0] : vector<16xi32>, vector<16xi32> -> vector<16xi32>
        %ne3A_1799 = arith.cmpi ne, %gather3A_1798, %broadcast_in_dim3A_36 : vector<16xi32>
        %select_n3A_1800 = arith.select %ne3A_1799, %broadcast_in_dim3A_32, %broadcast_in_dim3A_34 : vector<16xi1>, vector<16xf32>
        %get3A_1801 = arith.index_cast %add3A_1794 : i32 to index
        %get3A_1802 = arith.constant 0 : index
        %get3A_1803 = tpu.vector_load %arg9[%get3A_1801, %get3A_1802] {strides = array<i32>} : memref<208x128xf32, #tpu.memory_space<vmem>>, vector<16xf32>,
        %get3A_1804 = arith.index_cast %add3A_1794 : i32 to index
        %get3A_1805 = arith.constant 0 : index
        %get3A_1806 = tpu.vector_load %arg10[%get3A_1804, %get3A_1805] {strides = array<i32>} : memref<208x128xf32, #tpu.memory_space<vmem>>, vector<16xf32>,
        %mul3A_1807 = arith.mulf %get3A_1803, %select_n3A_1800 : vector<16xf32>
        %add3A_1808 = arith.addf %mul3A_1807, %get3A_1806 : vector<16xf32>
        %get3A_1809 = arith.index_cast %add3A_1794 : i32 to index
        %get3A_1810 = arith.constant 16 : index
        %get3A_1811 = tpu.vector_load %arg9[%get3A_1809, %get3A_1810] {strides = array<i32>} : memref<208x128xf32, #tpu.memory_space<vmem>>, vector<16xf32>,
        %get3A_1812 = arith.index_cast %add3A_1794 : i32 to index
        %get3A_1813 = arith.constant 16 : index
        %get3A_1814 = tpu.vector_load %arg10[%get3A_1812, %get3A_1813] {strides = array<i32>} : memref<208x128xf32, #tpu.memory_space<vmem>>, vector<16xf32>,
        %mul3A_1815 = arith.mulf %get3A_1811, %select_n3A_1800 : vector<16xf32>
        %add3A_1816 = arith.addf %mul3A_1815, %get3A_1814 : vector<16xf32>
        %get3A_1817 = arith.index_cast %add3A_1794 : i32 to index
        %get3A_1818 = arith.constant 32 : index
        %get3A_1819 = tpu.vector_load %arg9[%get3A_1817, %get3A_1818] {strides = array<i32>} : memref<208x128xf32, #tpu.memory_space<vmem>>, vector<16xf32>,
        %get3A_1820 = arith.index_cast %add3A_1794 : i32 to index
        %get3A_1821 = arith.constant 32 : index
        %get3A_1822 = tpu.vector_load %arg10[%get3A_1820, %get3A_1821] {strides = array<i32>} : memref<208x128xf32, #tpu.memory_space<vmem>>, vector<16xf32>,
        %mul3A_1823 = arith.mulf %get3A_1819, %select_n3A_1800 : vector<16xf32>
        %add3A_1824 = arith.addf %mul3A_1823, %get3A_1822 : vector<16xf32>
        %get3A_1825 = arith.index_cast %add3A_1794 : i32 to index
        %get3A_1826 = arith.constant 48 : index
        %get3A_1827 = tpu.vector_load %arg9[%get3A_1825, %get3A_1826] {strides = array<i32>} : memref<208x128xf32, #tpu.memory_space<vmem>>, vector<16xf32>,
        %get3A_1828 = arith.index_cast %add3A_1794 : i32 to index
        %get3A_1829 = arith.constant 48 : index
        %get3A_1830 = tpu.vector_load %arg10[%get3A_1828, %get3A_1829] {strides = array<i32>} : memref<208x128xf32, #tpu.memory_space<vmem>>, vector<16xf32>,
        %mul3A_1831 = arith.mulf %get3A_1827, %select_n3A_1800 : vector<16xf32>
        %add3A_1832 = arith.addf %mul3A_1831, %get3A_1830 : vector<16xf32>
        %get3A_1833 = arith.index_cast %add3A_1794 : i32 to index
        %get3A_1834 = arith.constant 64 : index
        %get3A_1835 = tpu.vector_load %arg9[%get3A_1833, %get3A_1834] {strides = array<i32>} : memref<208x128xf32, #tpu.memory_space<vmem>>, vector<16xf32>,
        %get3A_1836 = arith.index_cast %add3A_1794 : i32 to index
        %get3A_1837 = arith.constant 64 : index
        %get3A_1838 = tpu.vector_load %arg10[%get3A_1836, %get3A_1837] {strides = array<i32>} : memref<208x128xf32, #tpu.memory_space<vmem>>, vector<16xf32>,
        %mul3A_1839 = arith.mulf %get3A_1835, %select_n3A_1800 : vector<16xf32>
        %add3A_1840 = arith.addf %mul3A_1839, %get3A_1838 : vector<16xf32>
        %get3A_1841 = arith.index_cast %add3A_1794 : i32 to index
        %get3A_1842 = arith.constant 80 : index
        %get3A_1843 = tpu.vector_load %arg9[%get3A_1841, %get3A_1842] {strides = array<i32>} : memref<208x128xf32, #tpu.memory_space<vmem>>, vector<16xf32>,
        %get3A_1844 = arith.index_cast %add3A_1794 : i32 to index
        %get3A_1845 = arith.constant 80 : index
        %get3A_1846 = tpu.vector_load %arg10[%get3A_1844, %get3A_1845] {strides = array<i32>} : memref<208x128xf32, #tpu.memory_space<vmem>>, vector<16xf32>,
        %mul3A_1847 = arith.mulf %get3A_1843, %select_n3A_1800 : vector<16xf32>
        %add3A_1848 = arith.addf %mul3A_1847, %get3A_1846 : vector<16xf32>
        %get3A_1849 = arith.index_cast %add3A_1794 : i32 to index
        %get3A_1850 = arith.constant 96 : index
        %get3A_1851 = tpu.vector_load %arg9[%get3A_1849, %get3A_1850] {strides = array<i32>} : memref<208x128xf32, #tpu.memory_space<vmem>>, vector<16xf32>,
        %get3A_1852 = arith.index_cast %add3A_1794 : i32 to index
        %get3A_1853 = arith.constant 96 : index
        %get3A_1854 = tpu.vector_load %arg10[%get3A_1852, %get3A_1853] {strides = array<i32>} : memref<208x128xf32, #tpu.memory_space<vmem>>, vector<16xf32>,
        %mul3A_1855 = arith.mulf %get3A_1851, %select_n3A_1800 : vector<16xf32>
        %add3A_1856 = arith.addf %mul3A_1855, %get3A_1854 : vector<16xf32>
        %get3A_1857 = arith.index_cast %add3A_1794 : i32 to index
        %get3A_1858 = arith.constant 112 : index
        %get3A_1859 = tpu.vector_load %arg9[%get3A_1857, %get3A_1858] {strides = array<i32>} : memref<208x128xf32, #tpu.memory_space<vmem>>, vector<16xf32>,
        %get3A_1860 = arith.index_cast %add3A_1794 : i32 to index
        %get3A_1861 = arith.constant 112 : index
        %get3A_1862 = tpu.vector_load %arg10[%get3A_1860, %get3A_1861] {strides = array<i32>} : memref<208x128xf32, #tpu.memory_space<vmem>>, vector<16xf32>,
        %mul3A_1863 = arith.mulf %get3A_1859, %select_n3A_1800 : vector<16xf32>
        %add3A_1864 = arith.addf %mul3A_1863, %get3A_1862 : vector<16xf32>
        %add3A_1865 = arith.addf %add3A_1808, %add3A_1816 : vector<16xf32>
        %add3A_1866 = arith.addf %add3A_1824, %add3A_1832 : vector<16xf32>
        %add3A_1867 = arith.addf %add3A_1865, %add3A_1866 : vector<16xf32>
        %add3A_1868 = arith.addf %add3A_1840, %add3A_1848 : vector<16xf32>
        %add3A_1869 = arith.addf %add3A_1856, %add3A_1864 : vector<16xf32>
        %add3A_1870 = arith.addf %add3A_1868, %add3A_1869 : vector<16xf32>
        %add3A_1871 = arith.addf %add3A_1867, %add3A_1870 : vector<16xf32>
        %mul3A_1872 = arith.mulf %add3A_1808, %add3A_1808 : vector<16xf32>
        %mul3A_1873 = arith.mulf %add3A_1816, %add3A_1816 : vector<16xf32>
        %mul3A_1874 = arith.mulf %add3A_1824, %add3A_1824 : vector<16xf32>
        %mul3A_1875 = arith.mulf %add3A_1832, %add3A_1832 : vector<16xf32>
        %mul3A_1876 = arith.mulf %add3A_1840, %add3A_1840 : vector<16xf32>
        %mul3A_1877 = arith.mulf %add3A_1848, %add3A_1848 : vector<16xf32>
        %mul3A_1878 = arith.mulf %add3A_1856, %add3A_1856 : vector<16xf32>
        %mul3A_1879 = arith.mulf %add3A_1864, %add3A_1864 : vector<16xf32>
        %add3A_1880 = arith.addf %mul3A_1872, %mul3A_1873 : vector<16xf32>
        %add3A_1881 = arith.addf %mul3A_1874, %mul3A_1875 : vector<16xf32>
        %add3A_1882 = arith.addf %add3A_1880, %add3A_1881 : vector<16xf32>
        %add3A_1883 = arith.addf %mul3A_1876, %mul3A_1877 : vector<16xf32>
        %add3A_1884 = arith.addf %mul3A_1878, %mul3A_1879 : vector<16xf32>
        %add3A_1885 = arith.addf %add3A_1883, %add3A_1884 : vector<16xf32>
        %add3A_1886 = arith.addf %add3A_1882, %add3A_1885 : vector<16xf32>
        %reduce_sum3A_1887 = arith.constant true
        %reduce_sum3A_1888 = vector.broadcast %reduce_sum3A_1887 : i1 to vector<16xi1>
        %reduce_sum3A_1889 = tpu.scan <sum>, %add3A_1871 masked %reduce_sum3A_1888 : vector<16xf32>, vector<16xi1> -> vector<16xf32>
        %reduce_sum3A_1890 = vector.extract %reduce_sum3A_1889[15] : f32 from vector<16xf32>
        %broadcast_in_dim3A_1891 = vector.broadcast %reduce_sum3A_1890 : f32 to vector<16xf32>
        %mul3A_1892 = arith.mulf %broadcast_in_dim3A_1891, %broadcast_in_dim3A_38 : vector<16xf32>
        %reduce_sum3A_1893 = arith.constant true
        %reduce_sum3A_1894 = vector.broadcast %reduce_sum3A_1893 : i1 to vector<16xi1>
        %reduce_sum3A_1895 = tpu.scan <sum>, %add3A_1886 masked %reduce_sum3A_1894 : vector<16xf32>, vector<16xi1> -> vector<16xf32>
        %reduce_sum3A_1896 = vector.extract %reduce_sum3A_1895[15] : f32 from vector<16xf32>
        %broadcast_in_dim3A_1897 = vector.broadcast %reduce_sum3A_1896 : f32 to vector<16xf32>
        %mul3A_1898 = arith.mulf %broadcast_in_dim3A_1897, %broadcast_in_dim3A_38 : vector<16xf32>
        %mul3A_1899 = arith.mulf %mul3A_1892, %mul3A_1892 : vector<16xf32>
        %sub3A_1900 = arith.subf %mul3A_1898, %mul3A_1899 : vector<16xf32>
        %add3A_1901 = arith.addf %sub3A_1900, %broadcast_in_dim3A_40 : vector<16xf32>
        %bitcast3A_1902 = vector.bitcast %add3A_1901 : vector<16xf32> to vector<16xi32>
        %broadcast_in_dim3A_1903 = arith.constant 1597463007 : i32
        %broadcast_in_dim3A_1904 = vector.broadcast %broadcast_in_dim3A_1903 : i32 to vector<16xi32>
        %shift_right_arithmetic3A_1905 = arith.constant 1 : i32
        %shift_right_arithmetic3A_1906 = vector.broadcast %shift_right_arithmetic3A_1905 : i32 to vector<16xi32>
        %shift_right_arithmetic3A_1907 = arith.shrsi %bitcast3A_1902, %shift_right_arithmetic3A_1906 : vector<16xi32>
        %sub3A_1908 = arith.subi %broadcast_in_dim3A_1904, %shift_right_arithmetic3A_1907 : vector<16xi32>
        %bitcast3A_1909 = vector.bitcast %sub3A_1908 : vector<16xi32> to vector<16xf32>
        %broadcast_in_dim3A_1910 = arith.constant 5.000000e-01 : f32
        %broadcast_in_dim3A_1911 = vector.broadcast %broadcast_in_dim3A_1910 : f32 to vector<16xf32>
        %mul3A_1912 = arith.mulf %add3A_1901, %broadcast_in_dim3A_1911 : vector<16xf32>
        %broadcast_in_dim3A_1913 = arith.constant 1.500000e+00 : f32
        %broadcast_in_dim3A_1914 = vector.broadcast %broadcast_in_dim3A_1913 : f32 to vector<16xf32>
        %mul3A_1915 = arith.mulf %mul3A_1912, %bitcast3A_1909 : vector<16xf32>
        %mul3A_1916 = arith.mulf %mul3A_1915, %bitcast3A_1909 : vector<16xf32>
        %sub3A_1917 = arith.subf %broadcast_in_dim3A_1914, %mul3A_1916 : vector<16xf32>
        %mul3A_1918 = arith.mulf %bitcast3A_1909, %sub3A_1917 : vector<16xf32>
        %mul3A_1919 = arith.mulf %mul3A_1912, %mul3A_1918 : vector<16xf32>
        %mul3A_1920 = arith.mulf %mul3A_1919, %mul3A_1918 : vector<16xf32>
        %sub3A_1921 = arith.subf %broadcast_in_dim3A_1914, %mul3A_1920 : vector<16xf32>
        %mul3A_1922 = arith.mulf %mul3A_1918, %sub3A_1921 : vector<16xf32>
        %mul3A_1923 = arith.mulf %mul3A_1912, %mul3A_1922 : vector<16xf32>
        %mul3A_1924 = arith.mulf %mul3A_1923, %mul3A_1922 : vector<16xf32>
        %sub3A_1925 = arith.subf %broadcast_in_dim3A_1914, %mul3A_1924 : vector<16xf32>
        %mul3A_1926 = arith.mulf %mul3A_1922, %sub3A_1925 : vector<16xf32>
        %sub3A_1927 = arith.subf %add3A_1808, %mul3A_1892 : vector<16xf32>
        %mul3A_1928 = arith.mulf %mul3A_1926, %get3A_1 : vector<16xf32>
        %mul3A_1929 = arith.mulf %sub3A_1927, %mul3A_1928 : vector<16xf32>
        %add3A_1930 = arith.addf %mul3A_1929, %get3A_17 : vector<16xf32>
        %swap3A_1931 = arith.index_cast %add3A_1794 : i32 to index
        %swap3A_1932 = arith.constant 0 : index
        %swap3A_1933 = tpu.vector_load %arg9[%swap3A_1931, %swap3A_1932] {strides = array<i32>} : memref<208x128xf32, #tpu.memory_space<vmem>>, vector<16xf32>,
        tpu.vector_store %arg9[%swap3A_1931, %swap3A_1932], %add3A_1930 {strides = array<i32>} : memref<208x128xf32, #tpu.memory_space<vmem>>, vector<16xf32>,
        %sub3A_1934 = arith.subf %add3A_1816, %mul3A_1892 : vector<16xf32>
        %mul3A_1935 = arith.mulf %mul3A_1926, %get3A_3 : vector<16xf32>
        %mul3A_1936 = arith.mulf %sub3A_1934, %mul3A_1935 : vector<16xf32>
        %add3A_1937 = arith.addf %mul3A_1936, %get3A_19 : vector<16xf32>
        %swap3A_1938 = arith.index_cast %add3A_1794 : i32 to index
        %swap3A_1939 = arith.constant 16 : index
        %swap3A_1940 = tpu.vector_load %arg9[%swap3A_1938, %swap3A_1939] {strides = array<i32>} : memref<208x128xf32, #tpu.memory_space<vmem>>, vector<16xf32>,
        tpu.vector_store %arg9[%swap3A_1938, %swap3A_1939], %add3A_1937 {strides = array<i32>} : memref<208x128xf32, #tpu.memory_space<vmem>>, vector<16xf32>,
        %sub3A_1941 = arith.subf %add3A_1824, %mul3A_1892 : vector<16xf32>
        %mul3A_1942 = arith.mulf %mul3A_1926, %get3A_5 : vector<16xf32>
        %mul3A_1943 = arith.mulf %sub3A_1941, %mul3A_1942 : vector<16xf32>
        %add3A_1944 = arith.addf %mul3A_1943, %get3A_21 : vector<16xf32>
        %swap3A_1945 = arith.index_cast %add3A_1794 : i32 to index
        %swap3A_1946 = arith.constant 32 : index
        %swap3A_1947 = tpu.vector_load %arg9[%swap3A_1945, %swap3A_1946] {strides = array<i32>} : memref<208x128xf32, #tpu.memory_space<vmem>>, vector<16xf32>,
        tpu.vector_store %arg9[%swap3A_1945, %swap3A_1946], %add3A_1944 {strides = array<i32>} : memref<208x128xf32, #tpu.memory_space<vmem>>, vector<16xf32>,
        %sub3A_1948 = arith.subf %add3A_1832, %mul3A_1892 : vector<16xf32>
        %mul3A_1949 = arith.mulf %mul3A_1926, %get3A_7 : vector<16xf32>
        %mul3A_1950 = arith.mulf %sub3A_1948, %mul3A_1949 : vector<16xf32>
        %add3A_1951 = arith.addf %mul3A_1950, %get3A_23 : vector<16xf32>
        %swap3A_1952 = arith.index_cast %add3A_1794 : i32 to index
        %swap3A_1953 = arith.constant 48 : index
        %swap3A_1954 = tpu.vector_load %arg9[%swap3A_1952, %swap3A_1953] {strides = array<i32>} : memref<208x128xf32, #tpu.memory_space<vmem>>, vector<16xf32>,
        tpu.vector_store %arg9[%swap3A_1952, %swap3A_1953], %add3A_1951 {strides = array<i32>} : memref<208x128xf32, #tpu.memory_space<vmem>>, vector<16xf32>,
        %sub3A_1955 = arith.subf %add3A_1840, %mul3A_1892 : vector<16xf32>
        %mul3A_1956 = arith.mulf %mul3A_1926, %get3A_9 : vector<16xf32>
        %mul3A_1957 = arith.mulf %sub3A_1955, %mul3A_1956 : vector<16xf32>
        %add3A_1958 = arith.addf %mul3A_1957, %get3A_25 : vector<16xf32>
        %swap3A_1959 = arith.index_cast %add3A_1794 : i32 to index
        %swap3A_1960 = arith.constant 64 : index
        %swap3A_1961 = tpu.vector_load %arg9[%swap3A_1959, %swap3A_1960] {strides = array<i32>} : memref<208x128xf32, #tpu.memory_space<vmem>>, vector<16xf32>,
        tpu.vector_store %arg9[%swap3A_1959, %swap3A_1960], %add3A_1958 {strides = array<i32>} : memref<208x128xf32, #tpu.memory_space<vmem>>, vector<16xf32>,
        %sub3A_1962 = arith.subf %add3A_1848, %mul3A_1892 : vector<16xf32>
        %mul3A_1963 = arith.mulf %mul3A_1926, %get3A_11 : vector<16xf32>
        %mul3A_1964 = arith.mulf %sub3A_1962, %mul3A_1963 : vector<16xf32>
        %add3A_1965 = arith.addf %mul3A_1964, %get3A_27 : vector<16xf32>
        %swap3A_1966 = arith.index_cast %add3A_1794 : i32 to index
        %swap3A_1967 = arith.constant 80 : index
        %swap3A_1968 = tpu.vector_load %arg9[%swap3A_1966, %swap3A_1967] {strides = array<i32>} : memref<208x128xf32, #tpu.memory_space<vmem>>, vector<16xf32>,
        tpu.vector_store %arg9[%swap3A_1966, %swap3A_1967], %add3A_1965 {strides = array<i32>} : memref<208x128xf32, #tpu.memory_space<vmem>>, vector<16xf32>,
        %sub3A_1969 = arith.subf %add3A_1856, %mul3A_1892 : vector<16xf32>
        %mul3A_1970 = arith.mulf %mul3A_1926, %get3A_13 : vector<16xf32>
        %mul3A_1971 = arith.mulf %sub3A_1969, %mul3A_1970 : vector<16xf32>
        %add3A_1972 = arith.addf %mul3A_1971, %get3A_29 : vector<16xf32>
        %swap3A_1973 = arith.index_cast %add3A_1794 : i32 to index
        %swap3A_1974 = arith.constant 96 : index
        %swap3A_1975 = tpu.vector_load %arg9[%swap3A_1973, %swap3A_1974] {strides = array<i32>} : memref<208x128xf32, #tpu.memory_space<vmem>>, vector<16xf32>,
        tpu.vector_store %arg9[%swap3A_1973, %swap3A_1974], %add3A_1972 {strides = array<i32>} : memref<208x128xf32, #tpu.memory_space<vmem>>, vector<16xf32>,
        %sub3A_1976 = arith.subf %add3A_1864, %mul3A_1892 : vector<16xf32>
        %mul3A_1977 = arith.mulf %mul3A_1926, %get3A_15 : vector<16xf32>
        %mul3A_1978 = arith.mulf %sub3A_1976, %mul3A_1977 : vector<16xf32>
        %add3A_1979 = arith.addf %mul3A_1978, %get3A_31 : vector<16xf32>
        %swap3A_1980 = arith.index_cast %add3A_1794 : i32 to index
        %swap3A_1981 = arith.constant 112 : index
        %swap3A_1982 = tpu.vector_load %arg9[%swap3A_1980, %swap3A_1981] {strides = array<i32>} : memref<208x128xf32, #tpu.memory_space<vmem>>, vector<16xf32>,
        tpu.vector_store %arg9[%swap3A_1980, %swap3A_1981], %add3A_1979 {strides = array<i32>} : memref<208x128xf32, #tpu.memory_space<vmem>>, vector<16xf32>,
        %add3A_1983 = arith.constant 10 : i32
        %add3A_1984 = arith.addi %mul3A_88, %add3A_1983 : i32
        %broadcast_in_dim3A_1985 = arith.constant 10 : i32
        %broadcast_in_dim3A_1986 = vector.broadcast %broadcast_in_dim3A_1985 : i32 to vector<16x1xi32>
        %gather3A_1987 = vector.shape_cast %broadcast_in_dim3A_1986 : vector<16x1xi32> to vector<16xi32>
        %gather3A_1988 = tpu.dynamic_gather %get3A_90[%gather3A_1987] in [0] : vector<16xi32>, vector<16xi32> -> vector<16xi32>
        %ne3A_1989 = arith.cmpi ne, %gather3A_1988, %broadcast_in_dim3A_36 : vector<16xi32>
        %select_n3A_1990 = arith.select %ne3A_1989, %broadcast_in_dim3A_32, %broadcast_in_dim3A_34 : vector<16xi1>, vector<16xf32>
        %get3A_1991 = arith.index_cast %add3A_1984 : i32 to index
        %get3A_1992 = arith.constant 0 : index
        %get3A_1993 = tpu.vector_load %arg9[%get3A_1991, %get3A_1992] {strides = array<i32>} : memref<208x128xf32, #tpu.memory_space<vmem>>, vector<16xf32>,
        %get3A_1994 = arith.index_cast %add3A_1984 : i32 to index
        %get3A_1995 = arith.constant 0 : index
        %get3A_1996 = tpu.vector_load %arg10[%get3A_1994, %get3A_1995] {strides = array<i32>} : memref<208x128xf32, #tpu.memory_space<vmem>>, vector<16xf32>,
        %mul3A_1997 = arith.mulf %get3A_1993, %select_n3A_1990 : vector<16xf32>
        %add3A_1998 = arith.addf %mul3A_1997, %get3A_1996 : vector<16xf32>
        %get3A_1999 = arith.index_cast %add3A_1984 : i32 to index
        %get3A_2000 = arith.constant 16 : index
        %get3A_2001 = tpu.vector_load %arg9[%get3A_1999, %get3A_2000] {strides = array<i32>} : memref<208x128xf32, #tpu.memory_space<vmem>>, vector<16xf32>,
        %get3A_2002 = arith.index_cast %add3A_1984 : i32 to index
        %get3A_2003 = arith.constant 16 : index
        %get3A_2004 = tpu.vector_load %arg10[%get3A_2002, %get3A_2003] {strides = array<i32>} : memref<208x128xf32, #tpu.memory_space<vmem>>, vector<16xf32>,
        %mul3A_2005 = arith.mulf %get3A_2001, %select_n3A_1990 : vector<16xf32>
        %add3A_2006 = arith.addf %mul3A_2005, %get3A_2004 : vector<16xf32>
        %get3A_2007 = arith.index_cast %add3A_1984 : i32 to index
        %get3A_2008 = arith.constant 32 : index
        %get3A_2009 = tpu.vector_load %arg9[%get3A_2007, %get3A_2008] {strides = array<i32>} : memref<208x128xf32, #tpu.memory_space<vmem>>, vector<16xf32>,
        %get3A_2010 = arith.index_cast %add3A_1984 : i32 to index
        %get3A_2011 = arith.constant 32 : index
        %get3A_2012 = tpu.vector_load %arg10[%get3A_2010, %get3A_2011] {strides = array<i32>} : memref<208x128xf32, #tpu.memory_space<vmem>>, vector<16xf32>,
        %mul3A_2013 = arith.mulf %get3A_2009, %select_n3A_1990 : vector<16xf32>
        %add3A_2014 = arith.addf %mul3A_2013, %get3A_2012 : vector<16xf32>
        %get3A_2015 = arith.index_cast %add3A_1984 : i32 to index
        %get3A_2016 = arith.constant 48 : index
        %get3A_2017 = tpu.vector_load %arg9[%get3A_2015, %get3A_2016] {strides = array<i32>} : memref<208x128xf32, #tpu.memory_space<vmem>>, vector<16xf32>,
        %get3A_2018 = arith.index_cast %add3A_1984 : i32 to index
        %get3A_2019 = arith.constant 48 : index
        %get3A_2020 = tpu.vector_load %arg10[%get3A_2018, %get3A_2019] {strides = array<i32>} : memref<208x128xf32, #tpu.memory_space<vmem>>, vector<16xf32>,
        %mul3A_2021 = arith.mulf %get3A_2017, %select_n3A_1990 : vector<16xf32>
        %add3A_2022 = arith.addf %mul3A_2021, %get3A_2020 : vector<16xf32>
        %get3A_2023 = arith.index_cast %add3A_1984 : i32 to index
        %get3A_2024 = arith.constant 64 : index
        %get3A_2025 = tpu.vector_load %arg9[%get3A_2023, %get3A_2024] {strides = array<i32>} : memref<208x128xf32, #tpu.memory_space<vmem>>, vector<16xf32>,
        %get3A_2026 = arith.index_cast %add3A_1984 : i32 to index
        %get3A_2027 = arith.constant 64 : index
        %get3A_2028 = tpu.vector_load %arg10[%get3A_2026, %get3A_2027] {strides = array<i32>} : memref<208x128xf32, #tpu.memory_space<vmem>>, vector<16xf32>,
        %mul3A_2029 = arith.mulf %get3A_2025, %select_n3A_1990 : vector<16xf32>
        %add3A_2030 = arith.addf %mul3A_2029, %get3A_2028 : vector<16xf32>
        %get3A_2031 = arith.index_cast %add3A_1984 : i32 to index
        %get3A_2032 = arith.constant 80 : index
        %get3A_2033 = tpu.vector_load %arg9[%get3A_2031, %get3A_2032] {strides = array<i32>} : memref<208x128xf32, #tpu.memory_space<vmem>>, vector<16xf32>,
        %get3A_2034 = arith.index_cast %add3A_1984 : i32 to index
        %get3A_2035 = arith.constant 80 : index
        %get3A_2036 = tpu.vector_load %arg10[%get3A_2034, %get3A_2035] {strides = array<i32>} : memref<208x128xf32, #tpu.memory_space<vmem>>, vector<16xf32>,
        %mul3A_2037 = arith.mulf %get3A_2033, %select_n3A_1990 : vector<16xf32>
        %add3A_2038 = arith.addf %mul3A_2037, %get3A_2036 : vector<16xf32>
        %get3A_2039 = arith.index_cast %add3A_1984 : i32 to index
        %get3A_2040 = arith.constant 96 : index
        %get3A_2041 = tpu.vector_load %arg9[%get3A_2039, %get3A_2040] {strides = array<i32>} : memref<208x128xf32, #tpu.memory_space<vmem>>, vector<16xf32>,
        %get3A_2042 = arith.index_cast %add3A_1984 : i32 to index
        %get3A_2043 = arith.constant 96 : index
        %get3A_2044 = tpu.vector_load %arg10[%get3A_2042, %get3A_2043] {strides = array<i32>} : memref<208x128xf32, #tpu.memory_space<vmem>>, vector<16xf32>,
        %mul3A_2045 = arith.mulf %get3A_2041, %select_n3A_1990 : vector<16xf32>
        %add3A_2046 = arith.addf %mul3A_2045, %get3A_2044 : vector<16xf32>
        %get3A_2047 = arith.index_cast %add3A_1984 : i32 to index
        %get3A_2048 = arith.constant 112 : index
        %get3A_2049 = tpu.vector_load %arg9[%get3A_2047, %get3A_2048] {strides = array<i32>} : memref<208x128xf32, #tpu.memory_space<vmem>>, vector<16xf32>,
        %get3A_2050 = arith.index_cast %add3A_1984 : i32 to index
        %get3A_2051 = arith.constant 112 : index
        %get3A_2052 = tpu.vector_load %arg10[%get3A_2050, %get3A_2051] {strides = array<i32>} : memref<208x128xf32, #tpu.memory_space<vmem>>, vector<16xf32>,
        %mul3A_2053 = arith.mulf %get3A_2049, %select_n3A_1990 : vector<16xf32>
        %add3A_2054 = arith.addf %mul3A_2053, %get3A_2052 : vector<16xf32>
        %add3A_2055 = arith.addf %add3A_1998, %add3A_2006 : vector<16xf32>
        %add3A_2056 = arith.addf %add3A_2014, %add3A_2022 : vector<16xf32>
        %add3A_2057 = arith.addf %add3A_2055, %add3A_2056 : vector<16xf32>
        %add3A_2058 = arith.addf %add3A_2030, %add3A_2038 : vector<16xf32>
        %add3A_2059 = arith.addf %add3A_2046, %add3A_2054 : vector<16xf32>
        %add3A_2060 = arith.addf %add3A_2058, %add3A_2059 : vector<16xf32>
        %add3A_2061 = arith.addf %add3A_2057, %add3A_2060 : vector<16xf32>
        %mul3A_2062 = arith.mulf %add3A_1998, %add3A_1998 : vector<16xf32>
        %mul3A_2063 = arith.mulf %add3A_2006, %add3A_2006 : vector<16xf32>
        %mul3A_2064 = arith.mulf %add3A_2014, %add3A_2014 : vector<16xf32>
        %mul3A_2065 = arith.mulf %add3A_2022, %add3A_2022 : vector<16xf32>
        %mul3A_2066 = arith.mulf %add3A_2030, %add3A_2030 : vector<16xf32>
        %mul3A_2067 = arith.mulf %add3A_2038, %add3A_2038 : vector<16xf32>
        %mul3A_2068 = arith.mulf %add3A_2046, %add3A_2046 : vector<16xf32>
        %mul3A_2069 = arith.mulf %add3A_2054, %add3A_2054 : vector<16xf32>
        %add3A_2070 = arith.addf %mul3A_2062, %mul3A_2063 : vector<16xf32>
        %add3A_2071 = arith.addf %mul3A_2064, %mul3A_2065 : vector<16xf32>
        %add3A_2072 = arith.addf %add3A_2070, %add3A_2071 : vector<16xf32>
        %add3A_2073 = arith.addf %mul3A_2066, %mul3A_2067 : vector<16xf32>
        %add3A_2074 = arith.addf %mul3A_2068, %mul3A_2069 : vector<16xf32>
        %add3A_2075 = arith.addf %add3A_2073, %add3A_2074 : vector<16xf32>
        %add3A_2076 = arith.addf %add3A_2072, %add3A_2075 : vector<16xf32>
        %reduce_sum3A_2077 = arith.constant true
        %reduce_sum3A_2078 = vector.broadcast %reduce_sum3A_2077 : i1 to vector<16xi1>
        %reduce_sum3A_2079 = tpu.scan <sum>, %add3A_2061 masked %reduce_sum3A_2078 : vector<16xf32>, vector<16xi1> -> vector<16xf32>
        %reduce_sum3A_2080 = vector.extract %reduce_sum3A_2079[15] : f32 from vector<16xf32>
        %broadcast_in_dim3A_2081 = vector.broadcast %reduce_sum3A_2080 : f32 to vector<16xf32>
        %mul3A_2082 = arith.mulf %broadcast_in_dim3A_2081, %broadcast_in_dim3A_38 : vector<16xf32>
        %reduce_sum3A_2083 = arith.constant true
        %reduce_sum3A_2084 = vector.broadcast %reduce_sum3A_2083 : i1 to vector<16xi1>
        %reduce_sum3A_2085 = tpu.scan <sum>, %add3A_2076 masked %reduce_sum3A_2084 : vector<16xf32>, vector<16xi1> -> vector<16xf32>
        %reduce_sum3A_2086 = vector.extract %reduce_sum3A_2085[15] : f32 from vector<16xf32>
        %broadcast_in_dim3A_2087 = vector.broadcast %reduce_sum3A_2086 : f32 to vector<16xf32>
        %mul3A_2088 = arith.mulf %broadcast_in_dim3A_2087, %broadcast_in_dim3A_38 : vector<16xf32>
        %mul3A_2089 = arith.mulf %mul3A_2082, %mul3A_2082 : vector<16xf32>
        %sub3A_2090 = arith.subf %mul3A_2088, %mul3A_2089 : vector<16xf32>
        %add3A_2091 = arith.addf %sub3A_2090, %broadcast_in_dim3A_40 : vector<16xf32>
        %bitcast3A_2092 = vector.bitcast %add3A_2091 : vector<16xf32> to vector<16xi32>
        %broadcast_in_dim3A_2093 = arith.constant 1597463007 : i32
        %broadcast_in_dim3A_2094 = vector.broadcast %broadcast_in_dim3A_2093 : i32 to vector<16xi32>
        %shift_right_arithmetic3A_2095 = arith.constant 1 : i32
        %shift_right_arithmetic3A_2096 = vector.broadcast %shift_right_arithmetic3A_2095 : i32 to vector<16xi32>
        %shift_right_arithmetic3A_2097 = arith.shrsi %bitcast3A_2092, %shift_right_arithmetic3A_2096 : vector<16xi32>
        %sub3A_2098 = arith.subi %broadcast_in_dim3A_2094, %shift_right_arithmetic3A_2097 : vector<16xi32>
        %bitcast3A_2099 = vector.bitcast %sub3A_2098 : vector<16xi32> to vector<16xf32>
        %broadcast_in_dim3A_2100 = arith.constant 5.000000e-01 : f32
        %broadcast_in_dim3A_2101 = vector.broadcast %broadcast_in_dim3A_2100 : f32 to vector<16xf32>
        %mul3A_2102 = arith.mulf %add3A_2091, %broadcast_in_dim3A_2101 : vector<16xf32>
        %broadcast_in_dim3A_2103 = arith.constant 1.500000e+00 : f32
        %broadcast_in_dim3A_2104 = vector.broadcast %broadcast_in_dim3A_2103 : f32 to vector<16xf32>
        %mul3A_2105 = arith.mulf %mul3A_2102, %bitcast3A_2099 : vector<16xf32>
        %mul3A_2106 = arith.mulf %mul3A_2105, %bitcast3A_2099 : vector<16xf32>
        %sub3A_2107 = arith.subf %broadcast_in_dim3A_2104, %mul3A_2106 : vector<16xf32>
        %mul3A_2108 = arith.mulf %bitcast3A_2099, %sub3A_2107 : vector<16xf32>
        %mul3A_2109 = arith.mulf %mul3A_2102, %mul3A_2108 : vector<16xf32>
        %mul3A_2110 = arith.mulf %mul3A_2109, %mul3A_2108 : vector<16xf32>
        %sub3A_2111 = arith.subf %broadcast_in_dim3A_2104, %mul3A_2110 : vector<16xf32>
        %mul3A_2112 = arith.mulf %mul3A_2108, %sub3A_2111 : vector<16xf32>
        %mul3A_2113 = arith.mulf %mul3A_2102, %mul3A_2112 : vector<16xf32>
        %mul3A_2114 = arith.mulf %mul3A_2113, %mul3A_2112 : vector<16xf32>
        %sub3A_2115 = arith.subf %broadcast_in_dim3A_2104, %mul3A_2114 : vector<16xf32>
        %mul3A_2116 = arith.mulf %mul3A_2112, %sub3A_2115 : vector<16xf32>
        %sub3A_2117 = arith.subf %add3A_1998, %mul3A_2082 : vector<16xf32>
        %mul3A_2118 = arith.mulf %mul3A_2116, %get3A_1 : vector<16xf32>
        %mul3A_2119 = arith.mulf %sub3A_2117, %mul3A_2118 : vector<16xf32>
        %add3A_2120 = arith.addf %mul3A_2119, %get3A_17 : vector<16xf32>
        %swap3A_2121 = arith.index_cast %add3A_1984 : i32 to index
        %swap3A_2122 = arith.constant 0 : index
        %swap3A_2123 = tpu.vector_load %arg9[%swap3A_2121, %swap3A_2122] {strides = array<i32>} : memref<208x128xf32, #tpu.memory_space<vmem>>, vector<16xf32>,
        tpu.vector_store %arg9[%swap3A_2121, %swap3A_2122], %add3A_2120 {strides = array<i32>} : memref<208x128xf32, #tpu.memory_space<vmem>>, vector<16xf32>,
        %sub3A_2124 = arith.subf %add3A_2006, %mul3A_2082 : vector<16xf32>
        %mul3A_2125 = arith.mulf %mul3A_2116, %get3A_3 : vector<16xf32>
        %mul3A_2126 = arith.mulf %sub3A_2124, %mul3A_2125 : vector<16xf32>
        %add3A_2127 = arith.addf %mul3A_2126, %get3A_19 : vector<16xf32>
        %swap3A_2128 = arith.index_cast %add3A_1984 : i32 to index
        %swap3A_2129 = arith.constant 16 : index
        %swap3A_2130 = tpu.vector_load %arg9[%swap3A_2128, %swap3A_2129] {strides = array<i32>} : memref<208x128xf32, #tpu.memory_space<vmem>>, vector<16xf32>,
        tpu.vector_store %arg9[%swap3A_2128, %swap3A_2129], %add3A_2127 {strides = array<i32>} : memref<208x128xf32, #tpu.memory_space<vmem>>, vector<16xf32>,
        %sub3A_2131 = arith.subf %add3A_2014, %mul3A_2082 : vector<16xf32>
        %mul3A_2132 = arith.mulf %mul3A_2116, %get3A_5 : vector<16xf32>
        %mul3A_2133 = arith.mulf %sub3A_2131, %mul3A_2132 : vector<16xf32>
        %add3A_2134 = arith.addf %mul3A_2133, %get3A_21 : vector<16xf32>
        %swap3A_2135 = arith.index_cast %add3A_1984 : i32 to index
        %swap3A_2136 = arith.constant 32 : index
        %swap3A_2137 = tpu.vector_load %arg9[%swap3A_2135, %swap3A_2136] {strides = array<i32>} : memref<208x128xf32, #tpu.memory_space<vmem>>, vector<16xf32>,
        tpu.vector_store %arg9[%swap3A_2135, %swap3A_2136], %add3A_2134 {strides = array<i32>} : memref<208x128xf32, #tpu.memory_space<vmem>>, vector<16xf32>,
        %sub3A_2138 = arith.subf %add3A_2022, %mul3A_2082 : vector<16xf32>
        %mul3A_2139 = arith.mulf %mul3A_2116, %get3A_7 : vector<16xf32>
        %mul3A_2140 = arith.mulf %sub3A_2138, %mul3A_2139 : vector<16xf32>
        %add3A_2141 = arith.addf %mul3A_2140, %get3A_23 : vector<16xf32>
        %swap3A_2142 = arith.index_cast %add3A_1984 : i32 to index
        %swap3A_2143 = arith.constant 48 : index
        %swap3A_2144 = tpu.vector_load %arg9[%swap3A_2142, %swap3A_2143] {strides = array<i32>} : memref<208x128xf32, #tpu.memory_space<vmem>>, vector<16xf32>,
        tpu.vector_store %arg9[%swap3A_2142, %swap3A_2143], %add3A_2141 {strides = array<i32>} : memref<208x128xf32, #tpu.memory_space<vmem>>, vector<16xf32>,
        %sub3A_2145 = arith.subf %add3A_2030, %mul3A_2082 : vector<16xf32>
        %mul3A_2146 = arith.mulf %mul3A_2116, %get3A_9 : vector<16xf32>
        %mul3A_2147 = arith.mulf %sub3A_2145, %mul3A_2146 : vector<16xf32>
        %add3A_2148 = arith.addf %mul3A_2147, %get3A_25 : vector<16xf32>
        %swap3A_2149 = arith.index_cast %add3A_1984 : i32 to index
        %swap3A_2150 = arith.constant 64 : index
        %swap3A_2151 = tpu.vector_load %arg9[%swap3A_2149, %swap3A_2150] {strides = array<i32>} : memref<208x128xf32, #tpu.memory_space<vmem>>, vector<16xf32>,
        tpu.vector_store %arg9[%swap3A_2149, %swap3A_2150], %add3A_2148 {strides = array<i32>} : memref<208x128xf32, #tpu.memory_space<vmem>>, vector<16xf32>,
        %sub3A_2152 = arith.subf %add3A_2038, %mul3A_2082 : vector<16xf32>
        %mul3A_2153 = arith.mulf %mul3A_2116, %get3A_11 : vector<16xf32>
        %mul3A_2154 = arith.mulf %sub3A_2152, %mul3A_2153 : vector<16xf32>
        %add3A_2155 = arith.addf %mul3A_2154, %get3A_27 : vector<16xf32>
        %swap3A_2156 = arith.index_cast %add3A_1984 : i32 to index
        %swap3A_2157 = arith.constant 80 : index
        %swap3A_2158 = tpu.vector_load %arg9[%swap3A_2156, %swap3A_2157] {strides = array<i32>} : memref<208x128xf32, #tpu.memory_space<vmem>>, vector<16xf32>,
        tpu.vector_store %arg9[%swap3A_2156, %swap3A_2157], %add3A_2155 {strides = array<i32>} : memref<208x128xf32, #tpu.memory_space<vmem>>, vector<16xf32>,
        %sub3A_2159 = arith.subf %add3A_2046, %mul3A_2082 : vector<16xf32>
        %mul3A_2160 = arith.mulf %mul3A_2116, %get3A_13 : vector<16xf32>
        %mul3A_2161 = arith.mulf %sub3A_2159, %mul3A_2160 : vector<16xf32>
        %add3A_2162 = arith.addf %mul3A_2161, %get3A_29 : vector<16xf32>
        %swap3A_2163 = arith.index_cast %add3A_1984 : i32 to index
        %swap3A_2164 = arith.constant 96 : index
        %swap3A_2165 = tpu.vector_load %arg9[%swap3A_2163, %swap3A_2164] {strides = array<i32>} : memref<208x128xf32, #tpu.memory_space<vmem>>, vector<16xf32>,
        tpu.vector_store %arg9[%swap3A_2163, %swap3A_2164], %add3A_2162 {strides = array<i32>} : memref<208x128xf32, #tpu.memory_space<vmem>>, vector<16xf32>,
        %sub3A_2166 = arith.subf %add3A_2054, %mul3A_2082 : vector<16xf32>
        %mul3A_2167 = arith.mulf %mul3A_2116, %get3A_15 : vector<16xf32>
        %mul3A_2168 = arith.mulf %sub3A_2166, %mul3A_2167 : vector<16xf32>
        %add3A_2169 = arith.addf %mul3A_2168, %get3A_31 : vector<16xf32>
        %swap3A_2170 = arith.index_cast %add3A_1984 : i32 to index
        %swap3A_2171 = arith.constant 112 : index
        %swap3A_2172 = tpu.vector_load %arg9[%swap3A_2170, %swap3A_2171] {strides = array<i32>} : memref<208x128xf32, #tpu.memory_space<vmem>>, vector<16xf32>,
        tpu.vector_store %arg9[%swap3A_2170, %swap3A_2171], %add3A_2169 {strides = array<i32>} : memref<208x128xf32, #tpu.memory_space<vmem>>, vector<16xf32>,
        %add3A_2173 = arith.constant 11 : i32
        %add3A_2174 = arith.addi %mul3A_88, %add3A_2173 : i32
        %broadcast_in_dim3A_2175 = arith.constant 11 : i32
        %broadcast_in_dim3A_2176 = vector.broadcast %broadcast_in_dim3A_2175 : i32 to vector<16x1xi32>
        %gather3A_2177 = vector.shape_cast %broadcast_in_dim3A_2176 : vector<16x1xi32> to vector<16xi32>
        %gather3A_2178 = tpu.dynamic_gather %get3A_90[%gather3A_2177] in [0] : vector<16xi32>, vector<16xi32> -> vector<16xi32>
        %ne3A_2179 = arith.cmpi ne, %gather3A_2178, %broadcast_in_dim3A_36 : vector<16xi32>
        %select_n3A_2180 = arith.select %ne3A_2179, %broadcast_in_dim3A_32, %broadcast_in_dim3A_34 : vector<16xi1>, vector<16xf32>
        %get3A_2181 = arith.index_cast %add3A_2174 : i32 to index
        %get3A_2182 = arith.constant 0 : index
        %get3A_2183 = tpu.vector_load %arg9[%get3A_2181, %get3A_2182] {strides = array<i32>} : memref<208x128xf32, #tpu.memory_space<vmem>>, vector<16xf32>,
        %get3A_2184 = arith.index_cast %add3A_2174 : i32 to index
        %get3A_2185 = arith.constant 0 : index
        %get3A_2186 = tpu.vector_load %arg10[%get3A_2184, %get3A_2185] {strides = array<i32>} : memref<208x128xf32, #tpu.memory_space<vmem>>, vector<16xf32>,
        %mul3A_2187 = arith.mulf %get3A_2183, %select_n3A_2180 : vector<16xf32>
        %add3A_2188 = arith.addf %mul3A_2187, %get3A_2186 : vector<16xf32>
        %get3A_2189 = arith.index_cast %add3A_2174 : i32 to index
        %get3A_2190 = arith.constant 16 : index
        %get3A_2191 = tpu.vector_load %arg9[%get3A_2189, %get3A_2190] {strides = array<i32>} : memref<208x128xf32, #tpu.memory_space<vmem>>, vector<16xf32>,
        %get3A_2192 = arith.index_cast %add3A_2174 : i32 to index
        %get3A_2193 = arith.constant 16 : index
        %get3A_2194 = tpu.vector_load %arg10[%get3A_2192, %get3A_2193] {strides = array<i32>} : memref<208x128xf32, #tpu.memory_space<vmem>>, vector<16xf32>,
        %mul3A_2195 = arith.mulf %get3A_2191, %select_n3A_2180 : vector<16xf32>
        %add3A_2196 = arith.addf %mul3A_2195, %get3A_2194 : vector<16xf32>
        %get3A_2197 = arith.index_cast %add3A_2174 : i32 to index
        %get3A_2198 = arith.constant 32 : index
        %get3A_2199 = tpu.vector_load %arg9[%get3A_2197, %get3A_2198] {strides = array<i32>} : memref<208x128xf32, #tpu.memory_space<vmem>>, vector<16xf32>,
        %get3A_2200 = arith.index_cast %add3A_2174 : i32 to index
        %get3A_2201 = arith.constant 32 : index
        %get3A_2202 = tpu.vector_load %arg10[%get3A_2200, %get3A_2201] {strides = array<i32>} : memref<208x128xf32, #tpu.memory_space<vmem>>, vector<16xf32>,
        %mul3A_2203 = arith.mulf %get3A_2199, %select_n3A_2180 : vector<16xf32>
        %add3A_2204 = arith.addf %mul3A_2203, %get3A_2202 : vector<16xf32>
        %get3A_2205 = arith.index_cast %add3A_2174 : i32 to index
        %get3A_2206 = arith.constant 48 : index
        %get3A_2207 = tpu.vector_load %arg9[%get3A_2205, %get3A_2206] {strides = array<i32>} : memref<208x128xf32, #tpu.memory_space<vmem>>, vector<16xf32>,
        %get3A_2208 = arith.index_cast %add3A_2174 : i32 to index
        %get3A_2209 = arith.constant 48 : index
        %get3A_2210 = tpu.vector_load %arg10[%get3A_2208, %get3A_2209] {strides = array<i32>} : memref<208x128xf32, #tpu.memory_space<vmem>>, vector<16xf32>,
        %mul3A_2211 = arith.mulf %get3A_2207, %select_n3A_2180 : vector<16xf32>
        %add3A_2212 = arith.addf %mul3A_2211, %get3A_2210 : vector<16xf32>
        %get3A_2213 = arith.index_cast %add3A_2174 : i32 to index
        %get3A_2214 = arith.constant 64 : index
        %get3A_2215 = tpu.vector_load %arg9[%get3A_2213, %get3A_2214] {strides = array<i32>} : memref<208x128xf32, #tpu.memory_space<vmem>>, vector<16xf32>,
        %get3A_2216 = arith.index_cast %add3A_2174 : i32 to index
        %get3A_2217 = arith.constant 64 : index
        %get3A_2218 = tpu.vector_load %arg10[%get3A_2216, %get3A_2217] {strides = array<i32>} : memref<208x128xf32, #tpu.memory_space<vmem>>, vector<16xf32>,
        %mul3A_2219 = arith.mulf %get3A_2215, %select_n3A_2180 : vector<16xf32>
        %add3A_2220 = arith.addf %mul3A_2219, %get3A_2218 : vector<16xf32>
        %get3A_2221 = arith.index_cast %add3A_2174 : i32 to index
        %get3A_2222 = arith.constant 80 : index
        %get3A_2223 = tpu.vector_load %arg9[%get3A_2221, %get3A_2222] {strides = array<i32>} : memref<208x128xf32, #tpu.memory_space<vmem>>, vector<16xf32>,
        %get3A_2224 = arith.index_cast %add3A_2174 : i32 to index
        %get3A_2225 = arith.constant 80 : index
        %get3A_2226 = tpu.vector_load %arg10[%get3A_2224, %get3A_2225] {strides = array<i32>} : memref<208x128xf32, #tpu.memory_space<vmem>>, vector<16xf32>,
        %mul3A_2227 = arith.mulf %get3A_2223, %select_n3A_2180 : vector<16xf32>
        %add3A_2228 = arith.addf %mul3A_2227, %get3A_2226 : vector<16xf32>
        %get3A_2229 = arith.index_cast %add3A_2174 : i32 to index
        %get3A_2230 = arith.constant 96 : index
        %get3A_2231 = tpu.vector_load %arg9[%get3A_2229, %get3A_2230] {strides = array<i32>} : memref<208x128xf32, #tpu.memory_space<vmem>>, vector<16xf32>,
        %get3A_2232 = arith.index_cast %add3A_2174 : i32 to index
        %get3A_2233 = arith.constant 96 : index
        %get3A_2234 = tpu.vector_load %arg10[%get3A_2232, %get3A_2233] {strides = array<i32>} : memref<208x128xf32, #tpu.memory_space<vmem>>, vector<16xf32>,
        %mul3A_2235 = arith.mulf %get3A_2231, %select_n3A_2180 : vector<16xf32>
        %add3A_2236 = arith.addf %mul3A_2235, %get3A_2234 : vector<16xf32>
        %get3A_2237 = arith.index_cast %add3A_2174 : i32 to index
        %get3A_2238 = arith.constant 112 : index
        %get3A_2239 = tpu.vector_load %arg9[%get3A_2237, %get3A_2238] {strides = array<i32>} : memref<208x128xf32, #tpu.memory_space<vmem>>, vector<16xf32>,
        %get3A_2240 = arith.index_cast %add3A_2174 : i32 to index
        %get3A_2241 = arith.constant 112 : index
        %get3A_2242 = tpu.vector_load %arg10[%get3A_2240, %get3A_2241] {strides = array<i32>} : memref<208x128xf32, #tpu.memory_space<vmem>>, vector<16xf32>,
        %mul3A_2243 = arith.mulf %get3A_2239, %select_n3A_2180 : vector<16xf32>
        %add3A_2244 = arith.addf %mul3A_2243, %get3A_2242 : vector<16xf32>
        %add3A_2245 = arith.addf %add3A_2188, %add3A_2196 : vector<16xf32>
        %add3A_2246 = arith.addf %add3A_2204, %add3A_2212 : vector<16xf32>
        %add3A_2247 = arith.addf %add3A_2245, %add3A_2246 : vector<16xf32>
        %add3A_2248 = arith.addf %add3A_2220, %add3A_2228 : vector<16xf32>
        %add3A_2249 = arith.addf %add3A_2236, %add3A_2244 : vector<16xf32>
        %add3A_2250 = arith.addf %add3A_2248, %add3A_2249 : vector<16xf32>
        %add3A_2251 = arith.addf %add3A_2247, %add3A_2250 : vector<16xf32>
        %mul3A_2252 = arith.mulf %add3A_2188, %add3A_2188 : vector<16xf32>
        %mul3A_2253 = arith.mulf %add3A_2196, %add3A_2196 : vector<16xf32>
        %mul3A_2254 = arith.mulf %add3A_2204, %add3A_2204 : vector<16xf32>
        %mul3A_2255 = arith.mulf %add3A_2212, %add3A_2212 : vector<16xf32>
        %mul3A_2256 = arith.mulf %add3A_2220, %add3A_2220 : vector<16xf32>
        %mul3A_2257 = arith.mulf %add3A_2228, %add3A_2228 : vector<16xf32>
        %mul3A_2258 = arith.mulf %add3A_2236, %add3A_2236 : vector<16xf32>
        %mul3A_2259 = arith.mulf %add3A_2244, %add3A_2244 : vector<16xf32>
        %add3A_2260 = arith.addf %mul3A_2252, %mul3A_2253 : vector<16xf32>
        %add3A_2261 = arith.addf %mul3A_2254, %mul3A_2255 : vector<16xf32>
        %add3A_2262 = arith.addf %add3A_2260, %add3A_2261 : vector<16xf32>
        %add3A_2263 = arith.addf %mul3A_2256, %mul3A_2257 : vector<16xf32>
        %add3A_2264 = arith.addf %mul3A_2258, %mul3A_2259 : vector<16xf32>
        %add3A_2265 = arith.addf %add3A_2263, %add3A_2264 : vector<16xf32>
        %add3A_2266 = arith.addf %add3A_2262, %add3A_2265 : vector<16xf32>
        %reduce_sum3A_2267 = arith.constant true
        %reduce_sum3A_2268 = vector.broadcast %reduce_sum3A_2267 : i1 to vector<16xi1>
        %reduce_sum3A_2269 = tpu.scan <sum>, %add3A_2251 masked %reduce_sum3A_2268 : vector<16xf32>, vector<16xi1> -> vector<16xf32>
        %reduce_sum3A_2270 = vector.extract %reduce_sum3A_2269[15] : f32 from vector<16xf32>
        %broadcast_in_dim3A_2271 = vector.broadcast %reduce_sum3A_2270 : f32 to vector<16xf32>
        %mul3A_2272 = arith.mulf %broadcast_in_dim3A_2271, %broadcast_in_dim3A_38 : vector<16xf32>
        %reduce_sum3A_2273 = arith.constant true
        %reduce_sum3A_2274 = vector.broadcast %reduce_sum3A_2273 : i1 to vector<16xi1>
        %reduce_sum3A_2275 = tpu.scan <sum>, %add3A_2266 masked %reduce_sum3A_2274 : vector<16xf32>, vector<16xi1> -> vector<16xf32>
        %reduce_sum3A_2276 = vector.extract %reduce_sum3A_2275[15] : f32 from vector<16xf32>
        %broadcast_in_dim3A_2277 = vector.broadcast %reduce_sum3A_2276 : f32 to vector<16xf32>
        %mul3A_2278 = arith.mulf %broadcast_in_dim3A_2277, %broadcast_in_dim3A_38 : vector<16xf32>
        %mul3A_2279 = arith.mulf %mul3A_2272, %mul3A_2272 : vector<16xf32>
        %sub3A_2280 = arith.subf %mul3A_2278, %mul3A_2279 : vector<16xf32>
        %add3A_2281 = arith.addf %sub3A_2280, %broadcast_in_dim3A_40 : vector<16xf32>
        %bitcast3A_2282 = vector.bitcast %add3A_2281 : vector<16xf32> to vector<16xi32>
        %broadcast_in_dim3A_2283 = arith.constant 1597463007 : i32
        %broadcast_in_dim3A_2284 = vector.broadcast %broadcast_in_dim3A_2283 : i32 to vector<16xi32>
        %shift_right_arithmetic3A_2285 = arith.constant 1 : i32
        %shift_right_arithmetic3A_2286 = vector.broadcast %shift_right_arithmetic3A_2285 : i32 to vector<16xi32>
        %shift_right_arithmetic3A_2287 = arith.shrsi %bitcast3A_2282, %shift_right_arithmetic3A_2286 : vector<16xi32>
        %sub3A_2288 = arith.subi %broadcast_in_dim3A_2284, %shift_right_arithmetic3A_2287 : vector<16xi32>
        %bitcast3A_2289 = vector.bitcast %sub3A_2288 : vector<16xi32> to vector<16xf32>
        %broadcast_in_dim3A_2290 = arith.constant 5.000000e-01 : f32
        %broadcast_in_dim3A_2291 = vector.broadcast %broadcast_in_dim3A_2290 : f32 to vector<16xf32>
        %mul3A_2292 = arith.mulf %add3A_2281, %broadcast_in_dim3A_2291 : vector<16xf32>
        %broadcast_in_dim3A_2293 = arith.constant 1.500000e+00 : f32
        %broadcast_in_dim3A_2294 = vector.broadcast %broadcast_in_dim3A_2293 : f32 to vector<16xf32>
        %mul3A_2295 = arith.mulf %mul3A_2292, %bitcast3A_2289 : vector<16xf32>
        %mul3A_2296 = arith.mulf %mul3A_2295, %bitcast3A_2289 : vector<16xf32>
        %sub3A_2297 = arith.subf %broadcast_in_dim3A_2294, %mul3A_2296 : vector<16xf32>
        %mul3A_2298 = arith.mulf %bitcast3A_2289, %sub3A_2297 : vector<16xf32>
        %mul3A_2299 = arith.mulf %mul3A_2292, %mul3A_2298 : vector<16xf32>
        %mul3A_2300 = arith.mulf %mul3A_2299, %mul3A_2298 : vector<16xf32>
        %sub3A_2301 = arith.subf %broadcast_in_dim3A_2294, %mul3A_2300 : vector<16xf32>
        %mul3A_2302 = arith.mulf %mul3A_2298, %sub3A_2301 : vector<16xf32>
        %mul3A_2303 = arith.mulf %mul3A_2292, %mul3A_2302 : vector<16xf32>
        %mul3A_2304 = arith.mulf %mul3A_2303, %mul3A_2302 : vector<16xf32>
        %sub3A_2305 = arith.subf %broadcast_in_dim3A_2294, %mul3A_2304 : vector<16xf32>
        %mul3A_2306 = arith.mulf %mul3A_2302, %sub3A_2305 : vector<16xf32>
        %sub3A_2307 = arith.subf %add3A_2188, %mul3A_2272 : vector<16xf32>
        %mul3A_2308 = arith.mulf %mul3A_2306, %get3A_1 : vector<16xf32>
        %mul3A_2309 = arith.mulf %sub3A_2307, %mul3A_2308 : vector<16xf32>
        %add3A_2310 = arith.addf %mul3A_2309, %get3A_17 : vector<16xf32>
        %swap3A_2311 = arith.index_cast %add3A_2174 : i32 to index
        %swap3A_2312 = arith.constant 0 : index
        %swap3A_2313 = tpu.vector_load %arg9[%swap3A_2311, %swap3A_2312] {strides = array<i32>} : memref<208x128xf32, #tpu.memory_space<vmem>>, vector<16xf32>,
        tpu.vector_store %arg9[%swap3A_2311, %swap3A_2312], %add3A_2310 {strides = array<i32>} : memref<208x128xf32, #tpu.memory_space<vmem>>, vector<16xf32>,
        %sub3A_2314 = arith.subf %add3A_2196, %mul3A_2272 : vector<16xf32>
        %mul3A_2315 = arith.mulf %mul3A_2306, %get3A_3 : vector<16xf32>
        %mul3A_2316 = arith.mulf %sub3A_2314, %mul3A_2315 : vector<16xf32>
        %add3A_2317 = arith.addf %mul3A_2316, %get3A_19 : vector<16xf32>
        %swap3A_2318 = arith.index_cast %add3A_2174 : i32 to index
        %swap3A_2319 = arith.constant 16 : index
        %swap3A_2320 = tpu.vector_load %arg9[%swap3A_2318, %swap3A_2319] {strides = array<i32>} : memref<208x128xf32, #tpu.memory_space<vmem>>, vector<16xf32>,
        tpu.vector_store %arg9[%swap3A_2318, %swap3A_2319], %add3A_2317 {strides = array<i32>} : memref<208x128xf32, #tpu.memory_space<vmem>>, vector<16xf32>,
        %sub3A_2321 = arith.subf %add3A_2204, %mul3A_2272 : vector<16xf32>
        %mul3A_2322 = arith.mulf %mul3A_2306, %get3A_5 : vector<16xf32>
        %mul3A_2323 = arith.mulf %sub3A_2321, %mul3A_2322 : vector<16xf32>
        %add3A_2324 = arith.addf %mul3A_2323, %get3A_21 : vector<16xf32>
        %swap3A_2325 = arith.index_cast %add3A_2174 : i32 to index
        %swap3A_2326 = arith.constant 32 : index
        %swap3A_2327 = tpu.vector_load %arg9[%swap3A_2325, %swap3A_2326] {strides = array<i32>} : memref<208x128xf32, #tpu.memory_space<vmem>>, vector<16xf32>,
        tpu.vector_store %arg9[%swap3A_2325, %swap3A_2326], %add3A_2324 {strides = array<i32>} : memref<208x128xf32, #tpu.memory_space<vmem>>, vector<16xf32>,
        %sub3A_2328 = arith.subf %add3A_2212, %mul3A_2272 : vector<16xf32>
        %mul3A_2329 = arith.mulf %mul3A_2306, %get3A_7 : vector<16xf32>
        %mul3A_2330 = arith.mulf %sub3A_2328, %mul3A_2329 : vector<16xf32>
        %add3A_2331 = arith.addf %mul3A_2330, %get3A_23 : vector<16xf32>
        %swap3A_2332 = arith.index_cast %add3A_2174 : i32 to index
        %swap3A_2333 = arith.constant 48 : index
        %swap3A_2334 = tpu.vector_load %arg9[%swap3A_2332, %swap3A_2333] {strides = array<i32>} : memref<208x128xf32, #tpu.memory_space<vmem>>, vector<16xf32>,
        tpu.vector_store %arg9[%swap3A_2332, %swap3A_2333], %add3A_2331 {strides = array<i32>} : memref<208x128xf32, #tpu.memory_space<vmem>>, vector<16xf32>,
        %sub3A_2335 = arith.subf %add3A_2220, %mul3A_2272 : vector<16xf32>
        %mul3A_2336 = arith.mulf %mul3A_2306, %get3A_9 : vector<16xf32>
        %mul3A_2337 = arith.mulf %sub3A_2335, %mul3A_2336 : vector<16xf32>
        %add3A_2338 = arith.addf %mul3A_2337, %get3A_25 : vector<16xf32>
        %swap3A_2339 = arith.index_cast %add3A_2174 : i32 to index
        %swap3A_2340 = arith.constant 64 : index
        %swap3A_2341 = tpu.vector_load %arg9[%swap3A_2339, %swap3A_2340] {strides = array<i32>} : memref<208x128xf32, #tpu.memory_space<vmem>>, vector<16xf32>,
        tpu.vector_store %arg9[%swap3A_2339, %swap3A_2340], %add3A_2338 {strides = array<i32>} : memref<208x128xf32, #tpu.memory_space<vmem>>, vector<16xf32>,
        %sub3A_2342 = arith.subf %add3A_2228, %mul3A_2272 : vector<16xf32>
        %mul3A_2343 = arith.mulf %mul3A_2306, %get3A_11 : vector<16xf32>
        %mul3A_2344 = arith.mulf %sub3A_2342, %mul3A_2343 : vector<16xf32>
        %add3A_2345 = arith.addf %mul3A_2344, %get3A_27 : vector<16xf32>
        %swap3A_2346 = arith.index_cast %add3A_2174 : i32 to index
        %swap3A_2347 = arith.constant 80 : index
        %swap3A_2348 = tpu.vector_load %arg9[%swap3A_2346, %swap3A_2347] {strides = array<i32>} : memref<208x128xf32, #tpu.memory_space<vmem>>, vector<16xf32>,
        tpu.vector_store %arg9[%swap3A_2346, %swap3A_2347], %add3A_2345 {strides = array<i32>} : memref<208x128xf32, #tpu.memory_space<vmem>>, vector<16xf32>,
        %sub3A_2349 = arith.subf %add3A_2236, %mul3A_2272 : vector<16xf32>
        %mul3A_2350 = arith.mulf %mul3A_2306, %get3A_13 : vector<16xf32>
        %mul3A_2351 = arith.mulf %sub3A_2349, %mul3A_2350 : vector<16xf32>
        %add3A_2352 = arith.addf %mul3A_2351, %get3A_29 : vector<16xf32>
        %swap3A_2353 = arith.index_cast %add3A_2174 : i32 to index
        %swap3A_2354 = arith.constant 96 : index
        %swap3A_2355 = tpu.vector_load %arg9[%swap3A_2353, %swap3A_2354] {strides = array<i32>} : memref<208x128xf32, #tpu.memory_space<vmem>>, vector<16xf32>,
        tpu.vector_store %arg9[%swap3A_2353, %swap3A_2354], %add3A_2352 {strides = array<i32>} : memref<208x128xf32, #tpu.memory_space<vmem>>, vector<16xf32>,
        %sub3A_2356 = arith.subf %add3A_2244, %mul3A_2272 : vector<16xf32>
        %mul3A_2357 = arith.mulf %mul3A_2306, %get3A_15 : vector<16xf32>
        %mul3A_2358 = arith.mulf %sub3A_2356, %mul3A_2357 : vector<16xf32>
        %add3A_2359 = arith.addf %mul3A_2358, %get3A_31 : vector<16xf32>
        %swap3A_2360 = arith.index_cast %add3A_2174 : i32 to index
        %swap3A_2361 = arith.constant 112 : index
        %swap3A_2362 = tpu.vector_load %arg9[%swap3A_2360, %swap3A_2361] {strides = array<i32>} : memref<208x128xf32, #tpu.memory_space<vmem>>, vector<16xf32>,
        tpu.vector_store %arg9[%swap3A_2360, %swap3A_2361], %add3A_2359 {strides = array<i32>} : memref<208x128xf32, #tpu.memory_space<vmem>>, vector<16xf32>,
        %add3A_2363 = arith.constant 12 : i32
        %add3A_2364 = arith.addi %mul3A_88, %add3A_2363 : i32
        %broadcast_in_dim3A_2365 = arith.constant 12 : i32
        %broadcast_in_dim3A_2366 = vector.broadcast %broadcast_in_dim3A_2365 : i32 to vector<16x1xi32>
        %gather3A_2367 = vector.shape_cast %broadcast_in_dim3A_2366 : vector<16x1xi32> to vector<16xi32>
        %gather3A_2368 = tpu.dynamic_gather %get3A_90[%gather3A_2367] in [0] : vector<16xi32>, vector<16xi32> -> vector<16xi32>
        %ne3A_2369 = arith.cmpi ne, %gather3A_2368, %broadcast_in_dim3A_36 : vector<16xi32>
        %select_n3A_2370 = arith.select %ne3A_2369, %broadcast_in_dim3A_32, %broadcast_in_dim3A_34 : vector<16xi1>, vector<16xf32>
        %get3A_2371 = arith.index_cast %add3A_2364 : i32 to index
        %get3A_2372 = arith.constant 0 : index
        %get3A_2373 = tpu.vector_load %arg9[%get3A_2371, %get3A_2372] {strides = array<i32>} : memref<208x128xf32, #tpu.memory_space<vmem>>, vector<16xf32>,
        %get3A_2374 = arith.index_cast %add3A_2364 : i32 to index
        %get3A_2375 = arith.constant 0 : index
        %get3A_2376 = tpu.vector_load %arg10[%get3A_2374, %get3A_2375] {strides = array<i32>} : memref<208x128xf32, #tpu.memory_space<vmem>>, vector<16xf32>,
        %mul3A_2377 = arith.mulf %get3A_2373, %select_n3A_2370 : vector<16xf32>
        %add3A_2378 = arith.addf %mul3A_2377, %get3A_2376 : vector<16xf32>
        %get3A_2379 = arith.index_cast %add3A_2364 : i32 to index
        %get3A_2380 = arith.constant 16 : index
        %get3A_2381 = tpu.vector_load %arg9[%get3A_2379, %get3A_2380] {strides = array<i32>} : memref<208x128xf32, #tpu.memory_space<vmem>>, vector<16xf32>,
        %get3A_2382 = arith.index_cast %add3A_2364 : i32 to index
        %get3A_2383 = arith.constant 16 : index
        %get3A_2384 = tpu.vector_load %arg10[%get3A_2382, %get3A_2383] {strides = array<i32>} : memref<208x128xf32, #tpu.memory_space<vmem>>, vector<16xf32>,
        %mul3A_2385 = arith.mulf %get3A_2381, %select_n3A_2370 : vector<16xf32>
        %add3A_2386 = arith.addf %mul3A_2385, %get3A_2384 : vector<16xf32>
        %get3A_2387 = arith.index_cast %add3A_2364 : i32 to index
        %get3A_2388 = arith.constant 32 : index
        %get3A_2389 = tpu.vector_load %arg9[%get3A_2387, %get3A_2388] {strides = array<i32>} : memref<208x128xf32, #tpu.memory_space<vmem>>, vector<16xf32>,
        %get3A_2390 = arith.index_cast %add3A_2364 : i32 to index
        %get3A_2391 = arith.constant 32 : index
        %get3A_2392 = tpu.vector_load %arg10[%get3A_2390, %get3A_2391] {strides = array<i32>} : memref<208x128xf32, #tpu.memory_space<vmem>>, vector<16xf32>,
        %mul3A_2393 = arith.mulf %get3A_2389, %select_n3A_2370 : vector<16xf32>
        %add3A_2394 = arith.addf %mul3A_2393, %get3A_2392 : vector<16xf32>
        %get3A_2395 = arith.index_cast %add3A_2364 : i32 to index
        %get3A_2396 = arith.constant 48 : index
        %get3A_2397 = tpu.vector_load %arg9[%get3A_2395, %get3A_2396] {strides = array<i32>} : memref<208x128xf32, #tpu.memory_space<vmem>>, vector<16xf32>,
        %get3A_2398 = arith.index_cast %add3A_2364 : i32 to index
        %get3A_2399 = arith.constant 48 : index
        %get3A_2400 = tpu.vector_load %arg10[%get3A_2398, %get3A_2399] {strides = array<i32>} : memref<208x128xf32, #tpu.memory_space<vmem>>, vector<16xf32>,
        %mul3A_2401 = arith.mulf %get3A_2397, %select_n3A_2370 : vector<16xf32>
        %add3A_2402 = arith.addf %mul3A_2401, %get3A_2400 : vector<16xf32>
        %get3A_2403 = arith.index_cast %add3A_2364 : i32 to index
        %get3A_2404 = arith.constant 64 : index
        %get3A_2405 = tpu.vector_load %arg9[%get3A_2403, %get3A_2404] {strides = array<i32>} : memref<208x128xf32, #tpu.memory_space<vmem>>, vector<16xf32>,
        %get3A_2406 = arith.index_cast %add3A_2364 : i32 to index
        %get3A_2407 = arith.constant 64 : index
        %get3A_2408 = tpu.vector_load %arg10[%get3A_2406, %get3A_2407] {strides = array<i32>} : memref<208x128xf32, #tpu.memory_space<vmem>>, vector<16xf32>,
        %mul3A_2409 = arith.mulf %get3A_2405, %select_n3A_2370 : vector<16xf32>
        %add3A_2410 = arith.addf %mul3A_2409, %get3A_2408 : vector<16xf32>
        %get3A_2411 = arith.index_cast %add3A_2364 : i32 to index
        %get3A_2412 = arith.constant 80 : index
        %get3A_2413 = tpu.vector_load %arg9[%get3A_2411, %get3A_2412] {strides = array<i32>} : memref<208x128xf32, #tpu.memory_space<vmem>>, vector<16xf32>,
        %get3A_2414 = arith.index_cast %add3A_2364 : i32 to index
        %get3A_2415 = arith.constant 80 : index
        %get3A_2416 = tpu.vector_load %arg10[%get3A_2414, %get3A_2415] {strides = array<i32>} : memref<208x128xf32, #tpu.memory_space<vmem>>, vector<16xf32>,
        %mul3A_2417 = arith.mulf %get3A_2413, %select_n3A_2370 : vector<16xf32>
        %add3A_2418 = arith.addf %mul3A_2417, %get3A_2416 : vector<16xf32>
        %get3A_2419 = arith.index_cast %add3A_2364 : i32 to index
        %get3A_2420 = arith.constant 96 : index
        %get3A_2421 = tpu.vector_load %arg9[%get3A_2419, %get3A_2420] {strides = array<i32>} : memref<208x128xf32, #tpu.memory_space<vmem>>, vector<16xf32>,
        %get3A_2422 = arith.index_cast %add3A_2364 : i32 to index
        %get3A_2423 = arith.constant 96 : index
        %get3A_2424 = tpu.vector_load %arg10[%get3A_2422, %get3A_2423] {strides = array<i32>} : memref<208x128xf32, #tpu.memory_space<vmem>>, vector<16xf32>,
        %mul3A_2425 = arith.mulf %get3A_2421, %select_n3A_2370 : vector<16xf32>
        %add3A_2426 = arith.addf %mul3A_2425, %get3A_2424 : vector<16xf32>
        %get3A_2427 = arith.index_cast %add3A_2364 : i32 to index
        %get3A_2428 = arith.constant 112 : index
        %get3A_2429 = tpu.vector_load %arg9[%get3A_2427, %get3A_2428] {strides = array<i32>} : memref<208x128xf32, #tpu.memory_space<vmem>>, vector<16xf32>,
        %get3A_2430 = arith.index_cast %add3A_2364 : i32 to index
        %get3A_2431 = arith.constant 112 : index
        %get3A_2432 = tpu.vector_load %arg10[%get3A_2430, %get3A_2431] {strides = array<i32>} : memref<208x128xf32, #tpu.memory_space<vmem>>, vector<16xf32>,
        %mul3A_2433 = arith.mulf %get3A_2429, %select_n3A_2370 : vector<16xf32>
        %add3A_2434 = arith.addf %mul3A_2433, %get3A_2432 : vector<16xf32>
        %add3A_2435 = arith.addf %add3A_2378, %add3A_2386 : vector<16xf32>
        %add3A_2436 = arith.addf %add3A_2394, %add3A_2402 : vector<16xf32>
        %add3A_2437 = arith.addf %add3A_2435, %add3A_2436 : vector<16xf32>
        %add3A_2438 = arith.addf %add3A_2410, %add3A_2418 : vector<16xf32>
        %add3A_2439 = arith.addf %add3A_2426, %add3A_2434 : vector<16xf32>
        %add3A_2440 = arith.addf %add3A_2438, %add3A_2439 : vector<16xf32>
        %add3A_2441 = arith.addf %add3A_2437, %add3A_2440 : vector<16xf32>
        %mul3A_2442 = arith.mulf %add3A_2378, %add3A_2378 : vector<16xf32>
        %mul3A_2443 = arith.mulf %add3A_2386, %add3A_2386 : vector<16xf32>
        %mul3A_2444 = arith.mulf %add3A_2394, %add3A_2394 : vector<16xf32>
        %mul3A_2445 = arith.mulf %add3A_2402, %add3A_2402 : vector<16xf32>
        %mul3A_2446 = arith.mulf %add3A_2410, %add3A_2410 : vector<16xf32>
        %mul3A_2447 = arith.mulf %add3A_2418, %add3A_2418 : vector<16xf32>
        %mul3A_2448 = arith.mulf %add3A_2426, %add3A_2426 : vector<16xf32>
        %mul3A_2449 = arith.mulf %add3A_2434, %add3A_2434 : vector<16xf32>
        %add3A_2450 = arith.addf %mul3A_2442, %mul3A_2443 : vector<16xf32>
        %add3A_2451 = arith.addf %mul3A_2444, %mul3A_2445 : vector<16xf32>
        %add3A_2452 = arith.addf %add3A_2450, %add3A_2451 : vector<16xf32>
        %add3A_2453 = arith.addf %mul3A_2446, %mul3A_2447 : vector<16xf32>
        %add3A_2454 = arith.addf %mul3A_2448, %mul3A_2449 : vector<16xf32>
        %add3A_2455 = arith.addf %add3A_2453, %add3A_2454 : vector<16xf32>
        %add3A_2456 = arith.addf %add3A_2452, %add3A_2455 : vector<16xf32>
        %reduce_sum3A_2457 = arith.constant true
        %reduce_sum3A_2458 = vector.broadcast %reduce_sum3A_2457 : i1 to vector<16xi1>
        %reduce_sum3A_2459 = tpu.scan <sum>, %add3A_2441 masked %reduce_sum3A_2458 : vector<16xf32>, vector<16xi1> -> vector<16xf32>
        %reduce_sum3A_2460 = vector.extract %reduce_sum3A_2459[15] : f32 from vector<16xf32>
        %broadcast_in_dim3A_2461 = vector.broadcast %reduce_sum3A_2460 : f32 to vector<16xf32>
        %mul3A_2462 = arith.mulf %broadcast_in_dim3A_2461, %broadcast_in_dim3A_38 : vector<16xf32>
        %reduce_sum3A_2463 = arith.constant true
        %reduce_sum3A_2464 = vector.broadcast %reduce_sum3A_2463 : i1 to vector<16xi1>
        %reduce_sum3A_2465 = tpu.scan <sum>, %add3A_2456 masked %reduce_sum3A_2464 : vector<16xf32>, vector<16xi1> -> vector<16xf32>
        %reduce_sum3A_2466 = vector.extract %reduce_sum3A_2465[15] : f32 from vector<16xf32>
        %broadcast_in_dim3A_2467 = vector.broadcast %reduce_sum3A_2466 : f32 to vector<16xf32>
        %mul3A_2468 = arith.mulf %broadcast_in_dim3A_2467, %broadcast_in_dim3A_38 : vector<16xf32>
        %mul3A_2469 = arith.mulf %mul3A_2462, %mul3A_2462 : vector<16xf32>
        %sub3A_2470 = arith.subf %mul3A_2468, %mul3A_2469 : vector<16xf32>
        %add3A_2471 = arith.addf %sub3A_2470, %broadcast_in_dim3A_40 : vector<16xf32>
        %bitcast3A_2472 = vector.bitcast %add3A_2471 : vector<16xf32> to vector<16xi32>
        %broadcast_in_dim3A_2473 = arith.constant 1597463007 : i32
        %broadcast_in_dim3A_2474 = vector.broadcast %broadcast_in_dim3A_2473 : i32 to vector<16xi32>
        %shift_right_arithmetic3A_2475 = arith.constant 1 : i32
        %shift_right_arithmetic3A_2476 = vector.broadcast %shift_right_arithmetic3A_2475 : i32 to vector<16xi32>
        %shift_right_arithmetic3A_2477 = arith.shrsi %bitcast3A_2472, %shift_right_arithmetic3A_2476 : vector<16xi32>
        %sub3A_2478 = arith.subi %broadcast_in_dim3A_2474, %shift_right_arithmetic3A_2477 : vector<16xi32>
        %bitcast3A_2479 = vector.bitcast %sub3A_2478 : vector<16xi32> to vector<16xf32>
        %broadcast_in_dim3A_2480 = arith.constant 5.000000e-01 : f32
        %broadcast_in_dim3A_2481 = vector.broadcast %broadcast_in_dim3A_2480 : f32 to vector<16xf32>
        %mul3A_2482 = arith.mulf %add3A_2471, %broadcast_in_dim3A_2481 : vector<16xf32>
        %broadcast_in_dim3A_2483 = arith.constant 1.500000e+00 : f32
        %broadcast_in_dim3A_2484 = vector.broadcast %broadcast_in_dim3A_2483 : f32 to vector<16xf32>
        %mul3A_2485 = arith.mulf %mul3A_2482, %bitcast3A_2479 : vector<16xf32>
        %mul3A_2486 = arith.mulf %mul3A_2485, %bitcast3A_2479 : vector<16xf32>
        %sub3A_2487 = arith.subf %broadcast_in_dim3A_2484, %mul3A_2486 : vector<16xf32>
        %mul3A_2488 = arith.mulf %bitcast3A_2479, %sub3A_2487 : vector<16xf32>
        %mul3A_2489 = arith.mulf %mul3A_2482, %mul3A_2488 : vector<16xf32>
        %mul3A_2490 = arith.mulf %mul3A_2489, %mul3A_2488 : vector<16xf32>
        %sub3A_2491 = arith.subf %broadcast_in_dim3A_2484, %mul3A_2490 : vector<16xf32>
        %mul3A_2492 = arith.mulf %mul3A_2488, %sub3A_2491 : vector<16xf32>
        %mul3A_2493 = arith.mulf %mul3A_2482, %mul3A_2492 : vector<16xf32>
        %mul3A_2494 = arith.mulf %mul3A_2493, %mul3A_2492 : vector<16xf32>
        %sub3A_2495 = arith.subf %broadcast_in_dim3A_2484, %mul3A_2494 : vector<16xf32>
        %mul3A_2496 = arith.mulf %mul3A_2492, %sub3A_2495 : vector<16xf32>
        %sub3A_2497 = arith.subf %add3A_2378, %mul3A_2462 : vector<16xf32>
        %mul3A_2498 = arith.mulf %mul3A_2496, %get3A_1 : vector<16xf32>
        %mul3A_2499 = arith.mulf %sub3A_2497, %mul3A_2498 : vector<16xf32>
        %add3A_2500 = arith.addf %mul3A_2499, %get3A_17 : vector<16xf32>
        %swap3A_2501 = arith.index_cast %add3A_2364 : i32 to index
        %swap3A_2502 = arith.constant 0 : index
        %swap3A_2503 = tpu.vector_load %arg9[%swap3A_2501, %swap3A_2502] {strides = array<i32>} : memref<208x128xf32, #tpu.memory_space<vmem>>, vector<16xf32>,
        tpu.vector_store %arg9[%swap3A_2501, %swap3A_2502], %add3A_2500 {strides = array<i32>} : memref<208x128xf32, #tpu.memory_space<vmem>>, vector<16xf32>,
        %sub3A_2504 = arith.subf %add3A_2386, %mul3A_2462 : vector<16xf32>
        %mul3A_2505 = arith.mulf %mul3A_2496, %get3A_3 : vector<16xf32>
        %mul3A_2506 = arith.mulf %sub3A_2504, %mul3A_2505 : vector<16xf32>
        %add3A_2507 = arith.addf %mul3A_2506, %get3A_19 : vector<16xf32>
        %swap3A_2508 = arith.index_cast %add3A_2364 : i32 to index
        %swap3A_2509 = arith.constant 16 : index
        %swap3A_2510 = tpu.vector_load %arg9[%swap3A_2508, %swap3A_2509] {strides = array<i32>} : memref<208x128xf32, #tpu.memory_space<vmem>>, vector<16xf32>,
        tpu.vector_store %arg9[%swap3A_2508, %swap3A_2509], %add3A_2507 {strides = array<i32>} : memref<208x128xf32, #tpu.memory_space<vmem>>, vector<16xf32>,
        %sub3A_2511 = arith.subf %add3A_2394, %mul3A_2462 : vector<16xf32>
        %mul3A_2512 = arith.mulf %mul3A_2496, %get3A_5 : vector<16xf32>
        %mul3A_2513 = arith.mulf %sub3A_2511, %mul3A_2512 : vector<16xf32>
        %add3A_2514 = arith.addf %mul3A_2513, %get3A_21 : vector<16xf32>
        %swap3A_2515 = arith.index_cast %add3A_2364 : i32 to index
        %swap3A_2516 = arith.constant 32 : index
        %swap3A_2517 = tpu.vector_load %arg9[%swap3A_2515, %swap3A_2516] {strides = array<i32>} : memref<208x128xf32, #tpu.memory_space<vmem>>, vector<16xf32>,
        tpu.vector_store %arg9[%swap3A_2515, %swap3A_2516], %add3A_2514 {strides = array<i32>} : memref<208x128xf32, #tpu.memory_space<vmem>>, vector<16xf32>,
        %sub3A_2518 = arith.subf %add3A_2402, %mul3A_2462 : vector<16xf32>
        %mul3A_2519 = arith.mulf %mul3A_2496, %get3A_7 : vector<16xf32>
        %mul3A_2520 = arith.mulf %sub3A_2518, %mul3A_2519 : vector<16xf32>
        %add3A_2521 = arith.addf %mul3A_2520, %get3A_23 : vector<16xf32>
        %swap3A_2522 = arith.index_cast %add3A_2364 : i32 to index
        %swap3A_2523 = arith.constant 48 : index
        %swap3A_2524 = tpu.vector_load %arg9[%swap3A_2522, %swap3A_2523] {strides = array<i32>} : memref<208x128xf32, #tpu.memory_space<vmem>>, vector<16xf32>,
        tpu.vector_store %arg9[%swap3A_2522, %swap3A_2523], %add3A_2521 {strides = array<i32>} : memref<208x128xf32, #tpu.memory_space<vmem>>, vector<16xf32>,
        %sub3A_2525 = arith.subf %add3A_2410, %mul3A_2462 : vector<16xf32>
        %mul3A_2526 = arith.mulf %mul3A_2496, %get3A_9 : vector<16xf32>
        %mul3A_2527 = arith.mulf %sub3A_2525, %mul3A_2526 : vector<16xf32>
        %add3A_2528 = arith.addf %mul3A_2527, %get3A_25 : vector<16xf32>
        %swap3A_2529 = arith.index_cast %add3A_2364 : i32 to index
        %swap3A_2530 = arith.constant 64 : index
        %swap3A_2531 = tpu.vector_load %arg9[%swap3A_2529, %swap3A_2530] {strides = array<i32>} : memref<208x128xf32, #tpu.memory_space<vmem>>, vector<16xf32>,
        tpu.vector_store %arg9[%swap3A_2529, %swap3A_2530], %add3A_2528 {strides = array<i32>} : memref<208x128xf32, #tpu.memory_space<vmem>>, vector<16xf32>,
        %sub3A_2532 = arith.subf %add3A_2418, %mul3A_2462 : vector<16xf32>
        %mul3A_2533 = arith.mulf %mul3A_2496, %get3A_11 : vector<16xf32>
        %mul3A_2534 = arith.mulf %sub3A_2532, %mul3A_2533 : vector<16xf32>
        %add3A_2535 = arith.addf %mul3A_2534, %get3A_27 : vector<16xf32>
        %swap3A_2536 = arith.index_cast %add3A_2364 : i32 to index
        %swap3A_2537 = arith.constant 80 : index
        %swap3A_2538 = tpu.vector_load %arg9[%swap3A_2536, %swap3A_2537] {strides = array<i32>} : memref<208x128xf32, #tpu.memory_space<vmem>>, vector<16xf32>,
        tpu.vector_store %arg9[%swap3A_2536, %swap3A_2537], %add3A_2535 {strides = array<i32>} : memref<208x128xf32, #tpu.memory_space<vmem>>, vector<16xf32>,
        %sub3A_2539 = arith.subf %add3A_2426, %mul3A_2462 : vector<16xf32>
        %mul3A_2540 = arith.mulf %mul3A_2496, %get3A_13 : vector<16xf32>
        %mul3A_2541 = arith.mulf %sub3A_2539, %mul3A_2540 : vector<16xf32>
        %add3A_2542 = arith.addf %mul3A_2541, %get3A_29 : vector<16xf32>
        %swap3A_2543 = arith.index_cast %add3A_2364 : i32 to index
        %swap3A_2544 = arith.constant 96 : index
        %swap3A_2545 = tpu.vector_load %arg9[%swap3A_2543, %swap3A_2544] {strides = array<i32>} : memref<208x128xf32, #tpu.memory_space<vmem>>, vector<16xf32>,
        tpu.vector_store %arg9[%swap3A_2543, %swap3A_2544], %add3A_2542 {strides = array<i32>} : memref<208x128xf32, #tpu.memory_space<vmem>>, vector<16xf32>,
        %sub3A_2546 = arith.subf %add3A_2434, %mul3A_2462 : vector<16xf32>
        %mul3A_2547 = arith.mulf %mul3A_2496, %get3A_15 : vector<16xf32>
        %mul3A_2548 = arith.mulf %sub3A_2546, %mul3A_2547 : vector<16xf32>
        %add3A_2549 = arith.addf %mul3A_2548, %get3A_31 : vector<16xf32>
        %swap3A_2550 = arith.index_cast %add3A_2364 : i32 to index
        %swap3A_2551 = arith.constant 112 : index
        %swap3A_2552 = tpu.vector_load %arg9[%swap3A_2550, %swap3A_2551] {strides = array<i32>} : memref<208x128xf32, #tpu.memory_space<vmem>>, vector<16xf32>,
        tpu.vector_store %arg9[%swap3A_2550, %swap3A_2551], %add3A_2549 {strides = array<i32>} : memref<208x128xf32, #tpu.memory_space<vmem>>, vector<16xf32>,
        %add3A_2553 = arith.constant 13 : i32
        %add3A_2554 = arith.addi %mul3A_88, %add3A_2553 : i32
        %broadcast_in_dim3A_2555 = arith.constant 13 : i32
        %broadcast_in_dim3A_2556 = vector.broadcast %broadcast_in_dim3A_2555 : i32 to vector<16x1xi32>
        %gather3A_2557 = vector.shape_cast %broadcast_in_dim3A_2556 : vector<16x1xi32> to vector<16xi32>
        %gather3A_2558 = tpu.dynamic_gather %get3A_90[%gather3A_2557] in [0] : vector<16xi32>, vector<16xi32> -> vector<16xi32>
        %ne3A_2559 = arith.cmpi ne, %gather3A_2558, %broadcast_in_dim3A_36 : vector<16xi32>
        %select_n3A_2560 = arith.select %ne3A_2559, %broadcast_in_dim3A_32, %broadcast_in_dim3A_34 : vector<16xi1>, vector<16xf32>
        %get3A_2561 = arith.index_cast %add3A_2554 : i32 to index
        %get3A_2562 = arith.constant 0 : index
        %get3A_2563 = tpu.vector_load %arg9[%get3A_2561, %get3A_2562] {strides = array<i32>} : memref<208x128xf32, #tpu.memory_space<vmem>>, vector<16xf32>,
        %get3A_2564 = arith.index_cast %add3A_2554 : i32 to index
        %get3A_2565 = arith.constant 0 : index
        %get3A_2566 = tpu.vector_load %arg10[%get3A_2564, %get3A_2565] {strides = array<i32>} : memref<208x128xf32, #tpu.memory_space<vmem>>, vector<16xf32>,
        %mul3A_2567 = arith.mulf %get3A_2563, %select_n3A_2560 : vector<16xf32>
        %add3A_2568 = arith.addf %mul3A_2567, %get3A_2566 : vector<16xf32>
        %get3A_2569 = arith.index_cast %add3A_2554 : i32 to index
        %get3A_2570 = arith.constant 16 : index
        %get3A_2571 = tpu.vector_load %arg9[%get3A_2569, %get3A_2570] {strides = array<i32>} : memref<208x128xf32, #tpu.memory_space<vmem>>, vector<16xf32>,
        %get3A_2572 = arith.index_cast %add3A_2554 : i32 to index
        %get3A_2573 = arith.constant 16 : index
        %get3A_2574 = tpu.vector_load %arg10[%get3A_2572, %get3A_2573] {strides = array<i32>} : memref<208x128xf32, #tpu.memory_space<vmem>>, vector<16xf32>,
        %mul3A_2575 = arith.mulf %get3A_2571, %select_n3A_2560 : vector<16xf32>
        %add3A_2576 = arith.addf %mul3A_2575, %get3A_2574 : vector<16xf32>
        %get3A_2577 = arith.index_cast %add3A_2554 : i32 to index
        %get3A_2578 = arith.constant 32 : index
        %get3A_2579 = tpu.vector_load %arg9[%get3A_2577, %get3A_2578] {strides = array<i32>} : memref<208x128xf32, #tpu.memory_space<vmem>>, vector<16xf32>,
        %get3A_2580 = arith.index_cast %add3A_2554 : i32 to index
        %get3A_2581 = arith.constant 32 : index
        %get3A_2582 = tpu.vector_load %arg10[%get3A_2580, %get3A_2581] {strides = array<i32>} : memref<208x128xf32, #tpu.memory_space<vmem>>, vector<16xf32>,
        %mul3A_2583 = arith.mulf %get3A_2579, %select_n3A_2560 : vector<16xf32>
        %add3A_2584 = arith.addf %mul3A_2583, %get3A_2582 : vector<16xf32>
        %get3A_2585 = arith.index_cast %add3A_2554 : i32 to index
        %get3A_2586 = arith.constant 48 : index
        %get3A_2587 = tpu.vector_load %arg9[%get3A_2585, %get3A_2586] {strides = array<i32>} : memref<208x128xf32, #tpu.memory_space<vmem>>, vector<16xf32>,
        %get3A_2588 = arith.index_cast %add3A_2554 : i32 to index
        %get3A_2589 = arith.constant 48 : index
        %get3A_2590 = tpu.vector_load %arg10[%get3A_2588, %get3A_2589] {strides = array<i32>} : memref<208x128xf32, #tpu.memory_space<vmem>>, vector<16xf32>,
        %mul3A_2591 = arith.mulf %get3A_2587, %select_n3A_2560 : vector<16xf32>
        %add3A_2592 = arith.addf %mul3A_2591, %get3A_2590 : vector<16xf32>
        %get3A_2593 = arith.index_cast %add3A_2554 : i32 to index
        %get3A_2594 = arith.constant 64 : index
        %get3A_2595 = tpu.vector_load %arg9[%get3A_2593, %get3A_2594] {strides = array<i32>} : memref<208x128xf32, #tpu.memory_space<vmem>>, vector<16xf32>,
        %get3A_2596 = arith.index_cast %add3A_2554 : i32 to index
        %get3A_2597 = arith.constant 64 : index
        %get3A_2598 = tpu.vector_load %arg10[%get3A_2596, %get3A_2597] {strides = array<i32>} : memref<208x128xf32, #tpu.memory_space<vmem>>, vector<16xf32>,
        %mul3A_2599 = arith.mulf %get3A_2595, %select_n3A_2560 : vector<16xf32>
        %add3A_2600 = arith.addf %mul3A_2599, %get3A_2598 : vector<16xf32>
        %get3A_2601 = arith.index_cast %add3A_2554 : i32 to index
        %get3A_2602 = arith.constant 80 : index
        %get3A_2603 = tpu.vector_load %arg9[%get3A_2601, %get3A_2602] {strides = array<i32>} : memref<208x128xf32, #tpu.memory_space<vmem>>, vector<16xf32>,
        %get3A_2604 = arith.index_cast %add3A_2554 : i32 to index
        %get3A_2605 = arith.constant 80 : index
        %get3A_2606 = tpu.vector_load %arg10[%get3A_2604, %get3A_2605] {strides = array<i32>} : memref<208x128xf32, #tpu.memory_space<vmem>>, vector<16xf32>,
        %mul3A_2607 = arith.mulf %get3A_2603, %select_n3A_2560 : vector<16xf32>
        %add3A_2608 = arith.addf %mul3A_2607, %get3A_2606 : vector<16xf32>
        %get3A_2609 = arith.index_cast %add3A_2554 : i32 to index
        %get3A_2610 = arith.constant 96 : index
        %get3A_2611 = tpu.vector_load %arg9[%get3A_2609, %get3A_2610] {strides = array<i32>} : memref<208x128xf32, #tpu.memory_space<vmem>>, vector<16xf32>,
        %get3A_2612 = arith.index_cast %add3A_2554 : i32 to index
        %get3A_2613 = arith.constant 96 : index
        %get3A_2614 = tpu.vector_load %arg10[%get3A_2612, %get3A_2613] {strides = array<i32>} : memref<208x128xf32, #tpu.memory_space<vmem>>, vector<16xf32>,
        %mul3A_2615 = arith.mulf %get3A_2611, %select_n3A_2560 : vector<16xf32>
        %add3A_2616 = arith.addf %mul3A_2615, %get3A_2614 : vector<16xf32>
        %get3A_2617 = arith.index_cast %add3A_2554 : i32 to index
        %get3A_2618 = arith.constant 112 : index
        %get3A_2619 = tpu.vector_load %arg9[%get3A_2617, %get3A_2618] {strides = array<i32>} : memref<208x128xf32, #tpu.memory_space<vmem>>, vector<16xf32>,
        %get3A_2620 = arith.index_cast %add3A_2554 : i32 to index
        %get3A_2621 = arith.constant 112 : index
        %get3A_2622 = tpu.vector_load %arg10[%get3A_2620, %get3A_2621] {strides = array<i32>} : memref<208x128xf32, #tpu.memory_space<vmem>>, vector<16xf32>,
        %mul3A_2623 = arith.mulf %get3A_2619, %select_n3A_2560 : vector<16xf32>
        %add3A_2624 = arith.addf %mul3A_2623, %get3A_2622 : vector<16xf32>
        %add3A_2625 = arith.addf %add3A_2568, %add3A_2576 : vector<16xf32>
        %add3A_2626 = arith.addf %add3A_2584, %add3A_2592 : vector<16xf32>
        %add3A_2627 = arith.addf %add3A_2625, %add3A_2626 : vector<16xf32>
        %add3A_2628 = arith.addf %add3A_2600, %add3A_2608 : vector<16xf32>
        %add3A_2629 = arith.addf %add3A_2616, %add3A_2624 : vector<16xf32>
        %add3A_2630 = arith.addf %add3A_2628, %add3A_2629 : vector<16xf32>
        %add3A_2631 = arith.addf %add3A_2627, %add3A_2630 : vector<16xf32>
        %mul3A_2632 = arith.mulf %add3A_2568, %add3A_2568 : vector<16xf32>
        %mul3A_2633 = arith.mulf %add3A_2576, %add3A_2576 : vector<16xf32>
        %mul3A_2634 = arith.mulf %add3A_2584, %add3A_2584 : vector<16xf32>
        %mul3A_2635 = arith.mulf %add3A_2592, %add3A_2592 : vector<16xf32>
        %mul3A_2636 = arith.mulf %add3A_2600, %add3A_2600 : vector<16xf32>
        %mul3A_2637 = arith.mulf %add3A_2608, %add3A_2608 : vector<16xf32>
        %mul3A_2638 = arith.mulf %add3A_2616, %add3A_2616 : vector<16xf32>
        %mul3A_2639 = arith.mulf %add3A_2624, %add3A_2624 : vector<16xf32>
        %add3A_2640 = arith.addf %mul3A_2632, %mul3A_2633 : vector<16xf32>
        %add3A_2641 = arith.addf %mul3A_2634, %mul3A_2635 : vector<16xf32>
        %add3A_2642 = arith.addf %add3A_2640, %add3A_2641 : vector<16xf32>
        %add3A_2643 = arith.addf %mul3A_2636, %mul3A_2637 : vector<16xf32>
        %add3A_2644 = arith.addf %mul3A_2638, %mul3A_2639 : vector<16xf32>
        %add3A_2645 = arith.addf %add3A_2643, %add3A_2644 : vector<16xf32>
        %add3A_2646 = arith.addf %add3A_2642, %add3A_2645 : vector<16xf32>
        %reduce_sum3A_2647 = arith.constant true
        %reduce_sum3A_2648 = vector.broadcast %reduce_sum3A_2647 : i1 to vector<16xi1>
        %reduce_sum3A_2649 = tpu.scan <sum>, %add3A_2631 masked %reduce_sum3A_2648 : vector<16xf32>, vector<16xi1> -> vector<16xf32>
        %reduce_sum3A_2650 = vector.extract %reduce_sum3A_2649[15] : f32 from vector<16xf32>
        %broadcast_in_dim3A_2651 = vector.broadcast %reduce_sum3A_2650 : f32 to vector<16xf32>
        %mul3A_2652 = arith.mulf %broadcast_in_dim3A_2651, %broadcast_in_dim3A_38 : vector<16xf32>
        %reduce_sum3A_2653 = arith.constant true
        %reduce_sum3A_2654 = vector.broadcast %reduce_sum3A_2653 : i1 to vector<16xi1>
        %reduce_sum3A_2655 = tpu.scan <sum>, %add3A_2646 masked %reduce_sum3A_2654 : vector<16xf32>, vector<16xi1> -> vector<16xf32>
        %reduce_sum3A_2656 = vector.extract %reduce_sum3A_2655[15] : f32 from vector<16xf32>
        %broadcast_in_dim3A_2657 = vector.broadcast %reduce_sum3A_2656 : f32 to vector<16xf32>
        %mul3A_2658 = arith.mulf %broadcast_in_dim3A_2657, %broadcast_in_dim3A_38 : vector<16xf32>
        %mul3A_2659 = arith.mulf %mul3A_2652, %mul3A_2652 : vector<16xf32>
        %sub3A_2660 = arith.subf %mul3A_2658, %mul3A_2659 : vector<16xf32>
        %add3A_2661 = arith.addf %sub3A_2660, %broadcast_in_dim3A_40 : vector<16xf32>
        %bitcast3A_2662 = vector.bitcast %add3A_2661 : vector<16xf32> to vector<16xi32>
        %broadcast_in_dim3A_2663 = arith.constant 1597463007 : i32
        %broadcast_in_dim3A_2664 = vector.broadcast %broadcast_in_dim3A_2663 : i32 to vector<16xi32>
        %shift_right_arithmetic3A_2665 = arith.constant 1 : i32
        %shift_right_arithmetic3A_2666 = vector.broadcast %shift_right_arithmetic3A_2665 : i32 to vector<16xi32>
        %shift_right_arithmetic3A_2667 = arith.shrsi %bitcast3A_2662, %shift_right_arithmetic3A_2666 : vector<16xi32>
        %sub3A_2668 = arith.subi %broadcast_in_dim3A_2664, %shift_right_arithmetic3A_2667 : vector<16xi32>
        %bitcast3A_2669 = vector.bitcast %sub3A_2668 : vector<16xi32> to vector<16xf32>
        %broadcast_in_dim3A_2670 = arith.constant 5.000000e-01 : f32
        %broadcast_in_dim3A_2671 = vector.broadcast %broadcast_in_dim3A_2670 : f32 to vector<16xf32>
        %mul3A_2672 = arith.mulf %add3A_2661, %broadcast_in_dim3A_2671 : vector<16xf32>
        %broadcast_in_dim3A_2673 = arith.constant 1.500000e+00 : f32
        %broadcast_in_dim3A_2674 = vector.broadcast %broadcast_in_dim3A_2673 : f32 to vector<16xf32>
        %mul3A_2675 = arith.mulf %mul3A_2672, %bitcast3A_2669 : vector<16xf32>
        %mul3A_2676 = arith.mulf %mul3A_2675, %bitcast3A_2669 : vector<16xf32>
        %sub3A_2677 = arith.subf %broadcast_in_dim3A_2674, %mul3A_2676 : vector<16xf32>
        %mul3A_2678 = arith.mulf %bitcast3A_2669, %sub3A_2677 : vector<16xf32>
        %mul3A_2679 = arith.mulf %mul3A_2672, %mul3A_2678 : vector<16xf32>
        %mul3A_2680 = arith.mulf %mul3A_2679, %mul3A_2678 : vector<16xf32>
        %sub3A_2681 = arith.subf %broadcast_in_dim3A_2674, %mul3A_2680 : vector<16xf32>
        %mul3A_2682 = arith.mulf %mul3A_2678, %sub3A_2681 : vector<16xf32>
        %mul3A_2683 = arith.mulf %mul3A_2672, %mul3A_2682 : vector<16xf32>
        %mul3A_2684 = arith.mulf %mul3A_2683, %mul3A_2682 : vector<16xf32>
        %sub3A_2685 = arith.subf %broadcast_in_dim3A_2674, %mul3A_2684 : vector<16xf32>
        %mul3A_2686 = arith.mulf %mul3A_2682, %sub3A_2685 : vector<16xf32>
        %sub3A_2687 = arith.subf %add3A_2568, %mul3A_2652 : vector<16xf32>
        %mul3A_2688 = arith.mulf %mul3A_2686, %get3A_1 : vector<16xf32>
        %mul3A_2689 = arith.mulf %sub3A_2687, %mul3A_2688 : vector<16xf32>
        %add3A_2690 = arith.addf %mul3A_2689, %get3A_17 : vector<16xf32>
        %swap3A_2691 = arith.index_cast %add3A_2554 : i32 to index
        %swap3A_2692 = arith.constant 0 : index
        %swap3A_2693 = tpu.vector_load %arg9[%swap3A_2691, %swap3A_2692] {strides = array<i32>} : memref<208x128xf32, #tpu.memory_space<vmem>>, vector<16xf32>,
        tpu.vector_store %arg9[%swap3A_2691, %swap3A_2692], %add3A_2690 {strides = array<i32>} : memref<208x128xf32, #tpu.memory_space<vmem>>, vector<16xf32>,
        %sub3A_2694 = arith.subf %add3A_2576, %mul3A_2652 : vector<16xf32>
        %mul3A_2695 = arith.mulf %mul3A_2686, %get3A_3 : vector<16xf32>
        %mul3A_2696 = arith.mulf %sub3A_2694, %mul3A_2695 : vector<16xf32>
        %add3A_2697 = arith.addf %mul3A_2696, %get3A_19 : vector<16xf32>
        %swap3A_2698 = arith.index_cast %add3A_2554 : i32 to index
        %swap3A_2699 = arith.constant 16 : index
        %swap3A_2700 = tpu.vector_load %arg9[%swap3A_2698, %swap3A_2699] {strides = array<i32>} : memref<208x128xf32, #tpu.memory_space<vmem>>, vector<16xf32>,
        tpu.vector_store %arg9[%swap3A_2698, %swap3A_2699], %add3A_2697 {strides = array<i32>} : memref<208x128xf32, #tpu.memory_space<vmem>>, vector<16xf32>,
        %sub3A_2701 = arith.subf %add3A_2584, %mul3A_2652 : vector<16xf32>
        %mul3A_2702 = arith.mulf %mul3A_2686, %get3A_5 : vector<16xf32>
        %mul3A_2703 = arith.mulf %sub3A_2701, %mul3A_2702 : vector<16xf32>
        %add3A_2704 = arith.addf %mul3A_2703, %get3A_21 : vector<16xf32>
        %swap3A_2705 = arith.index_cast %add3A_2554 : i32 to index
        %swap3A_2706 = arith.constant 32 : index
        %swap3A_2707 = tpu.vector_load %arg9[%swap3A_2705, %swap3A_2706] {strides = array<i32>} : memref<208x128xf32, #tpu.memory_space<vmem>>, vector<16xf32>,
        tpu.vector_store %arg9[%swap3A_2705, %swap3A_2706], %add3A_2704 {strides = array<i32>} : memref<208x128xf32, #tpu.memory_space<vmem>>, vector<16xf32>,
        %sub3A_2708 = arith.subf %add3A_2592, %mul3A_2652 : vector<16xf32>
        %mul3A_2709 = arith.mulf %mul3A_2686, %get3A_7 : vector<16xf32>
        %mul3A_2710 = arith.mulf %sub3A_2708, %mul3A_2709 : vector<16xf32>
        %add3A_2711 = arith.addf %mul3A_2710, %get3A_23 : vector<16xf32>
        %swap3A_2712 = arith.index_cast %add3A_2554 : i32 to index
        %swap3A_2713 = arith.constant 48 : index
        %swap3A_2714 = tpu.vector_load %arg9[%swap3A_2712, %swap3A_2713] {strides = array<i32>} : memref<208x128xf32, #tpu.memory_space<vmem>>, vector<16xf32>,
        tpu.vector_store %arg9[%swap3A_2712, %swap3A_2713], %add3A_2711 {strides = array<i32>} : memref<208x128xf32, #tpu.memory_space<vmem>>, vector<16xf32>,
        %sub3A_2715 = arith.subf %add3A_2600, %mul3A_2652 : vector<16xf32>
        %mul3A_2716 = arith.mulf %mul3A_2686, %get3A_9 : vector<16xf32>
        %mul3A_2717 = arith.mulf %sub3A_2715, %mul3A_2716 : vector<16xf32>
        %add3A_2718 = arith.addf %mul3A_2717, %get3A_25 : vector<16xf32>
        %swap3A_2719 = arith.index_cast %add3A_2554 : i32 to index
        %swap3A_2720 = arith.constant 64 : index
        %swap3A_2721 = tpu.vector_load %arg9[%swap3A_2719, %swap3A_2720] {strides = array<i32>} : memref<208x128xf32, #tpu.memory_space<vmem>>, vector<16xf32>,
        tpu.vector_store %arg9[%swap3A_2719, %swap3A_2720], %add3A_2718 {strides = array<i32>} : memref<208x128xf32, #tpu.memory_space<vmem>>, vector<16xf32>,
        %sub3A_2722 = arith.subf %add3A_2608, %mul3A_2652 : vector<16xf32>
        %mul3A_2723 = arith.mulf %mul3A_2686, %get3A_11 : vector<16xf32>
        %mul3A_2724 = arith.mulf %sub3A_2722, %mul3A_2723 : vector<16xf32>
        %add3A_2725 = arith.addf %mul3A_2724, %get3A_27 : vector<16xf32>
        %swap3A_2726 = arith.index_cast %add3A_2554 : i32 to index
        %swap3A_2727 = arith.constant 80 : index
        %swap3A_2728 = tpu.vector_load %arg9[%swap3A_2726, %swap3A_2727] {strides = array<i32>} : memref<208x128xf32, #tpu.memory_space<vmem>>, vector<16xf32>,
        tpu.vector_store %arg9[%swap3A_2726, %swap3A_2727], %add3A_2725 {strides = array<i32>} : memref<208x128xf32, #tpu.memory_space<vmem>>, vector<16xf32>,
        %sub3A_2729 = arith.subf %add3A_2616, %mul3A_2652 : vector<16xf32>
        %mul3A_2730 = arith.mulf %mul3A_2686, %get3A_13 : vector<16xf32>
        %mul3A_2731 = arith.mulf %sub3A_2729, %mul3A_2730 : vector<16xf32>
        %add3A_2732 = arith.addf %mul3A_2731, %get3A_29 : vector<16xf32>
        %swap3A_2733 = arith.index_cast %add3A_2554 : i32 to index
        %swap3A_2734 = arith.constant 96 : index
        %swap3A_2735 = tpu.vector_load %arg9[%swap3A_2733, %swap3A_2734] {strides = array<i32>} : memref<208x128xf32, #tpu.memory_space<vmem>>, vector<16xf32>,
        tpu.vector_store %arg9[%swap3A_2733, %swap3A_2734], %add3A_2732 {strides = array<i32>} : memref<208x128xf32, #tpu.memory_space<vmem>>, vector<16xf32>,
        %sub3A_2736 = arith.subf %add3A_2624, %mul3A_2652 : vector<16xf32>
        %mul3A_2737 = arith.mulf %mul3A_2686, %get3A_15 : vector<16xf32>
        %mul3A_2738 = arith.mulf %sub3A_2736, %mul3A_2737 : vector<16xf32>
        %add3A_2739 = arith.addf %mul3A_2738, %get3A_31 : vector<16xf32>
        %swap3A_2740 = arith.index_cast %add3A_2554 : i32 to index
        %swap3A_2741 = arith.constant 112 : index
        %swap3A_2742 = tpu.vector_load %arg9[%swap3A_2740, %swap3A_2741] {strides = array<i32>} : memref<208x128xf32, #tpu.memory_space<vmem>>, vector<16xf32>,
        tpu.vector_store %arg9[%swap3A_2740, %swap3A_2741], %add3A_2739 {strides = array<i32>} : memref<208x128xf32, #tpu.memory_space<vmem>>, vector<16xf32>,
        %add3A_2743 = arith.constant 14 : i32
        %add3A_2744 = arith.addi %mul3A_88, %add3A_2743 : i32
        %broadcast_in_dim3A_2745 = arith.constant 14 : i32
        %broadcast_in_dim3A_2746 = vector.broadcast %broadcast_in_dim3A_2745 : i32 to vector<16x1xi32>
        %gather3A_2747 = vector.shape_cast %broadcast_in_dim3A_2746 : vector<16x1xi32> to vector<16xi32>
        %gather3A_2748 = tpu.dynamic_gather %get3A_90[%gather3A_2747] in [0] : vector<16xi32>, vector<16xi32> -> vector<16xi32>
        %ne3A_2749 = arith.cmpi ne, %gather3A_2748, %broadcast_in_dim3A_36 : vector<16xi32>
        %select_n3A_2750 = arith.select %ne3A_2749, %broadcast_in_dim3A_32, %broadcast_in_dim3A_34 : vector<16xi1>, vector<16xf32>
        %get3A_2751 = arith.index_cast %add3A_2744 : i32 to index
        %get3A_2752 = arith.constant 0 : index
        %get3A_2753 = tpu.vector_load %arg9[%get3A_2751, %get3A_2752] {strides = array<i32>} : memref<208x128xf32, #tpu.memory_space<vmem>>, vector<16xf32>,
        %get3A_2754 = arith.index_cast %add3A_2744 : i32 to index
        %get3A_2755 = arith.constant 0 : index
        %get3A_2756 = tpu.vector_load %arg10[%get3A_2754, %get3A_2755] {strides = array<i32>} : memref<208x128xf32, #tpu.memory_space<vmem>>, vector<16xf32>,
        %mul3A_2757 = arith.mulf %get3A_2753, %select_n3A_2750 : vector<16xf32>
        %add3A_2758 = arith.addf %mul3A_2757, %get3A_2756 : vector<16xf32>
        %get3A_2759 = arith.index_cast %add3A_2744 : i32 to index
        %get3A_2760 = arith.constant 16 : index
        %get3A_2761 = tpu.vector_load %arg9[%get3A_2759, %get3A_2760] {strides = array<i32>} : memref<208x128xf32, #tpu.memory_space<vmem>>, vector<16xf32>,
        %get3A_2762 = arith.index_cast %add3A_2744 : i32 to index
        %get3A_2763 = arith.constant 16 : index
        %get3A_2764 = tpu.vector_load %arg10[%get3A_2762, %get3A_2763] {strides = array<i32>} : memref<208x128xf32, #tpu.memory_space<vmem>>, vector<16xf32>,
        %mul3A_2765 = arith.mulf %get3A_2761, %select_n3A_2750 : vector<16xf32>
        %add3A_2766 = arith.addf %mul3A_2765, %get3A_2764 : vector<16xf32>
        %get3A_2767 = arith.index_cast %add3A_2744 : i32 to index
        %get3A_2768 = arith.constant 32 : index
        %get3A_2769 = tpu.vector_load %arg9[%get3A_2767, %get3A_2768] {strides = array<i32>} : memref<208x128xf32, #tpu.memory_space<vmem>>, vector<16xf32>,
        %get3A_2770 = arith.index_cast %add3A_2744 : i32 to index
        %get3A_2771 = arith.constant 32 : index
        %get3A_2772 = tpu.vector_load %arg10[%get3A_2770, %get3A_2771] {strides = array<i32>} : memref<208x128xf32, #tpu.memory_space<vmem>>, vector<16xf32>,
        %mul3A_2773 = arith.mulf %get3A_2769, %select_n3A_2750 : vector<16xf32>
        %add3A_2774 = arith.addf %mul3A_2773, %get3A_2772 : vector<16xf32>
        %get3A_2775 = arith.index_cast %add3A_2744 : i32 to index
        %get3A_2776 = arith.constant 48 : index
        %get3A_2777 = tpu.vector_load %arg9[%get3A_2775, %get3A_2776] {strides = array<i32>} : memref<208x128xf32, #tpu.memory_space<vmem>>, vector<16xf32>,
        %get3A_2778 = arith.index_cast %add3A_2744 : i32 to index
        %get3A_2779 = arith.constant 48 : index
        %get3A_2780 = tpu.vector_load %arg10[%get3A_2778, %get3A_2779] {strides = array<i32>} : memref<208x128xf32, #tpu.memory_space<vmem>>, vector<16xf32>,
        %mul3A_2781 = arith.mulf %get3A_2777, %select_n3A_2750 : vector<16xf32>
        %add3A_2782 = arith.addf %mul3A_2781, %get3A_2780 : vector<16xf32>
        %get3A_2783 = arith.index_cast %add3A_2744 : i32 to index
        %get3A_2784 = arith.constant 64 : index
        %get3A_2785 = tpu.vector_load %arg9[%get3A_2783, %get3A_2784] {strides = array<i32>} : memref<208x128xf32, #tpu.memory_space<vmem>>, vector<16xf32>,
        %get3A_2786 = arith.index_cast %add3A_2744 : i32 to index
        %get3A_2787 = arith.constant 64 : index
        %get3A_2788 = tpu.vector_load %arg10[%get3A_2786, %get3A_2787] {strides = array<i32>} : memref<208x128xf32, #tpu.memory_space<vmem>>, vector<16xf32>,
        %mul3A_2789 = arith.mulf %get3A_2785, %select_n3A_2750 : vector<16xf32>
        %add3A_2790 = arith.addf %mul3A_2789, %get3A_2788 : vector<16xf32>
        %get3A_2791 = arith.index_cast %add3A_2744 : i32 to index
        %get3A_2792 = arith.constant 80 : index
        %get3A_2793 = tpu.vector_load %arg9[%get3A_2791, %get3A_2792] {strides = array<i32>} : memref<208x128xf32, #tpu.memory_space<vmem>>, vector<16xf32>,
        %get3A_2794 = arith.index_cast %add3A_2744 : i32 to index
        %get3A_2795 = arith.constant 80 : index
        %get3A_2796 = tpu.vector_load %arg10[%get3A_2794, %get3A_2795] {strides = array<i32>} : memref<208x128xf32, #tpu.memory_space<vmem>>, vector<16xf32>,
        %mul3A_2797 = arith.mulf %get3A_2793, %select_n3A_2750 : vector<16xf32>
        %add3A_2798 = arith.addf %mul3A_2797, %get3A_2796 : vector<16xf32>
        %get3A_2799 = arith.index_cast %add3A_2744 : i32 to index
        %get3A_2800 = arith.constant 96 : index
        %get3A_2801 = tpu.vector_load %arg9[%get3A_2799, %get3A_2800] {strides = array<i32>} : memref<208x128xf32, #tpu.memory_space<vmem>>, vector<16xf32>,
        %get3A_2802 = arith.index_cast %add3A_2744 : i32 to index
        %get3A_2803 = arith.constant 96 : index
        %get3A_2804 = tpu.vector_load %arg10[%get3A_2802, %get3A_2803] {strides = array<i32>} : memref<208x128xf32, #tpu.memory_space<vmem>>, vector<16xf32>,
        %mul3A_2805 = arith.mulf %get3A_2801, %select_n3A_2750 : vector<16xf32>
        %add3A_2806 = arith.addf %mul3A_2805, %get3A_2804 : vector<16xf32>
        %get3A_2807 = arith.index_cast %add3A_2744 : i32 to index
        %get3A_2808 = arith.constant 112 : index
        %get3A_2809 = tpu.vector_load %arg9[%get3A_2807, %get3A_2808] {strides = array<i32>} : memref<208x128xf32, #tpu.memory_space<vmem>>, vector<16xf32>,
        %get3A_2810 = arith.index_cast %add3A_2744 : i32 to index
        %get3A_2811 = arith.constant 112 : index
        %get3A_2812 = tpu.vector_load %arg10[%get3A_2810, %get3A_2811] {strides = array<i32>} : memref<208x128xf32, #tpu.memory_space<vmem>>, vector<16xf32>,
        %mul3A_2813 = arith.mulf %get3A_2809, %select_n3A_2750 : vector<16xf32>
        %add3A_2814 = arith.addf %mul3A_2813, %get3A_2812 : vector<16xf32>
        %add3A_2815 = arith.addf %add3A_2758, %add3A_2766 : vector<16xf32>
        %add3A_2816 = arith.addf %add3A_2774, %add3A_2782 : vector<16xf32>
        %add3A_2817 = arith.addf %add3A_2815, %add3A_2816 : vector<16xf32>
        %add3A_2818 = arith.addf %add3A_2790, %add3A_2798 : vector<16xf32>
        %add3A_2819 = arith.addf %add3A_2806, %add3A_2814 : vector<16xf32>
        %add3A_2820 = arith.addf %add3A_2818, %add3A_2819 : vector<16xf32>
        %add3A_2821 = arith.addf %add3A_2817, %add3A_2820 : vector<16xf32>
        %mul3A_2822 = arith.mulf %add3A_2758, %add3A_2758 : vector<16xf32>
        %mul3A_2823 = arith.mulf %add3A_2766, %add3A_2766 : vector<16xf32>
        %mul3A_2824 = arith.mulf %add3A_2774, %add3A_2774 : vector<16xf32>
        %mul3A_2825 = arith.mulf %add3A_2782, %add3A_2782 : vector<16xf32>
        %mul3A_2826 = arith.mulf %add3A_2790, %add3A_2790 : vector<16xf32>
        %mul3A_2827 = arith.mulf %add3A_2798, %add3A_2798 : vector<16xf32>
        %mul3A_2828 = arith.mulf %add3A_2806, %add3A_2806 : vector<16xf32>
        %mul3A_2829 = arith.mulf %add3A_2814, %add3A_2814 : vector<16xf32>
        %add3A_2830 = arith.addf %mul3A_2822, %mul3A_2823 : vector<16xf32>
        %add3A_2831 = arith.addf %mul3A_2824, %mul3A_2825 : vector<16xf32>
        %add3A_2832 = arith.addf %add3A_2830, %add3A_2831 : vector<16xf32>
        %add3A_2833 = arith.addf %mul3A_2826, %mul3A_2827 : vector<16xf32>
        %add3A_2834 = arith.addf %mul3A_2828, %mul3A_2829 : vector<16xf32>
        %add3A_2835 = arith.addf %add3A_2833, %add3A_2834 : vector<16xf32>
        %add3A_2836 = arith.addf %add3A_2832, %add3A_2835 : vector<16xf32>
        %reduce_sum3A_2837 = arith.constant true
        %reduce_sum3A_2838 = vector.broadcast %reduce_sum3A_2837 : i1 to vector<16xi1>
        %reduce_sum3A_2839 = tpu.scan <sum>, %add3A_2821 masked %reduce_sum3A_2838 : vector<16xf32>, vector<16xi1> -> vector<16xf32>
        %reduce_sum3A_2840 = vector.extract %reduce_sum3A_2839[15] : f32 from vector<16xf32>
        %broadcast_in_dim3A_2841 = vector.broadcast %reduce_sum3A_2840 : f32 to vector<16xf32>
        %mul3A_2842 = arith.mulf %broadcast_in_dim3A_2841, %broadcast_in_dim3A_38 : vector<16xf32>
        %reduce_sum3A_2843 = arith.constant true
        %reduce_sum3A_2844 = vector.broadcast %reduce_sum3A_2843 : i1 to vector<16xi1>
        %reduce_sum3A_2845 = tpu.scan <sum>, %add3A_2836 masked %reduce_sum3A_2844 : vector<16xf32>, vector<16xi1> -> vector<16xf32>
        %reduce_sum3A_2846 = vector.extract %reduce_sum3A_2845[15] : f32 from vector<16xf32>
        %broadcast_in_dim3A_2847 = vector.broadcast %reduce_sum3A_2846 : f32 to vector<16xf32>
        %mul3A_2848 = arith.mulf %broadcast_in_dim3A_2847, %broadcast_in_dim3A_38 : vector<16xf32>
        %mul3A_2849 = arith.mulf %mul3A_2842, %mul3A_2842 : vector<16xf32>
        %sub3A_2850 = arith.subf %mul3A_2848, %mul3A_2849 : vector<16xf32>
        %add3A_2851 = arith.addf %sub3A_2850, %broadcast_in_dim3A_40 : vector<16xf32>
        %bitcast3A_2852 = vector.bitcast %add3A_2851 : vector<16xf32> to vector<16xi32>
        %broadcast_in_dim3A_2853 = arith.constant 1597463007 : i32
        %broadcast_in_dim3A_2854 = vector.broadcast %broadcast_in_dim3A_2853 : i32 to vector<16xi32>
        %shift_right_arithmetic3A_2855 = arith.constant 1 : i32
        %shift_right_arithmetic3A_2856 = vector.broadcast %shift_right_arithmetic3A_2855 : i32 to vector<16xi32>
        %shift_right_arithmetic3A_2857 = arith.shrsi %bitcast3A_2852, %shift_right_arithmetic3A_2856 : vector<16xi32>
        %sub3A_2858 = arith.subi %broadcast_in_dim3A_2854, %shift_right_arithmetic3A_2857 : vector<16xi32>
        %bitcast3A_2859 = vector.bitcast %sub3A_2858 : vector<16xi32> to vector<16xf32>
        %broadcast_in_dim3A_2860 = arith.constant 5.000000e-01 : f32
        %broadcast_in_dim3A_2861 = vector.broadcast %broadcast_in_dim3A_2860 : f32 to vector<16xf32>
        %mul3A_2862 = arith.mulf %add3A_2851, %broadcast_in_dim3A_2861 : vector<16xf32>
        %broadcast_in_dim3A_2863 = arith.constant 1.500000e+00 : f32
        %broadcast_in_dim3A_2864 = vector.broadcast %broadcast_in_dim3A_2863 : f32 to vector<16xf32>
        %mul3A_2865 = arith.mulf %mul3A_2862, %bitcast3A_2859 : vector<16xf32>
        %mul3A_2866 = arith.mulf %mul3A_2865, %bitcast3A_2859 : vector<16xf32>
        %sub3A_2867 = arith.subf %broadcast_in_dim3A_2864, %mul3A_2866 : vector<16xf32>
        %mul3A_2868 = arith.mulf %bitcast3A_2859, %sub3A_2867 : vector<16xf32>
        %mul3A_2869 = arith.mulf %mul3A_2862, %mul3A_2868 : vector<16xf32>
        %mul3A_2870 = arith.mulf %mul3A_2869, %mul3A_2868 : vector<16xf32>
        %sub3A_2871 = arith.subf %broadcast_in_dim3A_2864, %mul3A_2870 : vector<16xf32>
        %mul3A_2872 = arith.mulf %mul3A_2868, %sub3A_2871 : vector<16xf32>
        %mul3A_2873 = arith.mulf %mul3A_2862, %mul3A_2872 : vector<16xf32>
        %mul3A_2874 = arith.mulf %mul3A_2873, %mul3A_2872 : vector<16xf32>
        %sub3A_2875 = arith.subf %broadcast_in_dim3A_2864, %mul3A_2874 : vector<16xf32>
        %mul3A_2876 = arith.mulf %mul3A_2872, %sub3A_2875 : vector<16xf32>
        %sub3A_2877 = arith.subf %add3A_2758, %mul3A_2842 : vector<16xf32>
        %mul3A_2878 = arith.mulf %mul3A_2876, %get3A_1 : vector<16xf32>
        %mul3A_2879 = arith.mulf %sub3A_2877, %mul3A_2878 : vector<16xf32>
        %add3A_2880 = arith.addf %mul3A_2879, %get3A_17 : vector<16xf32>
        %swap3A_2881 = arith.index_cast %add3A_2744 : i32 to index
        %swap3A_2882 = arith.constant 0 : index
        %swap3A_2883 = tpu.vector_load %arg9[%swap3A_2881, %swap3A_2882] {strides = array<i32>} : memref<208x128xf32, #tpu.memory_space<vmem>>, vector<16xf32>,
        tpu.vector_store %arg9[%swap3A_2881, %swap3A_2882], %add3A_2880 {strides = array<i32>} : memref<208x128xf32, #tpu.memory_space<vmem>>, vector<16xf32>,
        %sub3A_2884 = arith.subf %add3A_2766, %mul3A_2842 : vector<16xf32>
        %mul3A_2885 = arith.mulf %mul3A_2876, %get3A_3 : vector<16xf32>
        %mul3A_2886 = arith.mulf %sub3A_2884, %mul3A_2885 : vector<16xf32>
        %add3A_2887 = arith.addf %mul3A_2886, %get3A_19 : vector<16xf32>
        %swap3A_2888 = arith.index_cast %add3A_2744 : i32 to index
        %swap3A_2889 = arith.constant 16 : index
        %swap3A_2890 = tpu.vector_load %arg9[%swap3A_2888, %swap3A_2889] {strides = array<i32>} : memref<208x128xf32, #tpu.memory_space<vmem>>, vector<16xf32>,
        tpu.vector_store %arg9[%swap3A_2888, %swap3A_2889], %add3A_2887 {strides = array<i32>} : memref<208x128xf32, #tpu.memory_space<vmem>>, vector<16xf32>,
        %sub3A_2891 = arith.subf %add3A_2774, %mul3A_2842 : vector<16xf32>
        %mul3A_2892 = arith.mulf %mul3A_2876, %get3A_5 : vector<16xf32>
        %mul3A_2893 = arith.mulf %sub3A_2891, %mul3A_2892 : vector<16xf32>
        %add3A_2894 = arith.addf %mul3A_2893, %get3A_21 : vector<16xf32>
        %swap3A_2895 = arith.index_cast %add3A_2744 : i32 to index
        %swap3A_2896 = arith.constant 32 : index
        %swap3A_2897 = tpu.vector_load %arg9[%swap3A_2895, %swap3A_2896] {strides = array<i32>} : memref<208x128xf32, #tpu.memory_space<vmem>>, vector<16xf32>,
        tpu.vector_store %arg9[%swap3A_2895, %swap3A_2896], %add3A_2894 {strides = array<i32>} : memref<208x128xf32, #tpu.memory_space<vmem>>, vector<16xf32>,
        %sub3A_2898 = arith.subf %add3A_2782, %mul3A_2842 : vector<16xf32>
        %mul3A_2899 = arith.mulf %mul3A_2876, %get3A_7 : vector<16xf32>
        %mul3A_2900 = arith.mulf %sub3A_2898, %mul3A_2899 : vector<16xf32>
        %add3A_2901 = arith.addf %mul3A_2900, %get3A_23 : vector<16xf32>
        %swap3A_2902 = arith.index_cast %add3A_2744 : i32 to index
        %swap3A_2903 = arith.constant 48 : index
        %swap3A_2904 = tpu.vector_load %arg9[%swap3A_2902, %swap3A_2903] {strides = array<i32>} : memref<208x128xf32, #tpu.memory_space<vmem>>, vector<16xf32>,
        tpu.vector_store %arg9[%swap3A_2902, %swap3A_2903], %add3A_2901 {strides = array<i32>} : memref<208x128xf32, #tpu.memory_space<vmem>>, vector<16xf32>,
        %sub3A_2905 = arith.subf %add3A_2790, %mul3A_2842 : vector<16xf32>
        %mul3A_2906 = arith.mulf %mul3A_2876, %get3A_9 : vector<16xf32>
        %mul3A_2907 = arith.mulf %sub3A_2905, %mul3A_2906 : vector<16xf32>
        %add3A_2908 = arith.addf %mul3A_2907, %get3A_25 : vector<16xf32>
        %swap3A_2909 = arith.index_cast %add3A_2744 : i32 to index
        %swap3A_2910 = arith.constant 64 : index
        %swap3A_2911 = tpu.vector_load %arg9[%swap3A_2909, %swap3A_2910] {strides = array<i32>} : memref<208x128xf32, #tpu.memory_space<vmem>>, vector<16xf32>,
        tpu.vector_store %arg9[%swap3A_2909, %swap3A_2910], %add3A_2908 {strides = array<i32>} : memref<208x128xf32, #tpu.memory_space<vmem>>, vector<16xf32>,
        %sub3A_2912 = arith.subf %add3A_2798, %mul3A_2842 : vector<16xf32>
        %mul3A_2913 = arith.mulf %mul3A_2876, %get3A_11 : vector<16xf32>
        %mul3A_2914 = arith.mulf %sub3A_2912, %mul3A_2913 : vector<16xf32>
        %add3A_2915 = arith.addf %mul3A_2914, %get3A_27 : vector<16xf32>
        %swap3A_2916 = arith.index_cast %add3A_2744 : i32 to index
        %swap3A_2917 = arith.constant 80 : index
        %swap3A_2918 = tpu.vector_load %arg9[%swap3A_2916, %swap3A_2917] {strides = array<i32>} : memref<208x128xf32, #tpu.memory_space<vmem>>, vector<16xf32>,
        tpu.vector_store %arg9[%swap3A_2916, %swap3A_2917], %add3A_2915 {strides = array<i32>} : memref<208x128xf32, #tpu.memory_space<vmem>>, vector<16xf32>,
        %sub3A_2919 = arith.subf %add3A_2806, %mul3A_2842 : vector<16xf32>
        %mul3A_2920 = arith.mulf %mul3A_2876, %get3A_13 : vector<16xf32>
        %mul3A_2921 = arith.mulf %sub3A_2919, %mul3A_2920 : vector<16xf32>
        %add3A_2922 = arith.addf %mul3A_2921, %get3A_29 : vector<16xf32>
        %swap3A_2923 = arith.index_cast %add3A_2744 : i32 to index
        %swap3A_2924 = arith.constant 96 : index
        %swap3A_2925 = tpu.vector_load %arg9[%swap3A_2923, %swap3A_2924] {strides = array<i32>} : memref<208x128xf32, #tpu.memory_space<vmem>>, vector<16xf32>,
        tpu.vector_store %arg9[%swap3A_2923, %swap3A_2924], %add3A_2922 {strides = array<i32>} : memref<208x128xf32, #tpu.memory_space<vmem>>, vector<16xf32>,
        %sub3A_2926 = arith.subf %add3A_2814, %mul3A_2842 : vector<16xf32>
        %mul3A_2927 = arith.mulf %mul3A_2876, %get3A_15 : vector<16xf32>
        %mul3A_2928 = arith.mulf %sub3A_2926, %mul3A_2927 : vector<16xf32>
        %add3A_2929 = arith.addf %mul3A_2928, %get3A_31 : vector<16xf32>
        %swap3A_2930 = arith.index_cast %add3A_2744 : i32 to index
        %swap3A_2931 = arith.constant 112 : index
        %swap3A_2932 = tpu.vector_load %arg9[%swap3A_2930, %swap3A_2931] {strides = array<i32>} : memref<208x128xf32, #tpu.memory_space<vmem>>, vector<16xf32>,
        tpu.vector_store %arg9[%swap3A_2930, %swap3A_2931], %add3A_2929 {strides = array<i32>} : memref<208x128xf32, #tpu.memory_space<vmem>>, vector<16xf32>,
        %add3A_2933 = arith.constant 15 : i32
        %add3A_2934 = arith.addi %mul3A_88, %add3A_2933 : i32
        %broadcast_in_dim3A_2935 = arith.constant 15 : i32
        %broadcast_in_dim3A_2936 = vector.broadcast %broadcast_in_dim3A_2935 : i32 to vector<16x1xi32>
        %gather3A_2937 = vector.shape_cast %broadcast_in_dim3A_2936 : vector<16x1xi32> to vector<16xi32>
        %gather3A_2938 = tpu.dynamic_gather %get3A_90[%gather3A_2937] in [0] : vector<16xi32>, vector<16xi32> -> vector<16xi32>
        %ne3A_2939 = arith.cmpi ne, %gather3A_2938, %broadcast_in_dim3A_36 : vector<16xi32>
        %select_n3A_2940 = arith.select %ne3A_2939, %broadcast_in_dim3A_32, %broadcast_in_dim3A_34 : vector<16xi1>, vector<16xf32>
        %get3A_2941 = arith.index_cast %add3A_2934 : i32 to index
        %get3A_2942 = arith.constant 0 : index
        %get3A_2943 = tpu.vector_load %arg9[%get3A_2941, %get3A_2942] {strides = array<i32>} : memref<208x128xf32, #tpu.memory_space<vmem>>, vector<16xf32>,
        %get3A_2944 = arith.index_cast %add3A_2934 : i32 to index
        %get3A_2945 = arith.constant 0 : index
        %get3A_2946 = tpu.vector_load %arg10[%get3A_2944, %get3A_2945] {strides = array<i32>} : memref<208x128xf32, #tpu.memory_space<vmem>>, vector<16xf32>,
        %mul3A_2947 = arith.mulf %get3A_2943, %select_n3A_2940 : vector<16xf32>
        %add3A_2948 = arith.addf %mul3A_2947, %get3A_2946 : vector<16xf32>
        %get3A_2949 = arith.index_cast %add3A_2934 : i32 to index
        %get3A_2950 = arith.constant 16 : index
        %get3A_2951 = tpu.vector_load %arg9[%get3A_2949, %get3A_2950] {strides = array<i32>} : memref<208x128xf32, #tpu.memory_space<vmem>>, vector<16xf32>,
        %get3A_2952 = arith.index_cast %add3A_2934 : i32 to index
        %get3A_2953 = arith.constant 16 : index
        %get3A_2954 = tpu.vector_load %arg10[%get3A_2952, %get3A_2953] {strides = array<i32>} : memref<208x128xf32, #tpu.memory_space<vmem>>, vector<16xf32>,
        %mul3A_2955 = arith.mulf %get3A_2951, %select_n3A_2940 : vector<16xf32>
        %add3A_2956 = arith.addf %mul3A_2955, %get3A_2954 : vector<16xf32>
        %get3A_2957 = arith.index_cast %add3A_2934 : i32 to index
        %get3A_2958 = arith.constant 32 : index
        %get3A_2959 = tpu.vector_load %arg9[%get3A_2957, %get3A_2958] {strides = array<i32>} : memref<208x128xf32, #tpu.memory_space<vmem>>, vector<16xf32>,
        %get3A_2960 = arith.index_cast %add3A_2934 : i32 to index
        %get3A_2961 = arith.constant 32 : index
        %get3A_2962 = tpu.vector_load %arg10[%get3A_2960, %get3A_2961] {strides = array<i32>} : memref<208x128xf32, #tpu.memory_space<vmem>>, vector<16xf32>,
        %mul3A_2963 = arith.mulf %get3A_2959, %select_n3A_2940 : vector<16xf32>
        %add3A_2964 = arith.addf %mul3A_2963, %get3A_2962 : vector<16xf32>
        %get3A_2965 = arith.index_cast %add3A_2934 : i32 to index
        %get3A_2966 = arith.constant 48 : index
        %get3A_2967 = tpu.vector_load %arg9[%get3A_2965, %get3A_2966] {strides = array<i32>} : memref<208x128xf32, #tpu.memory_space<vmem>>, vector<16xf32>,
        %get3A_2968 = arith.index_cast %add3A_2934 : i32 to index
        %get3A_2969 = arith.constant 48 : index
        %get3A_2970 = tpu.vector_load %arg10[%get3A_2968, %get3A_2969] {strides = array<i32>} : memref<208x128xf32, #tpu.memory_space<vmem>>, vector<16xf32>,
        %mul3A_2971 = arith.mulf %get3A_2967, %select_n3A_2940 : vector<16xf32>
        %add3A_2972 = arith.addf %mul3A_2971, %get3A_2970 : vector<16xf32>
        %get3A_2973 = arith.index_cast %add3A_2934 : i32 to index
        %get3A_2974 = arith.constant 64 : index
        %get3A_2975 = tpu.vector_load %arg9[%get3A_2973, %get3A_2974] {strides = array<i32>} : memref<208x128xf32, #tpu.memory_space<vmem>>, vector<16xf32>,
        %get3A_2976 = arith.index_cast %add3A_2934 : i32 to index
        %get3A_2977 = arith.constant 64 : index
        %get3A_2978 = tpu.vector_load %arg10[%get3A_2976, %get3A_2977] {strides = array<i32>} : memref<208x128xf32, #tpu.memory_space<vmem>>, vector<16xf32>,
        %mul3A_2979 = arith.mulf %get3A_2975, %select_n3A_2940 : vector<16xf32>
        %add3A_2980 = arith.addf %mul3A_2979, %get3A_2978 : vector<16xf32>
        %get3A_2981 = arith.index_cast %add3A_2934 : i32 to index
        %get3A_2982 = arith.constant 80 : index
        %get3A_2983 = tpu.vector_load %arg9[%get3A_2981, %get3A_2982] {strides = array<i32>} : memref<208x128xf32, #tpu.memory_space<vmem>>, vector<16xf32>,
        %get3A_2984 = arith.index_cast %add3A_2934 : i32 to index
        %get3A_2985 = arith.constant 80 : index
        %get3A_2986 = tpu.vector_load %arg10[%get3A_2984, %get3A_2985] {strides = array<i32>} : memref<208x128xf32, #tpu.memory_space<vmem>>, vector<16xf32>,
        %mul3A_2987 = arith.mulf %get3A_2983, %select_n3A_2940 : vector<16xf32>
        %add3A_2988 = arith.addf %mul3A_2987, %get3A_2986 : vector<16xf32>
        %get3A_2989 = arith.index_cast %add3A_2934 : i32 to index
        %get3A_2990 = arith.constant 96 : index
        %get3A_2991 = tpu.vector_load %arg9[%get3A_2989, %get3A_2990] {strides = array<i32>} : memref<208x128xf32, #tpu.memory_space<vmem>>, vector<16xf32>,
        %get3A_2992 = arith.index_cast %add3A_2934 : i32 to index
        %get3A_2993 = arith.constant 96 : index
        %get3A_2994 = tpu.vector_load %arg10[%get3A_2992, %get3A_2993] {strides = array<i32>} : memref<208x128xf32, #tpu.memory_space<vmem>>, vector<16xf32>,
        %mul3A_2995 = arith.mulf %get3A_2991, %select_n3A_2940 : vector<16xf32>
        %add3A_2996 = arith.addf %mul3A_2995, %get3A_2994 : vector<16xf32>
        %get3A_2997 = arith.index_cast %add3A_2934 : i32 to index
        %get3A_2998 = arith.constant 112 : index
        %get3A_2999 = tpu.vector_load %arg9[%get3A_2997, %get3A_2998] {strides = array<i32>} : memref<208x128xf32, #tpu.memory_space<vmem>>, vector<16xf32>,
        %get3A_3000 = arith.index_cast %add3A_2934 : i32 to index
        %get3A_3001 = arith.constant 112 : index
        %get3A_3002 = tpu.vector_load %arg10[%get3A_3000, %get3A_3001] {strides = array<i32>} : memref<208x128xf32, #tpu.memory_space<vmem>>, vector<16xf32>,
        %mul3A_3003 = arith.mulf %get3A_2999, %select_n3A_2940 : vector<16xf32>
        %add3A_3004 = arith.addf %mul3A_3003, %get3A_3002 : vector<16xf32>
        %add3A_3005 = arith.addf %add3A_2948, %add3A_2956 : vector<16xf32>
        %add3A_3006 = arith.addf %add3A_2964, %add3A_2972 : vector<16xf32>
        %add3A_3007 = arith.addf %add3A_3005, %add3A_3006 : vector<16xf32>
        %add3A_3008 = arith.addf %add3A_2980, %add3A_2988 : vector<16xf32>
        %add3A_3009 = arith.addf %add3A_2996, %add3A_3004 : vector<16xf32>
        %add3A_3010 = arith.addf %add3A_3008, %add3A_3009 : vector<16xf32>
        %add3A_3011 = arith.addf %add3A_3007, %add3A_3010 : vector<16xf32>
        %mul3A_3012 = arith.mulf %add3A_2948, %add3A_2948 : vector<16xf32>
        %mul3A_3013 = arith.mulf %add3A_2956, %add3A_2956 : vector<16xf32>
        %mul3A_3014 = arith.mulf %add3A_2964, %add3A_2964 : vector<16xf32>
        %mul3A_3015 = arith.mulf %add3A_2972, %add3A_2972 : vector<16xf32>
        %mul3A_3016 = arith.mulf %add3A_2980, %add3A_2980 : vector<16xf32>
        %mul3A_3017 = arith.mulf %add3A_2988, %add3A_2988 : vector<16xf32>
        %mul3A_3018 = arith.mulf %add3A_2996, %add3A_2996 : vector<16xf32>
        %mul3A_3019 = arith.mulf %add3A_3004, %add3A_3004 : vector<16xf32>
        %add3A_3020 = arith.addf %mul3A_3012, %mul3A_3013 : vector<16xf32>
        %add3A_3021 = arith.addf %mul3A_3014, %mul3A_3015 : vector<16xf32>
        %add3A_3022 = arith.addf %add3A_3020, %add3A_3021 : vector<16xf32>
        %add3A_3023 = arith.addf %mul3A_3016, %mul3A_3017 : vector<16xf32>
        %add3A_3024 = arith.addf %mul3A_3018, %mul3A_3019 : vector<16xf32>
        %add3A_3025 = arith.addf %add3A_3023, %add3A_3024 : vector<16xf32>
        %add3A_3026 = arith.addf %add3A_3022, %add3A_3025 : vector<16xf32>
        %reduce_sum3A_3027 = arith.constant true
        %reduce_sum3A_3028 = vector.broadcast %reduce_sum3A_3027 : i1 to vector<16xi1>
        %reduce_sum3A_3029 = tpu.scan <sum>, %add3A_3011 masked %reduce_sum3A_3028 : vector<16xf32>, vector<16xi1> -> vector<16xf32>
        %reduce_sum3A_3030 = vector.extract %reduce_sum3A_3029[15] : f32 from vector<16xf32>
        %broadcast_in_dim3A_3031 = vector.broadcast %reduce_sum3A_3030 : f32 to vector<16xf32>
        %mul3A_3032 = arith.mulf %broadcast_in_dim3A_3031, %broadcast_in_dim3A_38 : vector<16xf32>
        %reduce_sum3A_3033 = arith.constant true
        %reduce_sum3A_3034 = vector.broadcast %reduce_sum3A_3033 : i1 to vector<16xi1>
        %reduce_sum3A_3035 = tpu.scan <sum>, %add3A_3026 masked %reduce_sum3A_3034 : vector<16xf32>, vector<16xi1> -> vector<16xf32>
        %reduce_sum3A_3036 = vector.extract %reduce_sum3A_3035[15] : f32 from vector<16xf32>
        %broadcast_in_dim3A_3037 = vector.broadcast %reduce_sum3A_3036 : f32 to vector<16xf32>
        %mul3A_3038 = arith.mulf %broadcast_in_dim3A_3037, %broadcast_in_dim3A_38 : vector<16xf32>
        %mul3A_3039 = arith.mulf %mul3A_3032, %mul3A_3032 : vector<16xf32>
        %sub3A_3040 = arith.subf %mul3A_3038, %mul3A_3039 : vector<16xf32>
        %add3A_3041 = arith.addf %sub3A_3040, %broadcast_in_dim3A_40 : vector<16xf32>
        %bitcast3A_3042 = vector.bitcast %add3A_3041 : vector<16xf32> to vector<16xi32>
        %broadcast_in_dim3A_3043 = arith.constant 1597463007 : i32
        %broadcast_in_dim3A_3044 = vector.broadcast %broadcast_in_dim3A_3043 : i32 to vector<16xi32>
        %shift_right_arithmetic3A_3045 = arith.constant 1 : i32
        %shift_right_arithmetic3A_3046 = vector.broadcast %shift_right_arithmetic3A_3045 : i32 to vector<16xi32>
        %shift_right_arithmetic3A_3047 = arith.shrsi %bitcast3A_3042, %shift_right_arithmetic3A_3046 : vector<16xi32>
        %sub3A_3048 = arith.subi %broadcast_in_dim3A_3044, %shift_right_arithmetic3A_3047 : vector<16xi32>
        %bitcast3A_3049 = vector.bitcast %sub3A_3048 : vector<16xi32> to vector<16xf32>
        %broadcast_in_dim3A_3050 = arith.constant 5.000000e-01 : f32
        %broadcast_in_dim3A_3051 = vector.broadcast %broadcast_in_dim3A_3050 : f32 to vector<16xf32>
        %mul3A_3052 = arith.mulf %add3A_3041, %broadcast_in_dim3A_3051 : vector<16xf32>
        %broadcast_in_dim3A_3053 = arith.constant 1.500000e+00 : f32
        %broadcast_in_dim3A_3054 = vector.broadcast %broadcast_in_dim3A_3053 : f32 to vector<16xf32>
        %mul3A_3055 = arith.mulf %mul3A_3052, %bitcast3A_3049 : vector<16xf32>
        %mul3A_3056 = arith.mulf %mul3A_3055, %bitcast3A_3049 : vector<16xf32>
        %sub3A_3057 = arith.subf %broadcast_in_dim3A_3054, %mul3A_3056 : vector<16xf32>
        %mul3A_3058 = arith.mulf %bitcast3A_3049, %sub3A_3057 : vector<16xf32>
        %mul3A_3059 = arith.mulf %mul3A_3052, %mul3A_3058 : vector<16xf32>
        %mul3A_3060 = arith.mulf %mul3A_3059, %mul3A_3058 : vector<16xf32>
        %sub3A_3061 = arith.subf %broadcast_in_dim3A_3054, %mul3A_3060 : vector<16xf32>
        %mul3A_3062 = arith.mulf %mul3A_3058, %sub3A_3061 : vector<16xf32>
        %mul3A_3063 = arith.mulf %mul3A_3052, %mul3A_3062 : vector<16xf32>
        %mul3A_3064 = arith.mulf %mul3A_3063, %mul3A_3062 : vector<16xf32>
        %sub3A_3065 = arith.subf %broadcast_in_dim3A_3054, %mul3A_3064 : vector<16xf32>
        %mul3A_3066 = arith.mulf %mul3A_3062, %sub3A_3065 : vector<16xf32>
        %sub3A_3067 = arith.subf %add3A_2948, %mul3A_3032 : vector<16xf32>
        %mul3A_3068 = arith.mulf %mul3A_3066, %get3A_1 : vector<16xf32>
        %mul3A_3069 = arith.mulf %sub3A_3067, %mul3A_3068 : vector<16xf32>
        %add3A_3070 = arith.addf %mul3A_3069, %get3A_17 : vector<16xf32>
        %swap3A_3071 = arith.index_cast %add3A_2934 : i32 to index
        %swap3A_3072 = arith.constant 0 : index
        %swap3A_3073 = tpu.vector_load %arg9[%swap3A_3071, %swap3A_3072] {strides = array<i32>} : memref<208x128xf32, #tpu.memory_space<vmem>>, vector<16xf32>,
        tpu.vector_store %arg9[%swap3A_3071, %swap3A_3072], %add3A_3070 {strides = array<i32>} : memref<208x128xf32, #tpu.memory_space<vmem>>, vector<16xf32>,
        %sub3A_3074 = arith.subf %add3A_2956, %mul3A_3032 : vector<16xf32>
        %mul3A_3075 = arith.mulf %mul3A_3066, %get3A_3 : vector<16xf32>
        %mul3A_3076 = arith.mulf %sub3A_3074, %mul3A_3075 : vector<16xf32>
        %add3A_3077 = arith.addf %mul3A_3076, %get3A_19 : vector<16xf32>
        %swap3A_3078 = arith.index_cast %add3A_2934 : i32 to index
        %swap3A_3079 = arith.constant 16 : index
        %swap3A_3080 = tpu.vector_load %arg9[%swap3A_3078, %swap3A_3079] {strides = array<i32>} : memref<208x128xf32, #tpu.memory_space<vmem>>, vector<16xf32>,
        tpu.vector_store %arg9[%swap3A_3078, %swap3A_3079], %add3A_3077 {strides = array<i32>} : memref<208x128xf32, #tpu.memory_space<vmem>>, vector<16xf32>,
        %sub3A_3081 = arith.subf %add3A_2964, %mul3A_3032 : vector<16xf32>
        %mul3A_3082 = arith.mulf %mul3A_3066, %get3A_5 : vector<16xf32>
        %mul3A_3083 = arith.mulf %sub3A_3081, %mul3A_3082 : vector<16xf32>
        %add3A_3084 = arith.addf %mul3A_3083, %get3A_21 : vector<16xf32>
        %swap3A_3085 = arith.index_cast %add3A_2934 : i32 to index
        %swap3A_3086 = arith.constant 32 : index
        %swap3A_3087 = tpu.vector_load %arg9[%swap3A_3085, %swap3A_3086] {strides = array<i32>} : memref<208x128xf32, #tpu.memory_space<vmem>>, vector<16xf32>,
        tpu.vector_store %arg9[%swap3A_3085, %swap3A_3086], %add3A_3084 {strides = array<i32>} : memref<208x128xf32, #tpu.memory_space<vmem>>, vector<16xf32>,
        %sub3A_3088 = arith.subf %add3A_2972, %mul3A_3032 : vector<16xf32>
        %mul3A_3089 = arith.mulf %mul3A_3066, %get3A_7 : vector<16xf32>
        %mul3A_3090 = arith.mulf %sub3A_3088, %mul3A_3089 : vector<16xf32>
        %add3A_3091 = arith.addf %mul3A_3090, %get3A_23 : vector<16xf32>
        %swap3A_3092 = arith.index_cast %add3A_2934 : i32 to index
        %swap3A_3093 = arith.constant 48 : index
        %swap3A_3094 = tpu.vector_load %arg9[%swap3A_3092, %swap3A_3093] {strides = array<i32>} : memref<208x128xf32, #tpu.memory_space<vmem>>, vector<16xf32>,
        tpu.vector_store %arg9[%swap3A_3092, %swap3A_3093], %add3A_3091 {strides = array<i32>} : memref<208x128xf32, #tpu.memory_space<vmem>>, vector<16xf32>,
        %sub3A_3095 = arith.subf %add3A_2980, %mul3A_3032 : vector<16xf32>
        %mul3A_3096 = arith.mulf %mul3A_3066, %get3A_9 : vector<16xf32>
        %mul3A_3097 = arith.mulf %sub3A_3095, %mul3A_3096 : vector<16xf32>
        %add3A_3098 = arith.addf %mul3A_3097, %get3A_25 : vector<16xf32>
        %swap3A_3099 = arith.index_cast %add3A_2934 : i32 to index
        %swap3A_3100 = arith.constant 64 : index
        %swap3A_3101 = tpu.vector_load %arg9[%swap3A_3099, %swap3A_3100] {strides = array<i32>} : memref<208x128xf32, #tpu.memory_space<vmem>>, vector<16xf32>,
        tpu.vector_store %arg9[%swap3A_3099, %swap3A_3100], %add3A_3098 {strides = array<i32>} : memref<208x128xf32, #tpu.memory_space<vmem>>, vector<16xf32>,
        %sub3A_3102 = arith.subf %add3A_2988, %mul3A_3032 : vector<16xf32>
        %mul3A_3103 = arith.mulf %mul3A_3066, %get3A_11 : vector<16xf32>
        %mul3A_3104 = arith.mulf %sub3A_3102, %mul3A_3103 : vector<16xf32>
        %add3A_3105 = arith.addf %mul3A_3104, %get3A_27 : vector<16xf32>
        %swap3A_3106 = arith.index_cast %add3A_2934 : i32 to index
        %swap3A_3107 = arith.constant 80 : index
        %swap3A_3108 = tpu.vector_load %arg9[%swap3A_3106, %swap3A_3107] {strides = array<i32>} : memref<208x128xf32, #tpu.memory_space<vmem>>, vector<16xf32>,
        tpu.vector_store %arg9[%swap3A_3106, %swap3A_3107], %add3A_3105 {strides = array<i32>} : memref<208x128xf32, #tpu.memory_space<vmem>>, vector<16xf32>,
        %sub3A_3109 = arith.subf %add3A_2996, %mul3A_3032 : vector<16xf32>
        %mul3A_3110 = arith.mulf %mul3A_3066, %get3A_13 : vector<16xf32>
        %mul3A_3111 = arith.mulf %sub3A_3109, %mul3A_3110 : vector<16xf32>
        %add3A_3112 = arith.addf %mul3A_3111, %get3A_29 : vector<16xf32>
        %swap3A_3113 = arith.index_cast %add3A_2934 : i32 to index
        %swap3A_3114 = arith.constant 96 : index
        %swap3A_3115 = tpu.vector_load %arg9[%swap3A_3113, %swap3A_3114] {strides = array<i32>} : memref<208x128xf32, #tpu.memory_space<vmem>>, vector<16xf32>,
        tpu.vector_store %arg9[%swap3A_3113, %swap3A_3114], %add3A_3112 {strides = array<i32>} : memref<208x128xf32, #tpu.memory_space<vmem>>, vector<16xf32>,
        %sub3A_3116 = arith.subf %add3A_3004, %mul3A_3032 : vector<16xf32>
        %mul3A_3117 = arith.mulf %mul3A_3066, %get3A_15 : vector<16xf32>
        %mul3A_3118 = arith.mulf %sub3A_3116, %mul3A_3117 : vector<16xf32>
        %add3A_3119 = arith.addf %mul3A_3118, %get3A_31 : vector<16xf32>
        %swap3A_3120 = arith.index_cast %add3A_2934 : i32 to index
        %swap3A_3121 = arith.constant 112 : index
        %swap3A_3122 = tpu.vector_load %arg9[%swap3A_3120, %swap3A_3121] {strides = array<i32>} : memref<208x128xf32, #tpu.memory_space<vmem>>, vector<16xf32>,
        tpu.vector_store %arg9[%swap3A_3120, %swap3A_3121], %add3A_3119 {strides = array<i32>} : memref<208x128xf32, #tpu.memory_space<vmem>>, vector<16xf32>,
      }
      %scan3A_85 = arith.constant 13 : i32
      "tpu.region"() ({
        %run_scoped3A = tpu.sem_alloc : memref<!tpu.dma_semaphore, #tpu.memory_space<semaphore_mem>>
        %dma_start3A_86 = arith.constant 0 : i32
        %dma_start3A_87 = arith.constant 0 : i32
        %dma_start3A_88 = tpu.memref_slice %arg9[%dma_start3A_86, %dma_start3A_87] : memref<208x128xf32, #tpu.memory_space<vmem>> -> memref<200x128xf32, #tpu.memory_space<vmem>>
        %dma_start3A_89 = arith.constant 0 : i32
        %dma_start3A_90 = arith.constant 0 : i32
        %dma_start3A_91 = tpu.memref_slice %arg7[%add3A_49, %dma_start3A_89, %dma_start3A_90] : memref<1024x200x128xf32, #tpu.memory_space<hbm>> -> memref<1x200x128xf32, #tpu.memory_space<hbm>>
        %dma_start3A_92 = tpu.memref_squeeze %dma_start3A_91 : memref<1x200x128xf32, #tpu.memory_space<hbm>> -> memref<200x128xf32, #tpu.memory_space<hbm>>
        %dma_start3A_93 = arith.constant 0 : i32
        %dma_start3A_94 = arith.constant 0 : i32
        %dma_start3A_95 = tpu.memref_slice %arg7[%add3A_49, %dma_start3A_93, %dma_start3A_94] : memref<1024x200x128xf32, #tpu.memory_space<hbm>> -> memref<1x200x128xf32, #tpu.memory_space<hbm>>
        %dma_start3A_96 = tpu.memref_squeeze %dma_start3A_95 : memref<1x200x128xf32, #tpu.memory_space<hbm>> -> memref<200x128xf32, #tpu.memory_space<hbm>>
        %dma_start3A_97 = arith.constant 0 : i32
        %dma_start3A_98 = arith.constant 0 : i32
        %dma_start3A_99 = tpu.memref_slice %arg9[%dma_start3A_97, %dma_start3A_98] : memref<208x128xf32, #tpu.memory_space<vmem>> -> memref<200x128xf32, #tpu.memory_space<vmem>>
        tpu.enqueue_dma source(%dma_start3A_99 : memref<200x128xf32, #tpu.memory_space<vmem>>) target(%dma_start3A_96 : memref<200x128xf32, #tpu.memory_space<hbm>>) target_semaphore(%run_scoped3A : memref<!tpu.dma_semaphore, #tpu.memory_space<semaphore_mem>>)
        %dma_wait3A_100 = arith.constant 0 : i32
        %dma_wait3A_101 = arith.constant 0 : i32
        %dma_wait3A_102 = tpu.memref_slice %arg9[%dma_wait3A_100, %dma_wait3A_101] : memref<208x128xf32, #tpu.memory_space<vmem>> -> memref<200x128xf32, #tpu.memory_space<vmem>>
        %dma_wait3A_103 = arith.constant 0 : i32
        %dma_wait3A_104 = arith.constant 0 : i32
        %dma_wait3A_105 = tpu.memref_slice %arg7[%add3A_49, %dma_wait3A_103, %dma_wait3A_104] : memref<1024x200x128xf32, #tpu.memory_space<hbm>> -> memref<1x200x128xf32, #tpu.memory_space<hbm>>
        %dma_wait3A_106 = tpu.memref_squeeze %dma_wait3A_105 : memref<1x200x128xf32, #tpu.memory_space<hbm>> -> memref<200x128xf32, #tpu.memory_space<hbm>>
        %dma_wait3A_107 = arith.constant 0 : i32
        %dma_wait3A_108 = arith.constant 0 : i32
        %dma_wait3A_109 = tpu.memref_slice %arg7[%add3A_49, %dma_wait3A_107, %dma_wait3A_108] : memref<1024x200x128xf32, #tpu.memory_space<hbm>> -> memref<1x200x128xf32, #tpu.memory_space<hbm>>
        %dma_wait3A_110 = tpu.memref_squeeze %dma_wait3A_109 : memref<1x200x128xf32, #tpu.memory_space<hbm>> -> memref<200x128xf32, #tpu.memory_space<hbm>>
        %dma_wait3A_111 = arith.constant 0 : i32
        %dma_wait3A_112 = arith.constant 0 : i32
        %dma_wait3A_113 = tpu.memref_slice %arg9[%dma_wait3A_111, %dma_wait3A_112] : memref<208x128xf32, #tpu.memory_space<vmem>> -> memref<200x128xf32, #tpu.memory_space<vmem>>
        tpu.wait_dma2 semaphore(%run_scoped3A : memref<!tpu.dma_semaphore, #tpu.memory_space<semaphore_mem>>) src(%dma_wait3A_113 : memref<200x128xf32, #tpu.memory_space<vmem>>) dst(%dma_wait3A_110 : memref<200x128xf32, #tpu.memory_space<hbm>>)
        tpu.yield
      }) : () -> ()
    }
    %scan3A_45 = arith.constant 32 : i32
    return
  }
}

</mosaic_0001>

<sc_bundles>
// kernel: _run.3.cloned.1.call-start
scs
__scs_entry_jumppad:
0x0: {  	(pc) =	sbr.rel $0x88, $3  }
0x1: {  	(tag) =	ssettag $0x0;
	lr =	simm.s32 $0x1  }
0x2: {  	[smem:$0x3F9C] =	sst lr;
	_ =	strace $0xD0000000  }
0x3: {  	_ = 	snop  }
0x4: {  	_ = 	snop  }
0x5: {  	_ = 	snop  }
0x6: {  	_ = 	snop  }
0x7: {  	_ = 	snop  }
__scs_overlays_trampoline_lowered:
0x8: {  	[smem:$0x3FAB] =	sst s0  }
0x9: {  	[smem:$0x3FAC] =	sst s1  }
0xa: {  	[smem:$0x3FAD] =	sst s2  }
0xb: {  	[smem:$0x3FAE] =	sst s3  }
0xc: {  	[smem:$0x3FAF] =	sst s4  }
0xd: {  	[smem:$0x3FB0] =	sst s5  }
0xe: {  	[smem:$0x3FB1] =	sst s6  }
0xf: {  	[smem:$0x3FB2] =	sst s7  }
0x10: {  	[smem:$0x3FB3] =	sst s8  }
0x11: {  	[smem:$0x3FB4] =	sst s9;
	s0 =	simm.s32 @!p0 $0x0  }
0x12: {  	s1 =	sld [smem:$0x3F9A];
	s0 =	simm.s32 @p0 $0x1  }
0x13: {  	[smem:$0x3FB5] =	sst s0;
	s0 =	simm.s32 @!p1 $0x0  }
0x14: {  	s2 =	sld [smem:$0x3F99];
	s0 =	simm.s32 @p1 $0x1  }
0x15: {  	[smem:$0x3FB6] =	sst s0;
	s0 =	simm.s32 @!p2 $0x0  }
0x16: {  	s3 =	sld [smem:$0x3FDB];
	s0 =	simm.s32 @p2 $0x1  }
0x17: {  	s4 =	simm.s32 $0x1BF5;
	[smem:$0x3FB8] =	sst s0  }
0x18: {  	s0 =	sld [smem:$0x3F9B];
	_ =	swait.ge [sflag:s4], $0x0  }
0x19: {  	s7 =	sld [smem:$0x3F9C]  }
0x1a: {  	s8 =	sadd.s32 $0xFFFFE003, lr  }
0x1b: {  	s9 =	sadd.s32 $0xFFFFFEF7, lr;
	s5 =	simm.s32 $0xFFFFFFFF;
	p2 =	slt.u32 s8, $0xFFFFF086  }
0x1c: {  	p1 =	slt.u32 s9, $0xF7A;
	s5 =	simm.s32 @!p2 $0x0  }
0x1d: {  	s5 =	simm.s32 @p1 $0x1;
	p0 =	seq.s32 s7, s2  }
0x1e: {  	s7 =	smul.u32 @!p0 $0xF7A, s2;
	p2 =	seq.s32 @!p0 s5, $0x0  }
0x1f: {  	s9 =	smul.u32 $0xF7A, s1;
	s8 =	simm.s32 @!p0 $0x1BF5;
	p2 =	por !p2, p0  }
0x20: {  	[sflag:s8] =	ssyncset.s32 @!p0 $0xFFFFF086;
	s6 =	sadd.s32 @!p0 s3, s7;
	s7 =	simm.s32 @!p0 $0x108  }
0x21: {  	s3 =	sadd.s32 s3, s9;
	s6 =	sadd.s32 @!p0 $0x88, s6;
	s7 =	simm.s32 @p2 $0x1082  }
0x22: {  	[simem:s7], [sflag:s8] =	dma.local @!p0 [hbm:s6], $0xF7A  }
0x23: {  	s9 =	sor.u32 $0xD0000000, s2;
	s6 =	simm.s32 $0x108;
	_ =	swait.ge @!p0 [sflag:s8], $0x0  }
0x24: {  	s3 =	sadd.s32 $0x88, s3;
	s6 =	simm.s32 @!p1 $0x1082;
	[sflag:s4] =	ssyncset.s32 $0xFFFFF086  }
0x25: {  	[simem:s6], [sflag:s4] =	dma.local [hbm:s3], $0xF7A  }
0x26: {  	[smem:$0x3F9C] =	sst s1;
	(tag) =	ssettag s2;
	_ =	strace s9  }
0x27: {  	s1 =	sld [smem:$0x3FAC]  }
0x28: {  	s2 =	sld [smem:$0x3FAD]  }
0x29: {  	s4 =	sld [smem:$0x3FAF]  }
0x2a: {  	p0 =	seq.s32 s5, $0x0;
	s5 =	sld [smem:$0x3FB0]  }
0x2b: {  	s6 =	sld [smem:$0x3FB1]  }
0x2c: {  	s7 =	sld [smem:$0x3FB2]  }
0x2d: {  	s3 =	simm.s32 $0x108;
	s8 =	sld [smem:$0x3FB3]  }
0x2e: {  	s3 =	simm.s32 @!p0 $0x1082;
	s9 =	sld [smem:$0x3FB4]  }
0x2f: {  	lr =	sadd.s32 s0, s3;
	s0 =	sld [smem:$0x3FAB]  }
0x30: {  	s3 =	sld [smem:$0x3FAE]  }
0x31: {  	[smem:$0x3FB7] =	sst s10  }
0x32: {  	s10 =	sld [smem:$0x3FB5];
	_ =	sdelay $0x3  }
0x33: {  	p0 =	seq.s32 s10, $0x1;
	s10 =	sld [smem:$0x3FB7];
	_ =	sdelay $0x3  }
0x34: {  	[smem:$0x3FB7] =	sst s10  }
0x35: {  	s10 =	sld [smem:$0x3FB6];
	_ =	sdelay $0x3  }
0x36: {  	p1 =	seq.s32 s10, $0x1;
	s10 =	sld [smem:$0x3FB7];
	_ =	sdelay $0x3  }
0x37: {  	[smem:$0x3FB7] =	sst s10  }
0x38: {  	s10 =	sld [smem:$0x3FB8]  }
0x39: {  	_ = 	snop;
	(pc) =	sbr.ind lr, $3  }
0x3a: {  	_ = 	snop  }
0x3b: {  	_ = 	snop  }
0x3c: {  	p2 =	seq.s32 s10, $0x1;
	s10 =	sld [smem:$0x3FB7]  }
0x3d: {  	_ =	shalt  }
0x3e: {  	_ =	shalt  }
0x3f: {  	_ =	shalt  }
0x40: {  	_ =	shalt  }
0x41: {  	_ =	shalt  }
0x42: {  	_ =	shalt  }
0x43: {  	_ =	shalt  }
0x44: {  	_ =	shalt  }
0x45: {  	_ =	shalt  }
0x46: {  	_ =	shalt  }
0x47: {  	_ =	shalt  }
0x48: {  	_ =	shalt  }
0x49: {  	_ =	shalt  }
0x4a: {  	_ =	shalt  }
0x4b: {  	_ =	shalt  }
0x4c: {  	_ =	shalt  }
0x4d: {  	_ =	shalt  }
0x4e: {  	_ =	shalt  }
0x4f: {  	_ =	shalt  }
0x50: {  	_ =	shalt  }
0x51: {  	_ =	shalt  }
0x52: {  	_ =	shalt  }
0x53: {  	_ =	shalt  }
0x54: {  	_ =	shalt  }
0x55: {  	_ =	shalt  }
0x56: {  	_ =	shalt  }
0x57: {  	_ =	shalt  }
0x58: {  	_ =	shalt  }
0x59: {  	_ =	shalt  }
0x5a: {  	_ =	shalt  }
0x5b: {  	_ =	shalt  }
0x5c: {  	_ =	shalt  }
0x5d: {  	_ =	shalt  }
0x5e: {  	_ =	shalt  }
0x5f: {  	_ =	shalt  }
0x60: {  	_ =	shalt  }
0x61: {  	_ =	shalt  }
0x62: {  	_ =	shalt  }
0x63: {  	_ =	shalt  }
0x64: {  	_ =	shalt  }
0x65: {  	_ =	shalt  }
0x66: {  	_ =	shalt  }
0x67: {  	_ =	shalt  }
0x68: {  	_ =	shalt  }
0x69: {  	_ =	shalt  }
0x6a: {  	_ =	shalt  }
0x6b: {  	_ =	shalt  }
0x6c: {  	_ =	shalt  }
0x6d: {  	_ =	shalt  }
0x6e: {  	_ =	shalt  }
0x6f: {  	_ =	shalt  }
0x70: {  	_ =	shalt  }
0x71: {  	_ =	shalt  }
0x72: {  	_ =	shalt  }
0x73: {  	_ =	shalt  }
0x74: {  	_ =	shalt  }
0x75: {  	_ =	shalt  }
0x76: {  	_ =	shalt  }
0x77: {  	_ =	shalt  }
0x78: {  	_ =	shalt  }
0x79: {  	_ =	shalt  }
0x7a: {  	_ =	shalt  }
0x7b: {  	_ =	shalt  }
0x7c: {  	_ =	shalt  }
0x7d: {  	_ =	shalt  }
0x7e: {  	_ =	shalt  }
0x7f: {  	_ =	shalt  }
0x80: {  	_ =	shalt  }
0x81: {  	_ =	shalt  }
0x82: {  	_ =	shalt  }
0x83: {  	_ =	shalt  }
0x84: {  	_ =	shalt  }
0x85: {  	_ =	shalt  }
0x86: {  	_ =	shalt  }
0x87: {  	_ =	shalt  }
.Lfunc_end0:
.L_simem_size_0:
called_computation_lowered:
.L_overlay_start_0:
0x88: {  	s2 =	sld [smem:$0x3FD9]  }
0x89: {  	s3 =	sld [smem:$0x3FFE];
	_ =	sdelay $0x1  }
0x8a: {  	s1 =	srdreg.scid  }
0x8b: {  	s0 =	sand.u32 $0x1, s1  }
0x8c: {  	s17 =	sshll.u32 s0, $0xA;
	s2 =	sadd.s32 s3, s2  }
0x8d: {  	s2 =	sadd.s32 s2, s17  }
0x8e: {  	[smem:$0x3FC3] =	sst s2  }
0x8f: {  	_ = 	snop  }
0x90: {  	s2 =	sld [smem:$0x3FC8]  }
0x91: {  	s18 =	sld [smem:$0x3FC7]  }
0x92: {  	s4 =	sld [smem:$0x3FC6]  }
0x93: {  	s5 =	sld [smem:$0x3FC5]  }
0x94: {  	s6 =	sld [smem:$0x3FD0];
	(tm) =	ssettm $0x1  }
0x95: {  	s7 =	sld [smem:$0x3FFB];
	_ =	sdelay $0x3  }
0x96: {  	_ =	strace s7  }
0x97: {  	s7 =	sld [smem:$0x3FFC];
	_ =	sdelay $0x3  }
0x98: {  	_ =	strace s7  }
0x99: {  	s7 =	sld [smem:$0x3FFD];
	_ =	sdelay $0x3  }
0x9a: {  	_ =	strace s7  }
0x9b: {  	_ =	strace $0x8FFFFFFF  }
0x9c: {  	s19 =	sld [smem:$0x3FDB];
	_ =	sdelay $0x1  }
0x9d: {  	s8 =	simm.s32 $_scs_section_size  }
0x9e: {  	s9 =	simm.s32 $_size__tile_overlayer_lowered;
	s10 =	simm.s32 $_tile_overlayer_lowered  }
0x9f: {  	s22 =	simm.s32 $0x1BFF;
	s21 =	sshll.u32 s10, $0x1;
	s7 =	sadd.s32 s8, s19  }
0xa0: {  	s11 =	simm.s32 $0x0;
	s20 =	sshll.u32 s9, $0x1;
	s9 =	sadd.s32 s21, s7  }
0xa1: {  	[timem:s11], [sflag:s22] =	dma.local [hbm:s9], s20  }
0xa2: {  	_ =	swait.ge [sflag:s22], s20  }
0xa3: {  	s8 =	ssub.s32 $0x0, s20;
	[sflag:s22] =	ssyncset.done $0x0  }
0xa4: {  	[sflag:s22] =	ssyncadd.s32 s8;
	_ =	sdelay $0x1  }
0xa5: {  	s23 =	simm.s32 $0x1B8B  }
0xa6: {  	_ =	swait.ge [sflag:s23], $0x1  }
0xa7: {  	[sflag:s23] =	ssyncset.done $0x0  }
0xa8: {  	s25 =	simm.s32 $0x1B8E;
	s24 =	sld [smem:$0x3FFE];
	[sflag:s23] =	ssyncadd.s32 $0xFFFFFFFF  }
0xa9: {  	s26 =	simm.s32 $execute0_lowered;
	[smem:$0x3FD2] =	sst s25  }
0xaa: {  	s9 =	sshll.u32 s26, $0x1;
	_ =	strace $0x80000046;
	[dreg:$0x1] =	wrdreg $0xFFFFFFFF  }
0xab: {  	s28 =	simm.s32 $_size_execute0_lowered;
	s7 =	sadd.s32 s7, s9;
	[dreg:$0x0] =	wrdreg $0x0  }
0xac: {  	s9 =	sshll.u32 s28, $0x1;
	[dreg:$0x2] =	wrdreg s7  }
0xad: {  	[dreg:$0x3] =	wrdreg s9  }
0xae: {  	[dreg:$0x4] =	wrdreg $0xC0  }
0xaf: {  	_ =	task [dreg:s11], $0x5FFFF  }
0xb0: {  	[dreg:$0x1] =	wrdreg $0xFFFFFFFF  }
0xb1: {  	[dreg:$0x0] =	wrdreg $0x60  }
0xb2: {  	[dreg:$0x2] =	wrdreg s24  }
0xb3: {  	[dreg:$0x3] =	wrdreg s2  }
0xb4: {  	[dreg:$0x4] =	wrdreg s18  }
0xb5: {  	[dreg:$0x5] =	wrdreg s4  }
0xb6: {  	[dreg:$0x6] =	wrdreg s5  }
0xb7: {  	[dreg:$0x7] =	wrdreg s6  }
0xb8: {  	[dreg:$0x8] =	wrdreg $0x9  }
0xb9: {  	_ =	task.clear_ibuf [dreg:s11], $0x9FFFF;
	_ =	strace $0x90000046  }
0xba: {  	s29 =	simm.s32 $0x9;
	_ =	strace $0x80000048  }
0xbb: {  	_ =	swait.ge [sflag:s29], $0x1  }
0xbc: {  	[sflag:s29] =	ssyncadd.s32 $0xFFFFFFFF  }
0xbd: {  	_ =	strace $0x90000048  }
0xbe: {  	_ =	sfence  }
0xbf: {  	s30 =	sld [smem:$0x0];
	_ =	sdelay $0x2  }
0xc0: {  	s31 =	sshll.u32 s1, $0xD;
	s1 =	sshrl.u32 s1, $0x2  }
0xc1: {  	s3 =	sand.u32 $0x4000, s31;
	s1 =	sadd.s32 s1, s30  }
0xc2: {  	s0 =	sor.u32 s3, s0;
	s1 =	sshll.u32 s1, $0x11  }
0xc3: {  	s0 =	sor.u32 s1, s0  }
0xc4: {  	s0 =	sadd.s32 $0x8F2B, s0  }
0xc5: {  	[sflag:s0] =	ssyncadd.remote.s32 $0x1  }
0xc6: {  	_ =	sfence.sel $0xFFFF  }
0xc7: {  	[dreg:$0x0] =	wrdreg $0xFFFFFFFF;
	(pc) =	sbr.abs _section_cstart, $3  }
0xc8: {  	[dreg:$0x1] =	wrdreg $0xFFFFFFFF  }
0xc9: {  	_ =	task.clear_ibuf [dreg:s11], $0x2FFFF;
	_ =	strace $0x9FFFFFFF  }
0xca: {  	(tm) =	ssettm $0x7FFFFFFF  }
0xcb: {  	_ =	shalt  }
tec
execute0_lowered:
.L_overlay_start_1:
0x0: {  	(tag) =	ssettag $0x1  }
0x1: {  	s8 =	rddreg [dreg:$0x0]  }
0x2: {  	s1 =	rddreg [dreg:$0x1]  }
0x3: {  	s2 =	rddreg [dreg:$0x2]  }
0x4: {  	s3 =	rddreg [dreg:$0x3]  }
0x5: {  	s4 =	rddreg [dreg:$0x4]  }
0x6: {  	s5 =	rddreg [dreg:$0x5]  }
0x7: {  	s7 =	srdreg.scid;
	s0 =	rddreg [dreg:$0x6];
	s6 =	simm.s32 $0x0  }
0x8: {  	s12 =	simm.s32 $0x2;
	s13 =	simm.s32 $0xD100;
	s14 =	simm.s32 $0xD180  }
0x9: {  	s15 =	simm.s32 $0x80;
	s16 =	simm.s32 $0x400;
	s17 =	simm.s32 $0x68  }
0xa: {  	s18 =	simm.s32 $0x100;
	s19 =	simm.s32 $0x60;
	s20 =	simm.s32 $0x3500  }
0xb: {  	v12 =	vimm.f32 $1.131370830e+01;
	s21 =	simm.s32 $0x1;
	s22 =	simm.s32 $0x0;
	s9 =	sand.u32 $0x1, s7  }
0xc: {  	v19 =	vimm.s32 $0x1;
	v21 =	vimm.s32 $0x2;
	v23 =	vimm.s32 $0x3;
	[smem:$0x7FF] =	sst s6;
	s7 =	stileid.u32;
	s10 =	ssub.s32 $0x2, s9  }
0xd: {  	v24 =	vimm.s32 $0x4;
	v25 =	vimm.s32 $0x5;
	v26 =	vimm.s32 $0x6;
	s8 =	sadd.s32 $0x400, s8;
	_ =	strace $0x80000047;
	s11 =	sshrl.u32 s10, $0x1  }
0xe: {  	v27 =	vimm.s32 $0x7;
	v28 =	vimm.s32 $0x8;
	v29 =	vimm.s32 $0x9;
	s31 =	sshll.u32 s7, $0x6;
	s9 =	sshll.u32 s9, $0x5;
	s10 =	ssub.s32 s10, s11  }
0xf: {  	v30 =	vimm.s32 $0xA;
	v31 =	vimm.s32 $0xB;
	v32 =	vimm.s32 $0xC;
	s9 =	sor.u32 s9, s31;
	s11 =	simm.s32 $0x6900;
	s10 =	smax.u32 s10, $0x1  }
.LBB2_1:
0x10: {  	[tilespmem:s11], [sflag:$0x2] =	stream.linear.gather [hbm4b:s2+s6], $0x6800, $0x38;
	[tilespmem:$0xD200] =	vst v63  }
0x11: {  	_ =	swait.ge [sflag:s12], $0x6800  }
0x12: {  	[sflag:s12] =	ssyncset.done $0x0  }
0x13: {  	[sflag:s12] =	ssyncadd.s32 $0xFFFF9800  }
0x14: {  	[tilespmem:s13], [sflag:$0x2] =	stream.linear.gather [hbm4b:s3+s6], $0x80, $0x38;
	[tilespmem:$0xD200] =	vst v63  }
0x15: {  	_ =	swait.ge [sflag:s12], $0x80  }
0x16: {  	[sflag:s12] =	ssyncset.done $0x0  }
0x17: {  	[sflag:s12] =	ssyncadd.s32 $0xFFFFFF80  }
0x18: {  	[tilespmem:s14], [sflag:$0x2] =	stream.linear.gather [hbm4b:s4+s6], $0x80, $0x38;
	[tilespmem:$0xD200] =	vst v63  }
0x19: {  	_ =	swait.ge [sflag:s12], $0x80  }
0x1a: {  	[sflag:s12] =	ssyncset.done $0x0  }
0x1b: {  	[sflag:s12] =	ssyncadd.s32 $0xFFFFFF80  }
0x1c: {  	v13 =	vld [tilespmem:$0xD100]  }
0x1d: {  	v14 =	vld [tilespmem:$0xD110]  }
0x1e: {  	v15 =	vld [tilespmem:$0xD120]  }
0x1f: {  	v16 =	vld [tilespmem:$0xD130]  }
0x20: {  	v9 =	vld [tilespmem:$0xD140]  }
0x21: {  	v11 =	vld [tilespmem:$0xD150];
	[tilespmem:$0x1FF00] =	vst v13  }
0x22: {  	v17 =	vld [tilespmem:$0xD160];
	[tilespmem:$0x1FF10] =	vst v14  }
0x23: {  	v8 =	vld [tilespmem:$0xD170];
	[tilespmem:$0x1FF20] =	vst v15  }
0x24: {  	v18 =	vld [tilespmem:$0xD180];
	[tilespmem:$0x1FF30] =	vst v16  }
0x25: {  	v20 =	vld [tilespmem:$0xD190];
	[tilespmem:$0x1FF40] =	vst v9  }
0x26: {  	v22 =	vld [tilespmem:$0xD1A0];
	[tilespmem:$0x1FF50] =	vst v11  }
0x27: {  	v33 =	vld [tilespmem:$0xD1B0];
	[tilespmem:$0x1FF60] =	vst v17  }
0x28: {  	v10 =	vld [tilespmem:$0xD1C0];
	[tilespmem:$0x1FF70] =	vst v8  }
0x29: {  	v3 =	vld [tilespmem:$0xD1D0];
	[tilespmem:$0x1FF80] =	vst v18  }
0x2a: {  	v4 =	vld [tilespmem:$0xD1E0];
	[tilespmem:$0x1FF90] =	vst v20  }
0x2b: {  	v2 =	vld [tilespmem:$0xD1F0];
	[tilespmem:$0x1FFA0] =	vst v22  }
0x2c: {  	[tilespmem:$0x1FFB0] =	vst v33  }
0x2d: {  	[tilespmem:$0x1FFC0] =	vst v10  }
0x2e: {  	[tilespmem:$0x1FFD0] =	vst v3  }
0x2f: {  	[tilespmem:$0x1FFE0] =	vst v4  }
0x30: {  	s23 =	simm.s32 $0x0;
	[tilespmem:$0x1FFF0] =	vst v2  }
.LBB2_2:
0x31: {  	s24 =	sadd.s32 s9, s23;
	s25 =	sshll.u32 s23, $0x4  }
0x32: {  	s26 =	sshll.u32 s24, $0x5;
	s25 =	sand.u32 $0x70, s25  }
0x33: {  	s26 =	sand.u32 $0x7F00, s26;
	s25 =	sadd.s32 s8, s25  }
0x34: {  	s26 =	sadd.s32 s26, s25;
	s25 =	simm.s32 $0x0  }
0x35: {  	[tilespmem:s25], [sflag:$0x2] =	stream.strided.gather [hbm4b:s26+s15], $0x100, s16, s15, $0x38;
	[tilespmem:$0xD200] =	vst v63  }
0x36: {  	_ =	swait.ge [sflag:s12], $0x100  }
0x37: {  	[sflag:s12] =	ssyncset.done $0x0  }
0x38: {  	[sflag:s12] =	ssyncadd.s32 $0xFFFFFF00  }
0x39: {  	[tilespmem:s18], [sflag:$0x1] =	stream.indirect.gather [hbm4b:s1+s17], $0x80, s25, s17, $0xb8;
	[tilespmem:$0xD200] =	vst v63  }
0x3a: {  	_ = 	snop  }
0x3b: {  	[tilespmem:s20], [sflag:$0x1] =	stream.indirect.gather [hbm4b:s1+s19], $0x80, s17, s19, $0xb8;
	[tilespmem:$0xD200] =	vst v63  }
0x3c: {  	_ =	swait.ge [sflag:s21], $0x3400  }
0x3d: {  	[sflag:s21] =	ssyncset.done $0x0  }
0x3e: {  	[sflag:s21] =	ssyncadd.s32 $0xFFFFCC00  }
0x3f: {  	_ =	swait.ge [sflag:s21], $0x3000  }
0x40: {  	[sflag:s21] =	ssyncset.done $0x0  }
0x41: {  	[sflag:s21] =	ssyncadd.s32 $0xFFFFD000  }
.LBB2_3:
0x42: {  	s31 =	sshll.u32 s25, $0xB  }
0x43: {  	v0 =	vld [tilespmem:s31+$0x100]  }
0x44: {  	v1 =	vld [tilespmem:s31+$0x6900]  }
0x45: {  	v2 =	vld [tilespmem:s31+$0x110]  }
0x46: {  	v3 =	vld [tilespmem:s31+$0x6910]  }
0x47: {  	s26 =	sshll.u32 s25, $0x4;
	v4 =	vld [tilespmem:s31+$0x120]  }
0x48: {  	s26 =	sand.u32 $0x3FFFFFF0, s26;
	v5 =	vld [tilespmem:s31+$0x6920]  }
0x49: {  	v33 =	vld [tilespmem:s26+$0x0]  }
0x4a: {  	v6 =	vld [tilespmem:s31+$0x130]  }
0x4b: {  	v7 =	vld [tilespmem:s31+$0x6930]  }
0x4c: {  	v8 =	vld [tilespmem:s31+$0x140]  }
0x4d: {  	v10 =	vimm.s32 $0x0;
	v9 =	vld [tilespmem:s31+$0x6940]  }
0x4e: {  	v11 =	vld [tilespmem:s31+$0x150];
	v10 =	vperm.xlane v33, v10  }
0x4f: {  	v14 =	vld [tilespmem:s31+$0x6950]  }
0x50: {  	v35 =	vld [tilespmem:s31+$0x160];
	vm0 =	veq.s32 v10, $0x0  }
0x51: {  	v16 =	vld [tilespmem:s31+$0x170];
	v15 =	vsel vm0, $0x0, v12  }
0x52: {  	v17 =	vld [tilespmem:s31+$0x6960];
	v0 =	vmul.f32 v15, v0;
	v2 =	vmul.f32 v2, v15  }
0x53: {  	v18 =	vld [tilespmem:s31+$0x6970];
	v4 =	vmul.f32 v4, v15;
	v40 =	vmul.f32 v6, v15  }
0x54: {  	v41 =	vmul.f32 v8, v15;
	v42 =	vmul.f32 v11, v15  }
0x55: {  	v43 =	vmul.f32 v35, v15;
	v36 =	vadd.f32 v0, v1;
	v13 =	vadd.f32 v3, v2  }
0x56: {  	v44 =	vmul.f32 v16, v15;
	v12 =	vadd.f32 v5, v4;
	v11 =	vadd.f32 v7, v40  }
0x57: {  	v6 =	vadd.f32 v9, v41;
	v5 =	vadd.f32 v14, v42  }
0x58: {  	v4 =	vadd.f32 v17, v43;
	v0 =	vadd.f32 v18, v44  }
0x59: {  	v45 =	vadd.f32 v13, v36;
	v46 =	vadd.f32 v11, v12;
	v48 =	vmul.f32 v36, v36  }
0x5a: {  	v47 =	vadd.f32 v5, v6;
	v49 =	vmul.f32 v13, v13;
	v51 =	vmul.f32 v12, v12  }
0x5b: {  	v50 =	vadd.f32 v0, v4;
	v14 =	vmul.f32 v11, v11;
	v52 =	vmul.f32 v6, v6  }
0x5c: {  	v15 =	vmul.f32 v5, v5;
	v53 =	vmul.f32 v4, v4;
	v1 =	vadd.f32 v46, v45  }
0x5d: {  	v56 =	vld [tilespmem:s31+$0x180];
	v16 =	vmul.f32 v0, v0;
	v3 =	vadd.f32 v50, v47;
	v7 =	vadd.f32 v49, v48  }
0x5e: {  	v57 =	vld [tilespmem:s31+$0x6980];
	v54 =	vadd.f32 v14, v51;
	v2 =	vadd.f32 v15, v52  }
0x5f: {  	v58 =	vld [tilespmem:s31+$0x190];
	v9 =	vadd.f32 v16, v53;
	v1 =	vadd.f32 v3, v1  }
0x60: {  	v59 =	vld [tilespmem:s31+$0x6990]  }
0x61: {  	v60 =	vld [tilespmem:s31+$0x1A0];
	v55 =	vadd.f32 v54, v7;
	v2 =	vadd.f32 v9, v2;
	(xrf2) =	vadd.scan.msk.f32 $0xffff, v1  }
0x62: {  	v61 =	vld [tilespmem:s31+$0x69A0]  }
0x63: {  	v62 =	vld [tilespmem:s31+$0x1B0];
	v2 =	vadd.f32 v2, v55  }
0x64: {  	v39 =	vld [tilespmem:s31+$0x1F0]  }
0x65: {  	v35 =	vld [tilespmem:s31+$0x69D0];
	v18 =	vperm.xlane v33, v19;
	(xrf2) =	vadd.scan.msk.f32 $0xffff, v2  }
0x66: {  	v19 =	vld [tilespmem:s31+$0x1D0]  }
0x67: {  	v20 =	vimm.f32 $1.131370830e+01;
	vm13 =	veq.s32 v18, $0x0;
	v18 =	vld [tilespmem:s31+$0x1E0]  }
0x68: {  	v63 =	vsel vm13, $0x0, v20;
	v14 =	vld [tilespmem:s31+$0x69B0]  }
0x69: {  	v16 =	vld [tilespmem:s31+$0x1C0];
	v8 =	vmul.f32 v60, v63  }
0x6a: {  	v40 =	vld [tilespmem:s31+$0x69E0];
	v43 =	vmul.f32 v62, v63;
	v49 =	vmul.f32 v39, v63  }
0x6b: {  	v42 =	vld [tilespmem:s31+$0x69F0];
	v45 =	vmul.f32 v19, v63;
	v3 =	vmul.f32 v58, v63;
	v15, _, _ =	vpop (xrf2)  }
0x6c: {  	v38 =	vadd.f32 v61, v8;
	v46 =	vmul.f32 v18, v63;
	v48 =	vmul.f32 $7.812500000e-03, v15;
	v15 =	vld [tilespmem:s31+$0x69C0]  }
0x6d: {  	v7 =	vadd.f32 v35, v45;
	v1 =	vmul.f32 v63, v56;
	v41 =	vadd.f32 v59, v3  }
0x6e: {  	v18 =	vmul.f32 v38, v38;
	v44 =	vmul.f32 v16, v63;
	v37 =	vadd.f32 v14, v43  }
0x6f: {  	v3 =	vadd.f32 v40, v46;
	v54 =	vmul.f32 v7, v7;
	v47 =	vadd.f32 v1, v57;
	v17, _, _ =	vpop (xrf2)  }
0x70: {  	v1 =	vadd.f32 v42, v49;
	v17 =	vmul.f32 $7.812500000e-03, v17;
	v34 =	vmul.f32 v48, v48  }
0x71: {  	v51 =	vadd.f32 v37, v38;
	v19 =	vmul.f32 v37, v37;
	v9 =	vadd.f32 v15, v44  }
0x72: {  	v50 =	vadd.f32 v41, v47;
	v14 =	vmul.f32 v47, v47;
	v17 =	vsub.f32 v17, v34  }
0x73: {  	v16 =	vadd.f32 v1, v3;
	v55 =	vmul.f32 v1, v1;
	v52 =	vadd.f32 v7, v9  }
0x74: {  	v2 =	vadd.f32 v51, v50;
	v15 =	vmul.f32 v41, v41;
	v17 =	vadd.f32 $9.999999740e-06, v17  }
0x75: {  	v53 =	vmul.f32 v9, v9;
	v10 =	vadd.f32 v16, v52;
	v16 =	vmul.f32 v3, v3  }
0x76: {  	v14 =	vadd.f32 v15, v14;
	v15 =	vadd.f32 v19, v18  }
0x77: {  	v8 =	vadd.f32 v54, v53;
	v16 =	vadd.f32 v55, v16  }
0x78: {  	v17 =	vbroadcast v17, $0xF;
	v14 =	vadd.f32 v15, v14  }
0x79: {  	v2 =	vadd.f32 v10, v2;
	v8 =	vadd.f32 v16, v8  }
0x7a: {  	v18 =	vshra.s32 v17, $0x1;
	v56 =	vmul.f32 $5.000000000e-01, v17  }
0x7b: {  	v15 =	vsub.s32 $0x5F3759DF, v18;
	(xrf2) =	vadd.scan.msk.f32 $0xffff, v2;
	v8 =	vadd.f32 v8, v14  }
0x7c: {  	v16 =	vmul.f32 v15, v56  }
0x7d: {  	(xrf2) =	vadd.scan.msk.f32 $0xffff, v8  }
0x7e: {  	v57 =	vmul.f32 v15, v16;
	_ =	sdelay $0x1  }
0x7f: {  	v2 =	vsub.f32 $1.500000000e+00, v57;
	_ =	sdelay $0x1  }
0x80: {  	v60 =	vld [tilespmem:s31+$0x6A30];
	v2 =	vmul.f32 v15, v2  }
0x81: {  	v62 =	vld [tilespmem:s31+$0x240]  }
0x82: {  	v58 =	vld [tilespmem:s31+$0x200];
	v16 =	vmul.f32 v2, v56  }
0x83: {  	v35 =	vld [tilespmem:s31+$0x6A20];
	v18, _, _ =	vpop (xrf2)  }
0x84: {  	v45 =	vld [tilespmem:s31+$0x260];
	v16 =	vmul.f32 v16, v2;
	v49 =	vmul.f32 $7.812500000e-03, v18  }
0x85: {  	v59 =	vld [tilespmem:s31+$0x230];
	v18, _, _ =	vpop (xrf2)  }
0x86: {  	v43 =	vld [tilespmem:s31+$0x250];
	v16 =	vsub.f32 $1.500000000e+00, v16;
	v61 =	vmul.f32 v49, v49;
	v18 =	vmul.f32 $7.812500000e-03, v18  }
0x87: {  	v19 =	vld [tilespmem:s31+$0x220]  }
0x88: {  	v15 =	vld [tilespmem:s31+$0x210];
	v50 =	vmul.f32 v16, v2;
	v16 =	vsub.f32 v18, v61  }
0x89: {  	v52 =	vld [tilespmem:s31+$0x270];
	v18 =	vperm.xlane v33, v21  }
0x8a: {  	v17 =	vld [tilespmem:s31+$0x6A10];
	v10 =	vmul.f32 v50, v56;
	v16 =	vadd.f32 $9.999999740e-06, v16  }
0x8b: {  	v14 =	vld [tilespmem:s31+$0x6A00];
	vm14 =	veq.s32 v18, $0x0;
	v18 =	vimm.f32 $1.131370830e+01  }
0x8c: {  	v44 =	vld [tilespmem:s31+$0x6A50];
	v10 =	vmul.f32 v10, v50;
	v51 =	vsel vm14, $0x0, v18;
	v16 =	vbroadcast v16, $0xF  }
0x8d: {  	v54 =	vld [tilespmem:s31+$0x6A70];
	v8 =	vmul.f32 v51, v58;
	v57 =	vmul.f32 v15, v51  }
0x8e: {  	v63 =	vld [tilespmem:s31+$0x6A40];
	v53 =	vsub.f32 $1.500000000e+00, v10;
	v58 =	vmul.f32 v59, v51;
	v59 =	vmul.f32 v43, v51  }
0x8f: {  	v46 =	vld [tilespmem:s31+$0x6A60];
	v61 =	vmul.f32 v52, v51;
	v15 =	vshra.s32 v16, $0x1;
	v18 =	vmul.f32 $5.000000000e-01, v16  }
0x90: {  	v22 =	vld [tilespmem:s31+$0x6AC0];
	v16 =	vmul.f32 v19, v51;
	v34 =	vadd.f32 v8, v14;
	v14 =	vadd.f32 v17, v57  }
0x91: {  	v39 =	vld [tilespmem:s31+$0x6A80];
	v17 =	vmul.f32 v62, v51;
	v10 =	vadd.f32 v60, v58;
	v60 =	vmul.f32 v45, v51  }
0x92: {  	v40 =	vld [tilespmem:s31+$0x6AA0];
	v2 =	vadd.f32 v54, v61;
	v51 =	vsub.s32 $0x5F3759DF, v15;
	v15 =	vadd.f32 v44, v59  }
0x93: {  	v42 =	vld [tilespmem:s31+$0x290];
	v16 =	vadd.f32 v35, v16;
	v17 =	vadd.f32 v63, v17  }
0x94: {  	v43 =	vld [tilespmem:s31+$0x6A90];
	v44 =	vmul.f32 v51, v18;
	v8 =	vadd.f32 v46, v60;
	v46 =	vmul.f32 v34, v34  }
0x95: {  	v19 =	vld [tilespmem:s31+$0x280];
	v45 =	vadd.f32 v14, v34;
	v52 =	vmul.f32 v14, v14;
	v57 =	vmul.f32 v10, v10  }
0x96: {  	v54 =	vld [tilespmem:s31+$0x2B0];
	v21 =	vmul.f32 v2, v2;
	v61 =	vmul.f32 v15, v15;
	v55 =	vadd.f32 v10, v16  }
0x97: {  	v58 =	vld [tilespmem:s31+$0x6AB0];
	v56 =	vmul.f32 v16, v16;
	v59 =	vadd.f32 v15, v17;
	v60 =	vmul.f32 v17, v17  }
0x98: {  	v62 =	vld [tilespmem:s31+$0x2C0];
	v63 =	vadd.f32 v2, v8;
	v20 =	vmul.f32 v8, v8;
	v46 =	vadd.f32 v52, v46  }
0x99: {  	v35 =	vld [tilespmem:s31+$0x2A0];
	v52 =	vadd.f32 v57, v56;
	v56 =	vperm.xlane v33, v23;
	v60 =	vadd.f32 v61, v60  }
0x9a: {  	v44 =	vmul.f32 v51, v44;
	v57 =	vld [tilespmem:s31+$0x2D0];
	v20 =	vadd.f32 v21, v20;
	v45 =	vadd.f32 v55, v45  }
0x9b: {  	v21 =	vld [tilespmem:s31+$0x6AD0];
	v55 =	vadd.f32 v63, v59;
	v23 =	vimm.f32 $1.131370830e+01;
	vm15 =	veq.s32 v56, $0x0  }
0x9c: {  	v56 =	vld [tilespmem:s31+$0x2E0];
	v46 =	vadd.f32 v52, v46;
	v20 =	vadd.f32 v20, v60;
	v52 =	vsel vm15, $0x0, v23  }
0x9d: {  	v59 =	vld [tilespmem:s31+$0x2F0];
	v60 =	vsub.f32 $1.500000000e+00, v44;
	v19 =	vmul.f32 v52, v19  }
0x9e: {  	v61 =	vld [tilespmem:s31+$0x6AE0];
	v55 =	vadd.f32 v55, v45;
	v42 =	vmul.f32 v42, v52;
	v20 =	vadd.f32 v20, v46  }
0x9f: {  	v63 =	vld [tilespmem:s31+$0x6AF0];
	v35 =	vmul.f32 v35, v52;
	v46 =	vadd.f32 v19, v39;
	v19 =	vmul.f32 v54, v52  }
0xa0: {  	v62 =	vmul.f32 v62, v52;
	v57 =	vmul.f32 v57, v52;
	v45 =	vadd.f32 v43, v42  }
0xa1: {  	v42 =	vadd.f32 v40, v35;
	v43 =	vadd.f32 v58, v19;
	v19 =	vmul.f32 v56, v52  }
0xa2: {  	v23 =	vld [tilespmem:$0x1FF00];
	v44 =	vadd.f32 v22, v62;
	v39 =	vadd.f32 v21, v57;
	v52 =	vmul.f32 v59, v52  }
0xa3: {  	v50 =	vmul.f32 v53, v50;
	v21 =	vadd.f32 v45, v46;
	v40 =	vadd.f32 v61, v19  }
0xa4: {  	v56 =	vmul.f32 v42, v42;
	v35 =	vadd.f32 v63, v52;
	v22 =	vadd.f32 v43, v42  }
0xa5: {  	(xrf2) =	vadd.scan.msk.f32 $0xffff, v55;
	v62 =	vadd.f32 v39, v44;
	v19 =	vbroadcast v48, $0xF;
	v61 =	vmul.f32 v43, v43  }
0xa6: {  	(xrf2) =	vadd.scan.msk.f32 $0xffff, v20;
	v63 =	vadd.f32 v35, v40;
	v20 =	vadd.f32 v22, v21;
	v21 =	vmul.f32 v44, v44  }
0xa7: {  	v22 =	vmul.f32 v39, v39;
	v59 =	vadd.f32 v61, v56;
	v61 =	vmul.f32 v50, v23;
	v23 =	vld [tilespmem:$0x1FF20]  }
0xa8: {  	v48 =	vadd.f32 v63, v62;
	v62 =	vmul.f32 v40, v40;
	v63 =	vmul.f32 v35, v35;
	_ =	sdelay $0x1  }
0xa9: {  	v21 =	vadd.f32 v22, v21;
	v22 =	vadd.f32 v63, v62;
	_ =	sdelay $0x1  }
0xaa: {  	v12 =	vsub.f32 v12, v19;
	v62 =	vmul.f32 v50, v23;
	v21 =	vadd.f32 v22, v21;
	v22 =	vld [tilespmem:$0x1FF10];
	_ =	sdelay $0x1  }
0xab: {  	v51 =	vmul.f32 v51, v60;
	v12 =	vmul.f32 v62, v12;
	_ =	sdelay $0x1  }
0xac: {  	v60 =	vmul.f32 v51, v18;
	v54 =	vmul.f32 v45, v45;
	v36 =	vsub.f32 v36, v19;
	[tilespmem:$0x1F990] =	vst v12;
	v12 =	vld [tilespmem:$0x1FF30]  }
0xad: {  	v13 =	vsub.f32 v13, v19;
	v20 =	vadd.f32 v48, v20;
	v22 =	vmul.f32 v50, v22  }
0xae: {  	v53 =	vmul.f32 v60, v51;
	v52 =	vmul.f32 v46, v46  }
0xaf: {  	(xrf2) =	vadd.scan.msk.f32 $0xffff, v20;
	v20 =	vmul.f32 v61, v36;
	v13 =	vmul.f32 v22, v13  }
0xb0: {  	v52 =	vadd.f32 v54, v52;
	v63 =	vld [tilespmem:$0x1FF40]  }
0xb1: {  	v11 =	vsub.f32 v11, v19;
	v12 =	vmul.f32 v50, v12;
	[tilespmem:$0x1F980] =	vst v13;
	v13 =	vsub.f32 $1.500000000e+00, v53  }
0xb2: {  	v52 =	vadd.f32 v59, v52  }
0xb3: {  	[tilespmem:$0x1F970] =	vst v20;
	v20, _, _ =	vpop (xrf2);
	v11 =	vmul.f32 v12, v11;
	v13 =	vmul.f32 v13, v51  }
0xb4: {  	v21 =	vadd.f32 v21, v52;
	v48 =	vmul.f32 $7.812500000e-03, v20  }
0xb5: {  	v6 =	vsub.f32 v6, v19;
	v20, _, _ =	vpop (xrf2);
	[tilespmem:$0x1F9A0] =	vst v11;
	v11 =	vmul.f32 v50, v63;
	v12 =	vmul.f32 v13, v18  }
0xb6: {  	(xrf2) =	vadd.scan.msk.f32 $0xffff, v21;
	v20 =	vmul.f32 $7.812500000e-03, v20;
	v21 =	vmul.f32 v48, v48  }
0xb7: {  	v6 =	vmul.f32 v11, v6;
	v36 =	vmul.f32 v12, v13  }
0xb8: {  	v23 =	vld [tilespmem:$0x1FF00]  }
0xb9: {  	v18 =	vsub.f32 v20, v21;
	v21 =	vld [tilespmem:$0x1FF60];
	[tilespmem:$0x1F9B0] =	vst v6;
	v6 =	vsub.f32 $1.500000000e+00, v36  }
0xba: {  	v52 =	vld [tilespmem:$0x1FF70]  }
0xbb: {  	v6 =	vmul.f32 v6, v13  }
0xbc: {  	v20 =	vld [tilespmem:$0x1FF50]  }
0xbd: {  	v55 =	vmul.f32 v6, v23;
	v23 =	vld [tilespmem:$0x1FF20]  }
0xbe: {  	v4 =	vsub.f32 v4, v19;
	v21 =	vmul.f32 v50, v21  }
0xbf: {  	v53 =	vmul.f32 v50, v52;
	v51 =	vadd.f32 $9.999999740e-06, v18  }
0xc0: {  	v5 =	vsub.f32 v5, v19;
	v18 =	vbroadcast v49, $0xF;
	v4 =	vmul.f32 v21, v4  }
0xc1: {  	v0 =	vsub.f32 v0, v19;
	v54, _, _ =	vpop (xrf2);
	v11 =	vbroadcast v51, $0xF;
	v20 =	vmul.f32 v50, v20  }
0xc2: {  	v12, _, _ =	vpop (xrf2);
	v22 =	vsub.f32 v47, v18;
	[tilespmem:$0x1F9D0] =	vst v4;
	v4 =	vmul.f32 $7.812500000e-03, v54;
	v58 =	vmul.f32 v6, v23;
	v23 =	vld [tilespmem:$0x1FF30]  }
0xc3: {  	v12 =	vmul.f32 $7.812500000e-03, v12;
	v19 =	vmul.f32 $5.000000000e-01, v11;
	v11 =	vshra.s32 v11, $0x1  }
0xc4: {  	v49 =	vld [tilespmem:s31+$0x6B20];
	v5 =	vmul.f32 v20, v5;
	v11 =	vsub.s32 $0x5F3759DF, v11;
	v20 =	vmul.f32 v4, v4  }
0xc5: {  	v0 =	vmul.f32 v53, v0;
	v47 =	vld [tilespmem:s31+$0x310];
	v56 =	vmul.f32 v11, v19  }
0xc6: {  	v57 =	vsub.f32 v12, v20;
	v20 =	vmul.f32 v55, v22;
	v22 =	vld [tilespmem:$0x1FF10]  }
0xc7: {  	[tilespmem:$0x1F9E0] =	vst v0;
	v0 =	vmul.f32 v11, v56;
	v59 =	vmul.f32 v6, v23;
	v23 =	vld [tilespmem:$0x1FF40]  }
0xc8: {  	v36 =	vld [tilespmem:s31+$0x320]  }
0xc9: {  	v51 =	vld [tilespmem:s31+$0x330];
	v0 =	vsub.f32 $1.500000000e+00, v0  }
0xca: {  	v61 =	vperm.xlane v33, v24;
	v38 =	vsub.f32 v38, v18;
	v13 =	vld [tilespmem:s31+$0x300];
	[tilespmem:$0x1F9C0] =	vst v5;
	v5 =	vadd.f32 $9.999999740e-06, v57  }
0xcb: {  	v21 =	vld [tilespmem:s31+$0x6B00];
	v11 =	vmul.f32 v11, v0;
	[tilespmem:$0x1F9F0] =	vst v20;
	v20 =	vsub.f32 v41, v18;
	v22 =	vmul.f32 v6, v22  }
0xcc: {  	vm4 =	veq.s32 v61, $0x0;
	v5 =	vbroadcast v5, $0xF;
	v52 =	vmul.f32 v6, v23;
	v23 =	vld [tilespmem:$0x1FF50]  }
0xcd: {  	v37 =	vsub.f32 v37, v18;
	v12 =	vld [tilespmem:s31+$0x6B10];
	v20 =	vmul.f32 v22, v20;
	v22 =	vmul.f32 v58, v38  }
0xce: {  	v9 =	vsub.f32 v9, v18;
	v0 =	vld [tilespmem:s31+$0x360];
	v60 =	vshra.s32 v5, $0x1;
	v5 =	vmul.f32 $5.000000000e-01, v5  }
0xcf: {  	v57 =	vld [tilespmem:s31+$0x370];
	v62 =	vmul.f32 v11, v19;
	v53 =	vsub.s32 $0x5F3759DF, v60;
	[tilespmem:$0x1FA10] =	vst v22;
	v22 =	vmul.f32 v59, v37  }
0xd0: {  	v7 =	vsub.f32 v7, v18;
	v1 =	vsub.f32 v1, v18;
	v38 =	vld [tilespmem:s31+$0x350];
	v63 =	vmul.f32 v53, v5  }
0xd1: {  	v37 =	vmul.f32 v62, v11;
	[tilespmem:$0x1FA20] =	vst v22;
	v22 =	vld [tilespmem:s31+$0x340];
	v55 =	vmul.f32 v6, v23;
	v23 =	vimm.f32 $1.131370830e+01  }
0xd2: {  	v58 =	vsub.f32 v3, v18;
	[tilespmem:$0x1FA00] =	vst v20;
	v20 =	vld [tilespmem:s31+$0x6B30];
	v41 =	vmul.f32 v53, v63;
	v56 =	vsel vm4, $0x0, v23  }
0xd3: {  	v50 =	vld [tilespmem:s31+$0x6B40];
	v59 =	vsub.f32 $1.500000000e+00, v37;
	v3 =	vmul.f32 v56, v13;
	v13 =	vmul.f32 v47, v56  }
0xd4: {  	v54 =	vld [tilespmem:s31+$0x6B50];
	v60 =	vsub.f32 $1.500000000e+00, v41;
	v37 =	vmul.f32 v36, v56;
	v51 =	vmul.f32 v51, v56  }
0xd5: {  	v61 =	vld [tilespmem:s31+$0x6B70];
	v0 =	vmul.f32 v0, v56;
	v41 =	vadd.f32 v3, v21;
	v36 =	vadd.f32 v12, v13  }
0xd6: {  	v47 =	vld [tilespmem:s31+$0x6B60];
	v37 =	vadd.f32 v49, v37;
	v12 =	vmul.f32 v22, v56;
	v13 =	vmul.f32 v38, v56  }
0xd7: {  	v38 =	vadd.f32 v20, v51;
	v20 =	vmul.f32 v57, v56;
	v56 =	vmul.f32 v52, v9  }
0xd8: {  	v18 =	vld [tilespmem:$0x1FF70];
	v57 =	vmul.f32 v55, v7;
	v7 =	vmul.f32 v59, v11;
	v12 =	vadd.f32 v50, v12  }
0xd9: {  	v23 =	vld [tilespmem:$0x1FF60];
	v13 =	vadd.f32 v54, v13;
	v21 =	vmul.f32 v41, v41;
	v22 =	vmul.f32 v36, v36  }
0xda: {  	v62 =	vadd.f32 v38, v37;
	v49 =	vmul.f32 v37, v37;
	v63 =	vmul.f32 v38, v38  }
0xdb: {  	v19 =	vmul.f32 v7, v19;
	v3 =	vadd.f32 v47, v0;
	v0 =	vadd.f32 v61, v20  }
0xdc: {  	[tilespmem:$0x1FA30] =	vst v56;
	v61 =	vadd.f32 v36, v41;
	v20 =	vadd.f32 v13, v12;
	v56 =	vmul.f32 v12, v12  }
0xdd: {  	[tilespmem:$0x1FA40] =	vst v57;
	v57 =	vmul.f32 v13, v13;
	v21 =	vadd.f32 v22, v21;
	v19 =	vmul.f32 v19, v7  }
0xde: {  	v22 =	vadd.f32 v63, v49;
	v63 =	vmul.f32 v6, v23;
	v6 =	vmul.f32 v6, v18  }
0xdf: {  	v47 =	vadd.f32 v0, v3;
	v18 =	vsub.f32 $1.500000000e+00, v19;
	v19 =	vbroadcast v48, $0xF  }
0xe0: {  	v51 =	vld [tilespmem:$0x1FF00];
	v9 =	vadd.f32 v62, v61;
	v59 =	vmul.f32 v3, v3;
	v61 =	vmul.f32 v0, v0  }
0xe1: {  	v11 =	vadd.f32 v57, v56;
	v52 =	vsub.f32 v14, v19;
	v14 =	vld [tilespmem:$0x1FF10]  }
0xe2: {  	v62 =	vmul.f32 v53, v60;
	v60 =	vld [tilespmem:$0x1FF60];
	v20 =	vadd.f32 v47, v20;
	v47 =	vadd.f32 v61, v59  }
0xe3: {  	v21 =	vadd.f32 v22, v21;
	v56 =	vld [tilespmem:$0x1FF30];
	v7 =	vmul.f32 v18, v7  }
0xe4: {  	v22 =	vld [tilespmem:s31+$0x3D0];
	v9 =	vadd.f32 v20, v9;
	v20 =	vmul.f32 v62, v5;
	v11 =	vadd.f32 v47, v11  }
0xe5: {  	v4 =	vbroadcast v4, $0xF;
	v23 =	vimm.f32 $1.131370830e+01;
	v18 =	vld [tilespmem:$0x1FF20];
	v57 =	vsub.f32 v17, v19  }
0xe6: {  	v17 =	vld [tilespmem:s31+$0x3B0];
	v20 =	vmul.f32 v20, v62;
	v11 =	vadd.f32 v11, v21;
	(xrf2) =	vadd.scan.msk.f32 $0xffff, v9;
	v14 =	vmul.f32 v7, v14  }
0xe7: {  	v1 =	vmul.f32 v6, v1;
	v48 =	vsub.f32 v34, v19;
	v47 =	vmul.f32 v63, v58;
	v58 =	vld [tilespmem:$0x1FF40]  }
0xe8: {  	v50 =	vsub.f32 $1.500000000e+00, v20;
	(xrf2) =	vadd.scan.msk.f32 $0xffff, v11;
	v53 =	vmul.f32 v14, v52;
	v14 =	vsub.f32 v15, v19;
	v15 =	vld [tilespmem:$0x1FF50]  }
0xe9: {  	v59 =	vsub.f32 v8, v19;
	v34 =	vld [tilespmem:s31+$0x6BD0];
	v8 =	vmul.f32 v7, v60;
	v9 =	vmul.f32 v7, v51  }
0xea: {  	v16 =	vsub.f32 v16, v19;
	v63 =	vld [tilespmem:s31+$0x390];
	v18 =	vmul.f32 v7, v18;
	v6 =	vmul.f32 v50, v62  }
0xeb: {  	[tilespmem:$0x1FA60] =	vst v1;
	v55 =	vsub.f32 v10, v19;
	v60 =	vld [tilespmem:s31+$0x3E0];
	v1 =	vmul.f32 v9, v48;
	v9 =	vmul.f32 v7, v56  }
0xec: {  	v2 =	vsub.f32 v2, v19;
	v20 =	vld [tilespmem:s31+$0x6BB0];
	v11 =	vmul.f32 v7, v58;
	v5 =	vmul.f32 v6, v5  }
0xed: {  	v21 =	vsub.f32 v43, v4;
	v56 =	vperm.xlane v33, v25;
	v19 =	vld [tilespmem:$0x1FF10];
	v15 =	vmul.f32 v7, v15  }
0xee: {  	v51 =	vsub.f32 v44, v4;
	v10 =	vmul.f32 v11, v57;
	v57 =	vld [tilespmem:$0x1FF20];
	v5 =	vmul.f32 v5, v6  }
0xef: {  	v58 =	vimm.f32 $1.131370830e+01;
	[tilespmem:$0x1FA70] =	vst v1;
	v1 =	vmul.f32 v9, v55;
	v61 =	vmul.f32 v15, v14;
	v14 =	vld [tilespmem:$0x1FF70]  }
0xf0: {  	v54 =	vmul.f32 v18, v16;
	vm5 =	veq.s32 v56, $0x0;
	v5 =	vsub.f32 $1.500000000e+00, v5;
	v62, _, _ =	vpop (xrf2);
	v15 =	vld [tilespmem:$0x1FF00]  }
0xf1: {  	[tilespmem:$0x1FAA0] =	vst v1;
	v1 =	vmul.f32 v8, v59;
	v59 =	vsel vm5, $0x0, v58;
	v48 =	vmul.f32 $7.812500000e-03, v62;
	v62 =	vld [tilespmem:s31+$0x3F0]  }
0xf2: {  	v18 =	vsub.f32 v45, v4;
	[tilespmem:$0x1FA80] =	vst v53;
	v11 =	vmul.f32 v63, v59;
	v49 =	vmul.f32 v5, v6;
	v52, _, _ =	vpop (xrf2);
	v6 =	vld [tilespmem:s31+$0x3A0]  }
0xf3: {  	v16 =	vld [tilespmem:s31+$0x380];
	v50 =	vsub.f32 v35, v4;
	[tilespmem:$0x1FAD0] =	vst v1;
	v1 =	vmul.f32 $7.812500000e-03, v52;
	v53 =	vmul.f32 v48, v48  }
0xf4: {  	v8 =	vld [tilespmem:s31+$0x6B90];
	v56 =	vmul.f32 v60, v59;
	v5 =	vsub.f32 v39, v4;
	v19 =	vmul.f32 v49, v19  }
0xf5: {  	v9 =	vld [tilespmem:s31+$0x6B80];
	v1 =	vsub.f32 v1, v53;
	v7 =	vmul.f32 v7, v14;
	v15 =	vmul.f32 v49, v15  }
0xf6: {  	[tilespmem:$0x1FA90] =	vst v54;
	v53 =	vld [tilespmem:s31+$0x6BF0];
	v14 =	vsub.f32 v46, v4;
	v55 =	vmul.f32 v19, v18;
	v19 =	vmul.f32 v49, v57  }
0xf7: {  	v45 =	vld [tilespmem:s31+$0x6C20];
	[tilespmem:$0x1FAB0] =	vst v10;
	v18 =	vsub.f32 v42, v4;
	v57 =	vmul.f32 v62, v59;
	v6 =	vmul.f32 v6, v59  }
0xf8: {  	v10 =	vld [tilespmem:s31+$0x6BA0];
	[tilespmem:$0x1FAC0] =	vst v61;
	v1 =	vadd.f32 $9.999999740e-06, v1;
	v2 =	vmul.f32 v7, v2;
	v54 =	vmul.f32 v15, v14  }
0xf9: {  	v42 =	vadd.f32 v8, v11;
	v7 =	vld [tilespmem:s31+$0x3C0];
	[tilespmem:$0x1FB00] =	vst v55;
	v55 =	vmul.f32 v22, v59;
	v58 =	vmul.f32 v19, v18  }
0xfa: {  	v63 =	vld [tilespmem:s31+$0x6BE0];
	v15 =	vbroadcast v1, $0xF;
	v1 =	vsub.f32 v40, v4;
	[tilespmem:$0x1FAF0] =	vst v54;
	v54 =	vmul.f32 v17, v59  }
0xfb: {  	v14 =	vld [tilespmem:s31+$0x6BC0];
	[tilespmem:$0x1FB10] =	vst v58;
	v34 =	vadd.f32 v34, v55;
	v11 =	vadd.f32 v53, v57;
	v58 =	vperm.xlane v33, v26  }
0xfc: {  	v8 =	vld [tilespmem:s31+$0x6C00];
	[tilespmem:$0x1FAE0] =	vst v2;
	v61 =	vshra.s32 v15, $0x1;
	v2 =	vmul.f32 $5.000000000e-01, v15;
	v15 =	vmul.f32 v59, v16  }
0xfd: {  	v22 =	vld [tilespmem:s31+$0x420];
	v4 =	vsub.s32 $0x5F3759DF, v61;
	v35 =	vadd.f32 v20, v54;
	v61 =	vmul.f32 v42, v42  }
0xfe: {  	v17 =	vld [tilespmem:s31+$0x400];
	v57 =	vmul.f32 v34, v34;
	vm6 =	veq.s32 v58, $0x0;
	v7 =	vmul.f32 v7, v59  }
0xff: {  	v53 =	vld [tilespmem:s31+$0x6C30];
	v52 =	vmul.f32 v4, v2;
	v40 =	vadd.f32 v15, v9;
	v15 =	vadd.f32 v10, v6  }
0x100: {  	v10 =	vadd.f32 v63, v56;
	v6 =	vld [tilespmem:s31+$0x410];
	v54 =	vsel vm6, $0x0, v23;
	v16 =	vadd.f32 v14, v7  }
0x101: {  	v9 =	vld [tilespmem:s31+$0x6C10];
	v14 =	vmul.f32 v4, v52;
	v59 =	vadd.f32 v42, v40;
	v18 =	vadd.f32 v35, v15  }
0x102: {  	v23 =	vld [tilespmem:$0x1FF40];
	v20 =	vmul.f32 v40, v40;
	v60 =	vadd.f32 v11, v10;
	v62 =	vmul.f32 v15, v15  }
0x103: {  	v52 =	vld [tilespmem:s31+$0x430];
	v19 =	vadd.f32 v34, v16;
	v7 =	vadd.f32 v18, v59;
	v18 =	vmul.f32 v35, v35  }
0x104: {  	v63 =	vmul.f32 v16, v16;
	v20 =	vadd.f32 v61, v20;
	v61 =	vld [tilespmem:s31+$0x440];
	v14 =	vsub.f32 $1.500000000e+00, v14  }
0x105: {  	v19 =	vadd.f32 v60, v19;
	v18 =	vadd.f32 v18, v62;
	v62 =	vld [tilespmem:s31+$0x450]  }
0x106: {  	v59 =	vmul.f32 v10, v10;
	v60 =	vmul.f32 v11, v11;
	v39 =	vadd.f32 v57, v63;
	v63 =	vld [tilespmem:s31+$0x460]  }
0x107: {  	v4 =	vmul.f32 v4, v14;
	v14 =	vmul.f32 v54, v17;
	v7 =	vadd.f32 v19, v7;
	v19 =	vld [tilespmem:s31+$0x470]  }
0x108: {  	v6 =	vmul.f32 v6, v54;
	v43 =	vadd.f32 v60, v59;
	v59 =	vmul.f32 v22, v54;
	v22 =	vld [tilespmem:s31+$0x6C50]  }
0x109: {  	[tilespmem:$0x1FA50] =	vst v47;
	v18 =	vadd.f32 v18, v20;
	v47 =	vadd.f32 v14, v8;
	v14 =	vmul.f32 v52, v54;
	v52 =	vld [tilespmem:s31+$0x6C60]  }
0x10a: {  	v60 =	vmul.f32 v61, v54;
	v61 =	vmul.f32 v4, v2;
	v20 =	vadd.f32 v43, v39;
	v43 =	vld [tilespmem:s31+$0x6C40]  }
0x10b: {  	v45 =	vadd.f32 v45, v59;
	v59 =	vld [tilespmem:$0x1FF30];
	v62 =	vmul.f32 v62, v54  }
0x10c: {  	v56 =	vld [tilespmem:s31+$0x6C70];
	v17 =	vadd.f32 v9, v6;
	v63 =	vmul.f32 v63, v54;
	v9 =	vmul.f32 v61, v4  }
0x10d: {  	v46 =	vadd.f32 v53, v14;
	v61 =	vmul.f32 v47, v47;
	v14 =	vmul.f32 v19, v54  }
0x10e: {  	v44 =	vadd.f32 v22, v62;
	v22 =	vmul.f32 v17, v17;
	v39 =	vadd.f32 v52, v63  }
0x10f: {  	v24 =	vld [tilespmem:s31+$0x4C0];
	v62 =	vmul.f32 v45, v45;
	v63 =	vmul.f32 v46, v46;
	v9 =	vsub.f32 $1.500000000e+00, v9  }
0x110: {  	v55 =	vld [tilespmem:s31+$0x4B0];
	v43 =	vadd.f32 v43, v60;
	v6 =	vmul.f32 v49, v59;
	v60 =	vmul.f32 v49, v23  }
0x111: {  	v58 =	vld [tilespmem:s31+$0x6C90];
	v14 =	vadd.f32 v56, v14;
	v53 =	vmul.f32 v44, v44;
	v59 =	vmul.f32 v39, v39  }
0x112: {  	v57 =	vld [tilespmem:s31+$0x490];
	v56 =	vadd.f32 v46, v45;
	v23 =	vperm.xlane v33, v27;
	v6 =	vmul.f32 v6, v21  }
0x113: {  	v8 =	vld [tilespmem:s31+$0x4A0];
	v25 =	vmul.f32 v9, v4;
	v21 =	vmul.f32 v60, v51;
	v51 =	vadd.f32 v17, v47  }
0x114: {  	v19 =	vld [tilespmem:s31+$0x480];
	v52 =	vmul.f32 v43, v43;
	v60 =	vmul.f32 v14, v14;
	[tilespmem:$0x1FB20] =	vst v6;
	v6 =	vadd.f32 v22, v61  }
0x115: {  	vm7 =	veq.s32 v23, $0x0;
	[tilespmem:$0x1FB30] =	vst v21;
	v21 =	vadd.f32 v63, v62;
	v22 =	vld [tilespmem:s31+$0x6CA0];
	v62 =	vadd.f32 v44, v43  }
0x116: {  	v23 =	vld [tilespmem:s31+$0x4D0];
	v63 =	vadd.f32 v14, v39;
	v60 =	vadd.f32 v60, v59;
	v59 =	vimm.f32 $1.131370830e+01  }
0x117: {  	v4 =	vadd.f32 v53, v52;
	v52 =	vld [tilespmem:s31+$0x6CC0];
	v6 =	vadd.f32 v21, v6;
	v21 =	vsel vm7, $0x0, v59  }
0x118: {  	v26 =	vld [tilespmem:$0x1FF70];
	v51 =	vadd.f32 v56, v51;
	v63 =	vadd.f32 v63, v62;
	v62 =	vmul.f32 v8, v21  }
0x119: {  	v54 =	vld [tilespmem:s31+$0x6C80];
	v9 =	vadd.f32 v20, v18;
	v4 =	vadd.f32 v60, v4;
	v60 =	vmul.f32 v57, v21  }
0x11a: {  	(xrf2) =	vadd.scan.msk.f32 $0xffff, v7;
	v61 =	vld [tilespmem:s31+$0x6CB0];
	v18 =	vadd.f32 v63, v51;
	v7 =	vadd.f32 v22, v62;
	v22 =	vmul.f32 v24, v21  }
0x11b: {  	v51 =	vadd.f32 v4, v6;
	v6 =	vadd.f32 v58, v60;
	v60 =	vmul.f32 v23, v21;
	v23 =	vld [tilespmem:$0x1FF60]  }
0x11c: {  	(xrf2) =	vadd.scan.msk.f32 $0xffff, v9;
	v19 =	vmul.f32 v21, v19;
	v9 =	vadd.f32 v52, v22;
	v22 =	vld [tilespmem:$0x1FF50]  }
0x11d: {  	v20 =	vld [tilespmem:s31+$0x4E0]  }
0x11e: {  	v2 =	vmul.f32 v25, v2;
	v56 =	vld [tilespmem:s31+$0x6CD0];
	v8 =	vadd.f32 v19, v54;
	v19 =	vmul.f32 v55, v21  }
0x11f: {  	v59 =	vld [tilespmem:s31+$0x6CE0]  }
0x120: {  	v63 =	vld [tilespmem:s31+$0x4F0];
	v4 =	vadd.f32 v61, v19;
	v19 =	vmul.f32 v2, v25;
	v23 =	vmul.f32 v49, v23  }
0x121: {  	v22 =	vmul.f32 v49, v22;
	v49 =	vmul.f32 v49, v26;
	v26 =	vld [tilespmem:$0x1FF00]  }
0x122: {  	v24 =	vld [tilespmem:s31+$0x6CF0];
	v19 =	vsub.f32 $1.500000000e+00, v19  }
0x123: {  	v20 =	vmul.f32 v20, v21  }
0x124: {  	v19 =	vmul.f32 v19, v25;
	v1 =	vmul.f32 v23, v1  }
0x125: {  	v21 =	vmul.f32 v63, v21;
	v5 =	vmul.f32 v22, v5  }
0x126: {  	v2 =	vadd.f32 v56, v60;
	[tilespmem:$0x1FB50] =	vst v1;
	v57 =	vmul.f32 v19, v26;
	v26 =	vmul.f32 v49, v50  }
0x127: {  	v1 =	vadd.f32 v24, v21;
	[tilespmem:$0x1FB40] =	vst v5;
	v5 =	vadd.f32 v59, v20  }
0x128: {  	v25 =	vmul.f32 v6, v6;
	v24 =	vmul.f32 v8, v8;
	[tilespmem:$0x1FB60] =	vst v26;
	v26 =	vld [tilespmem:$0x1FF20]  }
0x129: {  	v22 =	vadd.f32 v2, v9;
	v23 =	vadd.f32 v1, v5  }
0x12a: {  	v62 =	vmul.f32 v2, v2;
	v24 =	vadd.f32 v25, v24;
	v63 =	vmul.f32 v1, v1  }
0x12b: {  	v25 =	vmul.f32 v5, v5;
	v22 =	vadd.f32 v23, v22;
	v23 =	vmul.f32 v9, v9  }
0x12c: {  	v48 =	vbroadcast v48, $0xF;
	v21 =	vadd.f32 v4, v7;
	v20 =	vadd.f32 v6, v8  }
0x12d: {  	v25 =	vadd.f32 v63, v25;
	v23 =	vadd.f32 v62, v23;
	v59 =	vmul.f32 v19, v26;
	v26 =	vld [tilespmem:$0x1FF30]  }
0x12e: {  	v20 =	vadd.f32 v21, v20  }
0x12f: {  	v23 =	vadd.f32 v25, v23;
	v25 =	vsub.f32 v41, v48;
	_ =	sdelay $0x1  }
0x130: {  	v61 =	vmul.f32 v4, v4;
	v20 =	vadd.f32 v22, v20;
	v22 =	vmul.f32 v57, v25;
	v25 =	vld [tilespmem:$0x1FF10]  }
0x131: {  	v21 =	vmul.f32 v7, v7;
	v60 =	vmul.f32 v19, v26;
	v26 =	vld [tilespmem:$0x1FF40]  }
0x132: {  	(xrf2) =	vadd.scan.msk.f32 $0xffff, v18;
	v18, _, _ =	vpop (xrf2)  }
0x133: {  	v18 =	vmul.f32 $7.812500000e-03, v18;
	v21 =	vadd.f32 v61, v21  }
0x134: {  	(xrf2) =	vadd.scan.msk.f32 $0xffff, v51;
	v55, _, _ =	vpop (xrf2)  }
0x135: {  	v56 =	vmul.f32 v18, v18;
	v21 =	vadd.f32 v21, v24;
	v24 =	vmul.f32 $7.812500000e-03, v55  }
0x136: {  	[tilespmem:$0x1FB70] =	vst v22;
	v22 =	vsub.f32 v36, v48;
	v25 =	vmul.f32 v19, v25;
	v61 =	vmul.f32 v19, v26;
	v26 =	vld [tilespmem:$0x1FF50]  }
0x137: {  	v24 =	vsub.f32 v24, v56  }
0x138: {  	v21 =	vadd.f32 v23, v21;
	v23 =	vsub.f32 v37, v48;
	v22 =	vmul.f32 v25, v22;
	_ =	sdelay $0x1  }
0x139: {  	v58 =	vsub.f32 v38, v48;
	v24 =	vadd.f32 $9.999999740e-06, v24;
	[tilespmem:$0x1FB80] =	vst v22;
	v22 =	vmul.f32 v59, v23  }
0x13a: {  	v62 =	vmul.f32 v19, v26;
	v26 =	vld [tilespmem:$0x1FF60]  }
0x13b: {  	(xrf2) =	vadd.scan.msk.f32 $0xffff, v20;
	[tilespmem:$0x1FB90] =	vst v22;
	v22 =	vmul.f32 v60, v58  }
0x13c: {  	v20 =	vbroadcast v24, $0xF;
	(xrf2) =	vadd.scan.msk.f32 $0xffff, v21;
	v21, _, _ =	vpop (xrf2)  }
0x13d: {  	v24, _, _ =	vpop (xrf2);
	[tilespmem:$0x1FBA0] =	vst v22;
	v22 =	vsub.f32 v12, v48;
	v12 =	vmul.f32 $7.812500000e-03, v21  }
0x13e: {  	v23 =	vmul.f32 $5.000000000e-01, v20;
	v21 =	vmul.f32 $7.812500000e-03, v24  }
0x13f: {  	v20 =	vshra.s32 v20, $0x1;
	v58 =	vmul.f32 v12, v12;
	v59 =	vmul.f32 v19, v26;
	v26 =	vld [tilespmem:$0x1FF70]  }
0x140: {  	v52 =	vld [tilespmem:s31+$0x6D10];
	v20 =	vsub.s32 $0x5F3759DF, v20  }
0x141: {  	v49 =	vld [tilespmem:s31+$0x6D30];
	v57 =	vmul.f32 v20, v23;
	v22 =	vmul.f32 v61, v22;
	v21 =	vsub.f32 v21, v58  }
0x142: {  	v13 =	vsub.f32 v13, v48;
	v63 =	vld [tilespmem:s31+$0x510]  }
0x143: {  	v3 =	vsub.f32 v3, v48;
	v55 =	vld [tilespmem:s31+$0x560];
	[tilespmem:$0x1FBB0] =	vst v22;
	v22 =	vmul.f32 v20, v57;
	v21 =	vadd.f32 $9.999999740e-06, v21  }
0x144: {  	v0 =	vsub.f32 v0, v48;
	v41 =	vld [tilespmem:s31+$0x530];
	v13 =	vmul.f32 v62, v13;
	v19 =	vmul.f32 v19, v26  }
0x145: {  	v25 =	vld [tilespmem:s31+$0x500];
	v60 =	vperm.xlane v33, v28;
	v22 =	vsub.f32 $1.500000000e+00, v22  }
0x146: {  	v61, _, _ =	vpop (xrf2);
	[tilespmem:$0x1FBC0] =	vst v13;
	v13 =	vld [tilespmem:s31+$0x520];
	v3 =	vmul.f32 v59, v3;
	v0 =	vmul.f32 v19, v0  }
0x147: {  	v24 =	vld [tilespmem:s31+$0x6D00];
	v19 =	vmul.f32 v20, v22;
	v20 =	vbroadcast v21, $0xF;
	v21, _, _ =	vpop (xrf2)  }
0x148: {  	vm8 =	veq.s32 v60, $0x0;
	[tilespmem:$0x1FBD0] =	vst v3;
	v3 =	vld [tilespmem:s31+$0x540];
	v62 =	vmul.f32 $7.812500000e-03, v21;
	v21 =	vimm.f32 $1.131370830e+01  }
0x149: {  	v36 =	vld [tilespmem:s31+$0x6D20];
	v21 =	vsel vm8, $0x0, v21;
	v53 =	vmul.f32 $5.000000000e-01, v20  }
0x14a: {  	v37 =	vld [tilespmem:s31+$0x550];
	v20 =	vshra.s32 v20, $0x1;
	v56 =	vmul.f32 v19, v23;
	v25 =	vmul.f32 v21, v25  }
0x14b: {  	v57 =	vld [tilespmem:s31+$0x570];
	v38 =	vmul.f32 v63, v21;
	v20 =	vsub.s32 $0x5F3759DF, v20;
	v13 =	vmul.f32 v13, v21  }
0x14c: {  	v59 =	vmul.f32 v20, v53;
	v50 =	vadd.f32 v25, v24;
	v24 =	vmul.f32 v56, v19  }
0x14d: {  	[tilespmem:$0x1FBE0] =	vst v0;
	v0 =	vmul.f32 v41, v21;
	v3 =	vmul.f32 v3, v21;
	v48 =	vadd.f32 v52, v38;
	v25 =	vld [tilespmem:s31+$0x6D70]  }
0x14e: {  	v41 =	vadd.f32 v36, v13;
	v52 =	vmul.f32 v20, v59;
	v13 =	vsub.f32 $1.500000000e+00, v24  }
0x14f: {  	v60 =	vld [tilespmem:s31+$0x6D60];
	v38 =	vadd.f32 v49, v0;
	v56 =	vmul.f32 v55, v21;
	v24 =	vmul.f32 v37, v21  }
0x150: {  	v22 =	vld [tilespmem:s31+$0x6D40];
	v21 =	vmul.f32 v57, v21;
	v0 =	vsub.f32 $1.500000000e+00, v52;
	v19 =	vmul.f32 v13, v19  }
0x151: {  	v54 =	vld [tilespmem:s31+$0x6D50]  }
0x152: {  	v20 =	vmul.f32 v20, v0;
	v0 =	vadd.f32 v25, v21;
	v21 =	vmul.f32 v19, v23  }
0x153: {  	v51 =	vmul.f32 $7.812500000e-03, v61  }
0x154: {  	v18 =	vbroadcast v18, $0xF;
	v21 =	vmul.f32 v21, v19  }
0x155: {  	v26 =	vld [tilespmem:$0x1FF00];
	v63 =	vmul.f32 v51, v51;
	v49 =	vadd.f32 v22, v3;
	v3 =	vadd.f32 v60, v56  }
0x156: {  	v60 =	vmul.f32 v41, v41;
	v13 =	vadd.f32 v54, v24;
	v21 =	vsub.f32 $1.500000000e+00, v21  }
0x157: {  	v61 =	vmul.f32 v38, v38;
	v24 =	vmul.f32 v20, v53  }
0x158: {  	v25 =	vadd.f32 v13, v49;
	v36 =	vadd.f32 v0, v3;
	v19 =	vmul.f32 v21, v19  }
0x159: {  	v22 =	vadd.f32 v48, v50;
	v23 =	vadd.f32 v38, v41;
	v24 =	vmul.f32 v24, v20  }
0x15a: {  	v25 =	vadd.f32 v36, v25;
	v36 =	vadd.f32 v61, v60;
	v61 =	vmul.f32 v19, v26;
	v26 =	vld [tilespmem:$0x1FF10]  }
0x15b: {  	v58 =	vsub.f32 v62, v63;
	v59 =	vmul.f32 v48, v48;
	v24 =	vsub.f32 $1.500000000e+00, v24  }
0x15c: {  	v62 =	vmul.f32 v49, v49;
	v22 =	vadd.f32 v23, v22;
	v23 =	vmul.f32 v50, v50  }
0x15d: {  	v54 =	vmul.f32 v13, v13;
	v20 =	vmul.f32 v24, v20;
	v24 =	vsub.f32 v40, v18  }
0x15e: {  	v23 =	vadd.f32 v59, v23;
	v59 =	vsub.f32 v42, v18  }
0x15f: {  	v21 =	vadd.f32 v54, v62;
	v24 =	vmul.f32 v61, v24;
	v62 =	vmul.f32 v19, v26;
	_ =	sdelay $0x1  }
0x160: {  	[tilespmem:$0x1FBF0] =	vst v24;
	v24 =	vmul.f32 v62, v59  }
0x161: {  	v63 =	vmul.f32 v3, v3;
	v57 =	vmul.f32 v0, v0  }
0x162: {  	[tilespmem:$0x1FC00] =	vst v24;
	v24 =	vld [tilespmem:$0x1FF20]  }
0x163: {  	v37 =	vadd.f32 v57, v63  }
0x164: {  	v26 =	vld [tilespmem:$0x1FF30]  }
0x165: {  	v23 =	vadd.f32 v36, v23;
	v21 =	vadd.f32 v37, v21  }
0x166: {  	v22 =	vadd.f32 v25, v22  }
0x167: {  	v15 =	vsub.f32 v15, v18;
	v21 =	vadd.f32 v21, v23;
	v24 =	vmul.f32 v19, v24  }
0x168: {  	(xrf2) =	vadd.scan.msk.f32 $0xffff, v22;
	v23 =	vmul.f32 v20, v53  }
0x169: {  	(xrf2) =	vadd.scan.msk.f32 $0xffff, v21;
	v21 =	vsub.f32 v35, v18;
	v55 =	vmul.f32 v19, v26;
	v26 =	vld [tilespmem:$0x1FF40];
	v15 =	vmul.f32 v24, v15;
	_ =	sdelay $0x1  }
0x16a: {  	v16 =	vsub.f32 v16, v18;
	v22 =	vmul.f32 v23, v20;
	[tilespmem:$0x1FC10] =	vst v15;
	v15 =	vmul.f32 v55, v21  }
0x16b: {  	v34 =	vsub.f32 v34, v18;
	v10 =	vsub.f32 v10, v18  }
0x16c: {  	v11 =	vsub.f32 v11, v18;
	v18 =	vld [tilespmem:$0x1FF60];
	[tilespmem:$0x1FC20] =	vst v15;
	v15 =	vsub.f32 $1.500000000e+00, v22  }
0x16d: {  	v56 =	vmul.f32 v19, v26;
	v26 =	vld [tilespmem:$0x1FF50]  }
0x16e: {  	v58 =	vadd.f32 $9.999999740e-06, v58;
	v15 =	vmul.f32 v15, v20;
	v20 =	vld [tilespmem:$0x1FF70];
	_ =	sdelay $0x1  }
0x16f: {  	v25 =	vbroadcast v58, $0xF;
	_ =	sdelay $0x1  }
0x170: {  	v60 =	vshra.s32 v25, $0x1;
	v25 =	vmul.f32 $5.000000000e-01, v25;
	v18 =	vmul.f32 v19, v18  }
0x171: {  	v37 =	vsub.s32 $0x5F3759DF, v60;
	v21 =	vld [tilespmem:$0x1FF00];
	v57 =	vmul.f32 v19, v26;
	v19 =	vmul.f32 v19, v20  }
0x172: {  	v63 =	vmul.f32 v37, v25;
	v22 =	vld [tilespmem:$0x1FF20]  }
0x173: {  	v16 =	vmul.f32 v56, v16;
	v11 =	vmul.f32 v19, v11;
	v19 =	vld [tilespmem:$0x1FF10]  }
0x174: {  	v12 =	vbroadcast v12, $0xF;
	v26 =	vld [tilespmem:$0x1FF30]  }
0x175: {  	v23 =	vmul.f32 v37, v63;
	[tilespmem:$0x1FC30] =	vst v16;
	v16 =	vmul.f32 v57, v34;
	_ =	sdelay $0x1  }
0x176: {  	v17 =	vsub.f32 v17, v12;
	[tilespmem:$0x1FC40] =	vst v16;
	v16 =	vsub.f32 $1.500000000e+00, v23;
	v21 =	vmul.f32 v15, v21  }
0x177: {  	v22 =	vmul.f32 v15, v22;
	v20 =	vsub.f32 v47, v12;
	v19 =	vmul.f32 v15, v19  }
0x178: {  	v54 =	vld [tilespmem:s31+$0x6DB0];
	v62 =	vmul.f32 v15, v26;
	v16 =	vmul.f32 v37, v16  }
0x179: {  	v60, _, _ =	vpop (xrf2);
	v26 =	vld [tilespmem:$0x1FF50];
	v59 =	vmul.f32 v21, v20;
	v21 =	vsub.f32 v45, v12;
	v17 =	vmul.f32 v19, v17  }
0x17a: {  	v53 =	vld [tilespmem:s31+$0x5B0];
	v10 =	vmul.f32 v18, v10;
	[tilespmem:$0x1FC60] =	vst v11;
	v11 =	vmul.f32 $7.812500000e-03, v60  }
0x17b: {  	v18, _, _ =	vpop (xrf2);
	v58 =	vmul.f32 v16, v25;
	[tilespmem:$0x1FC80] =	vst v17;
	v17 =	vmul.f32 v22, v21;
	v21 =	vld [tilespmem:$0x1FF40]  }
0x17c: {  	v61 =	vsub.f32 v46, v12;
	v63 =	vld [tilespmem:s31+$0x590];
	v18 =	vmul.f32 $7.812500000e-03, v18;
	v23 =	vmul.f32 v11, v11  }
0x17d: {  	v35 =	vld [tilespmem:s31+$0x6DE0];
	[tilespmem:$0x1FC50] =	vst v10;
	v10 =	vmul.f32 v58, v16  }
0x17e: {  	v47 =	vmul.f32 v15, v26;
	v26 =	vld [tilespmem:$0x1FF60];
	v19 =	vmul.f32 v62, v61;
	[tilespmem:$0x1FC90] =	vst v17;
	v17 =	vsub.f32 v18, v23  }
0x17f: {  	v52 =	vperm.xlane v33, v29;
	v24 =	vld [tilespmem:s31+$0x6D80];
	v10 =	vsub.f32 $1.500000000e+00, v10  }
0x180: {  	v57 =	vld [tilespmem:s31+$0x5D0];
	[tilespmem:$0x1FCA0] =	vst v19;
	v19 =	vsub.f32 v43, v12;
	v17 =	vadd.f32 $9.999999740e-06, v17;
	v21 =	vmul.f32 v15, v21  }
0x181: {  	vm9 =	veq.s32 v52, $0x0;
	v20 =	vld [tilespmem:s31+$0x580];
	v10 =	vmul.f32 v10, v16  }
0x182: {  	v16 =	vld [tilespmem:s31+$0x5A0];
	v23 =	vsub.f32 v44, v12;
	v17 =	vbroadcast v17, $0xF;
	v19 =	vmul.f32 v21, v19  }
0x183: {  	v60 =	vld [tilespmem:s31+$0x6DD0];
	v56 =	vmul.f32 v15, v26;
	v26 =	vimm.f32 $1.131370830e+01;
	v25 =	vmul.f32 v10, v25  }
0x184: {  	v22 =	vld [tilespmem:s31+$0x6DA0];
	[tilespmem:$0x1FCB0] =	vst v19;
	v19 =	vmul.f32 v47, v23;
	v23 =	vshra.s32 v17, $0x1;
	v17 =	vmul.f32 $5.000000000e-01, v17  }
0x185: {  	[tilespmem:$0x1FC70] =	vst v59;
	v59 =	vsel vm9, $0x0, v26;
	v61 =	vld [tilespmem:s31+$0x5E0];
	v21 =	vmul.f32 v25, v10;
	v23 =	vsub.s32 $0x5F3759DF, v23  }
0x186: {  	v55 =	vsub.f32 v39, v12;
	v20 =	vmul.f32 v59, v20;
	v18 =	vld [tilespmem:s31+$0x6D90];
	v58 =	vmul.f32 v23, v17  }
0x187: {  	v62 =	vsub.f32 v14, v12;
	v16 =	vmul.f32 v16, v59;
	v21 =	vsub.f32 $1.500000000e+00, v21;
	[tilespmem:$0x1FCC0] =	vst v19;
	v19 =	vld [tilespmem:s31+$0x5C0]  }
0x188: {  	v12 =	vadd.f32 v20, v24;
	v20 =	vmul.f32 v63, v59;
	v25 =	vld [tilespmem:s31+$0x6DC0];
	v14 =	vmul.f32 v23, v58  }
0x189: {  	v36 =	vadd.f32 v22, v16;
	v16 =	vmul.f32 v57, v59;
	v10 =	vmul.f32 v21, v10;
	v21 =	vld [tilespmem:s31+$0x5F0]  }
0x18a: {  	v63 =	vmul.f32 v53, v59;
	v24 =	vsub.f32 $1.500000000e+00, v14  }
0x18b: {  	v27 =	vadd.f32 v60, v16;
	v16 =	vmul.f32 v61, v59;
	v14 =	vadd.f32 v18, v20;
	v18 =	vld [tilespmem:s31+$0x6DF0]  }
0x18c: {  	v19 =	vmul.f32 v19, v59;
	v20 =	vmul.f32 v23, v24  }
0x18d: {  	v26 =	vmul.f32 v56, v55;
	v37 =	vadd.f32 v54, v63;
	v43 =	vadd.f32 v35, v16  }
0x18e: {  	v39 =	vadd.f32 v25, v19;
	v19 =	vmul.f32 v21, v59;
	v21 =	vmul.f32 v20, v17  }
0x18f: {  	v16 =	vmul.f32 v12, v12;
	v22 =	vadd.f32 v14, v12;
	v23 =	vadd.f32 v37, v36  }
0x190: {  	[tilespmem:$0x1FCD0] =	vst v26;
	v24 =	vmul.f32 v14, v14;
	v26 =	vadd.f32 v18, v19;
	v19 =	vmul.f32 v21, v20  }
0x191: {  	v18 =	vadd.f32 v23, v22;
	v22 =	vmul.f32 v37, v37;
	v21 =	vmul.f32 v36, v36  }
0x192: {  	v19 =	vsub.f32 $1.500000000e+00, v19  }
0x193: {  	v16 =	vadd.f32 v24, v16;
	v21 =	vadd.f32 v22, v21  }
0x194: {  	v47 =	vadd.f32 v26, v43;
	v19 =	vmul.f32 v19, v20;
	v20 =	vadd.f32 v27, v39  }
0x195: {  	v24 =	vmul.f32 v27, v27;
	v23 =	vmul.f32 v39, v39;
	v16 =	vadd.f32 v21, v16;
	v21 =	vld [tilespmem:$0x1FF70]  }
0x196: {  	v42 =	vld [tilespmem:$0x1FF20];
	v25 =	vmul.f32 v26, v26;
	v22 =	vmul.f32 v43, v43;
	v20 =	vadd.f32 v47, v20  }
0x197: {  	v40 =	vld [tilespmem:s31+$0x620];
	v23 =	vadd.f32 v24, v23  }
0x198: {  	v24 =	vbroadcast v51, $0xF;
	v22 =	vadd.f32 v25, v22;
	v51 =	vadd.f32 v20, v18;
	v18 =	vld [tilespmem:$0x1FF20]  }
0x199: {  	v20 =	vld [tilespmem:$0x1FF30]  }
0x19a: {  	v15 =	vmul.f32 v15, v21;
	v21 =	vadd.f32 v22, v23;
	v22 =	vld [tilespmem:$0x1FF00]  }
0x19b: {  	v45 =	vld [tilespmem:$0x1FF30]  }
0x19c: {  	v57 =	vld [tilespmem:$0x1FF60];
	v8 =	vsub.f32 v8, v24;
	v15 =	vmul.f32 v15, v62  }
0x19d: {  	v6 =	vsub.f32 v6, v24;
	v16 =	vadd.f32 v21, v16;
	v21 =	vld [tilespmem:$0x1FF40]  }
0x19e: {  	v7 =	vsub.f32 v7, v24;
	[tilespmem:$0x1FCE0] =	vst v15;
	v15 =	vmul.f32 v19, v17;
	v17 =	vld [tilespmem:$0x1FF10];
	v18 =	vmul.f32 v10, v18  }
0x19f: {  	v55 =	vld [tilespmem:$0x1FF50];
	v4 =	vsub.f32 v4, v24;
	v20 =	vmul.f32 v10, v20;
	v22 =	vmul.f32 v10, v22  }
0x1a0: {  	v56 =	vld [tilespmem:s31+$0x600];
	v9 =	vsub.f32 v9, v24;
	v15 =	vmul.f32 v15, v19;
	v52 =	vmul.f32 v18, v7  }
0x1a1: {  	v5 =	vsub.f32 v5, v24;
	v62 =	vld [tilespmem:$0x1FF00];
	v4 =	vmul.f32 v20, v4;
	v7 =	vmul.f32 v10, v57  }
0x1a2: {  	v60 =	vld [tilespmem:s31+$0x610];
	v8 =	vmul.f32 v22, v8;
	v21 =	vmul.f32 v10, v21;
	v53 =	vsub.f32 $1.500000000e+00, v15  }
0x1a3: {  	v35 =	vld [tilespmem:$0x1FF10];
	v2 =	vsub.f32 v2, v24;
	(xrf2) =	vadd.scan.msk.f32 $0xffff, v51;
	v15 =	vbroadcast v11, $0xF;
	v17 =	vmul.f32 v10, v17  }
0x1a4: {  	v59 =	vld [tilespmem:$0x1FF70];
	v22 =	vimm.f32 $1.131370830e+01;
	[tilespmem:$0x1FD20] =	vst v4;
	v5 =	vmul.f32 v7, v5;
	v4 =	vmul.f32 v53, v19  }
0x1a5: {  	(xrf2) =	vadd.scan.msk.f32 $0xffff, v16;
	v20 =	vld [tilespmem:s31+$0x650];
	v46 =	vsub.f32 v49, v15;
	v49 =	vperm.xlane v33, v30;
	v6 =	vmul.f32 v17, v6  }
0x1a6: {  	[tilespmem:$0x1FD10] =	vst v52;
	v61 =	vsub.f32 v50, v15;
	v52 =	vsub.f32 v13, v15;
	v13 =	vld [tilespmem:$0x1FF50];
	v7 =	vmul.f32 v4, v62  }
0x1a7: {  	v58 =	vld [tilespmem:s31+$0x6E00];
	v54 =	vmul.f32 v21, v9;
	vm10 =	veq.s32 v49, $0x0;
	[tilespmem:$0x1FD00] =	vst v6;
	v6 =	vmul.f32 v10, v55  }
0x1a8: {  	v47 =	vld [tilespmem:$0x1FF40];
	[tilespmem:$0x1FD50] =	vst v5;
	v22 =	vsel vm10, $0x0, v22;
	v5 =	vmul.f32 v7, v61;
	v7 =	vmul.f32 v4, v42  }
0x1a9: {  	v1 =	vsub.f32 v1, v24;
	[tilespmem:$0x1FCF0] =	vst v8;
	v17 =	vld [tilespmem:s31+$0x630];
	v8 =	vmul.f32 v22, v56;
	v2 =	vmul.f32 v6, v2  }
0x1aa: {  	v24 =	vld [tilespmem:s31+$0x670];
	v41 =	vsub.f32 v41, v15;
	v53 =	vmul.f32 v40, v22;
	v57 =	vmul.f32 v20, v22  }
0x1ab: {  	v23 =	vld [tilespmem:s31+$0x660];
	v13 =	vmul.f32 v4, v13;
	[tilespmem:$0x1FD40] =	vst v2;
	v2 =	vmul.f32 v10, v59  }
0x1ac: {  	v16 =	vld [tilespmem:s31+$0x6E20];
	v6 =	vmul.f32 v60, v22;
	[tilespmem:$0x1FD70] =	vst v5;
	v5 =	vmul.f32 v7, v41  }
0x1ad: {  	v34 =	vsub.f32 v48, v15;
	v19 =	vld [tilespmem:s31+$0x640];
	v1 =	vmul.f32 v2, v1;
	v2 =	vmul.f32 v4, v35  }
0x1ae: {  	v44 =	vsub.f32 v38, v15;
	[tilespmem:$0x1FD30] =	vst v54;
	v55 =	vld [tilespmem:s31+$0x6E60];
	v7 =	vmul.f32 v4, v47;
	v54 =	vmul.f32 v17, v22  }
0x1af: {  	v63 =	vld [tilespmem:s31+$0x6E10];
	v3 =	vsub.f32 v3, v15;
	[tilespmem:$0x1FD60] =	vst v1;
	v1 =	vmul.f32 v2, v34;
	v2 =	vmul.f32 v4, v45  }
0x1b0: {  	v18 =	vld [tilespmem:s31+$0x6E30];
	v15 =	vsub.f32 v0, v15;
	v48, _, _ =	vpop (xrf2);
	v17 =	vmul.f32 v23, v22;
	[tilespmem:$0x1FD90] =	vst v5;
	v5 =	vmul.f32 v7, v46  }
0x1b1: {  	v40 =	vadd.f32 v16, v53;
	v16 =	vld [tilespmem:s31+$0x6E70];
	v7 =	vmul.f32 $7.812500000e-03, v48;
	[tilespmem:$0x1FD80] =	vst v1;
	v1 =	vmul.f32 v2, v44  }
0x1b2: {  	v51 =	vld [tilespmem:s31+$0x6E40];
	v50, _, _ =	vpop (xrf2);
	v56 =	vmul.f32 v19, v22;
	v38 =	vadd.f32 v8, v58;
	v58 =	vmul.f32 v24, v22  }
0x1b3: {  	v10 =	vadd.f32 v55, v17;
	v21 =	vmul.f32 v7, v7;
	[tilespmem:$0x1FDA0] =	vst v1;
	v1 =	vmul.f32 $7.812500000e-03, v50  }
0x1b4: {  	v61 =	vld [tilespmem:s31+$0x6B0];
	v20 =	vmul.f32 v38, v38;
	v59 =	vmul.f32 v40, v40;
	v35 =	vadd.f32 v63, v6  }
0x1b5: {  	v55 =	vmul.f32 v10, v10;
	v34 =	vadd.f32 v18, v54;
	v1 =	vsub.f32 v1, v21;
	v21 =	vld [tilespmem:s31+$0x6E50]  }
0x1b6: {  	v19 =	vld [tilespmem:s31+$0x6E80];
	v9 =	vadd.f32 v16, v58;
	v54 =	vperm.xlane v33, v31;
	v2 =	vmul.f32 v13, v52  }
0x1b7: {  	v22 =	vld [tilespmem:s31+$0x690];
	v13 =	vadd.f32 v51, v56;
	v17 =	vmul.f32 v34, v34;
	v63 =	vadd.f32 v34, v40  }
0x1b8: {  	v23 =	vld [tilespmem:s31+$0x6E90];
	v56 =	vmul.f32 v9, v9;
	v52 =	vadd.f32 v9, v10;
	v1 =	vadd.f32 $9.999999740e-06, v1  }
0x1b9: {  	v53 =	vld [tilespmem:s31+$0x6C0];
	vm11 =	veq.s32 v54, $0x0;
	v8 =	vadd.f32 v17, v59;
	v17 =	vadd.f32 v35, v38  }
0x1ba: {  	v18 =	vld [tilespmem:s31+$0x680];
	v24 =	vmul.f32 v13, v13;
	v1 =	vbroadcast v1, $0xF;
	v11 =	vadd.f32 v21, v57  }
0x1bb: {  	v54 =	vld [tilespmem:$0x1FF60];
	v17 =	vadd.f32 v63, v17;
	v63 =	vimm.f32 $1.131370830e+01;
	v21 =	vmul.f32 v35, v35  }
0x1bc: {  	v59 =	vld [tilespmem:s31+$0x6D0];
	v44 =	vsel vm11, $0x0, v63;
	v16 =	vshra.s32 v1, $0x1;
	v25 =	vmul.f32 v11, v11  }
0x1bd: {  	v57 =	vld [tilespmem:s31+$0x6EB0];
	v60 =	vadd.f32 v21, v20;
	v21 =	vmul.f32 $5.000000000e-01, v1;
	v6 =	vadd.f32 v11, v13  }
0x1be: {  	v49 =	vmul.f32 v22, v44;
	v20 =	vld [tilespmem:s31+$0x6A0];
	v16 =	vsub.s32 $0x5F3759DF, v16;
	v24 =	vadd.f32 v25, v24  }
0x1bf: {  	[tilespmem:$0x1FDB0] =	vst v5;
	v1 =	vld [tilespmem:s31+$0x6EA0];
	v5 =	vmul.f32 v16, v21;
	v25 =	vadd.f32 v56, v55;
	v58 =	vadd.f32 v52, v6  }
0x1c0: {  	[tilespmem:$0x1FDC0] =	vst v2;
	v55 =	vld [tilespmem:s31+$0x6EC0];
	v2 =	vadd.f32 v8, v60;
	v60 =	vadd.f32 v23, v49  }
0x1c1: {  	v52 =	vmul.f32 v53, v44;
	v47 =	vmul.f32 v16, v5;
	v62 =	vadd.f32 v25, v24;
	v24 =	vld [tilespmem:s31+$0x6ED0]  }
0x1c2: {  	v23 =	vmul.f32 v59, v44;
	v5 =	vld [tilespmem:s31+$0x6E0];
	v42 =	vadd.f32 v58, v17;
	v17 =	vmul.f32 v44, v18  }
0x1c3: {  	v56 =	vperm.xlane v33, v32;
	v18 =	vld [tilespmem:s31+$0x6F0];
	v51 =	vmul.f32 v20, v44;
	v25 =	vsub.f32 $1.500000000e+00, v47  }
0x1c4: {  	v22 =	vld [tilespmem:s31+$0x6EE0];
	v2 =	vadd.f32 v62, v2;
	(xrf2) =	vadd.scan.msk.f32 $0xffff, v42;
	v17 =	vadd.f32 v17, v19;
	v19 =	vmul.f32 v61, v44  }
0x1c5: {  	vm12 =	veq.s32 v56, $0x0;
	v20 =	vld [tilespmem:s31+$0x6EF0];
	v63 =	vadd.f32 v1, v51;
	v1 =	vmul.f32 v4, v54  }
0x1c6: {  	v8 =	vld [tilespmem:s31+$0x700];
	v61 =	vadd.f32 v55, v52;
	v16 =	vmul.f32 v16, v25;
	(xrf2) =	vadd.scan.msk.f32 $0xffff, v2;
	v58 =	vadd.f32 v57, v19  }
0x1c7: {  	v51 =	vadd.f32 v60, v17;
	v53 =	vmul.f32 v5, v44;
	v1 =	vmul.f32 v1, v3;
	v3 =	vld [tilespmem:s31+$0x6F00]  }
0x1c8: {  	[tilespmem:$0x1F950] =	vst v27;
	v25 =	vmul.f32 v60, v60;
	v55 =	vmul.f32 v18, v44;
	v62 =	vadd.f32 v24, v23;
	v18 =	vld [tilespmem:s31+$0x710]  }
0x1c9: {  	[tilespmem:$0x1F960] =	vst v26;
	v23 =	vld [tilespmem:s31+$0x6F10];
	v52 =	vmul.f32 v63, v63;
	v19 =	vadd.f32 v58, v63;
	v59 =	vadd.f32 v22, v53  }
0x1ca: {  	v44 =	vld [tilespmem:s31+$0x720];
	v6 =	vmul.f32 v16, v21;
	[tilespmem:$0x1FDD0] =	vst v1;
	v5 =	vadd.f32 v20, v55;
	v20 =	vadd.f32 v62, v61  }
0x1cb: {  	v22 =	vmul.f32 v17, v17;
	v53 =	vmul.f32 v61, v61;
	v2 =	vadd.f32 v19, v51;
	v45 =	vld [tilespmem:s31+$0x6F20]  }
0x1cc: {  	v19 =	vmul.f32 v58, v58;
	v47 =	vld [tilespmem:s31+$0x730];
	v57 =	vmul.f32 v6, v16;
	v24 =	vadd.f32 v5, v59  }
0x1cd: {  	v49 =	vld [tilespmem:$0x1FF70];
	v54 =	vmul.f32 v59, v59;
	v22 =	vadd.f32 v25, v22;
	v55 =	vmul.f32 v5, v5  }
0x1ce: {  	v50 =	vld [tilespmem:s31+$0x6F30];
	v41 =	vsub.f32 $1.500000000e+00, v57;
	v20 =	vadd.f32 v24, v20;
	v24 =	vmul.f32 v62, v62;
	v25, _, _ =	vpop (xrf2)  }
0x1cf: {  	v56 =	vimm.f32 $1.131370830e+01;
	v48 =	vld [tilespmem:s31+$0x6F40];
	v19 =	vadd.f32 v19, v52;
	v6 =	vmul.f32 $7.812500000e-03, v25  }
0x1d0: {  	v51 =	vld [tilespmem:s31+$0x750];
	v0 =	vadd.f32 v55, v54;
	v16 =	vmul.f32 v41, v16;
	v24 =	vadd.f32 v24, v53;
	v1, _, _ =	vpop (xrf2)  }
0x1d1: {  	v54 =	vld [tilespmem:s31+$0x6F50];
	v19 =	vadd.f32 v19, v22;
	v46 =	vmul.f32 $7.812500000e-03, v1;
	v32 =	vmul.f32 v6, v6  }
0x1d2: {  	v25 =	vld [tilespmem:s31+$0x740];
	v22 =	vadd.f32 v0, v24;
	v24 =	vsel vm12, $0x0, v56;
	v56 =	vmul.f32 v4, v49  }
0x1d3: {  	v52 =	vadd.f32 v20, v2;
	v8 =	vmul.f32 v24, v8;
	v57 =	vmul.f32 v18, v24;
	v18 =	vld [tilespmem:s31+$0x770]  }
0x1d4: {  	v44 =	vmul.f32 v44, v24;
	v55 =	vsub.f32 v46, v32;
	v46 =	vld [tilespmem:s31+$0x760];
	v32 =	vmul.f32 v16, v21  }
0x1d5: {  	v20 =	vld [tilespmem:s31+$0x6F70];
	v53 =	vadd.f32 v22, v19;
	v0 =	vmul.f32 v56, v15;
	v42 =	vadd.f32 v8, v3  }
0x1d6: {  	v19 =	vld [tilespmem:s31+$0x6F60];
	v41 =	vadd.f32 v23, v57;
	v57 =	vmul.f32 v47, v24;
	v3 =	vmul.f32 v32, v16  }
0x1d7: {  	v44 =	vadd.f32 v45, v44;
	v1 =	vmul.f32 v25, v24;
	v32 =	vmul.f32 v51, v24  }
0x1d8: {  	v45 =	vadd.f32 v50, v57;
	v47 =	vmul.f32 v18, v24;
	v3 =	vsub.f32 $1.500000000e+00, v3  }
0x1d9: {  	v2 =	vld [tilespmem:s31+$0x790];
	v49 =	vadd.f32 v54, v32;
	v54 =	vadd.f32 v41, v42;
	v21 =	vmul.f32 v46, v24  }
0x1da: {  	v4 =	vld [tilespmem:s31+$0x6F90];
	v23 =	vmul.f32 v41, v41;
	v46 =	vadd.f32 v48, v1;
	v57 =	vadd.f32 v45, v44  }
0x1db: {  	v22 =	vld [tilespmem:s31+$0x780];
	v24 =	vmul.f32 v44, v44;
	v51 =	vadd.f32 v20, v47;
	v15 =	vadd.f32 v19, v21  }
0x1dc: {  	v25 =	vld [tilespmem:s31+$0x6FA0];
	v8 =	vmul.f32 v45, v45;
	v56 =	vmul.f32 v3, v16;
	v16 =	vadd.f32 v49, v46  }
0x1dd: {  	v50 =	vld [tilespmem:s31+$0x7B0];
	v19 =	vmul.f32 v42, v42;
	v3 =	vadd.f32 v57, v54;
	v21 =	vadd.f32 v51, v15  }
0x1de: {  	[tilespmem:$0x1FDE0] =	vst v0;
	v18 =	vld [tilespmem:s31+$0x6F80];
	v32 =	vmul.f32 v46, v46;
	v57 =	vimm.s32 $0xD;
	v8 =	vadd.f32 v8, v24  }
0x1df: {  	v20 =	vld [tilespmem:s31+$0x7A0];
	v1 =	vmovc v51;
	v0 =	vperm.xlane v33, v57;
	v16 =	vadd.f32 v21, v16;
	v21 =	vmul.f32 v49, v49  }
0x1e0: {  	v24 =	vld [tilespmem:s31+$0x6FC0];
	v19 =	vadd.f32 v23, v19;
	v23 =	vmul.f32 v15, v15;
	v1 =	vmul.f32 v1, v1  }
0x1e1: {  	v57 =	vld [tilespmem:s31+$0x7C0];
	vm13 =	veq.s32 v0, $0x0;
	v21 =	vadd.f32 v21, v32;
	v32 =	vimm.f32 $1.131370830e+01  }
0x1e2: {  	v47 =	vadd.f32 $9.999999740e-06, v55;
	[tilespmem:$0x1FEB0] =	vst v51;
	v51 =	vld [tilespmem:s31+$0x7D0];
	v23 =	vadd.f32 v1, v23;
	v55 =	vsel vm13, $0x0, v32  }
0x1e3: {  	v8 =	vadd.f32 v8, v19;
	v48 =	vmul.f32 v55, v22;
	v22 =	vld [tilespmem:s31+$0x7E0]  }
0x1e4: {  	v2 =	vmul.f32 v2, v55;
	v19 =	vadd.f32 v23, v21;
	v23 =	vbroadcast v47, $0xF;
	v47 =	vld [tilespmem:s31+$0x7F0]  }
0x1e5: {  	v54 =	vld [tilespmem:s31+$0x6FB0];
	v16 =	vadd.f32 v16, v3;
	v32 =	vmul.f32 v20, v55;
	v20 =	vmul.f32 v50, v55  }
0x1e6: {  	v3 =	vld [tilespmem:s31+$0x6FD0];
	v48 =	vadd.f32 v48, v18;
	v18 =	vshra.s32 v23, $0x1;
	v23 =	vmul.f32 $5.000000000e-01, v23  }
0x1e7: {  	v21 =	vadd.f32 v4, v2;
	v2 =	vsub.s32 $0x5F3759DF, v18;
	v18 =	vmul.f32 v57, v55  }
0x1e8: {  	[tilespmem:$0x1FEA0] =	vst v15;
	v50 =	vld [tilespmem:s31+$0x6FE0];
	v15 =	vadd.f32 v25, v32;
	v25 =	vmul.f32 v51, v55;
	v32 =	vmul.f32 v2, v23  }
0x1e9: {  	v4 =	vadd.f32 v24, v18;
	v18 =	vmul.f32 v22, v55;
	v22 =	vmul.f32 v47, v55;
	v55 =	vld [tilespmem:$0x1FF00]  }
0x1ea: {  	v20 =	vadd.f32 v54, v20;
	v57 =	vld [tilespmem:$0x1FF10]  }
0x1eb: {  	v54 =	vld [tilespmem:s31+$0x6FF0];
	v29 =	vadd.f32 v3, v25;
	v25 =	vbroadcast v7, $0xF;
	v3 =	vmul.f32 v2, v32  }
0x1ec: {  	v28 =	vld [tilespmem:s31+$0x820];
	v51 =	vmul.f32 v48, v48;
	v26 =	vmul.f32 v15, v15  }
0x1ed: {  	v31 =	vld [tilespmem:s31+$0x840];
	v27 =	vmul.f32 v20, v20;
	v12 =	vsub.f32 v12, v25;
	v3 =	vsub.f32 $1.500000000e+00, v3  }
0x1ee: {  	v7 =	vld [tilespmem:s31+$0x7000];
	v1 =	vadd.f32 v50, v18;
	v18 =	vmul.f32 v56, v55;
	v55 =	vmul.f32 v21, v21  }
0x1ef: {  	v24 =	vld [tilespmem:s31+$0x800];
	v14 =	vsub.f32 v14, v25;
	v0 =	vmovc v29;
	v47 =	vmul.f32 v56, v57;
	v3 =	vmul.f32 v2, v3  }
0x1f0: {  	[tilespmem:$0x1FED0] =	vst v29;
	v50 =	vld [tilespmem:s31+$0x810];
	v32 =	vmul.f32 v18, v12;
	v12 =	vadd.f32 v54, v22;
	v18 =	vadd.f32 v55, v51  }
0x1f1: {  	[tilespmem:$0x1FEC0] =	vst v4;
	v57 =	vld [tilespmem:s31+$0x7010];
	v55 =	vmul.f32 v47, v14;
	v14 =	vadd.f32 v27, v26;
	v47 =	vmul.f32 v4, v4  }
0x1f2: {  	[tilespmem:$0x1FEE0] =	vst v1;
	v22 =	vld [tilespmem:s31+$0x7020];
	v27 =	vadd.f32 v21, v48;
	v51 =	vmul.f32 v29, v29;
	v29 =	vmul.f32 v1, v1  }
0x1f3: {  	v26 =	vld [tilespmem:s31+$0x830];
	[tilespmem:$0x1FDF0] =	vst v32;
	v30 =	vmul.f32 v12, v12;
	v32 =	vadd.f32 v0, v4;
	v4 =	vimm.s32 $0xE  }
0x1f4: {  	v54 =	vld [tilespmem:s31+$0x7030];
	[tilespmem:$0x1FE00] =	vst v55;
	v55 =	vadd.f32 v20, v15;
	v0 =	vadd.f32 v12, v1;
	v1 =	vperm.xlane v33, v4  }
0x1f5: {  	[tilespmem:$0x1FEF0] =	vst v12;
	v51 =	vadd.f32 v51, v47;
	v12 =	vimm.f32 $1.131370830e+01;
	v4 =	vld [tilespmem:s31+$0x7040];
	v29 =	vadd.f32 v30, v29  }
0x1f6: {  	v30 =	vld [tilespmem:s31+$0x850];
	v27 =	vadd.f32 v55, v27;
	v0 =	vadd.f32 v0, v32;
	vm14 =	veq.s32 v1, $0x0  }
0x1f7: {  	v14 =	vadd.f32 v14, v18;
	v1 =	vld [tilespmem:s31+$0x7050];
	v2 =	vadd.f32 v29, v51;
	v18 =	vsel vm14, $0x0, v12  }
0x1f8: {  	v29 =	vld [tilespmem:s31+$0x860];
	v0 =	vadd.f32 v0, v27;
	v47 =	vmul.f32 v18, v24  }
0x1f9: {  	v24 =	vld [tilespmem:s31+$0x7060];
	v55 =	vmul.f32 v26, v18;
	v27 =	vadd.f32 v2, v14;
	v14 =	vmul.f32 v28, v18  }
0x1fa: {  	v19 =	vadd.f32 v19, v8;
	v51 =	vmul.f32 v50, v18;
	v28 =	vld [tilespmem:s31+$0x870]  }
0x1fb: {  	v32 =	vmul.f32 v31, v18;
	v12 =	vadd.f32 v22, v14;
	v22 =	vadd.f32 v54, v55;
	v55 =	vld [tilespmem:$0x1FF20]  }
0x1fc: {  	(xrf2) =	vadd.scan.msk.f32 $0xffff, v52;
	v52 =	vld [tilespmem:$0x1FF30];
	v47 =	vadd.f32 v47, v7;
	v50 =	vadd.f32 v57, v51;
	v14 =	vmul.f32 v30, v18  }
0x1fd: {  	v26 =	vld [tilespmem:s31+$0x7070];
	v7 =	vadd.f32 v4, v32;
	v54 =	vsub.f32 v36, v25;
	v51 =	vmul.f32 v29, v18  }
0x1fe: {  	v32 =	vadd.f32 v50, v47;
	v8 =	vadd.f32 v1, v14;
	v30 =	vmul.f32 v22, v22  }
0x1ff: {  	v14 =	vadd.f32 v24, v51;
	v57 =	vmul.f32 v28, v18;
	v18 =	vmul.f32 v3, v23  }
0x200: {  	v24 =	vadd.f32 v22, v12;
	v31 =	vmul.f32 v8, v8;
	v29 =	vmul.f32 v56, v55  }
0x201: {  	v28 =	vsub.f32 v37, v25;
	v51 =	vmul.f32 v18, v3;
	v18 =	vmul.f32 v56, v52  }
0x202: {  	v36 =	vadd.f32 v26, v57;
	v26 =	vmul.f32 v50, v50;
	v1 =	vmul.f32 v29, v54  }
0x203: {  	v29 =	vmul.f32 v12, v12;
	v2 =	vmul.f32 v18, v28  }
0x204: {  	v4 =	vsub.f32 $1.500000000e+00, v51;
	v28 =	vmul.f32 v14, v14;
	v54 =	vld [tilespmem:$0x1FF40];
	[tilespmem:$0x1FE10] =	vst v1;
	v1 =	vadd.f32 v24, v32  }
0x205: {  	(xrf2) =	vadd.scan.msk.f32 $0xffff, v53;
	v24 =	vmul.f32 v47, v47;
	v18 =	vadd.f32 v30, v29;
	v29 =	vmul.f32 v36, v36  }
0x206: {  	v53 =	vadd.f32 v8, v7;
	v55 =	vld [tilespmem:$0x1F950];
	v3 =	vmul.f32 v4, v3;
	v30 =	vadd.f32 v36, v14  }
0x207: {  	v57 =	vld [tilespmem:$0x1FF50];
	v24 =	vadd.f32 v26, v24;
	v26 =	vmul.f32 v7, v7;
	v28 =	vadd.f32 v29, v28  }
0x208: {  	v29 =	vsub.f32 v39, v25;
	v4 =	vadd.f32 v30, v53  }
0x209: {  	v51 =	vmul.f32 v3, v23;
	v26 =	vadd.f32 v31, v26;
	v31 =	vmul.f32 v56, v54  }
0x20a: {  	v6 =	vbroadcast v6, $0xF;
	(xrf2) =	vadd.scan.msk.f32 $0xffff, v16;
	v39 =	vadd.f32 v4, v1;
	v54 =	vld [tilespmem:$0x1FF60]  }
0x20b: {  	(xrf2) =	vadd.scan.msk.f32 $0xffff, v19;
	v1 =	vmul.f32 v51, v3;
	v32 =	vmul.f32 v31, v29;
	v19 =	vadd.f32 v28, v26  }
0x20c: {  	v16 =	vsub.f32 v55, v25;
	v55 =	vld [tilespmem:$0x1F960];
	v30 =	vmul.f32 v56, v57;
	v18 =	vadd.f32 v18, v24  }
0x20d: {  	(xrf2) =	vadd.scan.msk.f32 $0xffff, v0;
	v52, _, _ =	vpop (xrf2);
	v1 =	vsub.f32 $1.500000000e+00, v1;
	[tilespmem:$0x1FE30] =	vst v32;
	v32 =	vsub.f32 v35, v6;
	v35 =	vld [tilespmem:$0x1FF00]  }
0x20e: {  	(xrf2) =	vadd.scan.msk.f32 $0xffff, v27;
	v57 =	vld [tilespmem:$0x1FF70];
	v37 =	vmul.f32 v30, v16;
	v4 =	vmul.f32 $7.812500000e-03, v52;
	v16 =	vadd.f32 v19, v18  }
0x20f: {  	v53 =	vsub.f32 v43, v25;
	(xrf2) =	vadd.scan.msk.f32 $0xffff, v39;
	v18 =	vmul.f32 v56, v54;
	v54 =	vmul.f32 v1, v3;
	v19, _, _ =	vpop (xrf2)  }
0x210: {  	(xrf2) =	vadd.scan.msk.f32 $0xffff, v16;
	v16 =	vmul.f32 $7.812500000e-03, v19;
	v19 =	vmul.f32 v4, v4  }
0x211: {  	v23 =	vsub.f32 v13, v6;
	v30 =	vld [tilespmem:s31+$0x7090];
	v0 =	vmul.f32 v18, v53;
	v4 =	vbroadcast v4, $0xF  }
0x212: {  	v16 =	vsub.f32 v16, v19;
	v19 =	vsub.f32 v38, v6;
	v13 =	vmul.f32 v54, v35;
	v38 =	vld [tilespmem:$0x1FF10]  }
0x213: {  	v28 =	vld [tilespmem:s31+$0x880];
	v18 =	vmul.f32 v56, v57;
	[tilespmem:$0x1FE50] =	vst v0;
	v0 =	vsub.f32 v55, v25  }
0x214: {  	v3 =	vsub.f32 v40, v6;
	v55 =	vsub.f32 v60, v4;
	v35 =	vld [tilespmem:$0x1FF80];
	v40 =	vmul.f32 v13, v19  }
0x215: {  	v60 =	vsub.f32 v59, v4;
	v59 =	vld [tilespmem:$0x1F9A0];
	v0 =	vmul.f32 v18, v0;
	v43 =	vadd.f32 $9.999999740e-06, v16  }
0x216: {  	v18 =	vsub.f32 v10, v6;
	[tilespmem:$0x1FE70] =	vst v40;
	v40 =	vld [tilespmem:$0x1FFA0]  }
0x217: {  	[tilespmem:$0x1FE60] =	vst v0;
	v0 =	vsub.f32 v34, v6;
	v34, _, _ =	vpop (xrf2);
	v10 =	vbroadcast v43, $0xF;
	v43 =	vld [tilespmem:$0x1F990];
	v39 =	vmul.f32 v54, v38  }
0x218: {  	v24 =	vsub.f32 v11, v6;
	v52 =	vsub.f32 v9, v6;
	[tilespmem:$0x1FE40] =	vst v37;
	v37, _, _ =	vpop (xrf2);
	v38 =	vld [tilespmem:$0x1FF90]  }
0x219: {  	v6 =	vimm.s32 $0xF;
	v13, _, _ =	vpop (xrf2);
	v19 =	vmul.f32 $7.812500000e-03, v37;
	v37 =	vld [tilespmem:$0x1F970];
	v1 =	vmul.f32 v39, v32  }
0x21a: {  	v13 =	vmul.f32 $7.812500000e-03, v13;
	v32 =	vperm.xlane v33, v6;
	v39 =	vld [tilespmem:$0x1F980]  }
0x21b: {  	v53 =	vsub.f32 v17, v4;
	v57 =	vsub.f32 v58, v4;
	v11 =	vmul.f32 $7.812500000e-03, v34;
	v16, _, _ =	vpop (xrf2);
	v6 =	vld [tilespmem:$0x1F9D0]  }
0x21c: {  	v58, _, _ =	vpop (xrf2);
	v16 =	vmul.f32 $7.812500000e-03, v16;
	v27 =	vmul.f32 v13, v13;
	vm15 =	veq.s32 v32, $0x0;
	v32 =	vld [tilespmem:s31+$0x8A0]  }
0x21d: {  	v56 =	vsub.f32 v63, v4;
	[tilespmem:$0x1FE80] =	vst v1;
	v1 =	vsub.f32 v61, v4;
	v9 =	vmul.f32 $7.812500000e-03, v58;
	v58 =	vld [tilespmem:$0x1FFB0]  }
0x21e: {  	v26 =	vmul.f32 v11, v11;
	v17, _, _ =	vpop (xrf2);
	v61 =	vsub.f32 v62, v4;
	v63 =	vsub.f32 v16, v27;
	v16 =	vld [tilespmem:s31+$0x890]  }
0x21f: {  	v25 =	vmul.f32 $7.812500000e-03, v17;
	v17 =	vsub.f32 v5, v4;
	v4 =	vadd.f32 v37, v35;
	v37 =	vld [tilespmem:s31+$0x70A0]  }
0x220: {  	v35 =	vld [tilespmem:$0x1FFF0]  }
0x221: {  	v19 =	vsub.f32 v19, v26;
	v33 =	vmul.f32 v9, v9;
	v26 =	vadd.f32 v39, v38;
	v39 =	vld [tilespmem:$0x1FFC0]  }
0x222: {  	v38 =	vld [tilespmem:$0x1F9E0]  }
0x223: {  	v34 =	vsub.f32 v25, v33;
	v25 =	vld [tilespmem:s31+$0x7080]  }
0x224: {  	[tilespmem:s31+$0x100] =	vst v4;
	v4 =	vadd.f32 v43, v40;
	v40 =	vld [tilespmem:$0x1F9B0]  }
0x225: {  	v51 =	vimm.f32 $1.131370830e+01;
	v43 =	vld [tilespmem:$0x1FF20]  }
0x226: {  	v29 =	vmul.f32 $5.000000000e-01, v10;
	v27 =	vshra.s32 v10, $0x1;
	v62 =	vadd.f32 v59, v58;
	v58 =	vld [tilespmem:$0x1FFD0]  }
0x227: {  	v31 =	vsel vm15, $0x0, v51;
	v27 =	vsub.s32 $0x5F3759DF, v27;
	[tilespmem:s31+$0x110] =	vst v26;
	v59 =	vld [tilespmem:$0x1F9C0]  }
0x228: {  	v26 =	vmul.f32 v31, v28;
	v28 =	vmul.f32 v27, v29;
	[tilespmem:$0x1FE90] =	vst v34;
	v34 =	vld [tilespmem:s31+$0x8B0]  }
0x229: {  	v16 =	vmul.f32 v16, v31;
	[tilespmem:s31+$0x130] =	vst v62;
	v62 =	vld [tilespmem:$0x1FFE0]  }
0x22a: {  	v33 =	vadd.f32 v26, v25;
	v26 =	vmul.f32 v27, v28;
	v28 =	vld [tilespmem:s31+$0x70B0]  }
0x22b: {  	v51 =	vmul.f32 v54, v43;
	v43 =	vadd.f32 v30, v16;
	v30 =	vld [tilespmem:s31+$0x8D0]  }
0x22c: {  	[tilespmem:s31+$0x120] =	vst v4;
	v4 =	vadd.f32 v40, v39;
	v39 =	vld [tilespmem:$0x1FF80]  }
0x22d: {  	v40 =	vld [tilespmem:$0x1F9F0]  }
0x22e: {  	v16 =	vadd.f32 v38, v35;
	v35 =	vld [tilespmem:s31+$0x70C0]  }
0x22f: {  	v38 =	vld [tilespmem:$0x1FF90]  }
0x230: {  	v25 =	vadd.f32 v59, v58;
	v59 =	vld [tilespmem:$0x1FF30]  }
0x231: {  	[tilespmem:s31+$0x140] =	vst v4;
	v4 =	vld [tilespmem:s31+$0x8C0]  }
0x232: {  	v10 =	vmul.f32 v51, v3;
	v51 =	vmul.f32 v34, v31;
	v34 =	vld [tilespmem:$0x1FFC0];
	v3 =	vadd.f32 v6, v62  }
0x233: {  	[tilespmem:s31+$0x150] =	vst v25;
	v25 =	vsub.f32 $1.500000000e+00, v26;
	v26 =	vmul.f32 v32, v31;
	v32 =	vld [tilespmem:$0x1FA20]  }
0x234: {  	[tilespmem:s31+$0x160] =	vst v3;
	v3 =	vadd.f32 v40, v39;
	v40 =	vld [tilespmem:$0x1FA00]  }
0x235: {  	v6 =	vld [tilespmem:$0x1FFE0]  }
0x236: {  	v39 =	vadd.f32 v37, v26;
	v26 =	vld [tilespmem:s31+$0x70D0];
	v62 =	vmul.f32 v54, v59  }
0x237: {  	v59 =	vld [tilespmem:$0x1FA10]  }
0x238: {  	v58 =	vmul.f32 v62, v0;
	v62 =	vld [tilespmem:$0x1FFB0]  }
0x239: {  	[tilespmem:s31+$0x170] =	vst v16;
	v16 =	vmul.f32 v27, v25;
	v25 =	vadd.f32 v40, v38;
	v40 =	vadd.f32 v28, v51;
	v51 =	vld [tilespmem:$0x1FFA0]  }
0x23a: {  	v37 =	vld [tilespmem:$0x1FA30]  }
0x23b: {  	[tilespmem:s31+$0x180] =	vst v3;
	v3 =	vld [tilespmem:s31+$0x8E0]  }
0x23c: {  	v38 =	vld [tilespmem:$0x1FF40]  }
0x23d: {  	[tilespmem:s31+$0x190] =	vst v25;
	v25 =	vadd.f32 v32, v62;
	v62 =	vld [tilespmem:$0x1FA40]  }
0x23e: {  	v0 =	vadd.f32 v59, v51;
	v59 =	vld [tilespmem:$0x1FFD0]  }
0x23f: {  	v27 =	vmul.f32 v16, v29;
	v32 =	vld [tilespmem:$0x1FA50]  }
0x240: {  	v4 =	vmul.f32 v4, v31;
	v28 =	vld [tilespmem:s31+$0x8F0]  }
0x241: {  	v51 =	vmul.f32 v54, v38;
	[tilespmem:s31+$0x1B0] =	vst v25;
	v25 =	vmul.f32 v27, v16;
	v27 =	vld [tilespmem:s31+$0x70F0]  }
0x242: {  	v38 =	vadd.f32 v35, v4;
	v35 =	vld [tilespmem:$0x1FFF0];
	[tilespmem:s31+$0x1A0] =	vst v0;
	v0 =	vadd.f32 v37, v34  }
0x243: {  	v4 =	vadd.f32 v62, v59;
	v59 =	vmul.f32 v51, v23;
	v51 =	vld [tilespmem:$0x1FA60]  }
0x244: {  	[tilespmem:s31+$0x1C0] =	vst v0;
	v0 =	vadd.f32 v32, v6;
	v32 =	vld [tilespmem:$0x1FA70]  }
0x245: {  	v62 =	vld [tilespmem:$0x1FF80]  }
0x246: {  	v34 =	vld [tilespmem:s31+$0x70E0]  }
0x247: {  	v6 =	vld [tilespmem:$0x1FFA0]  }
0x248: {  	[tilespmem:s31+$0x1D0] =	vst v4;
	v4 =	vadd.f32 v51, v35;
	v35 =	vld [tilespmem:$0x1FF50]  }
0x249: {  	v51 =	vld [tilespmem:$0x1FF90]  }
0x24a: {  	v23 =	vsub.f32 $1.500000000e+00, v25;
	v25 =	vadd.f32 v32, v62;
	v62 =	vld [tilespmem:$0x1FA80]  }
0x24b: {  	v32 =	vld [tilespmem:$0x1FA90]  }
0x24c: {  	v30 =	vmul.f32 v30, v31  }
0x24d: {  	v3 =	vmul.f32 v3, v31  }
0x24e: {  	v37 =	vadd.f32 v26, v30;
	[tilespmem:s31+$0x1E0] =	vst v0;
	v0 =	vmul.f32 v28, v31  }
0x24f: {  	v26 =	vmul.f32 v54, v35;
	v35 =	vadd.f32 v34, v3;
	v3 =	vadd.f32 v62, v51;
	v51 =	vld [tilespmem:$0x1FFB0]  }
0x250: {  	v34 =	vadd.f32 v27, v0;
	v0 =	vadd.f32 v32, v6;
	v6 =	vld [tilespmem:$0x1FAA0];
	_ =	sdelay $0x3  }
0x251: {  	v32 =	vld [tilespmem:$0x1FFC0]  }
0x252: {  	[tilespmem:s31+$0x210] =	vst v3;
	v3 =	vadd.f32 v6, v51;
	v51 =	vld [tilespmem:$0x1FAB0];
	_ =	sdelay $0x2  }
0x253: {  	v5 =	vld [tilespmem:$0x1FFE0]  }
0x254: {  	v6 =	vld [tilespmem:$0x1FAD0]  }
0x255: {  	[tilespmem:s31+$0x1F0] =	vst v4;
	v4 =	vmul.f32 v23, v16;
	v16 =	vadd.f32 v51, v32;
	v32 =	vld [tilespmem:$0x1FFD0]  }
0x256: {  	v51 =	vld [tilespmem:$0x1FAC0];
	_ =	sdelay $0x3  }
0x257: {  	[tilespmem:s31+$0x200] =	vst v25;
	v25 =	vadd.f32 v6, v5;
	v6 =	vld [tilespmem:$0x1FAE0]  }
0x258: {  	v62 =	vmul.f32 v26, v24;
	v24 =	vadd.f32 v51, v32;
	v32 =	vld [tilespmem:$0x1FF60]  }
0x259: {  	v51 =	vld [tilespmem:$0x1FFF0];
	_ =	sdelay $0x2  }
0x25a: {  	v23 =	vmul.f32 v4, v29  }
0x25b: {  	[tilespmem:s31+$0x220] =	vst v0;
	v0 =	vmul.f32 v54, v32;
	v32 =	vld [tilespmem:$0x1FF80]  }
0x25c: {  	v23 =	vmul.f32 v23, v4;
	[tilespmem:s31+$0x230] =	vst v3;
	v3 =	vadd.f32 v6, v51;
	v51 =	vld [tilespmem:$0x1FAF0];
	_ =	sdelay $0x1  }
0x25d: {  	v19 =	vadd.f32 $9.999999740e-06, v19;
	v23 =	vsub.f32 $1.500000000e+00, v23  }
0x25e: {  	v5 =	vld [tilespmem:$0x1FB00];
	[tilespmem:s31+$0x240] =	vst v16;
	v16 =	vadd.f32 v43, v33;
	v6 =	vmul.f32 v0, v18;
	v18 =	vadd.f32 v40, v39  }
0x25f: {  	[tilespmem:s31+$0x260] =	vst v25;
	v25 =	vbroadcast v19, $0xF;
	v19 =	vmul.f32 v23, v4;
	v4 =	vld [tilespmem:$0x1FF90]  }
0x260: {  	v16 =	vadd.f32 v18, v16;
	v18 =	vadd.f32 v51, v32;
	v32 =	vld [tilespmem:$0x1FFA0]  }
0x261: {  	v51 =	vld [tilespmem:$0x1FB10];
	_ =	sdelay $0x3  }
0x262: {  	v4 =	vadd.f32 v5, v4;
	v5 =	vld [tilespmem:$0x1FFB0]  }
0x263: {  	[tilespmem:s31+$0x280] =	vst v18;
	v18 =	vadd.f32 v51, v32;
	v32 =	vld [tilespmem:$0x1FB20];
	_ =	sdelay $0x3  }
0x264: {  	v51 =	vld [tilespmem:$0x1FFC0]  }
0x265: {  	v23 =	vadd.f32 v32, v5;
	v5 =	vld [tilespmem:$0x1FB30]  }
0x266: {  	v32 =	vld [tilespmem:$0x1FF70];
	_ =	sdelay $0x3  }
0x267: {  	v26 =	vmul.f32 v43, v43;
	[tilespmem:s31+$0x2A0] =	vst v18;
	v18 =	vadd.f32 v5, v51;
	v51 =	vld [tilespmem:$0x1FFD0]  }
0x268: {  	[tilespmem:s31+$0x250] =	vst v24;
	v24 =	vmul.f32 v33, v33;
	v27 =	vmul.f32 v54, v32;
	v54 =	vld [tilespmem:$0x1FB40]  }
0x269: {  	v5 =	vld [tilespmem:$0x1FFE0]  }
0x26a: {  	[tilespmem:s31+$0x270] =	vst v3;
	v3 =	vadd.f32 v26, v24;
	v24 =	vmul.f32 $5.000000000e-01, v25;
	v32 =	vld [tilespmem:$0x1FB50]  }
0x26b: {  	[tilespmem:s31+$0x290] =	vst v4;
	v4 =	vshra.s32 v25, $0x1;
	v25 =	vmul.f32 v39, v39;
	v26 =	vmul.f32 v40, v40;
	_ =	sdelay $0x1  }
0x26c: {  	[tilespmem:s31+$0x2B0] =	vst v23;
	v23 =	vadd.f32 v26, v25;
	v25 =	vadd.f32 v54, v51;
	v51 =	vld [tilespmem:$0x1FFF0]  }
0x26d: {  	v54 =	vmul.f32 v27, v52;
	v52 =	vld [tilespmem:$0x1FB60]  }
0x26e: {  	[tilespmem:s31+$0x2C0] =	vst v18;
	v18 =	vadd.f32 v32, v5;
	v5 =	vld [tilespmem:$0x1FF80]  }
0x26f: {  	v32 =	vld [tilespmem:$0x1FB70];
	_ =	sdelay $0x2  }
0x270: {  	v27 =	vadd.f32 v52, v51;
	v51 =	vld [tilespmem:$0x1FF00]  }
0x271: {  	v52 =	vld [tilespmem:$0x1FF10]  }
0x272: {  	[tilespmem:s31+$0x2D0] =	vst v25;
	v25 =	vadd.f32 v32, v5;
	v5 =	vld [tilespmem:$0x1FF90]  }
0x273: {  	v32 =	vld [tilespmem:$0x1FB80];
	_ =	sdelay $0x2  }
0x274: {  	v28 =	vmul.f32 v19, v51;
	v51 =	vld [tilespmem:$0x1FFA0]  }
0x275: {  	[tilespmem:s31+$0x2E0] =	vst v18;
	v18 =	vmul.f32 v19, v52;
	v52 =	vld [tilespmem:$0x1FB90]  }
0x276: {  	[tilespmem:s31+$0x2F0] =	vst v27;
	v27 =	vadd.f32 v32, v5;
	v5 =	vld [tilespmem:$0x1FFB0]  }
0x277: {  	v32 =	vld [tilespmem:$0x1FBA0];
	_ =	sdelay $0x2  }
0x278: {  	[tilespmem:s31+$0x300] =	vst v25;
	v25 =	vadd.f32 v52, v51;
	v51 =	vld [tilespmem:$0x1FFC0]  }
0x279: {  	v52 =	vld [tilespmem:$0x1FBB0]  }
0x27a: {  	v4 =	vsub.s32 $0x5F3759DF, v4;
	v3 =	vadd.f32 v23, v3;
	v23 =	vadd.f32 v32, v5;
	v5 =	vld [tilespmem:$0x1FFD0]  }
0x27b: {  	v26 =	vmul.f32 v4, v24;
	v32 =	vld [tilespmem:$0x1FBC0];
	_ =	sdelay $0x1  }
0x27c: {  	v26 =	vmul.f32 v4, v26  }
0x27d: {  	[tilespmem:s31+$0x320] =	vst v25;
	v25 =	vadd.f32 v52, v51;
	v51 =	vld [tilespmem:$0x1FFE0]  }
0x27e: {  	v26 =	vsub.f32 $1.500000000e+00, v26;
	v52 =	vld [tilespmem:$0x1FBD0]  }
0x27f: {  	v29 =	vadd.f32 v37, v38;
	[tilespmem:s31+$0x330] =	vst v23;
	v23 =	vadd.f32 v32, v5;
	v5 =	vld [tilespmem:$0x1FFF0]  }
0x280: {  	v30 =	vadd.f32 v34, v35;
	v4 =	vmul.f32 v4, v26;
	v26 =	vmul.f32 v38, v38;
	v32 =	vld [tilespmem:$0x1FBE0]  }
0x281: {  	v53 =	vmul.f32 v28, v53;
	[tilespmem:s31+$0x310] =	vst v27;
	v27 =	vmul.f32 v37, v37  }
0x282: {  	v55 =	vmul.f32 v18, v55;
	v18 =	vadd.f32 v30, v29;
	v28 =	vmul.f32 v35, v35  }
0x283: {  	v29 =	vmul.f32 v34, v34;
	[tilespmem:s31+$0x340] =	vst v25;
	v25 =	vadd.f32 v27, v26;
	v26 =	vadd.f32 v52, v51;
	v51 =	vld [tilespmem:$0x1FF20]  }
0x284: {  	v52 =	vld [tilespmem:$0x1FF80]  }
0x285: {  	[tilespmem:s31+$0x350] =	vst v23;
	v23 =	vadd.f32 v29, v28;
	v28 =	vadd.f32 v32, v5;
	v5 =	vld [tilespmem:$0x1FBF0];
	_ =	sdelay $0x2  }
0x286: {  	v32 =	vld [tilespmem:$0x1FF30];
	v29 =	vmul.f32 v19, v51  }
0x287: {  	v51 =	vld [tilespmem:$0x1FF90]  }
0x288: {  	[tilespmem:s31+$0x360] =	vst v26;
	v26 =	vadd.f32 v5, v52;
	v52 =	vmul.f32 v29, v56;
	v56 =	vld [tilespmem:$0x1FC00];
	_ =	sdelay $0x2  }
0x289: {  	v30 =	vmul.f32 v19, v32  }
0x28a: {  	v5 =	vld [tilespmem:$0x1FC10]  }
0x28b: {  	v23 =	vadd.f32 v23, v25;
	v25 =	vadd.f32 v56, v51;
	v56 =	vmul.f32 v30, v57;
	v57 =	vld [tilespmem:$0x1FFA0];
	_ =	sdelay $0x1  }
0x28c: {  	v32 =	vld [tilespmem:$0x1FFB0]  }
0x28d: {  	v51 =	vld [tilespmem:$0x1FC20];
	_ =	sdelay $0x1  }
0x28e: {  	[tilespmem:s31+$0x380] =	vst v26;
	v26 =	vadd.f32 v5, v57;
	v57 =	vld [tilespmem:$0x1FF40];
	_ =	sdelay $0x1  }
0x28f: {  	v5 =	vld [tilespmem:$0x1FFC0]  }
0x290: {  	v16 =	vadd.f32 v18, v16;
	v18 =	vadd.f32 v51, v32;
	v32 =	vld [tilespmem:$0x1FC30]  }
0x291: {  	v51 =	vld [tilespmem:$0x1FFD0]  }
0x292: {  	[tilespmem:s31+$0x390] =	vst v25;
	v25 =	vmul.f32 v19, v57;
	v57 =	vld [tilespmem:$0x1FC40];
	_ =	sdelay $0x3  }
0x293: {  	v3 =	vadd.f32 v23, v3;
	v23 =	vadd.f32 v32, v5;
	v32 =	vld [tilespmem:$0x1FFE0]  }
0x294: {  	[tilespmem:s31+$0x3B0] =	vst v18;
	v18 =	vadd.f32 v57, v51;
	v51 =	vld [tilespmem:$0x1FC50];
	_ =	sdelay $0x3  }
0x295: {  	v57 =	vld [tilespmem:$0x1FFF0]  }
0x296: {  	v5 =	vmul.f32 v25, v1;
	v25 =	vadd.f32 v51, v32;
	v32 =	vld [tilespmem:$0x1FC60];
	_ =	sdelay $0x3  }
0x297: {  	v51 =	vld [tilespmem:$0x1FF80]  }
0x298: {  	[tilespmem:s31+$0x3C0] =	vst v23;
	v23 =	vadd.f32 v32, v57;
	v57 =	vld [tilespmem:$0x1FC70];
	_ =	sdelay $0x3  }
0x299: {  	v27 =	vmul.f32 v4, v24;
	v32 =	vld [tilespmem:$0x1FF90]  }
0x29a: {  	[tilespmem:s31+$0x3A0] =	vst v26;
	v26 =	vadd.f32 v57, v51;
	v51 =	vld [tilespmem:$0x1FC80]  }
0x29b: {  	v27 =	vmul.f32 v27, v4;
	_ =	sdelay $0x1  }
0x29c: {  	v27 =	vsub.f32 $1.500000000e+00, v27  }
0x29d: {  	v57 =	vld [tilespmem:$0x1FFA0]  }
0x29e: {  	v4 =	vmul.f32 v27, v4;
	v27 =	vadd.f32 v51, v32;
	v32 =	vld [tilespmem:$0x1FC90];
	_ =	sdelay $0x2  }
0x29f: {  	v51 =	vld [tilespmem:$0x1FF50];
	_ =	sdelay $0x1  }
0x2a0: {  	[tilespmem:s31+$0x370] =	vst v28;
	v28 =	vadd.f32 v32, v57;
	v57 =	vld [tilespmem:$0x1FFB0]  }
0x2a1: {  	v32 =	vld [tilespmem:$0x1FCA0];
	_ =	sdelay $0x1  }
0x2a2: {  	[tilespmem:s31+$0x3D0] =	vst v18;
	v18 =	vmul.f32 v19, v51  }
0x2a3: {  	v51 =	vld [tilespmem:$0x1FF60]  }
0x2a4: {  	v18 =	vmul.f32 v18, v61;
	v61 =	vld [tilespmem:$0x1FCB0]  }
0x2a5: {  	[tilespmem:s31+$0x3E0] =	vst v25;
	v25 =	vadd.f32 v32, v57;
	v57 =	vld [tilespmem:$0x1FFC0];
	_ =	sdelay $0x3  }
0x2a6: {  	v29 =	vmul.f32 v19, v51;
	v51 =	vld [tilespmem:$0x1FFE0]  }
0x2a7: {  	[tilespmem:s31+$0x3F0] =	vst v23;
	v23 =	vadd.f32 v61, v57;
	v57 =	vld [tilespmem:$0x1FCD0]  }
0x2a8: {  	[tilespmem:s31+$0x400] =	vst v26;
	v26 =	vmul.f32 v29, v60;
	v60 =	vld [tilespmem:$0x1FFF0]  }
0x2a9: {  	v61 =	vld [tilespmem:$0x1FCE0]  }
0x2aa: {  	v30 =	vadd.f32 $9.999999740e-06, v63;
	v63 =	vld [tilespmem:$0x1FFD0]  }
0x2ab: {  	v32 =	vld [tilespmem:$0x1FCC0]  }
0x2ac: {  	[tilespmem:s31+$0x410] =	vst v27;
	v27 =	vadd.f32 v57, v51;
	v51 =	vld [tilespmem:$0x1FF90]  }
0x2ad: {  	v57 =	vld [tilespmem:$0x1FD00]  }
0x2ae: {  	v31 =	vadd.f32 v61, v60;
	v60 =	vld [tilespmem:$0x1FFA0]  }
0x2af: {  	v61 =	vld [tilespmem:$0x1FD10]  }
0x2b0: {  	v29 =	vadd.f32 v32, v63;
	v63 =	vld [tilespmem:$0x1FF80]  }
0x2b1: {  	v24 =	vmul.f32 v4, v24;
	v32 =	vld [tilespmem:$0x1FCF0]  }
0x2b2: {  	[tilespmem:s31+$0x420] =	vst v28;
	v28 =	vadd.f32 v57, v51;
	v51 =	vld [tilespmem:$0x1FFB0]  }
0x2b3: {  	v24 =	vmul.f32 v24, v4;
	v57 =	vld [tilespmem:$0x1FD20]  }
0x2b4: {  	[tilespmem:s31+$0x430] =	vst v25;
	v25 =	vadd.f32 v61, v60;
	v60 =	vld [tilespmem:$0x1FFC0]  }
0x2b5: {  	v24 =	vsub.f32 $1.500000000e+00, v24;
	v30 =	vbroadcast v30, $0xF;
	v61 =	vld [tilespmem:$0x1FD30];
	_ =	sdelay $0x1  }
0x2b6: {  	v4 =	vmul.f32 v24, v4;
	v24 =	vadd.f32 v32, v63;
	v63 =	vshra.s32 v30, $0x1  }
0x2b7: {  	v32 =	vsub.s32 $0x5F3759DF, v63;
	v63 =	vld [tilespmem:$0x1FFD0]  }
0x2b8: {  	[tilespmem:s31+$0x440] =	vst v23;
	v23 =	vadd.f32 v57, v51;
	v57 =	vld [tilespmem:$0x1FD40]  }
0x2b9: {  	v51 =	vadd.f32 v61, v60;
	v60 =	vld [tilespmem:$0x1FFE0]  }
0x2ba: {  	v61 =	vld [tilespmem:$0x1FD50];
	_ =	sdelay $0x3  }
0x2bb: {  	[tilespmem:s31+$0x450] =	vst v29;
	v29 =	vadd.f32 v57, v63;
	v63 =	vld [tilespmem:$0x1FFF0]  }
0x2bc: {  	v57 =	vadd.f32 v61, v60;
	v61 =	vld [tilespmem:$0x1FD60];
	_ =	sdelay $0x4  }
0x2bd: {  	[tilespmem:s31+$0x460] =	vst v27;
	v27 =	vadd.f32 v61, v63;
	v63 =	vld [tilespmem:$0x1FF80]  }
0x2be: {  	v61 =	vld [tilespmem:$0x1FD70];
	_ =	sdelay $0x3  }
0x2bf: {  	v0 =	vld [tilespmem:$0x1FF90]  }
0x2c0: {  	v61 =	vadd.f32 v61, v63;
	v63 =	vld [tilespmem:$0x1FD80];
	_ =	sdelay $0x4  }
0x2c1: {  	[tilespmem:s31+$0x470] =	vst v31;
	v31 =	vadd.f32 v63, v0;
	v63 =	vld [tilespmem:$0x1FF70];
	_ =	sdelay $0x3  }
0x2c2: {  	v0 =	vld [tilespmem:$0x1FFA0]  }
0x2c3: {  	v19 =	vmul.f32 v19, v63;
	v63 =	vld [tilespmem:$0x1FD90];
	_ =	sdelay $0x4  }
0x2c4: {  	v30 =	vmul.f32 $5.000000000e-01, v30;
	[tilespmem:s31+$0x480] =	vst v24;
	v24 =	vadd.f32 v63, v0;
	v63 =	vld [tilespmem:$0x1FF00];
	_ =	sdelay $0x1  }
0x2c5: {  	v60 =	vmul.f32 v32, v30  }
0x2c6: {  	v11 =	vbroadcast v11, $0xF  }
0x2c7: {  	v60 =	vmul.f32 v32, v60  }
0x2c8: {  	v42 =	vsub.f32 v42, v11;
	v63 =	vmul.f32 v4, v63  }
0x2c9: {  	[tilespmem:s31+$0x490] =	vst v28;
	v28 =	vsub.f32 $1.500000000e+00, v60;
	v60 =	vld [tilespmem:$0x1FDB0]  }
0x2ca: {  	[tilespmem:s31+$0x4A0] =	vst v25;
	v25 =	vmul.f32 v63, v42;
	v42 =	vld [tilespmem:$0x1FFC0];
	_ =	sdelay $0x3  }
0x2cb: {  	v63 =	vld [tilespmem:$0x1FFD0]  }
0x2cc: {  	v42 =	vadd.f32 v60, v42;
	v60 =	vld [tilespmem:$0x1FDC0];
	_ =	sdelay $0x3  }
0x2cd: {  	[tilespmem:s31+$0x4B0] =	vst v23;
	v23 =	vmul.f32 v32, v28;
	v32 =	vld [tilespmem:$0x1FDD0]  }
0x2ce: {  	v60 =	vadd.f32 v60, v63;
	v63 =	vld [tilespmem:$0x1FFE0];
	_ =	sdelay $0x2  }
0x2cf: {  	v1 =	vld [tilespmem:$0x1FDA0]  }
0x2d0: {  	v0 =	vld [tilespmem:$0x1FFB0]  }
0x2d1: {  	v28 =	vadd.f32 v32, v63;
	v63 =	vld [tilespmem:$0x1FFF0]  }
0x2d2: {  	v32 =	vld [tilespmem:$0x1FDE0];
	_ =	sdelay $0x1  }
0x2d3: {  	[tilespmem:s31+$0x4C0] =	vst v51;
	v51 =	vld [tilespmem:$0x1FDF0]  }
0x2d4: {  	v17 =	vmul.f32 v19, v17;
	v19 =	vadd.f32 v1, v0;
	v0 =	vld [tilespmem:$0x1FF90]  }
0x2d5: {  	v1 =	vld [tilespmem:$0x1FE00]  }
0x2d6: {  	v32 =	vadd.f32 v32, v63;
	v63 =	vld [tilespmem:$0x1FF80];
	_ =	sdelay $0x3  }
0x2d7: {  	[tilespmem:s31+$0x4D0] =	vst v29;
	v29 =	vadd.f32 v1, v0;
	v0 =	vld [tilespmem:$0x1FFA0]  }
0x2d8: {  	v51 =	vadd.f32 v51, v63;
	v63 =	vld [tilespmem:$0x1FF10]  }
0x2d9: {  	v1 =	vld [tilespmem:$0x1FE10];
	_ =	sdelay $0x3  }
0x2da: {  	v41 =	vsub.f32 v41, v11;
	v63 =	vmul.f32 v4, v63  }
0x2db: {  	[tilespmem:$0x1FE20] =	vst v2;
	v2 =	vadd.f32 v1, v0;
	v1 =	vld [tilespmem:$0x1FFB0]  }
0x2dc: {  	v41 =	vmul.f32 v63, v41;
	v63 =	vld [tilespmem:$0x1FE20];
	_ =	sdelay $0x4  }
0x2dd: {  	[tilespmem:s31+$0x4E0] =	vst v57;
	v57 =	vadd.f32 v63, v1;
	v1 =	vld [tilespmem:$0x1FFC0]  }
0x2de: {  	v63 =	vld [tilespmem:$0x1FE30];
	_ =	sdelay $0x2  }
0x2df: {  	[tilespmem:s31+$0x4F0] =	vst v27;
	v27 =	vsub.f32 v44, v11;
	v44 =	vld [tilespmem:$0x1FF20];
	v0 =	vmul.f32 v23, v30  }
0x2e0: {  	[tilespmem:s31+$0x500] =	vst v61;
	v61 =	vld [tilespmem:$0x1FE40]  }
0x2e1: {  	v63 =	vadd.f32 v63, v1;
	v1 =	vmul.f32 v0, v23;
	v0 =	vld [tilespmem:$0x1FFD0];
	_ =	sdelay $0x3  }
0x2e2: {  	(xrf2) =	vadd.scan.msk.f32 $0xffff, v16;
	v16 =	vld [tilespmem:$0x1FFE0];
	v44 =	vmul.f32 v4, v44  }
0x2e3: {  	v61 =	vadd.f32 v61, v0;
	v0 =	vld [tilespmem:$0x1FF30]  }
0x2e4: {  	v27 =	vmul.f32 v44, v27;
	v44 =	vld [tilespmem:$0x1FE50];
	_ =	sdelay $0x3  }
0x2e5: {  	v45 =	vsub.f32 v45, v11;
	v0 =	vmul.f32 v4, v0  }
0x2e6: {  	v16 =	vadd.f32 v44, v16;
	v44 =	vld [tilespmem:$0x1FE60]  }
0x2e7: {  	[tilespmem:s31+$0x510] =	vst v31;
	v31 =	vmul.f32 v0, v45;
	v0 =	vld [tilespmem:$0x1FFF0];
	_ =	sdelay $0x3  }
0x2e8: {  	v45 =	vld [tilespmem:$0x1FE70]  }
0x2e9: {  	v44 =	vadd.f32 v44, v0;
	v0 =	vld [tilespmem:$0x1FF80];
	_ =	sdelay $0x3  }
0x2ea: {  	(xrf2) =	vadd.scan.msk.f32 $0xffff, v3;
	v3 =	vld [tilespmem:$0x1FE80]  }
0x2eb: {  	v1 =	vsub.f32 $1.500000000e+00, v1;
	v45 =	vadd.f32 v45, v0;
	v0 =	vld [tilespmem:$0x1FF90]  }
0x2ec: {  	[tilespmem:s31+$0x520] =	vst v24;
	v24 =	vld [tilespmem:$0x1FF40]  }
0x2ed: {  	v1 =	vmul.f32 v1, v23;
	v23 =	vld [tilespmem:$0x1FFA0];
	_ =	sdelay $0x2  }
0x2ee: {  	v3 =	vadd.f32 v3, v0;
	v0 =	vld [tilespmem:$0x1FE90]  }
0x2ef: {  	[tilespmem:s31+$0x530] =	vst v19;
	v19 =	vld [tilespmem:$0x1FFB0]  }
0x2f0: {  	v24 =	vmul.f32 v4, v24;
	v10 =	vadd.f32 v10, v23;
	v23 =	vsub.f32 v46, v11;
	_ =	sdelay $0x1  }
0x2f1: {  	v23 =	vmul.f32 v24, v23;
	v24 =	vld [tilespmem:$0x1FFD0]  }
0x2f2: {  	v0 =	vadd.f32 $9.999999740e-06, v0  }
0x2f3: {  	v19 =	vadd.f32 v58, v19;
	v58 =	vld [tilespmem:$0x1FFC0]  }
0x2f4: {  	v0 =	vbroadcast v0, $0xF;
	_ =	sdelay $0x1  }
0x2f5: {  	v24 =	vadd.f32 v62, v24;
	v62 =	vshra.s32 v0, $0x1  }
0x2f6: {  	[tilespmem:s31+$0x560] =	vst v28;
	v28 =	vsub.s32 $0x5F3759DF, v62;
	v62 =	vld [tilespmem:$0x1FF50]  }
0x2f7: {  	v46 =	vadd.f32 v59, v58;
	v59 =	vld [tilespmem:$0x1FFE0]  }
0x2f8: {  	[tilespmem:s31+$0x550] =	vst v60;
	v60 =	vsub.f32 v49, v11;
	v49 =	vld [tilespmem:$0x1FFF0];
	_ =	sdelay $0x1  }
0x2f9: {  	v30 =	vmul.f32 v1, v30  }
0x2fa: {  	[tilespmem:s31+$0x540] =	vst v42;
	v58 =	vmul.f32 $5.000000000e-01, v0;
	v42 =	vmul.f32 v4, v62  }
0x2fb: {  	v30 =	vmul.f32 v30, v1;
	v6 =	vadd.f32 v6, v59;
	v59 =	vld [tilespmem:$0x1FF80]  }
0x2fc: {  	[tilespmem:s31+$0x570] =	vst v32;
	v32 =	vadd.f32 v54, v49;
	v49 =	vmul.f32 v28, v58;
	v42 =	vmul.f32 v42, v60;
	v60 =	vld [tilespmem:$0x1FF90];
	_ =	sdelay $0x1  }
0x2fd: {  	v30 =	vsub.f32 $1.500000000e+00, v30;
	v49 =	vmul.f32 v28, v49;
	_ =	sdelay $0x1  }
0x2fe: {  	v1 =	vmul.f32 v30, v1;
	v30 =	vsub.f32 $1.500000000e+00, v49  }
0x2ff: {  	[tilespmem:s31+$0x580] =	vst v51;
	v51 =	vadd.f32 v53, v59;
	v53 =	vadd.f32 v55, v60;
	v55 =	vld [tilespmem:$0x1FFB0]  }
0x300: {  	v28 =	vmul.f32 v28, v30;
	v30 =	vld [tilespmem:$0x1FFD0];
	_ =	sdelay $0x1  }
0x301: {  	v13 =	vbroadcast v13, $0xF;
	_ =	sdelay $0x1  }
0x302: {  	[tilespmem:s31+$0x5A0] =	vst v2;
	v2 =	vadd.f32 v56, v55;
	v56 =	vsub.f32 v15, v13;
	v15 =	vld [tilespmem:$0x1FF20]  }
0x303: {  	v18 =	vadd.f32 v18, v30;
	v30 =	vld [tilespmem:$0x1FFE0]  }
0x304: {  	[tilespmem:s31+$0x590] =	vst v29;
	v29 =	vld [tilespmem:$0x1FFA0]  }
0x305: {  	[tilespmem:s31+$0x630] =	vst v19;
	v19 =	vld [tilespmem:$0x1FF90]  }
0x306: {  	v59 =	vld [tilespmem:$0x1FFC0]  }
0x307: {  	v60 =	vld [tilespmem:$0x1FEA0];
	v15 =	vmul.f32 v1, v15  }
0x308: {  	v62, _, _ =	vpop (xrf2);
	v26 =	vadd.f32 v26, v30;
	v30 =	vld [tilespmem:$0x1FF60]  }
0x309: {  	[tilespmem:s31+$0x660] =	vst v6;
	v0 =	vmul.f32 $7.812500000e-03, v62;
	v62, _, _ =	vpop (xrf2);
	v6 =	vmul.f32 v15, v56;
	v15 =	vsub.f32 v20, v13;
	v20 =	vld [tilespmem:$0x1FF30]  }
0x30a: {  	v49 =	vmul.f32 $7.812500000e-03, v62;
	v62 =	vld [tilespmem:$0x1FF70]  }
0x30b: {  	[tilespmem:s31+$0x5B0] =	vst v57;
	v57 =	vld [tilespmem:$0x1FEB0]  }
0x30c: {  	v29 =	vadd.f32 v52, v29;
	v5 =	vadd.f32 v5, v59  }
0x30d: {  	[tilespmem:s31+$0x5D0] =	vst v61;
	v61 =	vld [tilespmem:$0x1FF80];
	v59 =	vmul.f32 v0, v0;
	v52 =	vsub.f32 v60, v11;
	v30 =	vmul.f32 v4, v30  }
0x30e: {  	[tilespmem:s31+$0x6A0] =	vst v29;
	v29 =	vld [tilespmem:$0x1FF40];
	v19 =	vadd.f32 v41, v19;
	v20 =	vmul.f32 v1, v20  }
0x30f: {  	[tilespmem:s31+$0x5E0] =	vst v16;
	v16 =	vsub.f32 v49, v59;
	v60 =	vld [tilespmem:$0x1FFF0];
	v4 =	vmul.f32 v4, v62;
	v30 =	vmul.f32 v30, v52  }
0x310: {  	v11 =	vsub.f32 v57, v11;
	v52 =	vmul.f32 v28, v58;
	v15 =	vmul.f32 v20, v15;
	v20 =	vld [tilespmem:$0x1FEC0]  }
0x311: {  	v54 =	vadd.f32 $9.999999740e-06, v16  }
0x312: {  	[tilespmem:s31+$0x710] =	vst v19;
	v25 =	vadd.f32 v25, v61;
	v49 =	vmul.f32 v4, v11;
	v4 =	vmul.f32 v52, v28  }
0x313: {  	v19 =	vld [tilespmem:$0x1FFA0];
	[tilespmem:s31+$0x5C0] =	vst v63;
	v63 =	vsub.f32 v48, v13;
	v11 =	vbroadcast v54, $0xF  }
0x314: {  	v48 =	vld [tilespmem:$0x1FF00];
	v29 =	vmul.f32 v1, v29;
	[tilespmem:s31+$0x700] =	vst v25;
	v17 =	vadd.f32 v17, v60;
	v4 =	vsub.f32 $1.500000000e+00, v4  }
0x315: {  	v25 =	vld [tilespmem:$0x1FEF0];
	[tilespmem:s31+$0x650] =	vst v24;
	v24 =	vshra.s32 v11, $0x1;
	v11 =	vmul.f32 $5.000000000e-01, v11;
	v20 =	vsub.f32 v20, v13  }
0x316: {  	[tilespmem:s31+$0x6F0] =	vst v17;
	v17 =	vld [tilespmem:$0x1FEE0];
	v24 =	vsub.s32 $0x5F3759DF, v24;
	v4 =	vmul.f32 v4, v28  }
0x317: {  	v28 =	vmul.f32 v24, v11;
	v59 =	vmul.f32 v29, v20;
	v20 =	vld [tilespmem:$0x1FED0]  }
0x318: {  	v16 =	vsub.f32 v21, v13;
	v21 =	vld [tilespmem:$0x1FF10]  }
0x319: {  	v6 =	vadd.f32 v6, v19;
	v19 =	vld [tilespmem:$0x1FF70];
	v28 =	vmul.f32 v24, v28  }
0x31a: {  	v57 =	vmul.f32 v4, v58;
	v58 =	vld [tilespmem:$0x1FFE0]  }
0x31b: {  	v17 =	vsub.f32 v17, v13;
	v28 =	vsub.f32 $1.500000000e+00, v28;
	v29 =	vld [tilespmem:$0x1FF50]  }
0x31c: {  	v20 =	vsub.f32 v20, v13;
	v13 =	vsub.f32 v25, v13;
	v25 =	vld [tilespmem:$0x1FF60]  }
0x31d: {  	[tilespmem:s31+$0x6D0] =	vst v18;
	v18 =	vmul.f32 v24, v28;
	v24 =	vld [tilespmem:$0x1FFF0];
	_ =	sdelay $0x1  }
0x31e: {  	[tilespmem:s31+$0x600] =	vst v45;
	v45 =	vmul.f32 v1, v48;
	v21 =	vmul.f32 v1, v21  }
0x31f: {  	[tilespmem:s31+$0x6B0] =	vst v2;
	v2 =	vadd.f32 v30, v58;
	v30 =	vmul.f32 v57, v4;
	v29 =	vmul.f32 v1, v29  }
0x320: {  	v25 =	vmul.f32 v1, v25;
	v1 =	vmul.f32 v1, v19  }
0x321: {  	[tilespmem:s31+$0x610] =	vst v3;
	v3 =	vadd.f32 v49, v24;
	v24 =	vsub.f32 $1.500000000e+00, v30  }
0x322: {  	v16 =	vmul.f32 v21, v16;
	v1 =	vmul.f32 v1, v13;
	v13 =	vld [tilespmem:$0x1FFB0]  }
0x323: {  	v21 =	vld [tilespmem:$0x1FFA0];
	v4 =	vmul.f32 v24, v4;
	v24 =	vmul.f32 v18, v11;
	_ =	sdelay $0x1  }
0x324: {  	v61 =	vld [tilespmem:$0x1FF90];
	v19 =	vmul.f32 v24, v18  }
0x325: {  	[tilespmem:s31+$0x640] =	vst v46;
	v46 =	vld [tilespmem:$0x1FFB0]  }
0x326: {  	[tilespmem:s31+$0x680] =	vst v51;
	v51 =	vld [tilespmem:$0x1FFD0];
	v13 =	vadd.f32 v15, v13;
	v15 =	vsub.f32 $1.500000000e+00, v19  }
0x327: {  	v21 =	vadd.f32 v27, v21;
	v27 =	vld [tilespmem:$0x1FFB0]  }
0x328: {  	v15 =	vmul.f32 v15, v18;
	v18 =	vld [tilespmem:$0x1FFC0]  }
0x329: {  	v55 =	vmul.f32 v45, v63;
	v63 =	vld [tilespmem:$0x1FFE0];
	v16 =	vadd.f32 v16, v61  }
0x32a: {  	v60 =	vld [tilespmem:$0x1FF80]  }
0x32b: {  	[tilespmem:s31+$0x790] =	vst v16;
	v16 =	vld [tilespmem:$0x1FF40]  }
0x32c: {  	v27 =	vadd.f32 v31, v27;
	v31 =	vld [tilespmem:$0x1FFC0];
	v17 =	vmul.f32 v25, v17  }
0x32d: {  	[tilespmem:s31+$0x6C0] =	vst v5;
	v5 =	vadd.f32 v59, v18;
	v18 =	vld [tilespmem:$0x1FFD0]  }
0x32e: {  	v9 =	vbroadcast v9, $0xF;
	[tilespmem:s31+$0x770] =	vst v3;
	v3 =	vadd.f32 v17, v63;
	v17 =	vld [tilespmem:$0x1FFF0]  }
0x32f: {  	v24 =	vld [tilespmem:$0x1FF00]  }
0x330: {  	[tilespmem:s31+$0x720] =	vst v21;
	v21 =	vsub.f32 v47, v9;
	v47 =	vsub.f32 v14, v9;
	v14 =	vld [tilespmem:$0x1FF10];
	v20 =	vmul.f32 v29, v20  }
0x331: {  	[tilespmem:s31+$0x670] =	vst v32;
	v52 =	vld [tilespmem:$0x1FF70]  }
0x332: {  	[tilespmem:s31+$0x620] =	vst v10;
	v18 =	vadd.f32 v20, v18;
	v20 =	vld [tilespmem:$0x1FF20]  }
0x333: {  	[tilespmem:s31+$0x5F0] =	vst v44;
	v23 =	vadd.f32 v23, v31;
	v1 =	vadd.f32 v1, v17;
	v17 =	vld [tilespmem:$0x1FF30];
	v11 =	vmul.f32 v15, v11  }
0x334: {  	v7 =	vsub.f32 v7, v9;
	[tilespmem:s31+$0x690] =	vst v53;
	v31 =	vld [tilespmem:$0x1FFD0];
	v16 =	vmul.f32 v4, v16;
	v24 =	vmul.f32 v4, v24  }
0x335: {  	v12 =	vsub.f32 v12, v9;
	[tilespmem:s31+$0x740] =	vst v23;
	v23 =	vld [tilespmem:$0x1FF10];
	v11 =	vmul.f32 v11, v15  }
0x336: {  	[tilespmem:s31+$0x6E0] =	vst v26;
	v10 =	vadd.f32 v55, v60;
	v7 =	vmul.f32 v16, v7;
	v16 =	vld [tilespmem:$0x1FF30];
	v19 =	vmul.f32 v24, v21  }
0x337: {  	[tilespmem:s31+$0x7A0] =	vst v6;
	v21 =	vsub.f32 v50, v9;
	v50 =	vld [tilespmem:$0x1FFC0];
	v11 =	vsub.f32 $1.500000000e+00, v11;
	v20 =	vmul.f32 v4, v20  }
0x338: {  	[tilespmem:s31+$0x7B0] =	vst v13;
	v13 =	vld [tilespmem:$0x1FF80];
	v17 =	vmul.f32 v4, v17  }
0x339: {  	[tilespmem:s31+$0x780] =	vst v10;
	v10 =	vmul.f32 v11, v15;
	v15 =	vld [tilespmem:$0x1FF20];
	v41 =	vmul.f32 v20, v12;
	v12 =	vsub.f32 v22, v9  }
0x33a: {  	[tilespmem:s31+$0x730] =	vst v27;
	v31 =	vadd.f32 v42, v31;
	v20 =	vld [tilespmem:$0x1FF90]  }
0x33b: {  	v0 =	vbroadcast v0, $0xF;
	[tilespmem:s31+$0x760] =	vst v2;
	v42 =	vmul.f32 v17, v12;
	v12 =	vld [tilespmem:$0x1FF50]  }
0x33c: {  	v8 =	vsub.f32 v8, v9;
	v48 =	vsub.f32 v36, v9;
	[tilespmem:s31+$0x750] =	vst v31;
	v23 =	vmul.f32 v4, v23;
	v17 =	vld [tilespmem:$0x1FF60]  }
0x33d: {  	v32 =	vimm.s32 $0xC;
	v61 =	vsub.f32 v39, v0;
	[tilespmem:s31+$0x7E0] =	vst v3;
	v13 =	vadd.f32 v19, v13;
	v22 =	vld [tilespmem:$0x1FFA0]  }
0x33e: {  	v39 =	vld [tilespmem:$0x1FFE0];
	v58 =	vsub.f32 v43, v0;
	v62 =	vmul.f32 v23, v21;
	[tilespmem:s31+$0x7F0] =	vst v1;
	v1 =	vadd.f32 v7, v50  }
0x33f: {  	v63 =	vsub.f32 v40, v0;
	[tilespmem:s31+$0x800] =	vst v13;
	v13 =	vld [tilespmem:$0x1FF00];
	v59 =	vmul.f32 v10, v14;
	v36 =	vmul.f32 v10, v16  }
0x340: {  	v55 =	vld [tilespmem:$0x1FFB0];
	[tilespmem:s31+$0x840] =	vst v1;
	v2 =	vadd.f32 v62, v20;
	v62 =	vmul.f32 v10, v15;
	v12 =	vmul.f32 v4, v12  }
0x341: {  	v43 =	vld [tilespmem:$0x1FF40];
	[tilespmem:s31+$0x7C0] =	vst v5;
	v6 =	vadd.f32 v42, v46;
	v49 =	vmul.f32 v4, v17;
	v4 =	vmul.f32 v4, v52  }
0x342: {  	v40 =	vld [tilespmem:$0x1FFF0];
	[tilespmem:s31+$0x7D0] =	vst v18;
	v3 =	vmul.f32 v59, v58;
	v45 =	vadd.f32 v41, v22;
	v41 =	vmul.f32 v62, v61  }
0x343: {  	v54 =	vsub.f32 v33, v0;
	v18 =	vld [tilespmem:$0x1FF80];
	[tilespmem:s31+$0x830] =	vst v6;
	v57 =	vmul.f32 v4, v48;
	v4 =	vmul.f32 v36, v63  }
0x344: {  	v56 =	vmul.f32 v10, v13;
	v42 =	vld [tilespmem:$0x1FF50];
	v3 =	vadd.f32 v3, v20;
	[tilespmem:s31+$0x810] =	vst v2;
	v44 =	vmul.f32 v12, v8  }
0x345: {  	[tilespmem:s31+$0x820] =	vst v45;
	v53 =	vmul.f32 v49, v47;
	v45 =	vadd.f32 v41, v22;
	v48 =	vadd.f32 v4, v55;
	v55 =	vld [tilespmem:$0x1FF70]  }
0x346: {  	v60 =	vmul.f32 v56, v54;
	v52 =	vsub.f32 v35, v0;
	[tilespmem:s31+$0x890] =	vst v3;
	v61 =	vld [tilespmem:$0x1FFE0];
	v5 =	vadd.f32 v44, v51  }
0x347: {  	v1 =	vadd.f32 v53, v39;
	v2 =	vadd.f32 v57, v40;
	v53 =	vmul.f32 v10, v17;
	v57 =	vld [tilespmem:$0x1FFC0];
	[tilespmem:s31+$0x8A0] =	vst v45  }
0x348: {  	v46 =	vsub.f32 v38, v0;
	v47 =	vmul.f32 v10, v43;
	v44 =	vadd.f32 v60, v18;
	v60 =	vld [tilespmem:$0x1FFD0];
	[tilespmem:s31+$0x850] =	vst v5  }
0x349: {  	v49 =	vsub.f32 v37, v0;
	v50 =	vmul.f32 v10, v42;
	v63 =	vld [tilespmem:$0x1FFF0];
	[tilespmem:s31+$0x860] =	vst v1;
	v59 =	vmul.f32 v53, v52  }
0x34a: {  	v0 =	vsub.f32 v34, v0;
	v51 =	vmul.f32 v47, v46;
	[tilespmem:s31+$0x870] =	vst v2;
	v56 =	vmul.f32 v10, v55  }
0x34b: {  	p0 =	sne.s32 s25, $0xC;
	v26 =	vimm.s32 $0x6;
	v54 =	vmul.f32 v50, v49;
	[tilespmem:s31+$0x880] =	vst v44;
	v62 =	vadd.f32 v59, v61  }
.Ltmp0:
0x34c: {  	v27 =	vimm.s32 $0x7;
	[tilespmem:s31+$0x8B0] =	vst v48;
	v58 =	vadd.f32 v51, v57;
	v0 =	vmul.f32 v56, v0;
	(pc) =	sbr.rel @p0 .LBB2_3-.Ltmp0, $4  }
0x34d: {  	v28 =	vimm.s32 $0x8;
	v30 =	vimm.s32 $0xA;
	v2 =	vadd.f32 v54, v60;
	[tilespmem:s31+$0x8E0] =	vst v62  }
0x34e: {  	v31 =	vimm.s32 $0xB;
	v29 =	vimm.s32 $0x9;
	[tilespmem:s31+$0x8C0] =	vst v58;
	v0 =	vadd.f32 v0, v63  }
0x34f: {  	v25 =	vimm.s32 $0x5;
	v24 =	vimm.s32 $0x4;
	v23 =	vimm.s32 $0x3;
	[tilespmem:s31+$0x8D0] =	vst v2  }
0x350: {  	s25 =	sadd.s32 $0x1, s25;
	v21 =	vimm.s32 $0x2;
	v19 =	vimm.s32 $0x1;
	v12 =	vimm.f32 $1.131370830e+01;
	[tilespmem:s31+$0x8F0] =	vst v0  }
0x351: {  	s24 =	smul.u32 $0xC80, s24;
	s23 =	sadd.s32 $0x1, s23  }
0x352: {  	p0 =	sne.s32 s23, $0x20  }
.Ltmp1:
0x353: {  	s24 =	sadd.s32 s5, s24;
	(pc) =	sbr.rel @p0 .LBB2_2-.Ltmp1, $4  }
0x354: {  	[hbm4b:s24+s6] =	stream.linear.scatter [tilespmem:s18], [sflag:$0x2], $0x6400, $0x38;
	[tilespmem:$0xD200] =	vst v63  }
0x355: {  	_ =	swait.ge [sflag:s12], $0x6400  }
0x356: {  	[sflag:s12] =	ssyncset.done $0x0  }
0x357: {  	[sflag:s12] =	ssyncadd.s32 $0xFFFF9C00  }
0x358: {  	s22 =	sadd.s32 $0x1, s22  }
0x359: {  	p0 =	sne.s32 s22, s10  }
.Ltmp2:
0x35a: {  	_ = 	snop;
	(pc) =	sbr.rel @p0 .LBB2_1-.Ltmp2, $1  }
0x35b: {  	_ =	sdelay $0x3  }
0x35c: {  	_ =	sfence.sel $0x180000  }
0x35d: {  	[bflag:$0x0] =	sbarrier.arrive $0xFFFF  }
0x35e: {  	p0 =	sne.s32 s7, $0x0;
	_ =	strace $0x90000047  }
0x35f: {  	s0 =	sadd.s32 @!p0 $0x100000, s0;
	[bflag:$0x2] =	sbarrier.arrive $0xFFFF  }
0x360: {  	[sflag:s0] =	ssyncadd.tile.s32 @!p0 $0x1;
	_ =	shalt  }
.Lfunc_end2:
_tile_overlayer_lowered:
.L_overlay_start_2:
0x361: {  	(tag) =	ssettag $0x2  }
0x362: {  	s0 =	rddreg [dreg:$0x0];
	s2 =	stileid.u32  }
0x363: {  	s1 =	rddreg [dreg:$0x1];
	p0 =	sne.s32 s2, $0x0  }
0x364: {  	s3 =	rddreg [dreg:$0x2];
	[bflag:$0x3] =	sbarrier.arrive $0xFFFF;
	s2 =	simm.s32 @!p0 $0x1C02  }
0x365: {  	[timem:s3], [sflag:s2] =	dma.local @!p0 [hbm:s0], s1  }
0x366: {  	s0 =	simm.s32 @!p0 $0x2  }
0x367: {  	_ =	swait.ge @!p0 [sflag:s0], s1  }
0x368: {  	s1 =	ssub.s32 @!p0 $0x0, s1;
	[sflag:s0] =	ssyncset.done @!p0 $0x0  }
0x369: {  	[sflag:s0] =	ssyncadd.s32 @!p0 s1  }
0x36a: {  	[bflag:$0x3] =	sbarrier.arrive $0xFFFF  }
0x36b: {  	_ =	shalt  }

</sc_bundles>
